<compile_context>
chip_gen: v7x
topology: tpu7x:2x2x1
jax: 0.10.2.dev20260603
libtpu: 0.0.44.dev20260713+nightly
codegen_flags: <defaults>
</compile_context>

<pallas_src>
import functools

import numpy as np
import jax
import jax.numpy as jnp
from jax import lax
from jax.experimental import pallas as pl
from jax.experimental.pallas import tpu as pltpu
from jax.experimental.pallas import tpu_sc as plsc

_B, _C, _H, _W = 4, 96, 384, 384
_N = _B * _H * _W
_P = 128
_NCHUNK = _W // _P

_info = plsc.get_sparse_core_info()
_NC, _NS, _L = _info.num_cores, _info.num_subcores, _info.num_lanes
_NW = _NC * _NS
_ROWS_PER_W = (_B * _H) // _NW
_CHUNKS_PER_W = _ROWS_PER_W * _NCHUNK

_F1 = np.float32(1.0)
_F0 = np.float32(0.0)


def _vec_weights(coord, lim):
    t = coord.astype(jnp.int32)
    x0 = jnp.where(t.astype(jnp.float32) > coord, t - 1, t)
    fx = coord - x0.astype(jnp.float32)
    inb = (x0 >= 0) & (x0 <= lim - 2)
    wa = jnp.where(x0 == -1, fx, jnp.where(inb, _F1 - fx, _F0))
    wb = jnp.where(x0 == lim - 1, _F1 - fx, jnp.where(inb, fx, _F0))
    return wa, wb


def _warp_body(table_hbm, coef_hbm, out_hbm, coef_v, idx_v, w_v, g_v, o_v,
               sem_g, sem_o):
    wid = lax.axis_index("s") * _NC + lax.axis_index("c")
    pltpu.sync_copy(coef_hbm, coef_v)
    iota = lax.broadcasted_iota(jnp.int32, (_L,), 0)

    b = (wid * _ROWS_PER_W) // _H
    ax = coef_v[b, 0, :]
    bx = coef_v[b, 1, :]
    cx = coef_v[b, 2, :]
    ay = coef_v[b, 3, :]
    by = coef_v[b, 4, :]
    cy = coef_v[b, 5, :]
    bhw = b * (_H * _W)

    def idx_fire(k):
        buf = k % 2
        row = wid * _ROWS_PER_W + k // _NCHUNK
        ck = k % _NCHUNK
        yf = (row - b * _H).astype(jnp.float32)
        rx = bx * yf + cx
        ry = by * yf + cy
        for g in range(_P // _L):
            pix = g * _L + iota
            xf = (pix + ck * _P).astype(jnp.float32)
            ix = ax * xf + rx
            iy = ay * xf + ry
            wa, wb = _vec_weights(ix, _W)
            va, vb = _vec_weights(iy, _H)
            xs = jnp.clip(ix.astype(jnp.int32), 0, _W - 2)
            ys = jnp.clip(iy.astype(jnp.int32), 0, _H - 2)
            base = bhw + ys * _W + xs
            sl = pl.ds(g * _L, _L)
            idx_v[buf, 0, sl] = base
            idx_v[buf, 1, sl] = base + 1
            idx_v[buf, 2, sl] = base + _W
            idx_v[buf, 3, sl] = base + _W + 1
            wq = pix * 4
            plsc.store_scatter(w_v.at[buf], [wq], wa * va)
            plsc.store_scatter(w_v.at[buf], [wq + 1], wb * va)
            plsc.store_scatter(w_v.at[buf], [wq + 2], wa * vb)
            plsc.store_scatter(w_v.at[buf], [wq + 3], wb * vb)
        for t in range(4):
            pltpu.async_copy(
                table_hbm.at[idx_v.at[buf, t]], g_v.at[buf, t], sem_g
            )

    def wait_gathers(k):
        buf = k % 2
        for t in range(4):
            pltpu.make_async_copy(
                table_hbm.at[idx_v.at[buf, t]], g_v.at[buf, t], sem_g
            ).wait()

    def drain_one_store():
        pltpu.make_async_copy(
            o_v.at[0], out_hbm.at[pl.ds(0, _P)], sem_o
        ).wait()

    def blend_store(k):
        buf = k % 2
        row = wid * _ROWS_PER_W + k // _NCHUNK
        pix0 = row * _W + (k % _NCHUNK) * _P

        @pl.when(k >= 2)
        def _():
            drain_one_store()

        @plsc.parallel_loop(0, _P, 1, unroll=4)
        def blend(p):
            wv = w_v[buf, pl.ds(p * 4, _L)]
            w0 = wv[0]
            w1 = wv[1]
            w2 = wv[2]
            w3 = wv[3]
            for j in range(_C // _L):
                sj = pl.ds(j * _L, _L)
                o_v[buf, p, sj] = (
                    w0 * g_v[buf, 0, p, sj]
                    + w1 * g_v[buf, 1, p, sj]
                    + w2 * g_v[buf, 2, p, sj]
                    + w3 * g_v[buf, 3, p, sj]
                )

        pltpu.async_copy(o_v.at[buf], out_hbm.at[pl.ds(pix0, _P)], sem_o)

    def step(i, carry):
        idx_fire(i)

        @pl.when(i > 0)
        def _():
            wait_gathers(i - 1)
            blend_store(i - 1)

        return carry

    lax.fori_loop(0, _CHUNKS_PER_W, step, 0)
    wait_gathers(_CHUNKS_PER_W - 1)
    blend_store(_CHUNKS_PER_W - 1)
    drain_one_store()
    drain_one_store()


_warp_sc = functools.partial(
    pl.kernel,
    out_type=jax.ShapeDtypeStruct((_N, _C), jnp.float32),
    mesh=plsc.VectorSubcoreMesh(core_axis_name="c", subcore_axis_name="s"),
    compiler_params=pltpu.CompilerParams(
        use_tc_tiling_on_sc=False, needs_layout_passes=False
    ),
    scratch_types=[
        pltpu.VMEM((_B, 6, _L), jnp.float32),
        pltpu.VMEM((2, 4, _P), jnp.int32),
        pltpu.VMEM((2, 4 * _P + _L), jnp.float32),
        pltpu.VMEM((2, 4, _P, _C), jnp.float32),
        pltpu.VMEM((2, _P, _C), jnp.float32),
        pltpu.SemaphoreType.DMA,
        pltpu.SemaphoreType.DMA,
    ],
)(_warp_body)


def kernel(input_tensors, shift_x, shift_y, scale, rotation_angle):
    B, C, H, W = input_tensors.shape
    f32 = jnp.float32
    s = scale[:, 0, 0].astype(f32)
    sx = shift_x[:, 0, 0].astype(f32)
    sy = shift_y[:, 0, 0].astype(f32)
    ang = rotation_angle[:, 0, 0].astype(f32)
    inv_s = 1.0 / s
    half_w = ((W - 1 + sx[0]) * inv_s[0] - sx[0] * inv_s[0]) / 2.0
    half_h = ((H - 1 + sy[0]) * inv_s[0] - sy[0] * inv_s[0]) / 2.0
    th = ang * f32(np.pi / 180.0)
    c = jnp.cos(th)
    si = jnp.sin(th)
    cxb = sx * inv_s - half_w
    cyb = sy * inv_s - half_h
    kx = f32(W / (W - 1))
    ky = f32(H / (H - 1))
    coefs = jnp.stack(
        [
            c * inv_s * kx,
            -si * inv_s * kx,
            (c * cxb - si * cyb + half_w) * kx - 0.5,
            si * inv_s * ky,
            c * inv_s * ky,
            (si * cxb + c * cyb + half_h) * ky - 0.5,
        ],
        axis=-1,
    ).astype(f32)
    coefs = jnp.broadcast_to(coefs[:, :, None], (B, 6, 16))

    table = input_tensors.transpose(0, 2, 3, 1).reshape(B * H * W, C)
    out = _warp_sc(table, coefs)
    return out.reshape(B, H, W, C).transpose(0, 3, 1, 2)

# --- scband reference (transcript-rebuilt; emitter-appended) ---
"""Pipeline reference for scband-warp-tensors-affine-layer-76020921139526 (READ-ONLY COPY).

The authoritative reference and input builder live on the scoring server;
editing this copy changes nothing except your own understanding.
"""

import jax, jax.numpy as jnp
import numpy as np


def setup_inputs(seed: int = 0) -> dict:
    key = jax.random.key(seed)
    k1, k2, k3, k4 = jax.random.split(key, 4)
    B, C, H, W = 4, 96, 384, 384
    return {
        "input_tensors": jax.random.normal(k1, (B, C, H, W), dtype=jnp.float32),
        "shift_x": jax.random.normal(k2, (B, 1, 1), dtype=jnp.float32),
        "shift_y": jax.random.normal(k3, (B, 1, 1), dtype=jnp.float32),
        "scale": jnp.ones((B, 1, 1), dtype=jnp.float32),
        "rotation_angle": jax.random.normal(k4, (B, 1, 1), dtype=jnp.float32),
    }


def _grid_sample_bilinear(img, grid):
    # Faithful to torch F.grid_sample(mode='bilinear', padding_mode='zeros', align_corners=False)
    B, C, H, W = img.shape
    gx = grid[..., 0]
    gy = grid[..., 1]
    ix = ((gx + 1.0) * W - 1.0) / 2.0
    iy = ((gy + 1.0) * H - 1.0) / 2.0
    x0 = jnp.floor(ix)
    y0 = jnp.floor(iy)
    x1 = x0 + 1.0
    y1 = y0 + 1.0
    wx1 = ix - x0
    wx0 = 1.0 - wx1
    wy1 = iy - y0
    wy0 = 1.0 - wy1
    flat = img.reshape(B, C, H * W)

    def gather(xc, yc):
        valid = (xc >= 0) & (xc <= W - 1) & (yc >= 0) & (yc <= H - 1)
        xi = jnp.clip(xc, 0, W - 1).astype(jnp.int32)
        yi = jnp.clip(yc, 0, H - 1).astype(jnp.int32)
        idx = (yi * W + xi).reshape(B, 1, H * W)
        g = jnp.take_along_axis(flat, jnp.broadcast_to(idx, (B, C, H * W)), axis=2)
        g = g * valid.reshape(B, 1, H * W).astype(img.dtype)
        return g.reshape(B, C, H, W)

    out = (
        gather(x0, y0) * (wx0 * wy0)[:, None, :, :]
        + gather(x1, y0) * (wx1 * wy0)[:, None, :, :]
        + gather(x0, y1) * (wx0 * wy1)[:, None, :, :]
        + gather(x1, y1) * (wx1 * wy1)[:, None, :, :]
    )
    return out


def reference(input_tensors, shift_x, shift_y, scale, rotation_angle):
    B, C, H, W = input_tensors.shape
    X0, Y0 = jnp.meshgrid(jnp.arange(W, dtype=jnp.float32), jnp.arange(H, dtype=jnp.float32))
    X0 = jnp.broadcast_to(X0[None, :, :], (B, H, W))
    Y0 = jnp.broadcast_to(Y0[None, :, :], (B, H, W))
    # shift then scale
    X1 = (X0 + shift_x) * (1.0 / scale)
    Y1 = (Y0 + shift_y) * (1.0 / scale)
    X0_max = X1[0, -1, -1]
    X0_min = X1[0, 0, 0]
    Y0_max = Y1[0, -1, -1]
    Y0_min = Y1[0, 0, 0]
    Xc = X1 - (X0_max - X0_min) / 2.0
    Yc = Y1 - (Y0_max - Y0_min) / 2.0
    th = rotation_angle * (np.pi / 180.0)
    Xn = jnp.cos(th) * Xc - jnp.sin(th) * Yc
    Yn = jnp.sin(th) * Xc + jnp.cos(th) * Yc
    # un-center and normalize to [-1, 1] flow grid
    Xn = Xn + (X0_max - X0_min) / 2.0
    Yn = Yn + (Y0_max - Y0_min) / 2.0
    Xg = Xn * (2.0 / max(W - 1, 1)) - 1.0
    Yg = Yn * (2.0 / max(H - 1, 1)) - 1.0
    flow_grid = jnp.stack([Xg, Yg], axis=-1)
    return _grid_sample_bilinear(input_tensors, flow_grid)

if __name__ == "__main__":
    import jax
    _d = setup_inputs()
    print(jax.jit(kernel)(*tuple(_d.values())))

</pallas_src>

<mosaic_0001>
#map = affine_map<(d0, d1) -> (0, 0)>
#map1 = affine_map<(d0, d1) -> (0, 0, 0)>
module attributes {stable_mosaic.version = 14 : i64} {
  func.func @_warp_body(%arg0: i32, %arg1: i32, %arg2: memref<589824x96xf32, #tpu.memory_space<hbm>>, %arg3: memref<4x6x16xf32, #tpu.memory_space<hbm>>, %arg4: memref<589824x96xf32, #tpu.memory_space<hbm>>, %arg5: memref<4x6x16xf32, #tpu.memory_space<vmem>>, %arg6: memref<2x4x128xi32, #tpu.memory_space<vmem>>, %arg7: memref<2x528xf32, #tpu.memory_space<vmem>>, %arg8: memref<2x4x128x96xf32, #tpu.memory_space<vmem>>, %arg9: memref<2x128x96xf32, #tpu.memory_space<vmem>>, %arg10: memref<!tpu.dma_semaphore, #tpu.memory_space<semaphore_mem>>, %arg11: memref<!tpu.dma_semaphore, #tpu.memory_space<semaphore_mem>>) attributes {dimension_semantics = [#tpu.dimension_semantics<core_parallel>, #tpu.dimension_semantics<subcore_parallel>], iteration_bounds = array<i64: 2, 16>, scalar_prefetch = 0 : i64, scratch_operands = 7 : i64, tpu.core_type = #tpu.core_type<sc_vector_subcore>, window_params = [{transform_indices = #map}, {transform_indices = #map1}, {transform_indices = #map}]} {
    %mul3A = arith.constant 2 : i32
    %mul3A_0 = arith.muli %arg1, %mul3A : i32
    %add3A = arith.addi %mul3A_0, %arg0 : i32
    "tpu.region"() ({
      %run_scoped3A = tpu.sem_alloc : memref<!tpu.dma_semaphore, #tpu.memory_space<semaphore_mem>>
      tpu.enqueue_dma source(%arg3 : memref<4x6x16xf32, #tpu.memory_space<hbm>>) target(%arg5 : memref<4x6x16xf32, #tpu.memory_space<vmem>>) target_semaphore(%run_scoped3A : memref<!tpu.dma_semaphore, #tpu.memory_space<semaphore_mem>>)
      tpu.wait_dma2 semaphore(%run_scoped3A : memref<!tpu.dma_semaphore, #tpu.memory_space<semaphore_mem>>) src(%arg3 : memref<4x6x16xf32, #tpu.memory_space<hbm>>) dst(%arg5 : memref<4x6x16xf32, #tpu.memory_space<vmem>>)
      tpu.yield
    }) : () -> ()
    %iota3A = tpu.iota {dimensions = array<i32: 0>} : vector<16xi32>
    %mul3A_1 = arith.constant 48 : i32
    %mul3A_2 = arith.muli %add3A, %mul3A_1 : i32
    %jit3A = arith.constant 384 : i32
    %div3A = arith.divsi %mul3A_2, %jit3A : i32
    %sign3A = arith.constant 0 : i32
    %sign3A_3 = arith.cmpi sgt, %mul3A_2, %sign3A : i32
    %sign3A_4 = arith.extui %sign3A_3 : i1 to i32
    %sign3A_5 = arith.constant 0 : i32
    %sign3A_6 = arith.cmpi slt, %mul3A_2, %sign3A_5 : i32
    %sign3A_7 = arith.extui %sign3A_6 : i1 to i32
    %sign3A_8 = arith.subi %sign3A_4, %sign3A_7 : i32
    %sign3A_9 = arith.constant 0 : i32
    %sign3A_10 = arith.cmpi sgt, %jit3A, %sign3A_9 : i32
    %sign3A_11 = arith.extui %sign3A_10 : i1 to i32
    %sign3A_12 = arith.constant 0 : i32
    %sign3A_13 = arith.cmpi slt, %jit3A, %sign3A_12 : i32
    %sign3A_14 = arith.extui %sign3A_13 : i1 to i32
    %sign3A_15 = arith.subi %sign3A_11, %sign3A_14 : i32
    %ne3A = arith.cmpi ne, %sign3A_8, %sign3A_15 : i32
    %rem3A = arith.remsi %mul3A_2, %jit3A : i32
    %ne3A_16 = arith.constant 0 : i32
    %ne3A_17 = arith.cmpi ne, %rem3A, %ne3A_16 : i32
    %and3A = arith.andi %ne3A, %ne3A_17 : i1
    %sub3A = arith.constant 1 : i32
    %sub3A_18 = arith.subi %div3A, %sub3A : i32
    %select_n3A = arith.select %and3A, %sub3A_18, %div3A : i32
    %get3A = arith.constant 0 : i32
    %get3A_19 = arith.index_cast %select_n3A : i32 to index
    %get3A_20 = arith.index_cast %get3A : i32 to index
    %get3A_21 = arith.constant 0 : index
    %get3A_22 = tpu.vector_load %arg5[%get3A_19, %get3A_20, %get3A_21] {strides = array<i32>} : memref<4x6x16xf32, #tpu.memory_space<vmem>>, vector<16xf32>,
    %get3A_23 = arith.constant 1 : i32
    %get3A_24 = arith.index_cast %select_n3A : i32 to index
    %get3A_25 = arith.index_cast %get3A_23 : i32 to index
    %get3A_26 = arith.constant 0 : index
    %get3A_27 = tpu.vector_load %arg5[%get3A_24, %get3A_25, %get3A_26] {strides = array<i32>} : memref<4x6x16xf32, #tpu.memory_space<vmem>>, vector<16xf32>,
    %get3A_28 = arith.constant 2 : i32
    %get3A_29 = arith.index_cast %select_n3A : i32 to index
    %get3A_30 = arith.index_cast %get3A_28 : i32 to index
    %get3A_31 = arith.constant 0 : index
    %get3A_32 = tpu.vector_load %arg5[%get3A_29, %get3A_30, %get3A_31] {strides = array<i32>} : memref<4x6x16xf32, #tpu.memory_space<vmem>>, vector<16xf32>,
    %get3A_33 = arith.constant 3 : i32
    %get3A_34 = arith.index_cast %select_n3A : i32 to index
    %get3A_35 = arith.index_cast %get3A_33 : i32 to index
    %get3A_36 = arith.constant 0 : index
    %get3A_37 = tpu.vector_load %arg5[%get3A_34, %get3A_35, %get3A_36] {strides = array<i32>} : memref<4x6x16xf32, #tpu.memory_space<vmem>>, vector<16xf32>,
    %get3A_38 = arith.constant 4 : i32
    %get3A_39 = arith.index_cast %select_n3A : i32 to index
    %get3A_40 = arith.index_cast %get3A_38 : i32 to index
    %get3A_41 = arith.constant 0 : index
    %get3A_42 = tpu.vector_load %arg5[%get3A_39, %get3A_40, %get3A_41] {strides = array<i32>} : memref<4x6x16xf32, #tpu.memory_space<vmem>>, vector<16xf32>,
    %get3A_43 = arith.constant 5 : i32
    %get3A_44 = arith.index_cast %select_n3A : i32 to index
    %get3A_45 = arith.index_cast %get3A_43 : i32 to index
    %get3A_46 = arith.constant 0 : index
    %get3A_47 = tpu.vector_load %arg5[%get3A_44, %get3A_45, %get3A_46] {strides = array<i32>} : memref<4x6x16xf32, #tpu.memory_space<vmem>>, vector<16xf32>,
    %mul3A_48 = arith.constant 147456 : i32
    %mul3A_49 = arith.muli %select_n3A, %mul3A_48 : i32
    %scan3A = arith.constant 0 : i32
    %scan3A_50 = arith.constant 0 : i32
    %scan3A_51 = arith.constant 144 : i32
    %scan3A_52 = arith.addi %scan3A_50, %scan3A_51 : i32
    %scan3A_53 = arith.constant 1 : i32
    scf.for %scan3A_177 = %scan3A_50 to %scan3A_52 step %scan3A_53  : i32 {
      %jit3A_178 = arith.constant 2 : i32
      %eq3A = arith.constant 0 : i32
      %eq3A_179 = arith.cmpi eq, %jit3A_178, %eq3A : i32
      %jit3A_180 = arith.constant 1 : i32
      %select_n3A_181 = arith.select %eq3A_179, %jit3A_180, %jit3A_178 : i32
      %rem3A_182 = arith.remsi %scan3A_177, %select_n3A_181 : i32
      %ne3A_183 = arith.constant 0 : i32
      %ne3A_184 = arith.cmpi ne, %rem3A_182, %ne3A_183 : i32
      %lt3A = arith.constant 0 : i32
      %lt3A_185 = arith.cmpi slt, %rem3A_182, %lt3A : i32
      %lt3A_186 = arith.constant 0 : i32
      %lt3A_187 = arith.cmpi slt, %select_n3A_181, %lt3A_186 : i32
      %ne3A_188 = arith.xori %lt3A_185, %lt3A_187 : i1
      %and3A_189 = arith.andi %ne3A_188, %ne3A_184 : i1
      %add3A_190 = arith.addi %rem3A_182, %select_n3A_181 : i32
      %select_n3A_191 = arith.select %and3A_189, %add3A_190, %rem3A_182 : i32
      %mul3A_192 = arith.constant 48 : i32
      %mul3A_193 = arith.muli %add3A, %mul3A_192 : i32
      %jit3A_194 = arith.constant 3 : i32
      %div3A_195 = arith.divsi %scan3A_177, %jit3A_194 : i32
      %sign3A_196 = arith.constant 0 : i32
      %sign3A_197 = arith.cmpi sgt, %scan3A_177, %sign3A_196 : i32
      %sign3A_198 = arith.extui %sign3A_197 : i1 to i32
      %sign3A_199 = arith.constant 0 : i32
      %sign3A_200 = arith.cmpi slt, %scan3A_177, %sign3A_199 : i32
      %sign3A_201 = arith.extui %sign3A_200 : i1 to i32
      %sign3A_202 = arith.subi %sign3A_198, %sign3A_201 : i32
      %sign3A_203 = arith.constant 0 : i32
      %sign3A_204 = arith.cmpi sgt, %jit3A_194, %sign3A_203 : i32
      %sign3A_205 = arith.extui %sign3A_204 : i1 to i32
      %sign3A_206 = arith.constant 0 : i32
      %sign3A_207 = arith.cmpi slt, %jit3A_194, %sign3A_206 : i32
      %sign3A_208 = arith.extui %sign3A_207 : i1 to i32
      %sign3A_209 = arith.subi %sign3A_205, %sign3A_208 : i32
      %ne3A_210 = arith.cmpi ne, %sign3A_202, %sign3A_209 : i32
      %rem3A_211 = arith.remsi %scan3A_177, %jit3A_194 : i32
      %ne3A_212 = arith.constant 0 : i32
      %ne3A_213 = arith.cmpi ne, %rem3A_211, %ne3A_212 : i32
      %and3A_214 = arith.andi %ne3A_210, %ne3A_213 : i1
      %sub3A_215 = arith.constant 1 : i32
      %sub3A_216 = arith.subi %div3A_195, %sub3A_215 : i32
      %select_n3A_217 = arith.select %and3A_214, %sub3A_216, %div3A_195 : i32
      %add3A_218 = arith.addi %mul3A_193, %select_n3A_217 : i32
      %jit3A_219 = arith.constant 3 : i32
      %eq3A_220 = arith.constant 0 : i32
      %eq3A_221 = arith.cmpi eq, %jit3A_219, %eq3A_220 : i32
      %jit3A_222 = arith.constant 1 : i32
      %select_n3A_223 = arith.select %eq3A_221, %jit3A_222, %jit3A_219 : i32
      %rem3A_224 = arith.remsi %scan3A_177, %select_n3A_223 : i32
      %ne3A_225 = arith.constant 0 : i32
      %ne3A_226 = arith.cmpi ne, %rem3A_224, %ne3A_225 : i32
      %lt3A_227 = arith.constant 0 : i32
      %lt3A_228 = arith.cmpi slt, %rem3A_224, %lt3A_227 : i32
      %lt3A_229 = arith.constant 0 : i32
      %lt3A_230 = arith.cmpi slt, %select_n3A_223, %lt3A_229 : i32
      %ne3A_231 = arith.xori %lt3A_228, %lt3A_230 : i1
      %and3A_232 = arith.andi %ne3A_231, %ne3A_226 : i1
      %add3A_233 = arith.addi %rem3A_224, %select_n3A_223 : i32
      %select_n3A_234 = arith.select %and3A_232, %add3A_233, %rem3A_224 : i32
      %mul3A_235 = arith.constant 384 : i32
      %mul3A_236 = arith.muli %select_n3A, %mul3A_235 : i32
      %sub3A_237 = arith.subi %add3A_218, %mul3A_236 : i32
      %convert_element_type3A = arith.sitofp %sub3A_237 : i32 to f32
      %mul3A_238 = vector.broadcast %convert_element_type3A : f32 to vector<16xf32>
      %mul3A_239 = arith.mulf %get3A_27, %mul3A_238 : vector<16xf32>
      %add3A_240 = arith.addf %mul3A_239, %get3A_32 : vector<16xf32>
      %mul3A_241 = vector.broadcast %convert_element_type3A : f32 to vector<16xf32>
      %mul3A_242 = arith.mulf %get3A_42, %mul3A_241 : vector<16xf32>
      %add3A_243 = arith.addf %mul3A_242, %get3A_47 : vector<16xf32>
      %add3A_244 = arith.constant 0 : i32
      %add3A_245 = vector.broadcast %add3A_244 : i32 to vector<16xi32>
      %add3A_246 = arith.addi %add3A_245, %iota3A : vector<16xi32>
      %mul3A_247 = arith.constant 128 : i32
      %mul3A_248 = arith.muli %select_n3A_234, %mul3A_247 : i32
      %add3A_249 = vector.broadcast %mul3A_248 : i32 to vector<16xi32>
      %add3A_250 = arith.addi %add3A_246, %add3A_249 : vector<16xi32>
      %convert_element_type3A_251 = arith.sitofp %add3A_250 : vector<16xi32> to vector<16xf32>
      %mul3A_252 = arith.mulf %get3A_22, %convert_element_type3A_251 : vector<16xf32>
      %add3A_253 = arith.addf %mul3A_252, %add3A_240 : vector<16xf32>
      %mul3A_254 = arith.mulf %get3A_37, %convert_element_type3A_251 : vector<16xf32>
      %add3A_255 = arith.addf %mul3A_254, %add3A_243 : vector<16xf32>
      %convert_element_type3A_256 = arith.fptosi %add3A_253 : vector<16xf32> to vector<16xi32>
      %convert_element_type3A_257 = arith.sitofp %convert_element_type3A_256 : vector<16xi32> to vector<16xf32>
      %gt3A = arith.cmpf ogt, %convert_element_type3A_257, %add3A_253 : vector<16xf32>
      %sub3A_258 = arith.constant 1 : i32
      %sub3A_259 = vector.broadcast %sub3A_258 : i32 to vector<16xi32>
      %sub3A_260 = arith.subi %convert_element_type3A_256, %sub3A_259 : vector<16xi32>
      %select_n3A_261 = arith.select %gt3A, %sub3A_260, %convert_element_type3A_256 : vector<16xi1>, vector<16xi32>
      %convert_element_type3A_262 = arith.sitofp %select_n3A_261 : vector<16xi32> to vector<16xf32>
      %sub3A_263 = arith.subf %add3A_253, %convert_element_type3A_262 : vector<16xf32>
      %ge3A = arith.constant 0 : i32
      %ge3A_264 = vector.broadcast %ge3A : i32 to vector<16xi32>
      %ge3A_265 = arith.cmpi sge, %select_n3A_261, %ge3A_264 : vector<16xi32>
      %le3A = arith.constant 382 : i32
      %le3A_266 = vector.broadcast %le3A : i32 to vector<16xi32>
      %le3A_267 = arith.cmpi sle, %select_n3A_261, %le3A_266 : vector<16xi32>
      %and3A_268 = arith.andi %ge3A_265, %le3A_267 : vector<16xi1>
      %eq3A_269 = arith.constant -1 : i32
      %eq3A_270 = vector.broadcast %eq3A_269 : i32 to vector<16xi32>
      %eq3A_271 = arith.cmpi eq, %select_n3A_261, %eq3A_270 : vector<16xi32>
      %sub3A_272 = arith.constant 1.000000e+00 : f32
      %sub3A_273 = vector.broadcast %sub3A_272 : f32 to vector<16xf32>
      %sub3A_274 = arith.subf %sub3A_273, %sub3A_263 : vector<16xf32>
      %jit3A_275 = arith.constant 0.000000e+00 : f32
      %broadcast_in_dim3A = vector.broadcast %jit3A_275 : f32 to vector<16xf32>
      %select_n3A_276 = arith.select %and3A_268, %sub3A_274, %broadcast_in_dim3A : vector<16xi1>, vector<16xf32>
      %select_n3A_277 = arith.select %eq3A_271, %sub3A_263, %select_n3A_276 : vector<16xi1>, vector<16xf32>
      %eq3A_278 = arith.constant 383 : i32
      %eq3A_279 = vector.broadcast %eq3A_278 : i32 to vector<16xi32>
      %eq3A_280 = arith.cmpi eq, %select_n3A_261, %eq3A_279 : vector<16xi32>
      %sub3A_281 = arith.constant 1.000000e+00 : f32
      %sub3A_282 = vector.broadcast %sub3A_281 : f32 to vector<16xf32>
      %sub3A_283 = arith.subf %sub3A_282, %sub3A_263 : vector<16xf32>
      %jit3A_284 = arith.constant 0.000000e+00 : f32
      %broadcast_in_dim3A_285 = vector.broadcast %jit3A_284 : f32 to vector<16xf32>
      %select_n3A_286 = arith.select %and3A_268, %sub3A_263, %broadcast_in_dim3A_285 : vector<16xi1>, vector<16xf32>
      %select_n3A_287 = arith.select %eq3A_280, %sub3A_283, %select_n3A_286 : vector<16xi1>, vector<16xf32>
      %convert_element_type3A_288 = arith.fptosi %add3A_255 : vector<16xf32> to vector<16xi32>
      %convert_element_type3A_289 = arith.sitofp %convert_element_type3A_288 : vector<16xi32> to vector<16xf32>
      %gt3A_290 = arith.cmpf ogt, %convert_element_type3A_289, %add3A_255 : vector<16xf32>
      %sub3A_291 = arith.constant 1 : i32
      %sub3A_292 = vector.broadcast %sub3A_291 : i32 to vector<16xi32>
      %sub3A_293 = arith.subi %convert_element_type3A_288, %sub3A_292 : vector<16xi32>
      %select_n3A_294 = arith.select %gt3A_290, %sub3A_293, %convert_element_type3A_288 : vector<16xi1>, vector<16xi32>
      %convert_element_type3A_295 = arith.sitofp %select_n3A_294 : vector<16xi32> to vector<16xf32>
      %sub3A_296 = arith.subf %add3A_255, %convert_element_type3A_295 : vector<16xf32>
      %ge3A_297 = arith.constant 0 : i32
      %ge3A_298 = vector.broadcast %ge3A_297 : i32 to vector<16xi32>
      %ge3A_299 = arith.cmpi sge, %select_n3A_294, %ge3A_298 : vector<16xi32>
      %le3A_300 = arith.constant 382 : i32
      %le3A_301 = vector.broadcast %le3A_300 : i32 to vector<16xi32>
      %le3A_302 = arith.cmpi sle, %select_n3A_294, %le3A_301 : vector<16xi32>
      %and3A_303 = arith.andi %ge3A_299, %le3A_302 : vector<16xi1>
      %eq3A_304 = arith.constant -1 : i32
      %eq3A_305 = vector.broadcast %eq3A_304 : i32 to vector<16xi32>
      %eq3A_306 = arith.cmpi eq, %select_n3A_294, %eq3A_305 : vector<16xi32>
      %sub3A_307 = arith.constant 1.000000e+00 : f32
      %sub3A_308 = vector.broadcast %sub3A_307 : f32 to vector<16xf32>
      %sub3A_309 = arith.subf %sub3A_308, %sub3A_296 : vector<16xf32>
      %jit3A_310 = arith.constant 0.000000e+00 : f32
      %broadcast_in_dim3A_311 = vector.broadcast %jit3A_310 : f32 to vector<16xf32>
      %select_n3A_312 = arith.select %and3A_303, %sub3A_309, %broadcast_in_dim3A_311 : vector<16xi1>, vector<16xf32>
      %select_n3A_313 = arith.select %eq3A_306, %sub3A_296, %select_n3A_312 : vector<16xi1>, vector<16xf32>
      %eq3A_314 = arith.constant 383 : i32
      %eq3A_315 = vector.broadcast %eq3A_314 : i32 to vector<16xi32>
      %eq3A_316 = arith.cmpi eq, %select_n3A_294, %eq3A_315 : vector<16xi32>
      %sub3A_317 = arith.constant 1.000000e+00 : f32
      %sub3A_318 = vector.broadcast %sub3A_317 : f32 to vector<16xf32>
      %sub3A_319 = arith.subf %sub3A_318, %sub3A_296 : vector<16xf32>
      %jit3A_320 = arith.constant 0.000000e+00 : f32
      %broadcast_in_dim3A_321 = vector.broadcast %jit3A_320 : f32 to vector<16xf32>
      %select_n3A_322 = arith.select %and3A_303, %sub3A_296, %broadcast_in_dim3A_321 : vector<16xi1>, vector<16xf32>
      %select_n3A_323 = arith.select %eq3A_316, %sub3A_319, %select_n3A_322 : vector<16xi1>, vector<16xf32>
      %convert_element_type3A_324 = arith.fptosi %add3A_253 : vector<16xf32> to vector<16xi32>
      %jit3A_325 = arith.constant 0 : i32
      %jit3A_326 = arith.constant 382 : i32
      %max3A = vector.broadcast %jit3A_325 : i32 to vector<16xi32>
      %max3A_327 = arith.maxsi %max3A, %convert_element_type3A_324 : vector<16xi32>
      %min3A = vector.broadcast %jit3A_326 : i32 to vector<16xi32>
      %min3A_328 = arith.minsi %min3A, %max3A_327 : vector<16xi32>
      %convert_element_type3A_329 = arith.fptosi %add3A_255 : vector<16xf32> to vector<16xi32>
      %jit3A_330 = arith.constant 0 : i32
      %jit3A_331 = arith.constant 382 : i32
      %max3A_332 = vector.broadcast %jit3A_330 : i32 to vector<16xi32>
      %max3A_333 = arith.maxsi %max3A_332, %convert_element_type3A_329 : vector<16xi32>
      %min3A_334 = vector.broadcast %jit3A_331 : i32 to vector<16xi32>
      %min3A_335 = arith.minsi %min3A_334, %max3A_333 : vector<16xi32>
      %mul3A_336 = arith.constant 384 : i32
      %mul3A_337 = vector.broadcast %mul3A_336 : i32 to vector<16xi32>
      %mul3A_338 = arith.muli %min3A_335, %mul3A_337 : vector<16xi32>
      %add3A_339 = vector.broadcast %mul3A_49 : i32 to vector<16xi32>
      %add3A_340 = arith.addi %add3A_339, %mul3A_338 : vector<16xi32>
      %add3A_341 = arith.addi %add3A_340, %min3A_328 : vector<16xi32>
      %swap3A = arith.constant 0 : i32
      %swap3A_342 = arith.index_cast %select_n3A_191 : i32 to index
      %swap3A_343 = arith.index_cast %swap3A : i32 to index
      %swap3A_344 = arith.constant 0 : index
      %swap3A_345 = tpu.vector_load %arg6[%swap3A_342, %swap3A_343, %swap3A_344] {strides = array<i32>} : memref<2x4x128xi32, #tpu.memory_space<vmem>>, vector<16xi32>,
      tpu.vector_store %arg6[%swap3A_342, %swap3A_343, %swap3A_344], %add3A_341 {strides = array<i32>} : memref<2x4x128xi32, #tpu.memory_space<vmem>>, vector<16xi32>,
      %add3A_346 = arith.constant 1 : i32
      %add3A_347 = vector.broadcast %add3A_346 : i32 to vector<16xi32>
      %add3A_348 = arith.addi %add3A_341, %add3A_347 : vector<16xi32>
      %swap3A_349 = arith.constant 1 : i32
      %swap3A_350 = arith.index_cast %select_n3A_191 : i32 to index
      %swap3A_351 = arith.index_cast %swap3A_349 : i32 to index
      %swap3A_352 = arith.constant 0 : index
      %swap3A_353 = tpu.vector_load %arg6[%swap3A_350, %swap3A_351, %swap3A_352] {strides = array<i32>} : memref<2x4x128xi32, #tpu.memory_space<vmem>>, vector<16xi32>,
      tpu.vector_store %arg6[%swap3A_350, %swap3A_351, %swap3A_352], %add3A_348 {strides = array<i32>} : memref<2x4x128xi32, #tpu.memory_space<vmem>>, vector<16xi32>,
      %add3A_354 = arith.constant 384 : i32
      %add3A_355 = vector.broadcast %add3A_354 : i32 to vector<16xi32>
      %add3A_356 = arith.addi %add3A_341, %add3A_355 : vector<16xi32>
      %swap3A_357 = arith.constant 2 : i32
      %swap3A_358 = arith.index_cast %select_n3A_191 : i32 to index
      %swap3A_359 = arith.index_cast %swap3A_357 : i32 to index
      %swap3A_360 = arith.constant 0 : index
      %swap3A_361 = tpu.vector_load %arg6[%swap3A_358, %swap3A_359, %swap3A_360] {strides = array<i32>} : memref<2x4x128xi32, #tpu.memory_space<vmem>>, vector<16xi32>,
      tpu.vector_store %arg6[%swap3A_358, %swap3A_359, %swap3A_360], %add3A_356 {strides = array<i32>} : memref<2x4x128xi32, #tpu.memory_space<vmem>>, vector<16xi32>,
      %add3A_362 = arith.constant 384 : i32
      %add3A_363 = vector.broadcast %add3A_362 : i32 to vector<16xi32>
      %add3A_364 = arith.addi %add3A_341, %add3A_363 : vector<16xi32>
      %add3A_365 = arith.constant 1 : i32
      %add3A_366 = vector.broadcast %add3A_365 : i32 to vector<16xi32>
      %add3A_367 = arith.addi %add3A_364, %add3A_366 : vector<16xi32>
      %swap3A_368 = arith.constant 3 : i32
      %swap3A_369 = arith.index_cast %select_n3A_191 : i32 to index
      %swap3A_370 = arith.index_cast %swap3A_368 : i32 to index
      %swap3A_371 = arith.constant 0 : index
      %swap3A_372 = tpu.vector_load %arg6[%swap3A_369, %swap3A_370, %swap3A_371] {strides = array<i32>} : memref<2x4x128xi32, #tpu.memory_space<vmem>>, vector<16xi32>,
      tpu.vector_store %arg6[%swap3A_369, %swap3A_370, %swap3A_371], %add3A_367 {strides = array<i32>} : memref<2x4x128xi32, #tpu.memory_space<vmem>>, vector<16xi32>,
      %mul3A_373 = arith.constant 4 : i32
      %mul3A_374 = vector.broadcast %mul3A_373 : i32 to vector<16xi32>
      %mul3A_375 = arith.muli %add3A_246, %mul3A_374 : vector<16xi32>
      %mul3A_376 = arith.mulf %select_n3A_277, %select_n3A_313 : vector<16xf32>
      %scatter3A = arith.constant 0 : i32
      %scatter3A_377 = tpu.memref_slice %arg7[%select_n3A_191, %scatter3A] : memref<2x528xf32, #tpu.memory_space<vmem>> -> memref<1x528xf32, #tpu.memory_space<vmem>>
      %scatter3A_378 = tpu.memref_squeeze %scatter3A_377 : memref<1x528xf32, #tpu.memory_space<vmem>> -> memref<528xf32, #tpu.memory_space<vmem>>
      tpu.vector_store_idx %scatter3A_378[%mul3A_375], %mul3A_376 : memref<528xf32, #tpu.memory_space<vmem>>[vector<16xi32>], vector<16xf32>,
      %add3A_379 = arith.constant 1 : i32
      %add3A_380 = vector.broadcast %add3A_379 : i32 to vector<16xi32>
      %add3A_381 = arith.addi %mul3A_375, %add3A_380 : vector<16xi32>
      %mul3A_382 = arith.mulf %select_n3A_287, %select_n3A_313 : vector<16xf32>
      %scatter3A_383 = arith.constant 0 : i32
      %scatter3A_384 = tpu.memref_slice %arg7[%select_n3A_191, %scatter3A_383] : memref<2x528xf32, #tpu.memory_space<vmem>> -> memref<1x528xf32, #tpu.memory_space<vmem>>
      %scatter3A_385 = tpu.memref_squeeze %scatter3A_384 : memref<1x528xf32, #tpu.memory_space<vmem>> -> memref<528xf32, #tpu.memory_space<vmem>>
      tpu.vector_store_idx %scatter3A_385[%add3A_381], %mul3A_382 : memref<528xf32, #tpu.memory_space<vmem>>[vector<16xi32>], vector<16xf32>,
      %add3A_386 = arith.constant 2 : i32
      %add3A_387 = vector.broadcast %add3A_386 : i32 to vector<16xi32>
      %add3A_388 = arith.addi %mul3A_375, %add3A_387 : vector<16xi32>
      %mul3A_389 = arith.mulf %select_n3A_277, %select_n3A_323 : vector<16xf32>
      %scatter3A_390 = arith.constant 0 : i32
      %scatter3A_391 = tpu.memref_slice %arg7[%select_n3A_191, %scatter3A_390] : memref<2x528xf32, #tpu.memory_space<vmem>> -> memref<1x528xf32, #tpu.memory_space<vmem>>
      %scatter3A_392 = tpu.memref_squeeze %scatter3A_391 : memref<1x528xf32, #tpu.memory_space<vmem>> -> memref<528xf32, #tpu.memory_space<vmem>>
      tpu.vector_store_idx %scatter3A_392[%add3A_388], %mul3A_389 : memref<528xf32, #tpu.memory_space<vmem>>[vector<16xi32>], vector<16xf32>,
      %add3A_393 = arith.constant 3 : i32
      %add3A_394 = vector.broadcast %add3A_393 : i32 to vector<16xi32>
      %add3A_395 = arith.addi %mul3A_375, %add3A_394 : vector<16xi32>
      %mul3A_396 = arith.mulf %select_n3A_287, %select_n3A_323 : vector<16xf32>
      %scatter3A_397 = arith.constant 0 : i32
      %scatter3A_398 = tpu.memref_slice %arg7[%select_n3A_191, %scatter3A_397] : memref<2x528xf32, #tpu.memory_space<vmem>> -> memref<1x528xf32, #tpu.memory_space<vmem>>
      %scatter3A_399 = tpu.memref_squeeze %scatter3A_398 : memref<1x528xf32, #tpu.memory_space<vmem>> -> memref<528xf32, #tpu.memory_space<vmem>>
      tpu.vector_store_idx %scatter3A_399[%add3A_395], %mul3A_396 : memref<528xf32, #tpu.memory_space<vmem>>[vector<16xi32>], vector<16xf32>,
      %add3A_400 = arith.constant 16 : i32
      %add3A_401 = vector.broadcast %add3A_400 : i32 to vector<16xi32>
      %add3A_402 = arith.addi %add3A_401, %iota3A : vector<16xi32>
      %mul3A_403 = arith.constant 128 : i32
      %mul3A_404 = arith.muli %select_n3A_234, %mul3A_403 : i32
      %add3A_405 = vector.broadcast %mul3A_404 : i32 to vector<16xi32>
      %add3A_406 = arith.addi %add3A_402, %add3A_405 : vector<16xi32>
      %convert_element_type3A_407 = arith.sitofp %add3A_406 : vector<16xi32> to vector<16xf32>
      %mul3A_408 = arith.mulf %get3A_22, %convert_element_type3A_407 : vector<16xf32>
      %add3A_409 = arith.addf %mul3A_408, %add3A_240 : vector<16xf32>
      %mul3A_410 = arith.mulf %get3A_37, %convert_element_type3A_407 : vector<16xf32>
      %add3A_411 = arith.addf %mul3A_410, %add3A_243 : vector<16xf32>
      %convert_element_type3A_412 = arith.fptosi %add3A_409 : vector<16xf32> to vector<16xi32>
      %convert_element_type3A_413 = arith.sitofp %convert_element_type3A_412 : vector<16xi32> to vector<16xf32>
      %gt3A_414 = arith.cmpf ogt, %convert_element_type3A_413, %add3A_409 : vector<16xf32>
      %sub3A_415 = arith.constant 1 : i32
      %sub3A_416 = vector.broadcast %sub3A_415 : i32 to vector<16xi32>
      %sub3A_417 = arith.subi %convert_element_type3A_412, %sub3A_416 : vector<16xi32>
      %select_n3A_418 = arith.select %gt3A_414, %sub3A_417, %convert_element_type3A_412 : vector<16xi1>, vector<16xi32>
      %convert_element_type3A_419 = arith.sitofp %select_n3A_418 : vector<16xi32> to vector<16xf32>
      %sub3A_420 = arith.subf %add3A_409, %convert_element_type3A_419 : vector<16xf32>
      %ge3A_421 = arith.constant 0 : i32
      %ge3A_422 = vector.broadcast %ge3A_421 : i32 to vector<16xi32>
      %ge3A_423 = arith.cmpi sge, %select_n3A_418, %ge3A_422 : vector<16xi32>
      %le3A_424 = arith.constant 382 : i32
      %le3A_425 = vector.broadcast %le3A_424 : i32 to vector<16xi32>
      %le3A_426 = arith.cmpi sle, %select_n3A_418, %le3A_425 : vector<16xi32>
      %and3A_427 = arith.andi %ge3A_423, %le3A_426 : vector<16xi1>
      %eq3A_428 = arith.constant -1 : i32
      %eq3A_429 = vector.broadcast %eq3A_428 : i32 to vector<16xi32>
      %eq3A_430 = arith.cmpi eq, %select_n3A_418, %eq3A_429 : vector<16xi32>
      %sub3A_431 = arith.constant 1.000000e+00 : f32
      %sub3A_432 = vector.broadcast %sub3A_431 : f32 to vector<16xf32>
      %sub3A_433 = arith.subf %sub3A_432, %sub3A_420 : vector<16xf32>
      %jit3A_434 = arith.constant 0.000000e+00 : f32
      %broadcast_in_dim3A_435 = vector.broadcast %jit3A_434 : f32 to vector<16xf32>
      %select_n3A_436 = arith.select %and3A_427, %sub3A_433, %broadcast_in_dim3A_435 : vector<16xi1>, vector<16xf32>
      %select_n3A_437 = arith.select %eq3A_430, %sub3A_420, %select_n3A_436 : vector<16xi1>, vector<16xf32>
      %eq3A_438 = arith.constant 383 : i32
      %eq3A_439 = vector.broadcast %eq3A_438 : i32 to vector<16xi32>
      %eq3A_440 = arith.cmpi eq, %select_n3A_418, %eq3A_439 : vector<16xi32>
      %sub3A_441 = arith.constant 1.000000e+00 : f32
      %sub3A_442 = vector.broadcast %sub3A_441 : f32 to vector<16xf32>
      %sub3A_443 = arith.subf %sub3A_442, %sub3A_420 : vector<16xf32>
      %jit3A_444 = arith.constant 0.000000e+00 : f32
      %broadcast_in_dim3A_445 = vector.broadcast %jit3A_444 : f32 to vector<16xf32>
      %select_n3A_446 = arith.select %and3A_427, %sub3A_420, %broadcast_in_dim3A_445 : vector<16xi1>, vector<16xf32>
      %select_n3A_447 = arith.select %eq3A_440, %sub3A_443, %select_n3A_446 : vector<16xi1>, vector<16xf32>
      %convert_element_type3A_448 = arith.fptosi %add3A_411 : vector<16xf32> to vector<16xi32>
      %convert_element_type3A_449 = arith.sitofp %convert_element_type3A_448 : vector<16xi32> to vector<16xf32>
      %gt3A_450 = arith.cmpf ogt, %convert_element_type3A_449, %add3A_411 : vector<16xf32>
      %sub3A_451 = arith.constant 1 : i32
      %sub3A_452 = vector.broadcast %sub3A_451 : i32 to vector<16xi32>
      %sub3A_453 = arith.subi %convert_element_type3A_448, %sub3A_452 : vector<16xi32>
      %select_n3A_454 = arith.select %gt3A_450, %sub3A_453, %convert_element_type3A_448 : vector<16xi1>, vector<16xi32>
      %convert_element_type3A_455 = arith.sitofp %select_n3A_454 : vector<16xi32> to vector<16xf32>
      %sub3A_456 = arith.subf %add3A_411, %convert_element_type3A_455 : vector<16xf32>
      %ge3A_457 = arith.constant 0 : i32
      %ge3A_458 = vector.broadcast %ge3A_457 : i32 to vector<16xi32>
      %ge3A_459 = arith.cmpi sge, %select_n3A_454, %ge3A_458 : vector<16xi32>
      %le3A_460 = arith.constant 382 : i32
      %le3A_461 = vector.broadcast %le3A_460 : i32 to vector<16xi32>
      %le3A_462 = arith.cmpi sle, %select_n3A_454, %le3A_461 : vector<16xi32>
      %and3A_463 = arith.andi %ge3A_459, %le3A_462 : vector<16xi1>
      %eq3A_464 = arith.constant -1 : i32
      %eq3A_465 = vector.broadcast %eq3A_464 : i32 to vector<16xi32>
      %eq3A_466 = arith.cmpi eq, %select_n3A_454, %eq3A_465 : vector<16xi32>
      %sub3A_467 = arith.constant 1.000000e+00 : f32
      %sub3A_468 = vector.broadcast %sub3A_467 : f32 to vector<16xf32>
      %sub3A_469 = arith.subf %sub3A_468, %sub3A_456 : vector<16xf32>
      %jit3A_470 = arith.constant 0.000000e+00 : f32
      %broadcast_in_dim3A_471 = vector.broadcast %jit3A_470 : f32 to vector<16xf32>
      %select_n3A_472 = arith.select %and3A_463, %sub3A_469, %broadcast_in_dim3A_471 : vector<16xi1>, vector<16xf32>
      %select_n3A_473 = arith.select %eq3A_466, %sub3A_456, %select_n3A_472 : vector<16xi1>, vector<16xf32>
      %eq3A_474 = arith.constant 383 : i32
      %eq3A_475 = vector.broadcast %eq3A_474 : i32 to vector<16xi32>
      %eq3A_476 = arith.cmpi eq, %select_n3A_454, %eq3A_475 : vector<16xi32>
      %sub3A_477 = arith.constant 1.000000e+00 : f32
      %sub3A_478 = vector.broadcast %sub3A_477 : f32 to vector<16xf32>
      %sub3A_479 = arith.subf %sub3A_478, %sub3A_456 : vector<16xf32>
      %jit3A_480 = arith.constant 0.000000e+00 : f32
      %broadcast_in_dim3A_481 = vector.broadcast %jit3A_480 : f32 to vector<16xf32>
      %select_n3A_482 = arith.select %and3A_463, %sub3A_456, %broadcast_in_dim3A_481 : vector<16xi1>, vector<16xf32>
      %select_n3A_483 = arith.select %eq3A_476, %sub3A_479, %select_n3A_482 : vector<16xi1>, vector<16xf32>
      %convert_element_type3A_484 = arith.fptosi %add3A_409 : vector<16xf32> to vector<16xi32>
      %jit3A_485 = arith.constant 0 : i32
      %jit3A_486 = arith.constant 382 : i32
      %max3A_487 = vector.broadcast %jit3A_485 : i32 to vector<16xi32>
      %max3A_488 = arith.maxsi %max3A_487, %convert_element_type3A_484 : vector<16xi32>
      %min3A_489 = vector.broadcast %jit3A_486 : i32 to vector<16xi32>
      %min3A_490 = arith.minsi %min3A_489, %max3A_488 : vector<16xi32>
      %convert_element_type3A_491 = arith.fptosi %add3A_411 : vector<16xf32> to vector<16xi32>
      %jit3A_492 = arith.constant 0 : i32
      %jit3A_493 = arith.constant 382 : i32
      %max3A_494 = vector.broadcast %jit3A_492 : i32 to vector<16xi32>
      %max3A_495 = arith.maxsi %max3A_494, %convert_element_type3A_491 : vector<16xi32>
      %min3A_496 = vector.broadcast %jit3A_493 : i32 to vector<16xi32>
      %min3A_497 = arith.minsi %min3A_496, %max3A_495 : vector<16xi32>
      %mul3A_498 = arith.constant 384 : i32
      %mul3A_499 = vector.broadcast %mul3A_498 : i32 to vector<16xi32>
      %mul3A_500 = arith.muli %min3A_497, %mul3A_499 : vector<16xi32>
      %add3A_501 = vector.broadcast %mul3A_49 : i32 to vector<16xi32>
      %add3A_502 = arith.addi %add3A_501, %mul3A_500 : vector<16xi32>
      %add3A_503 = arith.addi %add3A_502, %min3A_490 : vector<16xi32>
      %swap3A_504 = arith.constant 0 : i32
      %swap3A_505 = arith.index_cast %select_n3A_191 : i32 to index
      %swap3A_506 = arith.index_cast %swap3A_504 : i32 to index
      %swap3A_507 = arith.constant 16 : index
      %swap3A_508 = tpu.vector_load %arg6[%swap3A_505, %swap3A_506, %swap3A_507] {strides = array<i32>} : memref<2x4x128xi32, #tpu.memory_space<vmem>>, vector<16xi32>,
      tpu.vector_store %arg6[%swap3A_505, %swap3A_506, %swap3A_507], %add3A_503 {strides = array<i32>} : memref<2x4x128xi32, #tpu.memory_space<vmem>>, vector<16xi32>,
      %add3A_509 = arith.constant 1 : i32
      %add3A_510 = vector.broadcast %add3A_509 : i32 to vector<16xi32>
      %add3A_511 = arith.addi %add3A_503, %add3A_510 : vector<16xi32>
      %swap3A_512 = arith.constant 1 : i32
      %swap3A_513 = arith.index_cast %select_n3A_191 : i32 to index
      %swap3A_514 = arith.index_cast %swap3A_512 : i32 to index
      %swap3A_515 = arith.constant 16 : index
      %swap3A_516 = tpu.vector_load %arg6[%swap3A_513, %swap3A_514, %swap3A_515] {strides = array<i32>} : memref<2x4x128xi32, #tpu.memory_space<vmem>>, vector<16xi32>,
      tpu.vector_store %arg6[%swap3A_513, %swap3A_514, %swap3A_515], %add3A_511 {strides = array<i32>} : memref<2x4x128xi32, #tpu.memory_space<vmem>>, vector<16xi32>,
      %add3A_517 = arith.constant 384 : i32
      %add3A_518 = vector.broadcast %add3A_517 : i32 to vector<16xi32>
      %add3A_519 = arith.addi %add3A_503, %add3A_518 : vector<16xi32>
      %swap3A_520 = arith.constant 2 : i32
      %swap3A_521 = arith.index_cast %select_n3A_191 : i32 to index
      %swap3A_522 = arith.index_cast %swap3A_520 : i32 to index
      %swap3A_523 = arith.constant 16 : index
      %swap3A_524 = tpu.vector_load %arg6[%swap3A_521, %swap3A_522, %swap3A_523] {strides = array<i32>} : memref<2x4x128xi32, #tpu.memory_space<vmem>>, vector<16xi32>,
      tpu.vector_store %arg6[%swap3A_521, %swap3A_522, %swap3A_523], %add3A_519 {strides = array<i32>} : memref<2x4x128xi32, #tpu.memory_space<vmem>>, vector<16xi32>,
      %add3A_525 = arith.constant 384 : i32
      %add3A_526 = vector.broadcast %add3A_525 : i32 to vector<16xi32>
      %add3A_527 = arith.addi %add3A_503, %add3A_526 : vector<16xi32>
      %add3A_528 = arith.constant 1 : i32
      %add3A_529 = vector.broadcast %add3A_528 : i32 to vector<16xi32>
      %add3A_530 = arith.addi %add3A_527, %add3A_529 : vector<16xi32>
      %swap3A_531 = arith.constant 3 : i32
      %swap3A_532 = arith.index_cast %select_n3A_191 : i32 to index
      %swap3A_533 = arith.index_cast %swap3A_531 : i32 to index
      %swap3A_534 = arith.constant 16 : index
      %swap3A_535 = tpu.vector_load %arg6[%swap3A_532, %swap3A_533, %swap3A_534] {strides = array<i32>} : memref<2x4x128xi32, #tpu.memory_space<vmem>>, vector<16xi32>,
      tpu.vector_store %arg6[%swap3A_532, %swap3A_533, %swap3A_534], %add3A_530 {strides = array<i32>} : memref<2x4x128xi32, #tpu.memory_space<vmem>>, vector<16xi32>,
      %mul3A_536 = arith.constant 4 : i32
      %mul3A_537 = vector.broadcast %mul3A_536 : i32 to vector<16xi32>
      %mul3A_538 = arith.muli %add3A_402, %mul3A_537 : vector<16xi32>
      %mul3A_539 = arith.mulf %select_n3A_437, %select_n3A_473 : vector<16xf32>
      %scatter3A_540 = arith.constant 0 : i32
      %scatter3A_541 = tpu.memref_slice %arg7[%select_n3A_191, %scatter3A_540] : memref<2x528xf32, #tpu.memory_space<vmem>> -> memref<1x528xf32, #tpu.memory_space<vmem>>
      %scatter3A_542 = tpu.memref_squeeze %scatter3A_541 : memref<1x528xf32, #tpu.memory_space<vmem>> -> memref<528xf32, #tpu.memory_space<vmem>>
      tpu.vector_store_idx %scatter3A_542[%mul3A_538], %mul3A_539 : memref<528xf32, #tpu.memory_space<vmem>>[vector<16xi32>], vector<16xf32>,
      %add3A_543 = arith.constant 1 : i32
      %add3A_544 = vector.broadcast %add3A_543 : i32 to vector<16xi32>
      %add3A_545 = arith.addi %mul3A_538, %add3A_544 : vector<16xi32>
      %mul3A_546 = arith.mulf %select_n3A_447, %select_n3A_473 : vector<16xf32>
      %scatter3A_547 = arith.constant 0 : i32
      %scatter3A_548 = tpu.memref_slice %arg7[%select_n3A_191, %scatter3A_547] : memref<2x528xf32, #tpu.memory_space<vmem>> -> memref<1x528xf32, #tpu.memory_space<vmem>>
      %scatter3A_549 = tpu.memref_squeeze %scatter3A_548 : memref<1x528xf32, #tpu.memory_space<vmem>> -> memref<528xf32, #tpu.memory_space<vmem>>
      tpu.vector_store_idx %scatter3A_549[%add3A_545], %mul3A_546 : memref<528xf32, #tpu.memory_space<vmem>>[vector<16xi32>], vector<16xf32>,
      %add3A_550 = arith.constant 2 : i32
      %add3A_551 = vector.broadcast %add3A_550 : i32 to vector<16xi32>
      %add3A_552 = arith.addi %mul3A_538, %add3A_551 : vector<16xi32>
      %mul3A_553 = arith.mulf %select_n3A_437, %select_n3A_483 : vector<16xf32>
      %scatter3A_554 = arith.constant 0 : i32
      %scatter3A_555 = tpu.memref_slice %arg7[%select_n3A_191, %scatter3A_554] : memref<2x528xf32, #tpu.memory_space<vmem>> -> memref<1x528xf32, #tpu.memory_space<vmem>>
      %scatter3A_556 = tpu.memref_squeeze %scatter3A_555 : memref<1x528xf32, #tpu.memory_space<vmem>> -> memref<528xf32, #tpu.memory_space<vmem>>
      tpu.vector_store_idx %scatter3A_556[%add3A_552], %mul3A_553 : memref<528xf32, #tpu.memory_space<vmem>>[vector<16xi32>], vector<16xf32>,
      %add3A_557 = arith.constant 3 : i32
      %add3A_558 = vector.broadcast %add3A_557 : i32 to vector<16xi32>
      %add3A_559 = arith.addi %mul3A_538, %add3A_558 : vector<16xi32>
      %mul3A_560 = arith.mulf %select_n3A_447, %select_n3A_483 : vector<16xf32>
      %scatter3A_561 = arith.constant 0 : i32
      %scatter3A_562 = tpu.memref_slice %arg7[%select_n3A_191, %scatter3A_561] : memref<2x528xf32, #tpu.memory_space<vmem>> -> memref<1x528xf32, #tpu.memory_space<vmem>>
      %scatter3A_563 = tpu.memref_squeeze %scatter3A_562 : memref<1x528xf32, #tpu.memory_space<vmem>> -> memref<528xf32, #tpu.memory_space<vmem>>
      tpu.vector_store_idx %scatter3A_563[%add3A_559], %mul3A_560 : memref<528xf32, #tpu.memory_space<vmem>>[vector<16xi32>], vector<16xf32>,
      %add3A_564 = arith.constant 32 : i32
      %add3A_565 = vector.broadcast %add3A_564 : i32 to vector<16xi32>
      %add3A_566 = arith.addi %add3A_565, %iota3A : vector<16xi32>
      %mul3A_567 = arith.constant 128 : i32
      %mul3A_568 = arith.muli %select_n3A_234, %mul3A_567 : i32
      %add3A_569 = vector.broadcast %mul3A_568 : i32 to vector<16xi32>
      %add3A_570 = arith.addi %add3A_566, %add3A_569 : vector<16xi32>
      %convert_element_type3A_571 = arith.sitofp %add3A_570 : vector<16xi32> to vector<16xf32>
      %mul3A_572 = arith.mulf %get3A_22, %convert_element_type3A_571 : vector<16xf32>
      %add3A_573 = arith.addf %mul3A_572, %add3A_240 : vector<16xf32>
      %mul3A_574 = arith.mulf %get3A_37, %convert_element_type3A_571 : vector<16xf32>
      %add3A_575 = arith.addf %mul3A_574, %add3A_243 : vector<16xf32>
      %convert_element_type3A_576 = arith.fptosi %add3A_573 : vector<16xf32> to vector<16xi32>
      %convert_element_type3A_577 = arith.sitofp %convert_element_type3A_576 : vector<16xi32> to vector<16xf32>
      %gt3A_578 = arith.cmpf ogt, %convert_element_type3A_577, %add3A_573 : vector<16xf32>
      %sub3A_579 = arith.constant 1 : i32
      %sub3A_580 = vector.broadcast %sub3A_579 : i32 to vector<16xi32>
      %sub3A_581 = arith.subi %convert_element_type3A_576, %sub3A_580 : vector<16xi32>
      %select_n3A_582 = arith.select %gt3A_578, %sub3A_581, %convert_element_type3A_576 : vector<16xi1>, vector<16xi32>
      %convert_element_type3A_583 = arith.sitofp %select_n3A_582 : vector<16xi32> to vector<16xf32>
      %sub3A_584 = arith.subf %add3A_573, %convert_element_type3A_583 : vector<16xf32>
      %ge3A_585 = arith.constant 0 : i32
      %ge3A_586 = vector.broadcast %ge3A_585 : i32 to vector<16xi32>
      %ge3A_587 = arith.cmpi sge, %select_n3A_582, %ge3A_586 : vector<16xi32>
      %le3A_588 = arith.constant 382 : i32
      %le3A_589 = vector.broadcast %le3A_588 : i32 to vector<16xi32>
      %le3A_590 = arith.cmpi sle, %select_n3A_582, %le3A_589 : vector<16xi32>
      %and3A_591 = arith.andi %ge3A_587, %le3A_590 : vector<16xi1>
      %eq3A_592 = arith.constant -1 : i32
      %eq3A_593 = vector.broadcast %eq3A_592 : i32 to vector<16xi32>
      %eq3A_594 = arith.cmpi eq, %select_n3A_582, %eq3A_593 : vector<16xi32>
      %sub3A_595 = arith.constant 1.000000e+00 : f32
      %sub3A_596 = vector.broadcast %sub3A_595 : f32 to vector<16xf32>
      %sub3A_597 = arith.subf %sub3A_596, %sub3A_584 : vector<16xf32>
      %jit3A_598 = arith.constant 0.000000e+00 : f32
      %broadcast_in_dim3A_599 = vector.broadcast %jit3A_598 : f32 to vector<16xf32>
      %select_n3A_600 = arith.select %and3A_591, %sub3A_597, %broadcast_in_dim3A_599 : vector<16xi1>, vector<16xf32>
      %select_n3A_601 = arith.select %eq3A_594, %sub3A_584, %select_n3A_600 : vector<16xi1>, vector<16xf32>
      %eq3A_602 = arith.constant 383 : i32
      %eq3A_603 = vector.broadcast %eq3A_602 : i32 to vector<16xi32>
      %eq3A_604 = arith.cmpi eq, %select_n3A_582, %eq3A_603 : vector<16xi32>
      %sub3A_605 = arith.constant 1.000000e+00 : f32
      %sub3A_606 = vector.broadcast %sub3A_605 : f32 to vector<16xf32>
      %sub3A_607 = arith.subf %sub3A_606, %sub3A_584 : vector<16xf32>
      %jit3A_608 = arith.constant 0.000000e+00 : f32
      %broadcast_in_dim3A_609 = vector.broadcast %jit3A_608 : f32 to vector<16xf32>
      %select_n3A_610 = arith.select %and3A_591, %sub3A_584, %broadcast_in_dim3A_609 : vector<16xi1>, vector<16xf32>
      %select_n3A_611 = arith.select %eq3A_604, %sub3A_607, %select_n3A_610 : vector<16xi1>, vector<16xf32>
      %convert_element_type3A_612 = arith.fptosi %add3A_575 : vector<16xf32> to vector<16xi32>
      %convert_element_type3A_613 = arith.sitofp %convert_element_type3A_612 : vector<16xi32> to vector<16xf32>
      %gt3A_614 = arith.cmpf ogt, %convert_element_type3A_613, %add3A_575 : vector<16xf32>
      %sub3A_615 = arith.constant 1 : i32
      %sub3A_616 = vector.broadcast %sub3A_615 : i32 to vector<16xi32>
      %sub3A_617 = arith.subi %convert_element_type3A_612, %sub3A_616 : vector<16xi32>
      %select_n3A_618 = arith.select %gt3A_614, %sub3A_617, %convert_element_type3A_612 : vector<16xi1>, vector<16xi32>
      %convert_element_type3A_619 = arith.sitofp %select_n3A_618 : vector<16xi32> to vector<16xf32>
      %sub3A_620 = arith.subf %add3A_575, %convert_element_type3A_619 : vector<16xf32>
      %ge3A_621 = arith.constant 0 : i32
      %ge3A_622 = vector.broadcast %ge3A_621 : i32 to vector<16xi32>
      %ge3A_623 = arith.cmpi sge, %select_n3A_618, %ge3A_622 : vector<16xi32>
      %le3A_624 = arith.constant 382 : i32
      %le3A_625 = vector.broadcast %le3A_624 : i32 to vector<16xi32>
      %le3A_626 = arith.cmpi sle, %select_n3A_618, %le3A_625 : vector<16xi32>
      %and3A_627 = arith.andi %ge3A_623, %le3A_626 : vector<16xi1>
      %eq3A_628 = arith.constant -1 : i32
      %eq3A_629 = vector.broadcast %eq3A_628 : i32 to vector<16xi32>
      %eq3A_630 = arith.cmpi eq, %select_n3A_618, %eq3A_629 : vector<16xi32>
      %sub3A_631 = arith.constant 1.000000e+00 : f32
      %sub3A_632 = vector.broadcast %sub3A_631 : f32 to vector<16xf32>
      %sub3A_633 = arith.subf %sub3A_632, %sub3A_620 : vector<16xf32>
      %jit3A_634 = arith.constant 0.000000e+00 : f32
      %broadcast_in_dim3A_635 = vector.broadcast %jit3A_634 : f32 to vector<16xf32>
      %select_n3A_636 = arith.select %and3A_627, %sub3A_633, %broadcast_in_dim3A_635 : vector<16xi1>, vector<16xf32>
      %select_n3A_637 = arith.select %eq3A_630, %sub3A_620, %select_n3A_636 : vector<16xi1>, vector<16xf32>
      %eq3A_638 = arith.constant 383 : i32
      %eq3A_639 = vector.broadcast %eq3A_638 : i32 to vector<16xi32>
      %eq3A_640 = arith.cmpi eq, %select_n3A_618, %eq3A_639 : vector<16xi32>
      %sub3A_641 = arith.constant 1.000000e+00 : f32
      %sub3A_642 = vector.broadcast %sub3A_641 : f32 to vector<16xf32>
      %sub3A_643 = arith.subf %sub3A_642, %sub3A_620 : vector<16xf32>
      %jit3A_644 = arith.constant 0.000000e+00 : f32
      %broadcast_in_dim3A_645 = vector.broadcast %jit3A_644 : f32 to vector<16xf32>
      %select_n3A_646 = arith.select %and3A_627, %sub3A_620, %broadcast_in_dim3A_645 : vector<16xi1>, vector<16xf32>
      %select_n3A_647 = arith.select %eq3A_640, %sub3A_643, %select_n3A_646 : vector<16xi1>, vector<16xf32>
      %convert_element_type3A_648 = arith.fptosi %add3A_573 : vector<16xf32> to vector<16xi32>
      %jit3A_649 = arith.constant 0 : i32
      %jit3A_650 = arith.constant 382 : i32
      %max3A_651 = vector.broadcast %jit3A_649 : i32 to vector<16xi32>
      %max3A_652 = arith.maxsi %max3A_651, %convert_element_type3A_648 : vector<16xi32>
      %min3A_653 = vector.broadcast %jit3A_650 : i32 to vector<16xi32>
      %min3A_654 = arith.minsi %min3A_653, %max3A_652 : vector<16xi32>
      %convert_element_type3A_655 = arith.fptosi %add3A_575 : vector<16xf32> to vector<16xi32>
      %jit3A_656 = arith.constant 0 : i32
      %jit3A_657 = arith.constant 382 : i32
      %max3A_658 = vector.broadcast %jit3A_656 : i32 to vector<16xi32>
      %max3A_659 = arith.maxsi %max3A_658, %convert_element_type3A_655 : vector<16xi32>
      %min3A_660 = vector.broadcast %jit3A_657 : i32 to vector<16xi32>
      %min3A_661 = arith.minsi %min3A_660, %max3A_659 : vector<16xi32>
      %mul3A_662 = arith.constant 384 : i32
      %mul3A_663 = vector.broadcast %mul3A_662 : i32 to vector<16xi32>
      %mul3A_664 = arith.muli %min3A_661, %mul3A_663 : vector<16xi32>
      %add3A_665 = vector.broadcast %mul3A_49 : i32 to vector<16xi32>
      %add3A_666 = arith.addi %add3A_665, %mul3A_664 : vector<16xi32>
      %add3A_667 = arith.addi %add3A_666, %min3A_654 : vector<16xi32>
      %swap3A_668 = arith.constant 0 : i32
      %swap3A_669 = arith.index_cast %select_n3A_191 : i32 to index
      %swap3A_670 = arith.index_cast %swap3A_668 : i32 to index
      %swap3A_671 = arith.constant 32 : index
      %swap3A_672 = tpu.vector_load %arg6[%swap3A_669, %swap3A_670, %swap3A_671] {strides = array<i32>} : memref<2x4x128xi32, #tpu.memory_space<vmem>>, vector<16xi32>,
      tpu.vector_store %arg6[%swap3A_669, %swap3A_670, %swap3A_671], %add3A_667 {strides = array<i32>} : memref<2x4x128xi32, #tpu.memory_space<vmem>>, vector<16xi32>,
      %add3A_673 = arith.constant 1 : i32
      %add3A_674 = vector.broadcast %add3A_673 : i32 to vector<16xi32>
      %add3A_675 = arith.addi %add3A_667, %add3A_674 : vector<16xi32>
      %swap3A_676 = arith.constant 1 : i32
      %swap3A_677 = arith.index_cast %select_n3A_191 : i32 to index
      %swap3A_678 = arith.index_cast %swap3A_676 : i32 to index
      %swap3A_679 = arith.constant 32 : index
      %swap3A_680 = tpu.vector_load %arg6[%swap3A_677, %swap3A_678, %swap3A_679] {strides = array<i32>} : memref<2x4x128xi32, #tpu.memory_space<vmem>>, vector<16xi32>,
      tpu.vector_store %arg6[%swap3A_677, %swap3A_678, %swap3A_679], %add3A_675 {strides = array<i32>} : memref<2x4x128xi32, #tpu.memory_space<vmem>>, vector<16xi32>,
      %add3A_681 = arith.constant 384 : i32
      %add3A_682 = vector.broadcast %add3A_681 : i32 to vector<16xi32>
      %add3A_683 = arith.addi %add3A_667, %add3A_682 : vector<16xi32>
      %swap3A_684 = arith.constant 2 : i32
      %swap3A_685 = arith.index_cast %select_n3A_191 : i32 to index
      %swap3A_686 = arith.index_cast %swap3A_684 : i32 to index
      %swap3A_687 = arith.constant 32 : index
      %swap3A_688 = tpu.vector_load %arg6[%swap3A_685, %swap3A_686, %swap3A_687] {strides = array<i32>} : memref<2x4x128xi32, #tpu.memory_space<vmem>>, vector<16xi32>,
      tpu.vector_store %arg6[%swap3A_685, %swap3A_686, %swap3A_687], %add3A_683 {strides = array<i32>} : memref<2x4x128xi32, #tpu.memory_space<vmem>>, vector<16xi32>,
      %add3A_689 = arith.constant 384 : i32
      %add3A_690 = vector.broadcast %add3A_689 : i32 to vector<16xi32>
      %add3A_691 = arith.addi %add3A_667, %add3A_690 : vector<16xi32>
      %add3A_692 = arith.constant 1 : i32
      %add3A_693 = vector.broadcast %add3A_692 : i32 to vector<16xi32>
      %add3A_694 = arith.addi %add3A_691, %add3A_693 : vector<16xi32>
      %swap3A_695 = arith.constant 3 : i32
      %swap3A_696 = arith.index_cast %select_n3A_191 : i32 to index
      %swap3A_697 = arith.index_cast %swap3A_695 : i32 to index
      %swap3A_698 = arith.constant 32 : index
      %swap3A_699 = tpu.vector_load %arg6[%swap3A_696, %swap3A_697, %swap3A_698] {strides = array<i32>} : memref<2x4x128xi32, #tpu.memory_space<vmem>>, vector<16xi32>,
      tpu.vector_store %arg6[%swap3A_696, %swap3A_697, %swap3A_698], %add3A_694 {strides = array<i32>} : memref<2x4x128xi32, #tpu.memory_space<vmem>>, vector<16xi32>,
      %mul3A_700 = arith.constant 4 : i32
      %mul3A_701 = vector.broadcast %mul3A_700 : i32 to vector<16xi32>
      %mul3A_702 = arith.muli %add3A_566, %mul3A_701 : vector<16xi32>
      %mul3A_703 = arith.mulf %select_n3A_601, %select_n3A_637 : vector<16xf32>
      %scatter3A_704 = arith.constant 0 : i32
      %scatter3A_705 = tpu.memref_slice %arg7[%select_n3A_191, %scatter3A_704] : memref<2x528xf32, #tpu.memory_space<vmem>> -> memref<1x528xf32, #tpu.memory_space<vmem>>
      %scatter3A_706 = tpu.memref_squeeze %scatter3A_705 : memref<1x528xf32, #tpu.memory_space<vmem>> -> memref<528xf32, #tpu.memory_space<vmem>>
      tpu.vector_store_idx %scatter3A_706[%mul3A_702], %mul3A_703 : memref<528xf32, #tpu.memory_space<vmem>>[vector<16xi32>], vector<16xf32>,
      %add3A_707 = arith.constant 1 : i32
      %add3A_708 = vector.broadcast %add3A_707 : i32 to vector<16xi32>
      %add3A_709 = arith.addi %mul3A_702, %add3A_708 : vector<16xi32>
      %mul3A_710 = arith.mulf %select_n3A_611, %select_n3A_637 : vector<16xf32>
      %scatter3A_711 = arith.constant 0 : i32
      %scatter3A_712 = tpu.memref_slice %arg7[%select_n3A_191, %scatter3A_711] : memref<2x528xf32, #tpu.memory_space<vmem>> -> memref<1x528xf32, #tpu.memory_space<vmem>>
      %scatter3A_713 = tpu.memref_squeeze %scatter3A_712 : memref<1x528xf32, #tpu.memory_space<vmem>> -> memref<528xf32, #tpu.memory_space<vmem>>
      tpu.vector_store_idx %scatter3A_713[%add3A_709], %mul3A_710 : memref<528xf32, #tpu.memory_space<vmem>>[vector<16xi32>], vector<16xf32>,
      %add3A_714 = arith.constant 2 : i32
      %add3A_715 = vector.broadcast %add3A_714 : i32 to vector<16xi32>
      %add3A_716 = arith.addi %mul3A_702, %add3A_715 : vector<16xi32>
      %mul3A_717 = arith.mulf %select_n3A_601, %select_n3A_647 : vector<16xf32>
      %scatter3A_718 = arith.constant 0 : i32
      %scatter3A_719 = tpu.memref_slice %arg7[%select_n3A_191, %scatter3A_718] : memref<2x528xf32, #tpu.memory_space<vmem>> -> memref<1x528xf32, #tpu.memory_space<vmem>>
      %scatter3A_720 = tpu.memref_squeeze %scatter3A_719 : memref<1x528xf32, #tpu.memory_space<vmem>> -> memref<528xf32, #tpu.memory_space<vmem>>
      tpu.vector_store_idx %scatter3A_720[%add3A_716], %mul3A_717 : memref<528xf32, #tpu.memory_space<vmem>>[vector<16xi32>], vector<16xf32>,
      %add3A_721 = arith.constant 3 : i32
      %add3A_722 = vector.broadcast %add3A_721 : i32 to vector<16xi32>
      %add3A_723 = arith.addi %mul3A_702, %add3A_722 : vector<16xi32>
      %mul3A_724 = arith.mulf %select_n3A_611, %select_n3A_647 : vector<16xf32>
      %scatter3A_725 = arith.constant 0 : i32
      %scatter3A_726 = tpu.memref_slice %arg7[%select_n3A_191, %scatter3A_725] : memref<2x528xf32, #tpu.memory_space<vmem>> -> memref<1x528xf32, #tpu.memory_space<vmem>>
      %scatter3A_727 = tpu.memref_squeeze %scatter3A_726 : memref<1x528xf32, #tpu.memory_space<vmem>> -> memref<528xf32, #tpu.memory_space<vmem>>
      tpu.vector_store_idx %scatter3A_727[%add3A_723], %mul3A_724 : memref<528xf32, #tpu.memory_space<vmem>>[vector<16xi32>], vector<16xf32>,
      %add3A_728 = arith.constant 48 : i32
      %add3A_729 = vector.broadcast %add3A_728 : i32 to vector<16xi32>
      %add3A_730 = arith.addi %add3A_729, %iota3A : vector<16xi32>
      %mul3A_731 = arith.constant 128 : i32
      %mul3A_732 = arith.muli %select_n3A_234, %mul3A_731 : i32
      %add3A_733 = vector.broadcast %mul3A_732 : i32 to vector<16xi32>
      %add3A_734 = arith.addi %add3A_730, %add3A_733 : vector<16xi32>
      %convert_element_type3A_735 = arith.sitofp %add3A_734 : vector<16xi32> to vector<16xf32>
      %mul3A_736 = arith.mulf %get3A_22, %convert_element_type3A_735 : vector<16xf32>
      %add3A_737 = arith.addf %mul3A_736, %add3A_240 : vector<16xf32>
      %mul3A_738 = arith.mulf %get3A_37, %convert_element_type3A_735 : vector<16xf32>
      %add3A_739 = arith.addf %mul3A_738, %add3A_243 : vector<16xf32>
      %convert_element_type3A_740 = arith.fptosi %add3A_737 : vector<16xf32> to vector<16xi32>
      %convert_element_type3A_741 = arith.sitofp %convert_element_type3A_740 : vector<16xi32> to vector<16xf32>
      %gt3A_742 = arith.cmpf ogt, %convert_element_type3A_741, %add3A_737 : vector<16xf32>
      %sub3A_743 = arith.constant 1 : i32
      %sub3A_744 = vector.broadcast %sub3A_743 : i32 to vector<16xi32>
      %sub3A_745 = arith.subi %convert_element_type3A_740, %sub3A_744 : vector<16xi32>
      %select_n3A_746 = arith.select %gt3A_742, %sub3A_745, %convert_element_type3A_740 : vector<16xi1>, vector<16xi32>
      %convert_element_type3A_747 = arith.sitofp %select_n3A_746 : vector<16xi32> to vector<16xf32>
      %sub3A_748 = arith.subf %add3A_737, %convert_element_type3A_747 : vector<16xf32>
      %ge3A_749 = arith.constant 0 : i32
      %ge3A_750 = vector.broadcast %ge3A_749 : i32 to vector<16xi32>
      %ge3A_751 = arith.cmpi sge, %select_n3A_746, %ge3A_750 : vector<16xi32>
      %le3A_752 = arith.constant 382 : i32
      %le3A_753 = vector.broadcast %le3A_752 : i32 to vector<16xi32>
      %le3A_754 = arith.cmpi sle, %select_n3A_746, %le3A_753 : vector<16xi32>
      %and3A_755 = arith.andi %ge3A_751, %le3A_754 : vector<16xi1>
      %eq3A_756 = arith.constant -1 : i32
      %eq3A_757 = vector.broadcast %eq3A_756 : i32 to vector<16xi32>
      %eq3A_758 = arith.cmpi eq, %select_n3A_746, %eq3A_757 : vector<16xi32>
      %sub3A_759 = arith.constant 1.000000e+00 : f32
      %sub3A_760 = vector.broadcast %sub3A_759 : f32 to vector<16xf32>
      %sub3A_761 = arith.subf %sub3A_760, %sub3A_748 : vector<16xf32>
      %jit3A_762 = arith.constant 0.000000e+00 : f32
      %broadcast_in_dim3A_763 = vector.broadcast %jit3A_762 : f32 to vector<16xf32>
      %select_n3A_764 = arith.select %and3A_755, %sub3A_761, %broadcast_in_dim3A_763 : vector<16xi1>, vector<16xf32>
      %select_n3A_765 = arith.select %eq3A_758, %sub3A_748, %select_n3A_764 : vector<16xi1>, vector<16xf32>
      %eq3A_766 = arith.constant 383 : i32
      %eq3A_767 = vector.broadcast %eq3A_766 : i32 to vector<16xi32>
      %eq3A_768 = arith.cmpi eq, %select_n3A_746, %eq3A_767 : vector<16xi32>
      %sub3A_769 = arith.constant 1.000000e+00 : f32
      %sub3A_770 = vector.broadcast %sub3A_769 : f32 to vector<16xf32>
      %sub3A_771 = arith.subf %sub3A_770, %sub3A_748 : vector<16xf32>
      %jit3A_772 = arith.constant 0.000000e+00 : f32
      %broadcast_in_dim3A_773 = vector.broadcast %jit3A_772 : f32 to vector<16xf32>
      %select_n3A_774 = arith.select %and3A_755, %sub3A_748, %broadcast_in_dim3A_773 : vector<16xi1>, vector<16xf32>
      %select_n3A_775 = arith.select %eq3A_768, %sub3A_771, %select_n3A_774 : vector<16xi1>, vector<16xf32>
      %convert_element_type3A_776 = arith.fptosi %add3A_739 : vector<16xf32> to vector<16xi32>
      %convert_element_type3A_777 = arith.sitofp %convert_element_type3A_776 : vector<16xi32> to vector<16xf32>
      %gt3A_778 = arith.cmpf ogt, %convert_element_type3A_777, %add3A_739 : vector<16xf32>
      %sub3A_779 = arith.constant 1 : i32
      %sub3A_780 = vector.broadcast %sub3A_779 : i32 to vector<16xi32>
      %sub3A_781 = arith.subi %convert_element_type3A_776, %sub3A_780 : vector<16xi32>
      %select_n3A_782 = arith.select %gt3A_778, %sub3A_781, %convert_element_type3A_776 : vector<16xi1>, vector<16xi32>
      %convert_element_type3A_783 = arith.sitofp %select_n3A_782 : vector<16xi32> to vector<16xf32>
      %sub3A_784 = arith.subf %add3A_739, %convert_element_type3A_783 : vector<16xf32>
      %ge3A_785 = arith.constant 0 : i32
      %ge3A_786 = vector.broadcast %ge3A_785 : i32 to vector<16xi32>
      %ge3A_787 = arith.cmpi sge, %select_n3A_782, %ge3A_786 : vector<16xi32>
      %le3A_788 = arith.constant 382 : i32
      %le3A_789 = vector.broadcast %le3A_788 : i32 to vector<16xi32>
      %le3A_790 = arith.cmpi sle, %select_n3A_782, %le3A_789 : vector<16xi32>
      %and3A_791 = arith.andi %ge3A_787, %le3A_790 : vector<16xi1>
      %eq3A_792 = arith.constant -1 : i32
      %eq3A_793 = vector.broadcast %eq3A_792 : i32 to vector<16xi32>
      %eq3A_794 = arith.cmpi eq, %select_n3A_782, %eq3A_793 : vector<16xi32>
      %sub3A_795 = arith.constant 1.000000e+00 : f32
      %sub3A_796 = vector.broadcast %sub3A_795 : f32 to vector<16xf32>
      %sub3A_797 = arith.subf %sub3A_796, %sub3A_784 : vector<16xf32>
      %jit3A_798 = arith.constant 0.000000e+00 : f32
      %broadcast_in_dim3A_799 = vector.broadcast %jit3A_798 : f32 to vector<16xf32>
      %select_n3A_800 = arith.select %and3A_791, %sub3A_797, %broadcast_in_dim3A_799 : vector<16xi1>, vector<16xf32>
      %select_n3A_801 = arith.select %eq3A_794, %sub3A_784, %select_n3A_800 : vector<16xi1>, vector<16xf32>
      %eq3A_802 = arith.constant 383 : i32
      %eq3A_803 = vector.broadcast %eq3A_802 : i32 to vector<16xi32>
      %eq3A_804 = arith.cmpi eq, %select_n3A_782, %eq3A_803 : vector<16xi32>
      %sub3A_805 = arith.constant 1.000000e+00 : f32
      %sub3A_806 = vector.broadcast %sub3A_805 : f32 to vector<16xf32>
      %sub3A_807 = arith.subf %sub3A_806, %sub3A_784 : vector<16xf32>
      %jit3A_808 = arith.constant 0.000000e+00 : f32
      %broadcast_in_dim3A_809 = vector.broadcast %jit3A_808 : f32 to vector<16xf32>
      %select_n3A_810 = arith.select %and3A_791, %sub3A_784, %broadcast_in_dim3A_809 : vector<16xi1>, vector<16xf32>
      %select_n3A_811 = arith.select %eq3A_804, %sub3A_807, %select_n3A_810 : vector<16xi1>, vector<16xf32>
      %convert_element_type3A_812 = arith.fptosi %add3A_737 : vector<16xf32> to vector<16xi32>
      %jit3A_813 = arith.constant 0 : i32
      %jit3A_814 = arith.constant 382 : i32
      %max3A_815 = vector.broadcast %jit3A_813 : i32 to vector<16xi32>
      %max3A_816 = arith.maxsi %max3A_815, %convert_element_type3A_812 : vector<16xi32>
      %min3A_817 = vector.broadcast %jit3A_814 : i32 to vector<16xi32>
      %min3A_818 = arith.minsi %min3A_817, %max3A_816 : vector<16xi32>
      %convert_element_type3A_819 = arith.fptosi %add3A_739 : vector<16xf32> to vector<16xi32>
      %jit3A_820 = arith.constant 0 : i32
      %jit3A_821 = arith.constant 382 : i32
      %max3A_822 = vector.broadcast %jit3A_820 : i32 to vector<16xi32>
      %max3A_823 = arith.maxsi %max3A_822, %convert_element_type3A_819 : vector<16xi32>
      %min3A_824 = vector.broadcast %jit3A_821 : i32 to vector<16xi32>
      %min3A_825 = arith.minsi %min3A_824, %max3A_823 : vector<16xi32>
      %mul3A_826 = arith.constant 384 : i32
      %mul3A_827 = vector.broadcast %mul3A_826 : i32 to vector<16xi32>
      %mul3A_828 = arith.muli %min3A_825, %mul3A_827 : vector<16xi32>
      %add3A_829 = vector.broadcast %mul3A_49 : i32 to vector<16xi32>
      %add3A_830 = arith.addi %add3A_829, %mul3A_828 : vector<16xi32>
      %add3A_831 = arith.addi %add3A_830, %min3A_818 : vector<16xi32>
      %swap3A_832 = arith.constant 0 : i32
      %swap3A_833 = arith.index_cast %select_n3A_191 : i32 to index
      %swap3A_834 = arith.index_cast %swap3A_832 : i32 to index
      %swap3A_835 = arith.constant 48 : index
      %swap3A_836 = tpu.vector_load %arg6[%swap3A_833, %swap3A_834, %swap3A_835] {strides = array<i32>} : memref<2x4x128xi32, #tpu.memory_space<vmem>>, vector<16xi32>,
      tpu.vector_store %arg6[%swap3A_833, %swap3A_834, %swap3A_835], %add3A_831 {strides = array<i32>} : memref<2x4x128xi32, #tpu.memory_space<vmem>>, vector<16xi32>,
      %add3A_837 = arith.constant 1 : i32
      %add3A_838 = vector.broadcast %add3A_837 : i32 to vector<16xi32>
      %add3A_839 = arith.addi %add3A_831, %add3A_838 : vector<16xi32>
      %swap3A_840 = arith.constant 1 : i32
      %swap3A_841 = arith.index_cast %select_n3A_191 : i32 to index
      %swap3A_842 = arith.index_cast %swap3A_840 : i32 to index
      %swap3A_843 = arith.constant 48 : index
      %swap3A_844 = tpu.vector_load %arg6[%swap3A_841, %swap3A_842, %swap3A_843] {strides = array<i32>} : memref<2x4x128xi32, #tpu.memory_space<vmem>>, vector<16xi32>,
      tpu.vector_store %arg6[%swap3A_841, %swap3A_842, %swap3A_843], %add3A_839 {strides = array<i32>} : memref<2x4x128xi32, #tpu.memory_space<vmem>>, vector<16xi32>,
      %add3A_845 = arith.constant 384 : i32
      %add3A_846 = vector.broadcast %add3A_845 : i32 to vector<16xi32>
      %add3A_847 = arith.addi %add3A_831, %add3A_846 : vector<16xi32>
      %swap3A_848 = arith.constant 2 : i32
      %swap3A_849 = arith.index_cast %select_n3A_191 : i32 to index
      %swap3A_850 = arith.index_cast %swap3A_848 : i32 to index
      %swap3A_851 = arith.constant 48 : index
      %swap3A_852 = tpu.vector_load %arg6[%swap3A_849, %swap3A_850, %swap3A_851] {strides = array<i32>} : memref<2x4x128xi32, #tpu.memory_space<vmem>>, vector<16xi32>,
      tpu.vector_store %arg6[%swap3A_849, %swap3A_850, %swap3A_851], %add3A_847 {strides = array<i32>} : memref<2x4x128xi32, #tpu.memory_space<vmem>>, vector<16xi32>,
      %add3A_853 = arith.constant 384 : i32
      %add3A_854 = vector.broadcast %add3A_853 : i32 to vector<16xi32>
      %add3A_855 = arith.addi %add3A_831, %add3A_854 : vector<16xi32>
      %add3A_856 = arith.constant 1 : i32
      %add3A_857 = vector.broadcast %add3A_856 : i32 to vector<16xi32>
      %add3A_858 = arith.addi %add3A_855, %add3A_857 : vector<16xi32>
      %swap3A_859 = arith.constant 3 : i32
      %swap3A_860 = arith.index_cast %select_n3A_191 : i32 to index
      %swap3A_861 = arith.index_cast %swap3A_859 : i32 to index
      %swap3A_862 = arith.constant 48 : index
      %swap3A_863 = tpu.vector_load %arg6[%swap3A_860, %swap3A_861, %swap3A_862] {strides = array<i32>} : memref<2x4x128xi32, #tpu.memory_space<vmem>>, vector<16xi32>,
      tpu.vector_store %arg6[%swap3A_860, %swap3A_861, %swap3A_862], %add3A_858 {strides = array<i32>} : memref<2x4x128xi32, #tpu.memory_space<vmem>>, vector<16xi32>,
      %mul3A_864 = arith.constant 4 : i32
      %mul3A_865 = vector.broadcast %mul3A_864 : i32 to vector<16xi32>
      %mul3A_866 = arith.muli %add3A_730, %mul3A_865 : vector<16xi32>
      %mul3A_867 = arith.mulf %select_n3A_765, %select_n3A_801 : vector<16xf32>
      %scatter3A_868 = arith.constant 0 : i32
      %scatter3A_869 = tpu.memref_slice %arg7[%select_n3A_191, %scatter3A_868] : memref<2x528xf32, #tpu.memory_space<vmem>> -> memref<1x528xf32, #tpu.memory_space<vmem>>
      %scatter3A_870 = tpu.memref_squeeze %scatter3A_869 : memref<1x528xf32, #tpu.memory_space<vmem>> -> memref<528xf32, #tpu.memory_space<vmem>>
      tpu.vector_store_idx %scatter3A_870[%mul3A_866], %mul3A_867 : memref<528xf32, #tpu.memory_space<vmem>>[vector<16xi32>], vector<16xf32>,
      %add3A_871 = arith.constant 1 : i32
      %add3A_872 = vector.broadcast %add3A_871 : i32 to vector<16xi32>
      %add3A_873 = arith.addi %mul3A_866, %add3A_872 : vector<16xi32>
      %mul3A_874 = arith.mulf %select_n3A_775, %select_n3A_801 : vector<16xf32>
      %scatter3A_875 = arith.constant 0 : i32
      %scatter3A_876 = tpu.memref_slice %arg7[%select_n3A_191, %scatter3A_875] : memref<2x528xf32, #tpu.memory_space<vmem>> -> memref<1x528xf32, #tpu.memory_space<vmem>>
      %scatter3A_877 = tpu.memref_squeeze %scatter3A_876 : memref<1x528xf32, #tpu.memory_space<vmem>> -> memref<528xf32, #tpu.memory_space<vmem>>
      tpu.vector_store_idx %scatter3A_877[%add3A_873], %mul3A_874 : memref<528xf32, #tpu.memory_space<vmem>>[vector<16xi32>], vector<16xf32>,
      %add3A_878 = arith.constant 2 : i32
      %add3A_879 = vector.broadcast %add3A_878 : i32 to vector<16xi32>
      %add3A_880 = arith.addi %mul3A_866, %add3A_879 : vector<16xi32>
      %mul3A_881 = arith.mulf %select_n3A_765, %select_n3A_811 : vector<16xf32>
      %scatter3A_882 = arith.constant 0 : i32
      %scatter3A_883 = tpu.memref_slice %arg7[%select_n3A_191, %scatter3A_882] : memref<2x528xf32, #tpu.memory_space<vmem>> -> memref<1x528xf32, #tpu.memory_space<vmem>>
      %scatter3A_884 = tpu.memref_squeeze %scatter3A_883 : memref<1x528xf32, #tpu.memory_space<vmem>> -> memref<528xf32, #tpu.memory_space<vmem>>
      tpu.vector_store_idx %scatter3A_884[%add3A_880], %mul3A_881 : memref<528xf32, #tpu.memory_space<vmem>>[vector<16xi32>], vector<16xf32>,
      %add3A_885 = arith.constant 3 : i32
      %add3A_886 = vector.broadcast %add3A_885 : i32 to vector<16xi32>
      %add3A_887 = arith.addi %mul3A_866, %add3A_886 : vector<16xi32>
      %mul3A_888 = arith.mulf %select_n3A_775, %select_n3A_811 : vector<16xf32>
      %scatter3A_889 = arith.constant 0 : i32
      %scatter3A_890 = tpu.memref_slice %arg7[%select_n3A_191, %scatter3A_889] : memref<2x528xf32, #tpu.memory_space<vmem>> -> memref<1x528xf32, #tpu.memory_space<vmem>>
      %scatter3A_891 = tpu.memref_squeeze %scatter3A_890 : memref<1x528xf32, #tpu.memory_space<vmem>> -> memref<528xf32, #tpu.memory_space<vmem>>
      tpu.vector_store_idx %scatter3A_891[%add3A_887], %mul3A_888 : memref<528xf32, #tpu.memory_space<vmem>>[vector<16xi32>], vector<16xf32>,
      %add3A_892 = arith.constant 64 : i32
      %add3A_893 = vector.broadcast %add3A_892 : i32 to vector<16xi32>
      %add3A_894 = arith.addi %add3A_893, %iota3A : vector<16xi32>
      %mul3A_895 = arith.constant 128 : i32
      %mul3A_896 = arith.muli %select_n3A_234, %mul3A_895 : i32
      %add3A_897 = vector.broadcast %mul3A_896 : i32 to vector<16xi32>
      %add3A_898 = arith.addi %add3A_894, %add3A_897 : vector<16xi32>
      %convert_element_type3A_899 = arith.sitofp %add3A_898 : vector<16xi32> to vector<16xf32>
      %mul3A_900 = arith.mulf %get3A_22, %convert_element_type3A_899 : vector<16xf32>
      %add3A_901 = arith.addf %mul3A_900, %add3A_240 : vector<16xf32>
      %mul3A_902 = arith.mulf %get3A_37, %convert_element_type3A_899 : vector<16xf32>
      %add3A_903 = arith.addf %mul3A_902, %add3A_243 : vector<16xf32>
      %convert_element_type3A_904 = arith.fptosi %add3A_901 : vector<16xf32> to vector<16xi32>
      %convert_element_type3A_905 = arith.sitofp %convert_element_type3A_904 : vector<16xi32> to vector<16xf32>
      %gt3A_906 = arith.cmpf ogt, %convert_element_type3A_905, %add3A_901 : vector<16xf32>
      %sub3A_907 = arith.constant 1 : i32
      %sub3A_908 = vector.broadcast %sub3A_907 : i32 to vector<16xi32>
      %sub3A_909 = arith.subi %convert_element_type3A_904, %sub3A_908 : vector<16xi32>
      %select_n3A_910 = arith.select %gt3A_906, %sub3A_909, %convert_element_type3A_904 : vector<16xi1>, vector<16xi32>
      %convert_element_type3A_911 = arith.sitofp %select_n3A_910 : vector<16xi32> to vector<16xf32>
      %sub3A_912 = arith.subf %add3A_901, %convert_element_type3A_911 : vector<16xf32>
      %ge3A_913 = arith.constant 0 : i32
      %ge3A_914 = vector.broadcast %ge3A_913 : i32 to vector<16xi32>
      %ge3A_915 = arith.cmpi sge, %select_n3A_910, %ge3A_914 : vector<16xi32>
      %le3A_916 = arith.constant 382 : i32
      %le3A_917 = vector.broadcast %le3A_916 : i32 to vector<16xi32>
      %le3A_918 = arith.cmpi sle, %select_n3A_910, %le3A_917 : vector<16xi32>
      %and3A_919 = arith.andi %ge3A_915, %le3A_918 : vector<16xi1>
      %eq3A_920 = arith.constant -1 : i32
      %eq3A_921 = vector.broadcast %eq3A_920 : i32 to vector<16xi32>
      %eq3A_922 = arith.cmpi eq, %select_n3A_910, %eq3A_921 : vector<16xi32>
      %sub3A_923 = arith.constant 1.000000e+00 : f32
      %sub3A_924 = vector.broadcast %sub3A_923 : f32 to vector<16xf32>
      %sub3A_925 = arith.subf %sub3A_924, %sub3A_912 : vector<16xf32>
      %jit3A_926 = arith.constant 0.000000e+00 : f32
      %broadcast_in_dim3A_927 = vector.broadcast %jit3A_926 : f32 to vector<16xf32>
      %select_n3A_928 = arith.select %and3A_919, %sub3A_925, %broadcast_in_dim3A_927 : vector<16xi1>, vector<16xf32>
      %select_n3A_929 = arith.select %eq3A_922, %sub3A_912, %select_n3A_928 : vector<16xi1>, vector<16xf32>
      %eq3A_930 = arith.constant 383 : i32
      %eq3A_931 = vector.broadcast %eq3A_930 : i32 to vector<16xi32>
      %eq3A_932 = arith.cmpi eq, %select_n3A_910, %eq3A_931 : vector<16xi32>
      %sub3A_933 = arith.constant 1.000000e+00 : f32
      %sub3A_934 = vector.broadcast %sub3A_933 : f32 to vector<16xf32>
      %sub3A_935 = arith.subf %sub3A_934, %sub3A_912 : vector<16xf32>
      %jit3A_936 = arith.constant 0.000000e+00 : f32
      %broadcast_in_dim3A_937 = vector.broadcast %jit3A_936 : f32 to vector<16xf32>
      %select_n3A_938 = arith.select %and3A_919, %sub3A_912, %broadcast_in_dim3A_937 : vector<16xi1>, vector<16xf32>
      %select_n3A_939 = arith.select %eq3A_932, %sub3A_935, %select_n3A_938 : vector<16xi1>, vector<16xf32>
      %convert_element_type3A_940 = arith.fptosi %add3A_903 : vector<16xf32> to vector<16xi32>
      %convert_element_type3A_941 = arith.sitofp %convert_element_type3A_940 : vector<16xi32> to vector<16xf32>
      %gt3A_942 = arith.cmpf ogt, %convert_element_type3A_941, %add3A_903 : vector<16xf32>
      %sub3A_943 = arith.constant 1 : i32
      %sub3A_944 = vector.broadcast %sub3A_943 : i32 to vector<16xi32>
      %sub3A_945 = arith.subi %convert_element_type3A_940, %sub3A_944 : vector<16xi32>
      %select_n3A_946 = arith.select %gt3A_942, %sub3A_945, %convert_element_type3A_940 : vector<16xi1>, vector<16xi32>
      %convert_element_type3A_947 = arith.sitofp %select_n3A_946 : vector<16xi32> to vector<16xf32>
      %sub3A_948 = arith.subf %add3A_903, %convert_element_type3A_947 : vector<16xf32>
      %ge3A_949 = arith.constant 0 : i32
      %ge3A_950 = vector.broadcast %ge3A_949 : i32 to vector<16xi32>
      %ge3A_951 = arith.cmpi sge, %select_n3A_946, %ge3A_950 : vector<16xi32>
      %le3A_952 = arith.constant 382 : i32
      %le3A_953 = vector.broadcast %le3A_952 : i32 to vector<16xi32>
      %le3A_954 = arith.cmpi sle, %select_n3A_946, %le3A_953 : vector<16xi32>
      %and3A_955 = arith.andi %ge3A_951, %le3A_954 : vector<16xi1>
      %eq3A_956 = arith.constant -1 : i32
      %eq3A_957 = vector.broadcast %eq3A_956 : i32 to vector<16xi32>
      %eq3A_958 = arith.cmpi eq, %select_n3A_946, %eq3A_957 : vector<16xi32>
      %sub3A_959 = arith.constant 1.000000e+00 : f32
      %sub3A_960 = vector.broadcast %sub3A_959 : f32 to vector<16xf32>
      %sub3A_961 = arith.subf %sub3A_960, %sub3A_948 : vector<16xf32>
      %jit3A_962 = arith.constant 0.000000e+00 : f32
      %broadcast_in_dim3A_963 = vector.broadcast %jit3A_962 : f32 to vector<16xf32>
      %select_n3A_964 = arith.select %and3A_955, %sub3A_961, %broadcast_in_dim3A_963 : vector<16xi1>, vector<16xf32>
      %select_n3A_965 = arith.select %eq3A_958, %sub3A_948, %select_n3A_964 : vector<16xi1>, vector<16xf32>
      %eq3A_966 = arith.constant 383 : i32
      %eq3A_967 = vector.broadcast %eq3A_966 : i32 to vector<16xi32>
      %eq3A_968 = arith.cmpi eq, %select_n3A_946, %eq3A_967 : vector<16xi32>
      %sub3A_969 = arith.constant 1.000000e+00 : f32
      %sub3A_970 = vector.broadcast %sub3A_969 : f32 to vector<16xf32>
      %sub3A_971 = arith.subf %sub3A_970, %sub3A_948 : vector<16xf32>
      %jit3A_972 = arith.constant 0.000000e+00 : f32
      %broadcast_in_dim3A_973 = vector.broadcast %jit3A_972 : f32 to vector<16xf32>
      %select_n3A_974 = arith.select %and3A_955, %sub3A_948, %broadcast_in_dim3A_973 : vector<16xi1>, vector<16xf32>
      %select_n3A_975 = arith.select %eq3A_968, %sub3A_971, %select_n3A_974 : vector<16xi1>, vector<16xf32>
      %convert_element_type3A_976 = arith.fptosi %add3A_901 : vector<16xf32> to vector<16xi32>
      %jit3A_977 = arith.constant 0 : i32
      %jit3A_978 = arith.constant 382 : i32
      %max3A_979 = vector.broadcast %jit3A_977 : i32 to vector<16xi32>
      %max3A_980 = arith.maxsi %max3A_979, %convert_element_type3A_976 : vector<16xi32>
      %min3A_981 = vector.broadcast %jit3A_978 : i32 to vector<16xi32>
      %min3A_982 = arith.minsi %min3A_981, %max3A_980 : vector<16xi32>
      %convert_element_type3A_983 = arith.fptosi %add3A_903 : vector<16xf32> to vector<16xi32>
      %jit3A_984 = arith.constant 0 : i32
      %jit3A_985 = arith.constant 382 : i32
      %max3A_986 = vector.broadcast %jit3A_984 : i32 to vector<16xi32>
      %max3A_987 = arith.maxsi %max3A_986, %convert_element_type3A_983 : vector<16xi32>
      %min3A_988 = vector.broadcast %jit3A_985 : i32 to vector<16xi32>
      %min3A_989 = arith.minsi %min3A_988, %max3A_987 : vector<16xi32>
      %mul3A_990 = arith.constant 384 : i32
      %mul3A_991 = vector.broadcast %mul3A_990 : i32 to vector<16xi32>
      %mul3A_992 = arith.muli %min3A_989, %mul3A_991 : vector<16xi32>
      %add3A_993 = vector.broadcast %mul3A_49 : i32 to vector<16xi32>
      %add3A_994 = arith.addi %add3A_993, %mul3A_992 : vector<16xi32>
      %add3A_995 = arith.addi %add3A_994, %min3A_982 : vector<16xi32>
      %swap3A_996 = arith.constant 0 : i32
      %swap3A_997 = arith.index_cast %select_n3A_191 : i32 to index
      %swap3A_998 = arith.index_cast %swap3A_996 : i32 to index
      %swap3A_999 = arith.constant 64 : index
      %swap3A_1000 = tpu.vector_load %arg6[%swap3A_997, %swap3A_998, %swap3A_999] {strides = array<i32>} : memref<2x4x128xi32, #tpu.memory_space<vmem>>, vector<16xi32>,
      tpu.vector_store %arg6[%swap3A_997, %swap3A_998, %swap3A_999], %add3A_995 {strides = array<i32>} : memref<2x4x128xi32, #tpu.memory_space<vmem>>, vector<16xi32>,
      %add3A_1001 = arith.constant 1 : i32
      %add3A_1002 = vector.broadcast %add3A_1001 : i32 to vector<16xi32>
      %add3A_1003 = arith.addi %add3A_995, %add3A_1002 : vector<16xi32>
      %swap3A_1004 = arith.constant 1 : i32
      %swap3A_1005 = arith.index_cast %select_n3A_191 : i32 to index
      %swap3A_1006 = arith.index_cast %swap3A_1004 : i32 to index
      %swap3A_1007 = arith.constant 64 : index
      %swap3A_1008 = tpu.vector_load %arg6[%swap3A_1005, %swap3A_1006, %swap3A_1007] {strides = array<i32>} : memref<2x4x128xi32, #tpu.memory_space<vmem>>, vector<16xi32>,
      tpu.vector_store %arg6[%swap3A_1005, %swap3A_1006, %swap3A_1007], %add3A_1003 {strides = array<i32>} : memref<2x4x128xi32, #tpu.memory_space<vmem>>, vector<16xi32>,
      %add3A_1009 = arith.constant 384 : i32
      %add3A_1010 = vector.broadcast %add3A_1009 : i32 to vector<16xi32>
      %add3A_1011 = arith.addi %add3A_995, %add3A_1010 : vector<16xi32>
      %swap3A_1012 = arith.constant 2 : i32
      %swap3A_1013 = arith.index_cast %select_n3A_191 : i32 to index
      %swap3A_1014 = arith.index_cast %swap3A_1012 : i32 to index
      %swap3A_1015 = arith.constant 64 : index
      %swap3A_1016 = tpu.vector_load %arg6[%swap3A_1013, %swap3A_1014, %swap3A_1015] {strides = array<i32>} : memref<2x4x128xi32, #tpu.memory_space<vmem>>, vector<16xi32>,
      tpu.vector_store %arg6[%swap3A_1013, %swap3A_1014, %swap3A_1015], %add3A_1011 {strides = array<i32>} : memref<2x4x128xi32, #tpu.memory_space<vmem>>, vector<16xi32>,
      %add3A_1017 = arith.constant 384 : i32
      %add3A_1018 = vector.broadcast %add3A_1017 : i32 to vector<16xi32>
      %add3A_1019 = arith.addi %add3A_995, %add3A_1018 : vector<16xi32>
      %add3A_1020 = arith.constant 1 : i32
      %add3A_1021 = vector.broadcast %add3A_1020 : i32 to vector<16xi32>
      %add3A_1022 = arith.addi %add3A_1019, %add3A_1021 : vector<16xi32>
      %swap3A_1023 = arith.constant 3 : i32
      %swap3A_1024 = arith.index_cast %select_n3A_191 : i32 to index
      %swap3A_1025 = arith.index_cast %swap3A_1023 : i32 to index
      %swap3A_1026 = arith.constant 64 : index
      %swap3A_1027 = tpu.vector_load %arg6[%swap3A_1024, %swap3A_1025, %swap3A_1026] {strides = array<i32>} : memref<2x4x128xi32, #tpu.memory_space<vmem>>, vector<16xi32>,
      tpu.vector_store %arg6[%swap3A_1024, %swap3A_1025, %swap3A_1026], %add3A_1022 {strides = array<i32>} : memref<2x4x128xi32, #tpu.memory_space<vmem>>, vector<16xi32>,
      %mul3A_1028 = arith.constant 4 : i32
      %mul3A_1029 = vector.broadcast %mul3A_1028 : i32 to vector<16xi32>
      %mul3A_1030 = arith.muli %add3A_894, %mul3A_1029 : vector<16xi32>
      %mul3A_1031 = arith.mulf %select_n3A_929, %select_n3A_965 : vector<16xf32>
      %scatter3A_1032 = arith.constant 0 : i32
      %scatter3A_1033 = tpu.memref_slice %arg7[%select_n3A_191, %scatter3A_1032] : memref<2x528xf32, #tpu.memory_space<vmem>> -> memref<1x528xf32, #tpu.memory_space<vmem>>
      %scatter3A_1034 = tpu.memref_squeeze %scatter3A_1033 : memref<1x528xf32, #tpu.memory_space<vmem>> -> memref<528xf32, #tpu.memory_space<vmem>>
      tpu.vector_store_idx %scatter3A_1034[%mul3A_1030], %mul3A_1031 : memref<528xf32, #tpu.memory_space<vmem>>[vector<16xi32>], vector<16xf32>,
      %add3A_1035 = arith.constant 1 : i32
      %add3A_1036 = vector.broadcast %add3A_1035 : i32 to vector<16xi32>
      %add3A_1037 = arith.addi %mul3A_1030, %add3A_1036 : vector<16xi32>
      %mul3A_1038 = arith.mulf %select_n3A_939, %select_n3A_965 : vector<16xf32>
      %scatter3A_1039 = arith.constant 0 : i32
      %scatter3A_1040 = tpu.memref_slice %arg7[%select_n3A_191, %scatter3A_1039] : memref<2x528xf32, #tpu.memory_space<vmem>> -> memref<1x528xf32, #tpu.memory_space<vmem>>
      %scatter3A_1041 = tpu.memref_squeeze %scatter3A_1040 : memref<1x528xf32, #tpu.memory_space<vmem>> -> memref<528xf32, #tpu.memory_space<vmem>>
      tpu.vector_store_idx %scatter3A_1041[%add3A_1037], %mul3A_1038 : memref<528xf32, #tpu.memory_space<vmem>>[vector<16xi32>], vector<16xf32>,
      %add3A_1042 = arith.constant 2 : i32
      %add3A_1043 = vector.broadcast %add3A_1042 : i32 to vector<16xi32>
      %add3A_1044 = arith.addi %mul3A_1030, %add3A_1043 : vector<16xi32>
      %mul3A_1045 = arith.mulf %select_n3A_929, %select_n3A_975 : vector<16xf32>
      %scatter3A_1046 = arith.constant 0 : i32
      %scatter3A_1047 = tpu.memref_slice %arg7[%select_n3A_191, %scatter3A_1046] : memref<2x528xf32, #tpu.memory_space<vmem>> -> memref<1x528xf32, #tpu.memory_space<vmem>>
      %scatter3A_1048 = tpu.memref_squeeze %scatter3A_1047 : memref<1x528xf32, #tpu.memory_space<vmem>> -> memref<528xf32, #tpu.memory_space<vmem>>
      tpu.vector_store_idx %scatter3A_1048[%add3A_1044], %mul3A_1045 : memref<528xf32, #tpu.memory_space<vmem>>[vector<16xi32>], vector<16xf32>,
      %add3A_1049 = arith.constant 3 : i32
      %add3A_1050 = vector.broadcast %add3A_1049 : i32 to vector<16xi32>
      %add3A_1051 = arith.addi %mul3A_1030, %add3A_1050 : vector<16xi32>
      %mul3A_1052 = arith.mulf %select_n3A_939, %select_n3A_975 : vector<16xf32>
      %scatter3A_1053 = arith.constant 0 : i32
      %scatter3A_1054 = tpu.memref_slice %arg7[%select_n3A_191, %scatter3A_1053] : memref<2x528xf32, #tpu.memory_space<vmem>> -> memref<1x528xf32, #tpu.memory_space<vmem>>
      %scatter3A_1055 = tpu.memref_squeeze %scatter3A_1054 : memref<1x528xf32, #tpu.memory_space<vmem>> -> memref<528xf32, #tpu.memory_space<vmem>>
      tpu.vector_store_idx %scatter3A_1055[%add3A_1051], %mul3A_1052 : memref<528xf32, #tpu.memory_space<vmem>>[vector<16xi32>], vector<16xf32>,
      %add3A_1056 = arith.constant 80 : i32
      %add3A_1057 = vector.broadcast %add3A_1056 : i32 to vector<16xi32>
      %add3A_1058 = arith.addi %add3A_1057, %iota3A : vector<16xi32>
      %mul3A_1059 = arith.constant 128 : i32
      %mul3A_1060 = arith.muli %select_n3A_234, %mul3A_1059 : i32
      %add3A_1061 = vector.broadcast %mul3A_1060 : i32 to vector<16xi32>
      %add3A_1062 = arith.addi %add3A_1058, %add3A_1061 : vector<16xi32>
      %convert_element_type3A_1063 = arith.sitofp %add3A_1062 : vector<16xi32> to vector<16xf32>
      %mul3A_1064 = arith.mulf %get3A_22, %convert_element_type3A_1063 : vector<16xf32>
      %add3A_1065 = arith.addf %mul3A_1064, %add3A_240 : vector<16xf32>
      %mul3A_1066 = arith.mulf %get3A_37, %convert_element_type3A_1063 : vector<16xf32>
      %add3A_1067 = arith.addf %mul3A_1066, %add3A_243 : vector<16xf32>
      %convert_element_type3A_1068 = arith.fptosi %add3A_1065 : vector<16xf32> to vector<16xi32>
      %convert_element_type3A_1069 = arith.sitofp %convert_element_type3A_1068 : vector<16xi32> to vector<16xf32>
      %gt3A_1070 = arith.cmpf ogt, %convert_element_type3A_1069, %add3A_1065 : vector<16xf32>
      %sub3A_1071 = arith.constant 1 : i32
      %sub3A_1072 = vector.broadcast %sub3A_1071 : i32 to vector<16xi32>
      %sub3A_1073 = arith.subi %convert_element_type3A_1068, %sub3A_1072 : vector<16xi32>
      %select_n3A_1074 = arith.select %gt3A_1070, %sub3A_1073, %convert_element_type3A_1068 : vector<16xi1>, vector<16xi32>
      %convert_element_type3A_1075 = arith.sitofp %select_n3A_1074 : vector<16xi32> to vector<16xf32>
      %sub3A_1076 = arith.subf %add3A_1065, %convert_element_type3A_1075 : vector<16xf32>
      %ge3A_1077 = arith.constant 0 : i32
      %ge3A_1078 = vector.broadcast %ge3A_1077 : i32 to vector<16xi32>
      %ge3A_1079 = arith.cmpi sge, %select_n3A_1074, %ge3A_1078 : vector<16xi32>
      %le3A_1080 = arith.constant 382 : i32
      %le3A_1081 = vector.broadcast %le3A_1080 : i32 to vector<16xi32>
      %le3A_1082 = arith.cmpi sle, %select_n3A_1074, %le3A_1081 : vector<16xi32>
      %and3A_1083 = arith.andi %ge3A_1079, %le3A_1082 : vector<16xi1>
      %eq3A_1084 = arith.constant -1 : i32
      %eq3A_1085 = vector.broadcast %eq3A_1084 : i32 to vector<16xi32>
      %eq3A_1086 = arith.cmpi eq, %select_n3A_1074, %eq3A_1085 : vector<16xi32>
      %sub3A_1087 = arith.constant 1.000000e+00 : f32
      %sub3A_1088 = vector.broadcast %sub3A_1087 : f32 to vector<16xf32>
      %sub3A_1089 = arith.subf %sub3A_1088, %sub3A_1076 : vector<16xf32>
      %jit3A_1090 = arith.constant 0.000000e+00 : f32
      %broadcast_in_dim3A_1091 = vector.broadcast %jit3A_1090 : f32 to vector<16xf32>
      %select_n3A_1092 = arith.select %and3A_1083, %sub3A_1089, %broadcast_in_dim3A_1091 : vector<16xi1>, vector<16xf32>
      %select_n3A_1093 = arith.select %eq3A_1086, %sub3A_1076, %select_n3A_1092 : vector<16xi1>, vector<16xf32>
      %eq3A_1094 = arith.constant 383 : i32
      %eq3A_1095 = vector.broadcast %eq3A_1094 : i32 to vector<16xi32>
      %eq3A_1096 = arith.cmpi eq, %select_n3A_1074, %eq3A_1095 : vector<16xi32>
      %sub3A_1097 = arith.constant 1.000000e+00 : f32
      %sub3A_1098 = vector.broadcast %sub3A_1097 : f32 to vector<16xf32>
      %sub3A_1099 = arith.subf %sub3A_1098, %sub3A_1076 : vector<16xf32>
      %jit3A_1100 = arith.constant 0.000000e+00 : f32
      %broadcast_in_dim3A_1101 = vector.broadcast %jit3A_1100 : f32 to vector<16xf32>
      %select_n3A_1102 = arith.select %and3A_1083, %sub3A_1076, %broadcast_in_dim3A_1101 : vector<16xi1>, vector<16xf32>
      %select_n3A_1103 = arith.select %eq3A_1096, %sub3A_1099, %select_n3A_1102 : vector<16xi1>, vector<16xf32>
      %convert_element_type3A_1104 = arith.fptosi %add3A_1067 : vector<16xf32> to vector<16xi32>
      %convert_element_type3A_1105 = arith.sitofp %convert_element_type3A_1104 : vector<16xi32> to vector<16xf32>
      %gt3A_1106 = arith.cmpf ogt, %convert_element_type3A_1105, %add3A_1067 : vector<16xf32>
      %sub3A_1107 = arith.constant 1 : i32
      %sub3A_1108 = vector.broadcast %sub3A_1107 : i32 to vector<16xi32>
      %sub3A_1109 = arith.subi %convert_element_type3A_1104, %sub3A_1108 : vector<16xi32>
      %select_n3A_1110 = arith.select %gt3A_1106, %sub3A_1109, %convert_element_type3A_1104 : vector<16xi1>, vector<16xi32>
      %convert_element_type3A_1111 = arith.sitofp %select_n3A_1110 : vector<16xi32> to vector<16xf32>
      %sub3A_1112 = arith.subf %add3A_1067, %convert_element_type3A_1111 : vector<16xf32>
      %ge3A_1113 = arith.constant 0 : i32
      %ge3A_1114 = vector.broadcast %ge3A_1113 : i32 to vector<16xi32>
      %ge3A_1115 = arith.cmpi sge, %select_n3A_1110, %ge3A_1114 : vector<16xi32>
      %le3A_1116 = arith.constant 382 : i32
      %le3A_1117 = vector.broadcast %le3A_1116 : i32 to vector<16xi32>
      %le3A_1118 = arith.cmpi sle, %select_n3A_1110, %le3A_1117 : vector<16xi32>
      %and3A_1119 = arith.andi %ge3A_1115, %le3A_1118 : vector<16xi1>
      %eq3A_1120 = arith.constant -1 : i32
      %eq3A_1121 = vector.broadcast %eq3A_1120 : i32 to vector<16xi32>
      %eq3A_1122 = arith.cmpi eq, %select_n3A_1110, %eq3A_1121 : vector<16xi32>
      %sub3A_1123 = arith.constant 1.000000e+00 : f32
      %sub3A_1124 = vector.broadcast %sub3A_1123 : f32 to vector<16xf32>
      %sub3A_1125 = arith.subf %sub3A_1124, %sub3A_1112 : vector<16xf32>
      %jit3A_1126 = arith.constant 0.000000e+00 : f32
      %broadcast_in_dim3A_1127 = vector.broadcast %jit3A_1126 : f32 to vector<16xf32>
      %select_n3A_1128 = arith.select %and3A_1119, %sub3A_1125, %broadcast_in_dim3A_1127 : vector<16xi1>, vector<16xf32>
      %select_n3A_1129 = arith.select %eq3A_1122, %sub3A_1112, %select_n3A_1128 : vector<16xi1>, vector<16xf32>
      %eq3A_1130 = arith.constant 383 : i32
      %eq3A_1131 = vector.broadcast %eq3A_1130 : i32 to vector<16xi32>
      %eq3A_1132 = arith.cmpi eq, %select_n3A_1110, %eq3A_1131 : vector<16xi32>
      %sub3A_1133 = arith.constant 1.000000e+00 : f32
      %sub3A_1134 = vector.broadcast %sub3A_1133 : f32 to vector<16xf32>
      %sub3A_1135 = arith.subf %sub3A_1134, %sub3A_1112 : vector<16xf32>
      %jit3A_1136 = arith.constant 0.000000e+00 : f32
      %broadcast_in_dim3A_1137 = vector.broadcast %jit3A_1136 : f32 to vector<16xf32>
      %select_n3A_1138 = arith.select %and3A_1119, %sub3A_1112, %broadcast_in_dim3A_1137 : vector<16xi1>, vector<16xf32>
      %select_n3A_1139 = arith.select %eq3A_1132, %sub3A_1135, %select_n3A_1138 : vector<16xi1>, vector<16xf32>
      %convert_element_type3A_1140 = arith.fptosi %add3A_1065 : vector<16xf32> to vector<16xi32>
      %jit3A_1141 = arith.constant 0 : i32
      %jit3A_1142 = arith.constant 382 : i32
      %max3A_1143 = vector.broadcast %jit3A_1141 : i32 to vector<16xi32>
      %max3A_1144 = arith.maxsi %max3A_1143, %convert_element_type3A_1140 : vector<16xi32>
      %min3A_1145 = vector.broadcast %jit3A_1142 : i32 to vector<16xi32>
      %min3A_1146 = arith.minsi %min3A_1145, %max3A_1144 : vector<16xi32>
      %convert_element_type3A_1147 = arith.fptosi %add3A_1067 : vector<16xf32> to vector<16xi32>
      %jit3A_1148 = arith.constant 0 : i32
      %jit3A_1149 = arith.constant 382 : i32
      %max3A_1150 = vector.broadcast %jit3A_1148 : i32 to vector<16xi32>
      %max3A_1151 = arith.maxsi %max3A_1150, %convert_element_type3A_1147 : vector<16xi32>
      %min3A_1152 = vector.broadcast %jit3A_1149 : i32 to vector<16xi32>
      %min3A_1153 = arith.minsi %min3A_1152, %max3A_1151 : vector<16xi32>
      %mul3A_1154 = arith.constant 384 : i32
      %mul3A_1155 = vector.broadcast %mul3A_1154 : i32 to vector<16xi32>
      %mul3A_1156 = arith.muli %min3A_1153, %mul3A_1155 : vector<16xi32>
      %add3A_1157 = vector.broadcast %mul3A_49 : i32 to vector<16xi32>
      %add3A_1158 = arith.addi %add3A_1157, %mul3A_1156 : vector<16xi32>
      %add3A_1159 = arith.addi %add3A_1158, %min3A_1146 : vector<16xi32>
      %swap3A_1160 = arith.constant 0 : i32
      %swap3A_1161 = arith.index_cast %select_n3A_191 : i32 to index
      %swap3A_1162 = arith.index_cast %swap3A_1160 : i32 to index
      %swap3A_1163 = arith.constant 80 : index
      %swap3A_1164 = tpu.vector_load %arg6[%swap3A_1161, %swap3A_1162, %swap3A_1163] {strides = array<i32>} : memref<2x4x128xi32, #tpu.memory_space<vmem>>, vector<16xi32>,
      tpu.vector_store %arg6[%swap3A_1161, %swap3A_1162, %swap3A_1163], %add3A_1159 {strides = array<i32>} : memref<2x4x128xi32, #tpu.memory_space<vmem>>, vector<16xi32>,
      %add3A_1165 = arith.constant 1 : i32
      %add3A_1166 = vector.broadcast %add3A_1165 : i32 to vector<16xi32>
      %add3A_1167 = arith.addi %add3A_1159, %add3A_1166 : vector<16xi32>
      %swap3A_1168 = arith.constant 1 : i32
      %swap3A_1169 = arith.index_cast %select_n3A_191 : i32 to index
      %swap3A_1170 = arith.index_cast %swap3A_1168 : i32 to index
      %swap3A_1171 = arith.constant 80 : index
      %swap3A_1172 = tpu.vector_load %arg6[%swap3A_1169, %swap3A_1170, %swap3A_1171] {strides = array<i32>} : memref<2x4x128xi32, #tpu.memory_space<vmem>>, vector<16xi32>,
      tpu.vector_store %arg6[%swap3A_1169, %swap3A_1170, %swap3A_1171], %add3A_1167 {strides = array<i32>} : memref<2x4x128xi32, #tpu.memory_space<vmem>>, vector<16xi32>,
      %add3A_1173 = arith.constant 384 : i32
      %add3A_1174 = vector.broadcast %add3A_1173 : i32 to vector<16xi32>
      %add3A_1175 = arith.addi %add3A_1159, %add3A_1174 : vector<16xi32>
      %swap3A_1176 = arith.constant 2 : i32
      %swap3A_1177 = arith.index_cast %select_n3A_191 : i32 to index
      %swap3A_1178 = arith.index_cast %swap3A_1176 : i32 to index
      %swap3A_1179 = arith.constant 80 : index
      %swap3A_1180 = tpu.vector_load %arg6[%swap3A_1177, %swap3A_1178, %swap3A_1179] {strides = array<i32>} : memref<2x4x128xi32, #tpu.memory_space<vmem>>, vector<16xi32>,
      tpu.vector_store %arg6[%swap3A_1177, %swap3A_1178, %swap3A_1179], %add3A_1175 {strides = array<i32>} : memref<2x4x128xi32, #tpu.memory_space<vmem>>, vector<16xi32>,
      %add3A_1181 = arith.constant 384 : i32
      %add3A_1182 = vector.broadcast %add3A_1181 : i32 to vector<16xi32>
      %add3A_1183 = arith.addi %add3A_1159, %add3A_1182 : vector<16xi32>
      %add3A_1184 = arith.constant 1 : i32
      %add3A_1185 = vector.broadcast %add3A_1184 : i32 to vector<16xi32>
      %add3A_1186 = arith.addi %add3A_1183, %add3A_1185 : vector<16xi32>
      %swap3A_1187 = arith.constant 3 : i32
      %swap3A_1188 = arith.index_cast %select_n3A_191 : i32 to index
      %swap3A_1189 = arith.index_cast %swap3A_1187 : i32 to index
      %swap3A_1190 = arith.constant 80 : index
      %swap3A_1191 = tpu.vector_load %arg6[%swap3A_1188, %swap3A_1189, %swap3A_1190] {strides = array<i32>} : memref<2x4x128xi32, #tpu.memory_space<vmem>>, vector<16xi32>,
      tpu.vector_store %arg6[%swap3A_1188, %swap3A_1189, %swap3A_1190], %add3A_1186 {strides = array<i32>} : memref<2x4x128xi32, #tpu.memory_space<vmem>>, vector<16xi32>,
      %mul3A_1192 = arith.constant 4 : i32
      %mul3A_1193 = vector.broadcast %mul3A_1192 : i32 to vector<16xi32>
      %mul3A_1194 = arith.muli %add3A_1058, %mul3A_1193 : vector<16xi32>
      %mul3A_1195 = arith.mulf %select_n3A_1093, %select_n3A_1129 : vector<16xf32>
      %scatter3A_1196 = arith.constant 0 : i32
      %scatter3A_1197 = tpu.memref_slice %arg7[%select_n3A_191, %scatter3A_1196] : memref<2x528xf32, #tpu.memory_space<vmem>> -> memref<1x528xf32, #tpu.memory_space<vmem>>
      %scatter3A_1198 = tpu.memref_squeeze %scatter3A_1197 : memref<1x528xf32, #tpu.memory_space<vmem>> -> memref<528xf32, #tpu.memory_space<vmem>>
      tpu.vector_store_idx %scatter3A_1198[%mul3A_1194], %mul3A_1195 : memref<528xf32, #tpu.memory_space<vmem>>[vector<16xi32>], vector<16xf32>,
      %add3A_1199 = arith.constant 1 : i32
      %add3A_1200 = vector.broadcast %add3A_1199 : i32 to vector<16xi32>
      %add3A_1201 = arith.addi %mul3A_1194, %add3A_1200 : vector<16xi32>
      %mul3A_1202 = arith.mulf %select_n3A_1103, %select_n3A_1129 : vector<16xf32>
      %scatter3A_1203 = arith.constant 0 : i32
      %scatter3A_1204 = tpu.memref_slice %arg7[%select_n3A_191, %scatter3A_1203] : memref<2x528xf32, #tpu.memory_space<vmem>> -> memref<1x528xf32, #tpu.memory_space<vmem>>
      %scatter3A_1205 = tpu.memref_squeeze %scatter3A_1204 : memref<1x528xf32, #tpu.memory_space<vmem>> -> memref<528xf32, #tpu.memory_space<vmem>>
      tpu.vector_store_idx %scatter3A_1205[%add3A_1201], %mul3A_1202 : memref<528xf32, #tpu.memory_space<vmem>>[vector<16xi32>], vector<16xf32>,
      %add3A_1206 = arith.constant 2 : i32
      %add3A_1207 = vector.broadcast %add3A_1206 : i32 to vector<16xi32>
      %add3A_1208 = arith.addi %mul3A_1194, %add3A_1207 : vector<16xi32>
      %mul3A_1209 = arith.mulf %select_n3A_1093, %select_n3A_1139 : vector<16xf32>
      %scatter3A_1210 = arith.constant 0 : i32
      %scatter3A_1211 = tpu.memref_slice %arg7[%select_n3A_191, %scatter3A_1210] : memref<2x528xf32, #tpu.memory_space<vmem>> -> memref<1x528xf32, #tpu.memory_space<vmem>>
      %scatter3A_1212 = tpu.memref_squeeze %scatter3A_1211 : memref<1x528xf32, #tpu.memory_space<vmem>> -> memref<528xf32, #tpu.memory_space<vmem>>
      tpu.vector_store_idx %scatter3A_1212[%add3A_1208], %mul3A_1209 : memref<528xf32, #tpu.memory_space<vmem>>[vector<16xi32>], vector<16xf32>,
      %add3A_1213 = arith.constant 3 : i32
      %add3A_1214 = vector.broadcast %add3A_1213 : i32 to vector<16xi32>
      %add3A_1215 = arith.addi %mul3A_1194, %add3A_1214 : vector<16xi32>
      %mul3A_1216 = arith.mulf %select_n3A_1103, %select_n3A_1139 : vector<16xf32>
      %scatter3A_1217 = arith.constant 0 : i32
      %scatter3A_1218 = tpu.memref_slice %arg7[%select_n3A_191, %scatter3A_1217] : memref<2x528xf32, #tpu.memory_space<vmem>> -> memref<1x528xf32, #tpu.memory_space<vmem>>
      %scatter3A_1219 = tpu.memref_squeeze %scatter3A_1218 : memref<1x528xf32, #tpu.memory_space<vmem>> -> memref<528xf32, #tpu.memory_space<vmem>>
      tpu.vector_store_idx %scatter3A_1219[%add3A_1215], %mul3A_1216 : memref<528xf32, #tpu.memory_space<vmem>>[vector<16xi32>], vector<16xf32>,
      %add3A_1220 = arith.constant 96 : i32
      %add3A_1221 = vector.broadcast %add3A_1220 : i32 to vector<16xi32>
      %add3A_1222 = arith.addi %add3A_1221, %iota3A : vector<16xi32>
      %mul3A_1223 = arith.constant 128 : i32
      %mul3A_1224 = arith.muli %select_n3A_234, %mul3A_1223 : i32
      %add3A_1225 = vector.broadcast %mul3A_1224 : i32 to vector<16xi32>
      %add3A_1226 = arith.addi %add3A_1222, %add3A_1225 : vector<16xi32>
      %convert_element_type3A_1227 = arith.sitofp %add3A_1226 : vector<16xi32> to vector<16xf32>
      %mul3A_1228 = arith.mulf %get3A_22, %convert_element_type3A_1227 : vector<16xf32>
      %add3A_1229 = arith.addf %mul3A_1228, %add3A_240 : vector<16xf32>
      %mul3A_1230 = arith.mulf %get3A_37, %convert_element_type3A_1227 : vector<16xf32>
      %add3A_1231 = arith.addf %mul3A_1230, %add3A_243 : vector<16xf32>
      %convert_element_type3A_1232 = arith.fptosi %add3A_1229 : vector<16xf32> to vector<16xi32>
      %convert_element_type3A_1233 = arith.sitofp %convert_element_type3A_1232 : vector<16xi32> to vector<16xf32>
      %gt3A_1234 = arith.cmpf ogt, %convert_element_type3A_1233, %add3A_1229 : vector<16xf32>
      %sub3A_1235 = arith.constant 1 : i32
      %sub3A_1236 = vector.broadcast %sub3A_1235 : i32 to vector<16xi32>
      %sub3A_1237 = arith.subi %convert_element_type3A_1232, %sub3A_1236 : vector<16xi32>
      %select_n3A_1238 = arith.select %gt3A_1234, %sub3A_1237, %convert_element_type3A_1232 : vector<16xi1>, vector<16xi32>
      %convert_element_type3A_1239 = arith.sitofp %select_n3A_1238 : vector<16xi32> to vector<16xf32>
      %sub3A_1240 = arith.subf %add3A_1229, %convert_element_type3A_1239 : vector<16xf32>
      %ge3A_1241 = arith.constant 0 : i32
      %ge3A_1242 = vector.broadcast %ge3A_1241 : i32 to vector<16xi32>
      %ge3A_1243 = arith.cmpi sge, %select_n3A_1238, %ge3A_1242 : vector<16xi32>
      %le3A_1244 = arith.constant 382 : i32
      %le3A_1245 = vector.broadcast %le3A_1244 : i32 to vector<16xi32>
      %le3A_1246 = arith.cmpi sle, %select_n3A_1238, %le3A_1245 : vector<16xi32>
      %and3A_1247 = arith.andi %ge3A_1243, %le3A_1246 : vector<16xi1>
      %eq3A_1248 = arith.constant -1 : i32
      %eq3A_1249 = vector.broadcast %eq3A_1248 : i32 to vector<16xi32>
      %eq3A_1250 = arith.cmpi eq, %select_n3A_1238, %eq3A_1249 : vector<16xi32>
      %sub3A_1251 = arith.constant 1.000000e+00 : f32
      %sub3A_1252 = vector.broadcast %sub3A_1251 : f32 to vector<16xf32>
      %sub3A_1253 = arith.subf %sub3A_1252, %sub3A_1240 : vector<16xf32>
      %jit3A_1254 = arith.constant 0.000000e+00 : f32
      %broadcast_in_dim3A_1255 = vector.broadcast %jit3A_1254 : f32 to vector<16xf32>
      %select_n3A_1256 = arith.select %and3A_1247, %sub3A_1253, %broadcast_in_dim3A_1255 : vector<16xi1>, vector<16xf32>
      %select_n3A_1257 = arith.select %eq3A_1250, %sub3A_1240, %select_n3A_1256 : vector<16xi1>, vector<16xf32>
      %eq3A_1258 = arith.constant 383 : i32
      %eq3A_1259 = vector.broadcast %eq3A_1258 : i32 to vector<16xi32>
      %eq3A_1260 = arith.cmpi eq, %select_n3A_1238, %eq3A_1259 : vector<16xi32>
      %sub3A_1261 = arith.constant 1.000000e+00 : f32
      %sub3A_1262 = vector.broadcast %sub3A_1261 : f32 to vector<16xf32>
      %sub3A_1263 = arith.subf %sub3A_1262, %sub3A_1240 : vector<16xf32>
      %jit3A_1264 = arith.constant 0.000000e+00 : f32
      %broadcast_in_dim3A_1265 = vector.broadcast %jit3A_1264 : f32 to vector<16xf32>
      %select_n3A_1266 = arith.select %and3A_1247, %sub3A_1240, %broadcast_in_dim3A_1265 : vector<16xi1>, vector<16xf32>
      %select_n3A_1267 = arith.select %eq3A_1260, %sub3A_1263, %select_n3A_1266 : vector<16xi1>, vector<16xf32>
      %convert_element_type3A_1268 = arith.fptosi %add3A_1231 : vector<16xf32> to vector<16xi32>
      %convert_element_type3A_1269 = arith.sitofp %convert_element_type3A_1268 : vector<16xi32> to vector<16xf32>
      %gt3A_1270 = arith.cmpf ogt, %convert_element_type3A_1269, %add3A_1231 : vector<16xf32>
      %sub3A_1271 = arith.constant 1 : i32
      %sub3A_1272 = vector.broadcast %sub3A_1271 : i32 to vector<16xi32>
      %sub3A_1273 = arith.subi %convert_element_type3A_1268, %sub3A_1272 : vector<16xi32>
      %select_n3A_1274 = arith.select %gt3A_1270, %sub3A_1273, %convert_element_type3A_1268 : vector<16xi1>, vector<16xi32>
      %convert_element_type3A_1275 = arith.sitofp %select_n3A_1274 : vector<16xi32> to vector<16xf32>
      %sub3A_1276 = arith.subf %add3A_1231, %convert_element_type3A_1275 : vector<16xf32>
      %ge3A_1277 = arith.constant 0 : i32
      %ge3A_1278 = vector.broadcast %ge3A_1277 : i32 to vector<16xi32>
      %ge3A_1279 = arith.cmpi sge, %select_n3A_1274, %ge3A_1278 : vector<16xi32>
      %le3A_1280 = arith.constant 382 : i32
      %le3A_1281 = vector.broadcast %le3A_1280 : i32 to vector<16xi32>
      %le3A_1282 = arith.cmpi sle, %select_n3A_1274, %le3A_1281 : vector<16xi32>
      %and3A_1283 = arith.andi %ge3A_1279, %le3A_1282 : vector<16xi1>
      %eq3A_1284 = arith.constant -1 : i32
      %eq3A_1285 = vector.broadcast %eq3A_1284 : i32 to vector<16xi32>
      %eq3A_1286 = arith.cmpi eq, %select_n3A_1274, %eq3A_1285 : vector<16xi32>
      %sub3A_1287 = arith.constant 1.000000e+00 : f32
      %sub3A_1288 = vector.broadcast %sub3A_1287 : f32 to vector<16xf32>
      %sub3A_1289 = arith.subf %sub3A_1288, %sub3A_1276 : vector<16xf32>
      %jit3A_1290 = arith.constant 0.000000e+00 : f32
      %broadcast_in_dim3A_1291 = vector.broadcast %jit3A_1290 : f32 to vector<16xf32>
      %select_n3A_1292 = arith.select %and3A_1283, %sub3A_1289, %broadcast_in_dim3A_1291 : vector<16xi1>, vector<16xf32>
      %select_n3A_1293 = arith.select %eq3A_1286, %sub3A_1276, %select_n3A_1292 : vector<16xi1>, vector<16xf32>
      %eq3A_1294 = arith.constant 383 : i32
      %eq3A_1295 = vector.broadcast %eq3A_1294 : i32 to vector<16xi32>
      %eq3A_1296 = arith.cmpi eq, %select_n3A_1274, %eq3A_1295 : vector<16xi32>
      %sub3A_1297 = arith.constant 1.000000e+00 : f32
      %sub3A_1298 = vector.broadcast %sub3A_1297 : f32 to vector<16xf32>
      %sub3A_1299 = arith.subf %sub3A_1298, %sub3A_1276 : vector<16xf32>
      %jit3A_1300 = arith.constant 0.000000e+00 : f32
      %broadcast_in_dim3A_1301 = vector.broadcast %jit3A_1300 : f32 to vector<16xf32>
      %select_n3A_1302 = arith.select %and3A_1283, %sub3A_1276, %broadcast_in_dim3A_1301 : vector<16xi1>, vector<16xf32>
      %select_n3A_1303 = arith.select %eq3A_1296, %sub3A_1299, %select_n3A_1302 : vector<16xi1>, vector<16xf32>
      %convert_element_type3A_1304 = arith.fptosi %add3A_1229 : vector<16xf32> to vector<16xi32>
      %jit3A_1305 = arith.constant 0 : i32
      %jit3A_1306 = arith.constant 382 : i32
      %max3A_1307 = vector.broadcast %jit3A_1305 : i32 to vector<16xi32>
      %max3A_1308 = arith.maxsi %max3A_1307, %convert_element_type3A_1304 : vector<16xi32>
      %min3A_1309 = vector.broadcast %jit3A_1306 : i32 to vector<16xi32>
      %min3A_1310 = arith.minsi %min3A_1309, %max3A_1308 : vector<16xi32>
      %convert_element_type3A_1311 = arith.fptosi %add3A_1231 : vector<16xf32> to vector<16xi32>
      %jit3A_1312 = arith.constant 0 : i32
      %jit3A_1313 = arith.constant 382 : i32
      %max3A_1314 = vector.broadcast %jit3A_1312 : i32 to vector<16xi32>
      %max3A_1315 = arith.maxsi %max3A_1314, %convert_element_type3A_1311 : vector<16xi32>
      %min3A_1316 = vector.broadcast %jit3A_1313 : i32 to vector<16xi32>
      %min3A_1317 = arith.minsi %min3A_1316, %max3A_1315 : vector<16xi32>
      %mul3A_1318 = arith.constant 384 : i32
      %mul3A_1319 = vector.broadcast %mul3A_1318 : i32 to vector<16xi32>
      %mul3A_1320 = arith.muli %min3A_1317, %mul3A_1319 : vector<16xi32>
      %add3A_1321 = vector.broadcast %mul3A_49 : i32 to vector<16xi32>
      %add3A_1322 = arith.addi %add3A_1321, %mul3A_1320 : vector<16xi32>
      %add3A_1323 = arith.addi %add3A_1322, %min3A_1310 : vector<16xi32>
      %swap3A_1324 = arith.constant 0 : i32
      %swap3A_1325 = arith.index_cast %select_n3A_191 : i32 to index
      %swap3A_1326 = arith.index_cast %swap3A_1324 : i32 to index
      %swap3A_1327 = arith.constant 96 : index
      %swap3A_1328 = tpu.vector_load %arg6[%swap3A_1325, %swap3A_1326, %swap3A_1327] {strides = array<i32>} : memref<2x4x128xi32, #tpu.memory_space<vmem>>, vector<16xi32>,
      tpu.vector_store %arg6[%swap3A_1325, %swap3A_1326, %swap3A_1327], %add3A_1323 {strides = array<i32>} : memref<2x4x128xi32, #tpu.memory_space<vmem>>, vector<16xi32>,
      %add3A_1329 = arith.constant 1 : i32
      %add3A_1330 = vector.broadcast %add3A_1329 : i32 to vector<16xi32>
      %add3A_1331 = arith.addi %add3A_1323, %add3A_1330 : vector<16xi32>
      %swap3A_1332 = arith.constant 1 : i32
      %swap3A_1333 = arith.index_cast %select_n3A_191 : i32 to index
      %swap3A_1334 = arith.index_cast %swap3A_1332 : i32 to index
      %swap3A_1335 = arith.constant 96 : index
      %swap3A_1336 = tpu.vector_load %arg6[%swap3A_1333, %swap3A_1334, %swap3A_1335] {strides = array<i32>} : memref<2x4x128xi32, #tpu.memory_space<vmem>>, vector<16xi32>,
      tpu.vector_store %arg6[%swap3A_1333, %swap3A_1334, %swap3A_1335], %add3A_1331 {strides = array<i32>} : memref<2x4x128xi32, #tpu.memory_space<vmem>>, vector<16xi32>,
      %add3A_1337 = arith.constant 384 : i32
      %add3A_1338 = vector.broadcast %add3A_1337 : i32 to vector<16xi32>
      %add3A_1339 = arith.addi %add3A_1323, %add3A_1338 : vector<16xi32>
      %swap3A_1340 = arith.constant 2 : i32
      %swap3A_1341 = arith.index_cast %select_n3A_191 : i32 to index
      %swap3A_1342 = arith.index_cast %swap3A_1340 : i32 to index
      %swap3A_1343 = arith.constant 96 : index
      %swap3A_1344 = tpu.vector_load %arg6[%swap3A_1341, %swap3A_1342, %swap3A_1343] {strides = array<i32>} : memref<2x4x128xi32, #tpu.memory_space<vmem>>, vector<16xi32>,
      tpu.vector_store %arg6[%swap3A_1341, %swap3A_1342, %swap3A_1343], %add3A_1339 {strides = array<i32>} : memref<2x4x128xi32, #tpu.memory_space<vmem>>, vector<16xi32>,
      %add3A_1345 = arith.constant 384 : i32
      %add3A_1346 = vector.broadcast %add3A_1345 : i32 to vector<16xi32>
      %add3A_1347 = arith.addi %add3A_1323, %add3A_1346 : vector<16xi32>
      %add3A_1348 = arith.constant 1 : i32
      %add3A_1349 = vector.broadcast %add3A_1348 : i32 to vector<16xi32>
      %add3A_1350 = arith.addi %add3A_1347, %add3A_1349 : vector<16xi32>
      %swap3A_1351 = arith.constant 3 : i32
      %swap3A_1352 = arith.index_cast %select_n3A_191 : i32 to index
      %swap3A_1353 = arith.index_cast %swap3A_1351 : i32 to index
      %swap3A_1354 = arith.constant 96 : index
      %swap3A_1355 = tpu.vector_load %arg6[%swap3A_1352, %swap3A_1353, %swap3A_1354] {strides = array<i32>} : memref<2x4x128xi32, #tpu.memory_space<vmem>>, vector<16xi32>,
      tpu.vector_store %arg6[%swap3A_1352, %swap3A_1353, %swap3A_1354], %add3A_1350 {strides = array<i32>} : memref<2x4x128xi32, #tpu.memory_space<vmem>>, vector<16xi32>,
      %mul3A_1356 = arith.constant 4 : i32
      %mul3A_1357 = vector.broadcast %mul3A_1356 : i32 to vector<16xi32>
      %mul3A_1358 = arith.muli %add3A_1222, %mul3A_1357 : vector<16xi32>
      %mul3A_1359 = arith.mulf %select_n3A_1257, %select_n3A_1293 : vector<16xf32>
      %scatter3A_1360 = arith.constant 0 : i32
      %scatter3A_1361 = tpu.memref_slice %arg7[%select_n3A_191, %scatter3A_1360] : memref<2x528xf32, #tpu.memory_space<vmem>> -> memref<1x528xf32, #tpu.memory_space<vmem>>
      %scatter3A_1362 = tpu.memref_squeeze %scatter3A_1361 : memref<1x528xf32, #tpu.memory_space<vmem>> -> memref<528xf32, #tpu.memory_space<vmem>>
      tpu.vector_store_idx %scatter3A_1362[%mul3A_1358], %mul3A_1359 : memref<528xf32, #tpu.memory_space<vmem>>[vector<16xi32>], vector<16xf32>,
      %add3A_1363 = arith.constant 1 : i32
      %add3A_1364 = vector.broadcast %add3A_1363 : i32 to vector<16xi32>
      %add3A_1365 = arith.addi %mul3A_1358, %add3A_1364 : vector<16xi32>
      %mul3A_1366 = arith.mulf %select_n3A_1267, %select_n3A_1293 : vector<16xf32>
      %scatter3A_1367 = arith.constant 0 : i32
      %scatter3A_1368 = tpu.memref_slice %arg7[%select_n3A_191, %scatter3A_1367] : memref<2x528xf32, #tpu.memory_space<vmem>> -> memref<1x528xf32, #tpu.memory_space<vmem>>
      %scatter3A_1369 = tpu.memref_squeeze %scatter3A_1368 : memref<1x528xf32, #tpu.memory_space<vmem>> -> memref<528xf32, #tpu.memory_space<vmem>>
      tpu.vector_store_idx %scatter3A_1369[%add3A_1365], %mul3A_1366 : memref<528xf32, #tpu.memory_space<vmem>>[vector<16xi32>], vector<16xf32>,
      %add3A_1370 = arith.constant 2 : i32
      %add3A_1371 = vector.broadcast %add3A_1370 : i32 to vector<16xi32>
      %add3A_1372 = arith.addi %mul3A_1358, %add3A_1371 : vector<16xi32>
      %mul3A_1373 = arith.mulf %select_n3A_1257, %select_n3A_1303 : vector<16xf32>
      %scatter3A_1374 = arith.constant 0 : i32
      %scatter3A_1375 = tpu.memref_slice %arg7[%select_n3A_191, %scatter3A_1374] : memref<2x528xf32, #tpu.memory_space<vmem>> -> memref<1x528xf32, #tpu.memory_space<vmem>>
      %scatter3A_1376 = tpu.memref_squeeze %scatter3A_1375 : memref<1x528xf32, #tpu.memory_space<vmem>> -> memref<528xf32, #tpu.memory_space<vmem>>
      tpu.vector_store_idx %scatter3A_1376[%add3A_1372], %mul3A_1373 : memref<528xf32, #tpu.memory_space<vmem>>[vector<16xi32>], vector<16xf32>,
      %add3A_1377 = arith.constant 3 : i32
      %add3A_1378 = vector.broadcast %add3A_1377 : i32 to vector<16xi32>
      %add3A_1379 = arith.addi %mul3A_1358, %add3A_1378 : vector<16xi32>
      %mul3A_1380 = arith.mulf %select_n3A_1267, %select_n3A_1303 : vector<16xf32>
      %scatter3A_1381 = arith.constant 0 : i32
      %scatter3A_1382 = tpu.memref_slice %arg7[%select_n3A_191, %scatter3A_1381] : memref<2x528xf32, #tpu.memory_space<vmem>> -> memref<1x528xf32, #tpu.memory_space<vmem>>
      %scatter3A_1383 = tpu.memref_squeeze %scatter3A_1382 : memref<1x528xf32, #tpu.memory_space<vmem>> -> memref<528xf32, #tpu.memory_space<vmem>>
      tpu.vector_store_idx %scatter3A_1383[%add3A_1379], %mul3A_1380 : memref<528xf32, #tpu.memory_space<vmem>>[vector<16xi32>], vector<16xf32>,
      %add3A_1384 = arith.constant 112 : i32
      %add3A_1385 = vector.broadcast %add3A_1384 : i32 to vector<16xi32>
      %add3A_1386 = arith.addi %add3A_1385, %iota3A : vector<16xi32>
      %mul3A_1387 = arith.constant 128 : i32
      %mul3A_1388 = arith.muli %select_n3A_234, %mul3A_1387 : i32
      %add3A_1389 = vector.broadcast %mul3A_1388 : i32 to vector<16xi32>
      %add3A_1390 = arith.addi %add3A_1386, %add3A_1389 : vector<16xi32>
      %convert_element_type3A_1391 = arith.sitofp %add3A_1390 : vector<16xi32> to vector<16xf32>
      %mul3A_1392 = arith.mulf %get3A_22, %convert_element_type3A_1391 : vector<16xf32>
      %add3A_1393 = arith.addf %mul3A_1392, %add3A_240 : vector<16xf32>
      %mul3A_1394 = arith.mulf %get3A_37, %convert_element_type3A_1391 : vector<16xf32>
      %add3A_1395 = arith.addf %mul3A_1394, %add3A_243 : vector<16xf32>
      %convert_element_type3A_1396 = arith.fptosi %add3A_1393 : vector<16xf32> to vector<16xi32>
      %convert_element_type3A_1397 = arith.sitofp %convert_element_type3A_1396 : vector<16xi32> to vector<16xf32>
      %gt3A_1398 = arith.cmpf ogt, %convert_element_type3A_1397, %add3A_1393 : vector<16xf32>
      %sub3A_1399 = arith.constant 1 : i32
      %sub3A_1400 = vector.broadcast %sub3A_1399 : i32 to vector<16xi32>
      %sub3A_1401 = arith.subi %convert_element_type3A_1396, %sub3A_1400 : vector<16xi32>
      %select_n3A_1402 = arith.select %gt3A_1398, %sub3A_1401, %convert_element_type3A_1396 : vector<16xi1>, vector<16xi32>
      %convert_element_type3A_1403 = arith.sitofp %select_n3A_1402 : vector<16xi32> to vector<16xf32>
      %sub3A_1404 = arith.subf %add3A_1393, %convert_element_type3A_1403 : vector<16xf32>
      %ge3A_1405 = arith.constant 0 : i32
      %ge3A_1406 = vector.broadcast %ge3A_1405 : i32 to vector<16xi32>
      %ge3A_1407 = arith.cmpi sge, %select_n3A_1402, %ge3A_1406 : vector<16xi32>
      %le3A_1408 = arith.constant 382 : i32
      %le3A_1409 = vector.broadcast %le3A_1408 : i32 to vector<16xi32>
      %le3A_1410 = arith.cmpi sle, %select_n3A_1402, %le3A_1409 : vector<16xi32>
      %and3A_1411 = arith.andi %ge3A_1407, %le3A_1410 : vector<16xi1>
      %eq3A_1412 = arith.constant -1 : i32
      %eq3A_1413 = vector.broadcast %eq3A_1412 : i32 to vector<16xi32>
      %eq3A_1414 = arith.cmpi eq, %select_n3A_1402, %eq3A_1413 : vector<16xi32>
      %sub3A_1415 = arith.constant 1.000000e+00 : f32
      %sub3A_1416 = vector.broadcast %sub3A_1415 : f32 to vector<16xf32>
      %sub3A_1417 = arith.subf %sub3A_1416, %sub3A_1404 : vector<16xf32>
      %jit3A_1418 = arith.constant 0.000000e+00 : f32
      %broadcast_in_dim3A_1419 = vector.broadcast %jit3A_1418 : f32 to vector<16xf32>
      %select_n3A_1420 = arith.select %and3A_1411, %sub3A_1417, %broadcast_in_dim3A_1419 : vector<16xi1>, vector<16xf32>
      %select_n3A_1421 = arith.select %eq3A_1414, %sub3A_1404, %select_n3A_1420 : vector<16xi1>, vector<16xf32>
      %eq3A_1422 = arith.constant 383 : i32
      %eq3A_1423 = vector.broadcast %eq3A_1422 : i32 to vector<16xi32>
      %eq3A_1424 = arith.cmpi eq, %select_n3A_1402, %eq3A_1423 : vector<16xi32>
      %sub3A_1425 = arith.constant 1.000000e+00 : f32
      %sub3A_1426 = vector.broadcast %sub3A_1425 : f32 to vector<16xf32>
      %sub3A_1427 = arith.subf %sub3A_1426, %sub3A_1404 : vector<16xf32>
      %jit3A_1428 = arith.constant 0.000000e+00 : f32
      %broadcast_in_dim3A_1429 = vector.broadcast %jit3A_1428 : f32 to vector<16xf32>
      %select_n3A_1430 = arith.select %and3A_1411, %sub3A_1404, %broadcast_in_dim3A_1429 : vector<16xi1>, vector<16xf32>
      %select_n3A_1431 = arith.select %eq3A_1424, %sub3A_1427, %select_n3A_1430 : vector<16xi1>, vector<16xf32>
      %convert_element_type3A_1432 = arith.fptosi %add3A_1395 : vector<16xf32> to vector<16xi32>
      %convert_element_type3A_1433 = arith.sitofp %convert_element_type3A_1432 : vector<16xi32> to vector<16xf32>
      %gt3A_1434 = arith.cmpf ogt, %convert_element_type3A_1433, %add3A_1395 : vector<16xf32>
      %sub3A_1435 = arith.constant 1 : i32
      %sub3A_1436 = vector.broadcast %sub3A_1435 : i32 to vector<16xi32>
      %sub3A_1437 = arith.subi %convert_element_type3A_1432, %sub3A_1436 : vector<16xi32>
      %select_n3A_1438 = arith.select %gt3A_1434, %sub3A_1437, %convert_element_type3A_1432 : vector<16xi1>, vector<16xi32>
      %convert_element_type3A_1439 = arith.sitofp %select_n3A_1438 : vector<16xi32> to vector<16xf32>
      %sub3A_1440 = arith.subf %add3A_1395, %convert_element_type3A_1439 : vector<16xf32>
      %ge3A_1441 = arith.constant 0 : i32
      %ge3A_1442 = vector.broadcast %ge3A_1441 : i32 to vector<16xi32>
      %ge3A_1443 = arith.cmpi sge, %select_n3A_1438, %ge3A_1442 : vector<16xi32>
      %le3A_1444 = arith.constant 382 : i32
      %le3A_1445 = vector.broadcast %le3A_1444 : i32 to vector<16xi32>
      %le3A_1446 = arith.cmpi sle, %select_n3A_1438, %le3A_1445 : vector<16xi32>
      %and3A_1447 = arith.andi %ge3A_1443, %le3A_1446 : vector<16xi1>
      %eq3A_1448 = arith.constant -1 : i32
      %eq3A_1449 = vector.broadcast %eq3A_1448 : i32 to vector<16xi32>
      %eq3A_1450 = arith.cmpi eq, %select_n3A_1438, %eq3A_1449 : vector<16xi32>
      %sub3A_1451 = arith.constant 1.000000e+00 : f32
      %sub3A_1452 = vector.broadcast %sub3A_1451 : f32 to vector<16xf32>
      %sub3A_1453 = arith.subf %sub3A_1452, %sub3A_1440 : vector<16xf32>
      %jit3A_1454 = arith.constant 0.000000e+00 : f32
      %broadcast_in_dim3A_1455 = vector.broadcast %jit3A_1454 : f32 to vector<16xf32>
      %select_n3A_1456 = arith.select %and3A_1447, %sub3A_1453, %broadcast_in_dim3A_1455 : vector<16xi1>, vector<16xf32>
      %select_n3A_1457 = arith.select %eq3A_1450, %sub3A_1440, %select_n3A_1456 : vector<16xi1>, vector<16xf32>
      %eq3A_1458 = arith.constant 383 : i32
      %eq3A_1459 = vector.broadcast %eq3A_1458 : i32 to vector<16xi32>
      %eq3A_1460 = arith.cmpi eq, %select_n3A_1438, %eq3A_1459 : vector<16xi32>
      %sub3A_1461 = arith.constant 1.000000e+00 : f32
      %sub3A_1462 = vector.broadcast %sub3A_1461 : f32 to vector<16xf32>
      %sub3A_1463 = arith.subf %sub3A_1462, %sub3A_1440 : vector<16xf32>
      %jit3A_1464 = arith.constant 0.000000e+00 : f32
      %broadcast_in_dim3A_1465 = vector.broadcast %jit3A_1464 : f32 to vector<16xf32>
      %select_n3A_1466 = arith.select %and3A_1447, %sub3A_1440, %broadcast_in_dim3A_1465 : vector<16xi1>, vector<16xf32>
      %select_n3A_1467 = arith.select %eq3A_1460, %sub3A_1463, %select_n3A_1466 : vector<16xi1>, vector<16xf32>
      %convert_element_type3A_1468 = arith.fptosi %add3A_1393 : vector<16xf32> to vector<16xi32>
      %jit3A_1469 = arith.constant 0 : i32
      %jit3A_1470 = arith.constant 382 : i32
      %max3A_1471 = vector.broadcast %jit3A_1469 : i32 to vector<16xi32>
      %max3A_1472 = arith.maxsi %max3A_1471, %convert_element_type3A_1468 : vector<16xi32>
      %min3A_1473 = vector.broadcast %jit3A_1470 : i32 to vector<16xi32>
      %min3A_1474 = arith.minsi %min3A_1473, %max3A_1472 : vector<16xi32>
      %convert_element_type3A_1475 = arith.fptosi %add3A_1395 : vector<16xf32> to vector<16xi32>
      %jit3A_1476 = arith.constant 0 : i32
      %jit3A_1477 = arith.constant 382 : i32
      %max3A_1478 = vector.broadcast %jit3A_1476 : i32 to vector<16xi32>
      %max3A_1479 = arith.maxsi %max3A_1478, %convert_element_type3A_1475 : vector<16xi32>
      %min3A_1480 = vector.broadcast %jit3A_1477 : i32 to vector<16xi32>
      %min3A_1481 = arith.minsi %min3A_1480, %max3A_1479 : vector<16xi32>
      %mul3A_1482 = arith.constant 384 : i32
      %mul3A_1483 = vector.broadcast %mul3A_1482 : i32 to vector<16xi32>
      %mul3A_1484 = arith.muli %min3A_1481, %mul3A_1483 : vector<16xi32>
      %add3A_1485 = vector.broadcast %mul3A_49 : i32 to vector<16xi32>
      %add3A_1486 = arith.addi %add3A_1485, %mul3A_1484 : vector<16xi32>
      %add3A_1487 = arith.addi %add3A_1486, %min3A_1474 : vector<16xi32>
      %swap3A_1488 = arith.constant 0 : i32
      %swap3A_1489 = arith.index_cast %select_n3A_191 : i32 to index
      %swap3A_1490 = arith.index_cast %swap3A_1488 : i32 to index
      %swap3A_1491 = arith.constant 112 : index
      %swap3A_1492 = tpu.vector_load %arg6[%swap3A_1489, %swap3A_1490, %swap3A_1491] {strides = array<i32>} : memref<2x4x128xi32, #tpu.memory_space<vmem>>, vector<16xi32>,
      tpu.vector_store %arg6[%swap3A_1489, %swap3A_1490, %swap3A_1491], %add3A_1487 {strides = array<i32>} : memref<2x4x128xi32, #tpu.memory_space<vmem>>, vector<16xi32>,
      %add3A_1493 = arith.constant 1 : i32
      %add3A_1494 = vector.broadcast %add3A_1493 : i32 to vector<16xi32>
      %add3A_1495 = arith.addi %add3A_1487, %add3A_1494 : vector<16xi32>
      %swap3A_1496 = arith.constant 1 : i32
      %swap3A_1497 = arith.index_cast %select_n3A_191 : i32 to index
      %swap3A_1498 = arith.index_cast %swap3A_1496 : i32 to index
      %swap3A_1499 = arith.constant 112 : index
      %swap3A_1500 = tpu.vector_load %arg6[%swap3A_1497, %swap3A_1498, %swap3A_1499] {strides = array<i32>} : memref<2x4x128xi32, #tpu.memory_space<vmem>>, vector<16xi32>,
      tpu.vector_store %arg6[%swap3A_1497, %swap3A_1498, %swap3A_1499], %add3A_1495 {strides = array<i32>} : memref<2x4x128xi32, #tpu.memory_space<vmem>>, vector<16xi32>,
      %add3A_1501 = arith.constant 384 : i32
      %add3A_1502 = vector.broadcast %add3A_1501 : i32 to vector<16xi32>
      %add3A_1503 = arith.addi %add3A_1487, %add3A_1502 : vector<16xi32>
      %swap3A_1504 = arith.constant 2 : i32
      %swap3A_1505 = arith.index_cast %select_n3A_191 : i32 to index
      %swap3A_1506 = arith.index_cast %swap3A_1504 : i32 to index
      %swap3A_1507 = arith.constant 112 : index
      %swap3A_1508 = tpu.vector_load %arg6[%swap3A_1505, %swap3A_1506, %swap3A_1507] {strides = array<i32>} : memref<2x4x128xi32, #tpu.memory_space<vmem>>, vector<16xi32>,
      tpu.vector_store %arg6[%swap3A_1505, %swap3A_1506, %swap3A_1507], %add3A_1503 {strides = array<i32>} : memref<2x4x128xi32, #tpu.memory_space<vmem>>, vector<16xi32>,
      %add3A_1509 = arith.constant 384 : i32
      %add3A_1510 = vector.broadcast %add3A_1509 : i32 to vector<16xi32>
      %add3A_1511 = arith.addi %add3A_1487, %add3A_1510 : vector<16xi32>
      %add3A_1512 = arith.constant 1 : i32
      %add3A_1513 = vector.broadcast %add3A_1512 : i32 to vector<16xi32>
      %add3A_1514 = arith.addi %add3A_1511, %add3A_1513 : vector<16xi32>
      %swap3A_1515 = arith.constant 3 : i32
      %swap3A_1516 = arith.index_cast %select_n3A_191 : i32 to index
      %swap3A_1517 = arith.index_cast %swap3A_1515 : i32 to index
      %swap3A_1518 = arith.constant 112 : index
      %swap3A_1519 = tpu.vector_load %arg6[%swap3A_1516, %swap3A_1517, %swap3A_1518] {strides = array<i32>} : memref<2x4x128xi32, #tpu.memory_space<vmem>>, vector<16xi32>,
      tpu.vector_store %arg6[%swap3A_1516, %swap3A_1517, %swap3A_1518], %add3A_1514 {strides = array<i32>} : memref<2x4x128xi32, #tpu.memory_space<vmem>>, vector<16xi32>,
      %mul3A_1520 = arith.constant 4 : i32
      %mul3A_1521 = vector.broadcast %mul3A_1520 : i32 to vector<16xi32>
      %mul3A_1522 = arith.muli %add3A_1386, %mul3A_1521 : vector<16xi32>
      %mul3A_1523 = arith.mulf %select_n3A_1421, %select_n3A_1457 : vector<16xf32>
      %scatter3A_1524 = arith.constant 0 : i32
      %scatter3A_1525 = tpu.memref_slice %arg7[%select_n3A_191, %scatter3A_1524] : memref<2x528xf32, #tpu.memory_space<vmem>> -> memref<1x528xf32, #tpu.memory_space<vmem>>
      %scatter3A_1526 = tpu.memref_squeeze %scatter3A_1525 : memref<1x528xf32, #tpu.memory_space<vmem>> -> memref<528xf32, #tpu.memory_space<vmem>>
      tpu.vector_store_idx %scatter3A_1526[%mul3A_1522], %mul3A_1523 : memref<528xf32, #tpu.memory_space<vmem>>[vector<16xi32>], vector<16xf32>,
      %add3A_1527 = arith.constant 1 : i32
      %add3A_1528 = vector.broadcast %add3A_1527 : i32 to vector<16xi32>
      %add3A_1529 = arith.addi %mul3A_1522, %add3A_1528 : vector<16xi32>
      %mul3A_1530 = arith.mulf %select_n3A_1431, %select_n3A_1457 : vector<16xf32>
      %scatter3A_1531 = arith.constant 0 : i32
      %scatter3A_1532 = tpu.memref_slice %arg7[%select_n3A_191, %scatter3A_1531] : memref<2x528xf32, #tpu.memory_space<vmem>> -> memref<1x528xf32, #tpu.memory_space<vmem>>
      %scatter3A_1533 = tpu.memref_squeeze %scatter3A_1532 : memref<1x528xf32, #tpu.memory_space<vmem>> -> memref<528xf32, #tpu.memory_space<vmem>>
      tpu.vector_store_idx %scatter3A_1533[%add3A_1529], %mul3A_1530 : memref<528xf32, #tpu.memory_space<vmem>>[vector<16xi32>], vector<16xf32>,
      %add3A_1534 = arith.constant 2 : i32
      %add3A_1535 = vector.broadcast %add3A_1534 : i32 to vector<16xi32>
      %add3A_1536 = arith.addi %mul3A_1522, %add3A_1535 : vector<16xi32>
      %mul3A_1537 = arith.mulf %select_n3A_1421, %select_n3A_1467 : vector<16xf32>
      %scatter3A_1538 = arith.constant 0 : i32
      %scatter3A_1539 = tpu.memref_slice %arg7[%select_n3A_191, %scatter3A_1538] : memref<2x528xf32, #tpu.memory_space<vmem>> -> memref<1x528xf32, #tpu.memory_space<vmem>>
      %scatter3A_1540 = tpu.memref_squeeze %scatter3A_1539 : memref<1x528xf32, #tpu.memory_space<vmem>> -> memref<528xf32, #tpu.memory_space<vmem>>
      tpu.vector_store_idx %scatter3A_1540[%add3A_1536], %mul3A_1537 : memref<528xf32, #tpu.memory_space<vmem>>[vector<16xi32>], vector<16xf32>,
      %add3A_1541 = arith.constant 3 : i32
      %add3A_1542 = vector.broadcast %add3A_1541 : i32 to vector<16xi32>
      %add3A_1543 = arith.addi %mul3A_1522, %add3A_1542 : vector<16xi32>
      %mul3A_1544 = arith.mulf %select_n3A_1431, %select_n3A_1467 : vector<16xf32>
      %scatter3A_1545 = arith.constant 0 : i32
      %scatter3A_1546 = tpu.memref_slice %arg7[%select_n3A_191, %scatter3A_1545] : memref<2x528xf32, #tpu.memory_space<vmem>> -> memref<1x528xf32, #tpu.memory_space<vmem>>
      %scatter3A_1547 = tpu.memref_squeeze %scatter3A_1546 : memref<1x528xf32, #tpu.memory_space<vmem>> -> memref<528xf32, #tpu.memory_space<vmem>>
      tpu.vector_store_idx %scatter3A_1547[%add3A_1543], %mul3A_1544 : memref<528xf32, #tpu.memory_space<vmem>>[vector<16xi32>], vector<16xf32>,
      %dma_start3A_1548 = arith.constant 0 : i32
      %dma_start3A_1549 = arith.constant 0 : i32
      %dma_start3A_1550 = arith.constant 0 : i32
      %dma_start3A_1551 = arith.constant 0 : i32
      %dma_start3A_1552 = tpu.memref_slice %arg8[%select_n3A_191, %dma_start3A_1549, %dma_start3A_1550, %dma_start3A_1551] : memref<2x4x128x96xf32, #tpu.memory_space<vmem>> -> memref<1x1x128x96xf32, #tpu.memory_space<vmem>>
      %dma_start3A_1553 = tpu.memref_squeeze %dma_start3A_1552 : memref<1x1x128x96xf32, #tpu.memory_space<vmem>> -> memref<128x96xf32, #tpu.memory_space<vmem>>
      %dma_start3A_1554 = arith.constant 0 : i32
      %dma_start3A_1555 = tpu.memref_slice %arg6[%select_n3A_191, %dma_start3A_1548, %dma_start3A_1554] : memref<2x4x128xi32, #tpu.memory_space<vmem>> -> memref<1x1x128xi32, #tpu.memory_space<vmem>>
      %dma_start3A_1556 = tpu.memref_squeeze %dma_start3A_1555 : memref<1x1x128xi32, #tpu.memory_space<vmem>> -> memref<128xi32, #tpu.memory_space<vmem>>
      %dma_start3A_1557 = arith.constant 0 : i32
      %dma_start3A_1558 = arith.constant 0 : i32
      %dma_start3A_1559 = tpu.memref_slice %arg2[%dma_start3A_1557, %dma_start3A_1558] : memref<589824x96xf32, #tpu.memory_space<hbm>> -> memref<589824x96xf32, #tpu.memory_space<hbm>>
      tpu.enqueue_indirect_dma source(%dma_start3A_1559 : memref<589824x96xf32, #tpu.memory_space<hbm>>) target(%dma_start3A_1553 : memref<128x96xf32, #tpu.memory_space<vmem>>) offsets(%dma_start3A_1556 : memref<128xi32, #tpu.memory_space<vmem>>) semaphore(%arg10 : memref<!tpu.dma_semaphore, #tpu.memory_space<semaphore_mem>>)
      %dma_start3A_1560 = arith.constant 1 : i32
      %dma_start3A_1561 = arith.constant 1 : i32
      %dma_start3A_1562 = arith.constant 0 : i32
      %dma_start3A_1563 = arith.constant 0 : i32
      %dma_start3A_1564 = tpu.memref_slice %arg8[%select_n3A_191, %dma_start3A_1561, %dma_start3A_1562, %dma_start3A_1563] : memref<2x4x128x96xf32, #tpu.memory_space<vmem>> -> memref<1x1x128x96xf32, #tpu.memory_space<vmem>>
      %dma_start3A_1565 = tpu.memref_squeeze %dma_start3A_1564 : memref<1x1x128x96xf32, #tpu.memory_space<vmem>> -> memref<128x96xf32, #tpu.memory_space<vmem>>
      %dma_start3A_1566 = arith.constant 0 : i32
      %dma_start3A_1567 = tpu.memref_slice %arg6[%select_n3A_191, %dma_start3A_1560, %dma_start3A_1566] : memref<2x4x128xi32, #tpu.memory_space<vmem>> -> memref<1x1x128xi32, #tpu.memory_space<vmem>>
      %dma_start3A_1568 = tpu.memref_squeeze %dma_start3A_1567 : memref<1x1x128xi32, #tpu.memory_space<vmem>> -> memref<128xi32, #tpu.memory_space<vmem>>
      %dma_start3A_1569 = arith.constant 0 : i32
      %dma_start3A_1570 = arith.constant 0 : i32
      %dma_start3A_1571 = tpu.memref_slice %arg2[%dma_start3A_1569, %dma_start3A_1570] : memref<589824x96xf32, #tpu.memory_space<hbm>> -> memref<589824x96xf32, #tpu.memory_space<hbm>>
      tpu.enqueue_indirect_dma source(%dma_start3A_1571 : memref<589824x96xf32, #tpu.memory_space<hbm>>) target(%dma_start3A_1565 : memref<128x96xf32, #tpu.memory_space<vmem>>) offsets(%dma_start3A_1568 : memref<128xi32, #tpu.memory_space<vmem>>) semaphore(%arg10 : memref<!tpu.dma_semaphore, #tpu.memory_space<semaphore_mem>>)
      %dma_start3A_1572 = arith.constant 2 : i32
      %dma_start3A_1573 = arith.constant 2 : i32
      %dma_start3A_1574 = arith.constant 0 : i32
      %dma_start3A_1575 = arith.constant 0 : i32
      %dma_start3A_1576 = tpu.memref_slice %arg8[%select_n3A_191, %dma_start3A_1573, %dma_start3A_1574, %dma_start3A_1575] : memref<2x4x128x96xf32, #tpu.memory_space<vmem>> -> memref<1x1x128x96xf32, #tpu.memory_space<vmem>>
      %dma_start3A_1577 = tpu.memref_squeeze %dma_start3A_1576 : memref<1x1x128x96xf32, #tpu.memory_space<vmem>> -> memref<128x96xf32, #tpu.memory_space<vmem>>
      %dma_start3A_1578 = arith.constant 0 : i32
      %dma_start3A_1579 = tpu.memref_slice %arg6[%select_n3A_191, %dma_start3A_1572, %dma_start3A_1578] : memref<2x4x128xi32, #tpu.memory_space<vmem>> -> memref<1x1x128xi32, #tpu.memory_space<vmem>>
      %dma_start3A_1580 = tpu.memref_squeeze %dma_start3A_1579 : memref<1x1x128xi32, #tpu.memory_space<vmem>> -> memref<128xi32, #tpu.memory_space<vmem>>
      %dma_start3A_1581 = arith.constant 0 : i32
      %dma_start3A_1582 = arith.constant 0 : i32
      %dma_start3A_1583 = tpu.memref_slice %arg2[%dma_start3A_1581, %dma_start3A_1582] : memref<589824x96xf32, #tpu.memory_space<hbm>> -> memref<589824x96xf32, #tpu.memory_space<hbm>>
      tpu.enqueue_indirect_dma source(%dma_start3A_1583 : memref<589824x96xf32, #tpu.memory_space<hbm>>) target(%dma_start3A_1577 : memref<128x96xf32, #tpu.memory_space<vmem>>) offsets(%dma_start3A_1580 : memref<128xi32, #tpu.memory_space<vmem>>) semaphore(%arg10 : memref<!tpu.dma_semaphore, #tpu.memory_space<semaphore_mem>>)
      %dma_start3A_1584 = arith.constant 3 : i32
      %dma_start3A_1585 = arith.constant 3 : i32
      %dma_start3A_1586 = arith.constant 0 : i32
      %dma_start3A_1587 = arith.constant 0 : i32
      %dma_start3A_1588 = tpu.memref_slice %arg8[%select_n3A_191, %dma_start3A_1585, %dma_start3A_1586, %dma_start3A_1587] : memref<2x4x128x96xf32, #tpu.memory_space<vmem>> -> memref<1x1x128x96xf32, #tpu.memory_space<vmem>>
      %dma_start3A_1589 = tpu.memref_squeeze %dma_start3A_1588 : memref<1x1x128x96xf32, #tpu.memory_space<vmem>> -> memref<128x96xf32, #tpu.memory_space<vmem>>
      %dma_start3A_1590 = arith.constant 0 : i32
      %dma_start3A_1591 = tpu.memref_slice %arg6[%select_n3A_191, %dma_start3A_1584, %dma_start3A_1590] : memref<2x4x128xi32, #tpu.memory_space<vmem>> -> memref<1x1x128xi32, #tpu.memory_space<vmem>>
      %dma_start3A_1592 = tpu.memref_squeeze %dma_start3A_1591 : memref<1x1x128xi32, #tpu.memory_space<vmem>> -> memref<128xi32, #tpu.memory_space<vmem>>
      %dma_start3A_1593 = arith.constant 0 : i32
      %dma_start3A_1594 = arith.constant 0 : i32
      %dma_start3A_1595 = tpu.memref_slice %arg2[%dma_start3A_1593, %dma_start3A_1594] : memref<589824x96xf32, #tpu.memory_space<hbm>> -> memref<589824x96xf32, #tpu.memory_space<hbm>>
      tpu.enqueue_indirect_dma source(%dma_start3A_1595 : memref<589824x96xf32, #tpu.memory_space<hbm>>) target(%dma_start3A_1589 : memref<128x96xf32, #tpu.memory_space<vmem>>) offsets(%dma_start3A_1592 : memref<128xi32, #tpu.memory_space<vmem>>) semaphore(%arg10 : memref<!tpu.dma_semaphore, #tpu.memory_space<semaphore_mem>>)
      %gt3A_1596 = arith.constant 0 : i32
      %gt3A_1597 = arith.cmpi sgt, %scan3A_177, %gt3A_1596 : i32
      %convert_element_type3A_1598 = arith.extui %gt3A_1597 : i1 to i32
      %cond3A = arith.constant 0 : i32
      %cond3A_1599 = arith.cmpi ne, %convert_element_type3A_1598, %cond3A : i32
      scf.if %cond3A_1599 {
        %sub3A_1600 = arith.constant 1 : i32
        %sub3A_1601 = arith.subi %scan3A_177, %sub3A_1600 : i32
        %jit3A_1602 = arith.constant 2 : i32
        %eq3A_1603 = arith.constant 0 : i32
        %eq3A_1604 = arith.cmpi eq, %jit3A_1602, %eq3A_1603 : i32
        %jit3A_1605 = arith.constant 1 : i32
        %select_n3A_1606 = arith.select %eq3A_1604, %jit3A_1605, %jit3A_1602 : i32
        %rem3A_1607 = arith.remsi %sub3A_1601, %select_n3A_1606 : i32
        %ne3A_1608 = arith.constant 0 : i32
        %ne3A_1609 = arith.cmpi ne, %rem3A_1607, %ne3A_1608 : i32
        %lt3A_1610 = arith.constant 0 : i32
        %lt3A_1611 = arith.cmpi slt, %rem3A_1607, %lt3A_1610 : i32
        %lt3A_1612 = arith.constant 0 : i32
        %lt3A_1613 = arith.cmpi slt, %select_n3A_1606, %lt3A_1612 : i32
        %ne3A_1614 = arith.xori %lt3A_1611, %lt3A_1613 : i1
        %and3A_1615 = arith.andi %ne3A_1614, %ne3A_1609 : i1
        %add3A_1616 = arith.addi %rem3A_1607, %select_n3A_1606 : i32
        %select_n3A_1617 = arith.select %and3A_1615, %add3A_1616, %rem3A_1607 : i32
        %dma_wait3A_1618 = arith.constant 0 : i32
        %dma_wait3A_1619 = arith.constant 0 : i32
        %dma_wait3A_1620 = arith.constant 0 : i32
        %dma_wait3A_1621 = arith.constant 0 : i32
        %dma_wait3A_1622 = tpu.memref_slice %arg8[%select_n3A_1617, %dma_wait3A_1619, %dma_wait3A_1620, %dma_wait3A_1621] : memref<2x4x128x96xf32, #tpu.memory_space<vmem>> -> memref<1x1x128x96xf32, #tpu.memory_space<vmem>>
        %dma_wait3A_1623 = tpu.memref_squeeze %dma_wait3A_1622 : memref<1x1x128x96xf32, #tpu.memory_space<vmem>> -> memref<128x96xf32, #tpu.memory_space<vmem>>
        %dma_wait3A_1624 = arith.constant 0 : i32
        %dma_wait3A_1625 = tpu.memref_slice %arg6[%select_n3A_1617, %dma_wait3A_1618, %dma_wait3A_1624] : memref<2x4x128xi32, #tpu.memory_space<vmem>> -> memref<1x1x128xi32, #tpu.memory_space<vmem>>
        %dma_wait3A_1626 = tpu.memref_squeeze %dma_wait3A_1625 : memref<1x1x128xi32, #tpu.memory_space<vmem>> -> memref<128xi32, #tpu.memory_space<vmem>>
        %dma_wait3A_1627 = arith.constant 0 : i32
        %dma_wait3A_1628 = arith.constant 0 : i32
        %dma_wait3A_1629 = tpu.memref_slice %arg2[%dma_wait3A_1627, %dma_wait3A_1628] : memref<589824x96xf32, #tpu.memory_space<hbm>> -> memref<589824x96xf32, #tpu.memory_space<hbm>>
        tpu.wait_indirect_dma semaphore(%arg10 : memref<!tpu.dma_semaphore, #tpu.memory_space<semaphore_mem>>) src(%dma_wait3A_1629 : memref<589824x96xf32, #tpu.memory_space<hbm>>) dst(%dma_wait3A_1623 : memref<128x96xf32, #tpu.memory_space<vmem>>)
        %dma_wait3A_1630 = arith.constant 1 : i32
        %dma_wait3A_1631 = arith.constant 1 : i32
        %dma_wait3A_1632 = arith.constant 0 : i32
        %dma_wait3A_1633 = arith.constant 0 : i32
        %dma_wait3A_1634 = tpu.memref_slice %arg8[%select_n3A_1617, %dma_wait3A_1631, %dma_wait3A_1632, %dma_wait3A_1633] : memref<2x4x128x96xf32, #tpu.memory_space<vmem>> -> memref<1x1x128x96xf32, #tpu.memory_space<vmem>>
        %dma_wait3A_1635 = tpu.memref_squeeze %dma_wait3A_1634 : memref<1x1x128x96xf32, #tpu.memory_space<vmem>> -> memref<128x96xf32, #tpu.memory_space<vmem>>
        %dma_wait3A_1636 = arith.constant 0 : i32
        %dma_wait3A_1637 = tpu.memref_slice %arg6[%select_n3A_1617, %dma_wait3A_1630, %dma_wait3A_1636] : memref<2x4x128xi32, #tpu.memory_space<vmem>> -> memref<1x1x128xi32, #tpu.memory_space<vmem>>
        %dma_wait3A_1638 = tpu.memref_squeeze %dma_wait3A_1637 : memref<1x1x128xi32, #tpu.memory_space<vmem>> -> memref<128xi32, #tpu.memory_space<vmem>>
        %dma_wait3A_1639 = arith.constant 0 : i32
        %dma_wait3A_1640 = arith.constant 0 : i32
        %dma_wait3A_1641 = tpu.memref_slice %arg2[%dma_wait3A_1639, %dma_wait3A_1640] : memref<589824x96xf32, #tpu.memory_space<hbm>> -> memref<589824x96xf32, #tpu.memory_space<hbm>>
        tpu.wait_indirect_dma semaphore(%arg10 : memref<!tpu.dma_semaphore, #tpu.memory_space<semaphore_mem>>) src(%dma_wait3A_1641 : memref<589824x96xf32, #tpu.memory_space<hbm>>) dst(%dma_wait3A_1635 : memref<128x96xf32, #tpu.memory_space<vmem>>)
        %dma_wait3A_1642 = arith.constant 2 : i32
        %dma_wait3A_1643 = arith.constant 2 : i32
        %dma_wait3A_1644 = arith.constant 0 : i32
        %dma_wait3A_1645 = arith.constant 0 : i32
        %dma_wait3A_1646 = tpu.memref_slice %arg8[%select_n3A_1617, %dma_wait3A_1643, %dma_wait3A_1644, %dma_wait3A_1645] : memref<2x4x128x96xf32, #tpu.memory_space<vmem>> -> memref<1x1x128x96xf32, #tpu.memory_space<vmem>>
        %dma_wait3A_1647 = tpu.memref_squeeze %dma_wait3A_1646 : memref<1x1x128x96xf32, #tpu.memory_space<vmem>> -> memref<128x96xf32, #tpu.memory_space<vmem>>
        %dma_wait3A_1648 = arith.constant 0 : i32
        %dma_wait3A_1649 = tpu.memref_slice %arg6[%select_n3A_1617, %dma_wait3A_1642, %dma_wait3A_1648] : memref<2x4x128xi32, #tpu.memory_space<vmem>> -> memref<1x1x128xi32, #tpu.memory_space<vmem>>
        %dma_wait3A_1650 = tpu.memref_squeeze %dma_wait3A_1649 : memref<1x1x128xi32, #tpu.memory_space<vmem>> -> memref<128xi32, #tpu.memory_space<vmem>>
        %dma_wait3A_1651 = arith.constant 0 : i32
        %dma_wait3A_1652 = arith.constant 0 : i32
        %dma_wait3A_1653 = tpu.memref_slice %arg2[%dma_wait3A_1651, %dma_wait3A_1652] : memref<589824x96xf32, #tpu.memory_space<hbm>> -> memref<589824x96xf32, #tpu.memory_space<hbm>>
        tpu.wait_indirect_dma semaphore(%arg10 : memref<!tpu.dma_semaphore, #tpu.memory_space<semaphore_mem>>) src(%dma_wait3A_1653 : memref<589824x96xf32, #tpu.memory_space<hbm>>) dst(%dma_wait3A_1647 : memref<128x96xf32, #tpu.memory_space<vmem>>)
        %dma_wait3A_1654 = arith.constant 3 : i32
        %dma_wait3A_1655 = arith.constant 3 : i32
        %dma_wait3A_1656 = arith.constant 0 : i32
        %dma_wait3A_1657 = arith.constant 0 : i32
        %dma_wait3A_1658 = tpu.memref_slice %arg8[%select_n3A_1617, %dma_wait3A_1655, %dma_wait3A_1656, %dma_wait3A_1657] : memref<2x4x128x96xf32, #tpu.memory_space<vmem>> -> memref<1x1x128x96xf32, #tpu.memory_space<vmem>>
        %dma_wait3A_1659 = tpu.memref_squeeze %dma_wait3A_1658 : memref<1x1x128x96xf32, #tpu.memory_space<vmem>> -> memref<128x96xf32, #tpu.memory_space<vmem>>
        %dma_wait3A_1660 = arith.constant 0 : i32
        %dma_wait3A_1661 = tpu.memref_slice %arg6[%select_n3A_1617, %dma_wait3A_1654, %dma_wait3A_1660] : memref<2x4x128xi32, #tpu.memory_space<vmem>> -> memref<1x1x128xi32, #tpu.memory_space<vmem>>
        %dma_wait3A_1662 = tpu.memref_squeeze %dma_wait3A_1661 : memref<1x1x128xi32, #tpu.memory_space<vmem>> -> memref<128xi32, #tpu.memory_space<vmem>>
        %dma_wait3A_1663 = arith.constant 0 : i32
        %dma_wait3A_1664 = arith.constant 0 : i32
        %dma_wait3A_1665 = tpu.memref_slice %arg2[%dma_wait3A_1663, %dma_wait3A_1664] : memref<589824x96xf32, #tpu.memory_space<hbm>> -> memref<589824x96xf32, #tpu.memory_space<hbm>>
        tpu.wait_indirect_dma semaphore(%arg10 : memref<!tpu.dma_semaphore, #tpu.memory_space<semaphore_mem>>) src(%dma_wait3A_1665 : memref<589824x96xf32, #tpu.memory_space<hbm>>) dst(%dma_wait3A_1659 : memref<128x96xf32, #tpu.memory_space<vmem>>)
        %sub3A_1666 = arith.constant 1 : i32
        %sub3A_1667 = arith.subi %scan3A_177, %sub3A_1666 : i32
        %jit3A_1668 = arith.constant 2 : i32
        %eq3A_1669 = arith.constant 0 : i32
        %eq3A_1670 = arith.cmpi eq, %jit3A_1668, %eq3A_1669 : i32
        %jit3A_1671 = arith.constant 1 : i32
        %select_n3A_1672 = arith.select %eq3A_1670, %jit3A_1671, %jit3A_1668 : i32
        %rem3A_1673 = arith.remsi %sub3A_1667, %select_n3A_1672 : i32
        %ne3A_1674 = arith.constant 0 : i32
        %ne3A_1675 = arith.cmpi ne, %rem3A_1673, %ne3A_1674 : i32
        %lt3A_1676 = arith.constant 0 : i32
        %lt3A_1677 = arith.cmpi slt, %rem3A_1673, %lt3A_1676 : i32
        %lt3A_1678 = arith.constant 0 : i32
        %lt3A_1679 = arith.cmpi slt, %select_n3A_1672, %lt3A_1678 : i32
        %ne3A_1680 = arith.xori %lt3A_1677, %lt3A_1679 : i1
        %and3A_1681 = arith.andi %ne3A_1680, %ne3A_1675 : i1
        %add3A_1682 = arith.addi %rem3A_1673, %select_n3A_1672 : i32
        %select_n3A_1683 = arith.select %and3A_1681, %add3A_1682, %rem3A_1673 : i32
        %mul3A_1684 = arith.constant 48 : i32
        %mul3A_1685 = arith.muli %add3A, %mul3A_1684 : i32
        %jit3A_1686 = arith.constant 3 : i32
        %div3A_1687 = arith.divsi %sub3A_1667, %jit3A_1686 : i32
        %sign3A_1688 = arith.constant 0 : i32
        %sign3A_1689 = arith.cmpi sgt, %sub3A_1667, %sign3A_1688 : i32
        %sign3A_1690 = arith.extui %sign3A_1689 : i1 to i32
        %sign3A_1691 = arith.constant 0 : i32
        %sign3A_1692 = arith.cmpi slt, %sub3A_1667, %sign3A_1691 : i32
        %sign3A_1693 = arith.extui %sign3A_1692 : i1 to i32
        %sign3A_1694 = arith.subi %sign3A_1690, %sign3A_1693 : i32
        %sign3A_1695 = arith.constant 0 : i32
        %sign3A_1696 = arith.cmpi sgt, %jit3A_1686, %sign3A_1695 : i32
        %sign3A_1697 = arith.extui %sign3A_1696 : i1 to i32
        %sign3A_1698 = arith.constant 0 : i32
        %sign3A_1699 = arith.cmpi slt, %jit3A_1686, %sign3A_1698 : i32
        %sign3A_1700 = arith.extui %sign3A_1699 : i1 to i32
        %sign3A_1701 = arith.subi %sign3A_1697, %sign3A_1700 : i32
        %ne3A_1702 = arith.cmpi ne, %sign3A_1694, %sign3A_1701 : i32
        %rem3A_1703 = arith.remsi %sub3A_1667, %jit3A_1686 : i32
        %ne3A_1704 = arith.constant 0 : i32
        %ne3A_1705 = arith.cmpi ne, %rem3A_1703, %ne3A_1704 : i32
        %and3A_1706 = arith.andi %ne3A_1702, %ne3A_1705 : i1
        %sub3A_1707 = arith.constant 1 : i32
        %sub3A_1708 = arith.subi %div3A_1687, %sub3A_1707 : i32
        %select_n3A_1709 = arith.select %and3A_1706, %sub3A_1708, %div3A_1687 : i32
        %add3A_1710 = arith.addi %mul3A_1685, %select_n3A_1709 : i32
        %mul3A_1711 = arith.constant 384 : i32
        %mul3A_1712 = arith.muli %add3A_1710, %mul3A_1711 : i32
        %jit3A_1713 = arith.constant 3 : i32
        %eq3A_1714 = arith.constant 0 : i32
        %eq3A_1715 = arith.cmpi eq, %jit3A_1713, %eq3A_1714 : i32
        %jit3A_1716 = arith.constant 1 : i32
        %select_n3A_1717 = arith.select %eq3A_1715, %jit3A_1716, %jit3A_1713 : i32
        %rem3A_1718 = arith.remsi %sub3A_1667, %select_n3A_1717 : i32
        %ne3A_1719 = arith.constant 0 : i32
        %ne3A_1720 = arith.cmpi ne, %rem3A_1718, %ne3A_1719 : i32
        %lt3A_1721 = arith.constant 0 : i32
        %lt3A_1722 = arith.cmpi slt, %rem3A_1718, %lt3A_1721 : i32
        %lt3A_1723 = arith.constant 0 : i32
        %lt3A_1724 = arith.cmpi slt, %select_n3A_1717, %lt3A_1723 : i32
        %ne3A_1725 = arith.xori %lt3A_1722, %lt3A_1724 : i1
        %and3A_1726 = arith.andi %ne3A_1725, %ne3A_1720 : i1
        %add3A_1727 = arith.addi %rem3A_1718, %select_n3A_1717 : i32
        %select_n3A_1728 = arith.select %and3A_1726, %add3A_1727, %rem3A_1718 : i32
        %mul3A_1729 = arith.constant 128 : i32
        %mul3A_1730 = arith.muli %select_n3A_1728, %mul3A_1729 : i32
        %add3A_1731 = arith.addi %mul3A_1712, %mul3A_1730 : i32
        %ge3A_1732 = arith.constant 2 : i32
        %ge3A_1733 = arith.cmpi sge, %sub3A_1667, %ge3A_1732 : i32
        %convert_element_type3A_1734 = arith.extui %ge3A_1733 : i1 to i32
        %cond3A_1735 = arith.constant 0 : i32
        %cond3A_1736 = arith.cmpi ne, %convert_element_type3A_1734, %cond3A_1735 : i32
        scf.if %cond3A_1736 {
          %dma_wait3A_1752 = arith.constant 0 : i32
          %dma_wait3A_1753 = arith.constant 0 : i32
          %dma_wait3A_1754 = arith.constant 0 : i32
          %dma_wait3A_1755 = tpu.memref_slice %arg9[%dma_wait3A_1752, %dma_wait3A_1753, %dma_wait3A_1754] : memref<2x128x96xf32, #tpu.memory_space<vmem>> -> memref<1x128x96xf32, #tpu.memory_space<vmem>>
          %dma_wait3A_1756 = tpu.memref_squeeze %dma_wait3A_1755 : memref<1x128x96xf32, #tpu.memory_space<vmem>> -> memref<128x96xf32, #tpu.memory_space<vmem>>
          %dma_wait3A_1757 = arith.constant 0 : i32
          %dma_wait3A_1758 = arith.constant 0 : i32
          %dma_wait3A_1759 = tpu.memref_slice %arg4[%dma_wait3A_1757, %dma_wait3A_1758] : memref<589824x96xf32, #tpu.memory_space<hbm>> -> memref<128x96xf32, #tpu.memory_space<hbm>>
          %dma_wait3A_1760 = arith.constant 0 : i32
          %dma_wait3A_1761 = arith.constant 0 : i32
          %dma_wait3A_1762 = tpu.memref_slice %arg4[%dma_wait3A_1760, %dma_wait3A_1761] : memref<589824x96xf32, #tpu.memory_space<hbm>> -> memref<128x96xf32, #tpu.memory_space<hbm>>
          %dma_wait3A_1763 = arith.constant 0 : i32
          %dma_wait3A_1764 = arith.constant 0 : i32
          %dma_wait3A_1765 = tpu.memref_slice %arg9[%dma_wait3A_1752, %dma_wait3A_1763, %dma_wait3A_1764] : memref<2x128x96xf32, #tpu.memory_space<vmem>> -> memref<1x128x96xf32, #tpu.memory_space<vmem>>
          %dma_wait3A_1766 = tpu.memref_squeeze %dma_wait3A_1765 : memref<1x128x96xf32, #tpu.memory_space<vmem>> -> memref<128x96xf32, #tpu.memory_space<vmem>>
          tpu.wait_dma2 semaphore(%arg11 : memref<!tpu.dma_semaphore, #tpu.memory_space<semaphore_mem>>) src(%dma_wait3A_1766 : memref<128x96xf32, #tpu.memory_space<vmem>>) dst(%dma_wait3A_1762 : memref<128x96xf32, #tpu.memory_space<hbm>>)
        } else {
        }
        %parallel_loop3A_1737 = arith.constant 0 : i32
        %parallel_loop3A_1738 = arith.constant 128 : i32
        %parallel_loop3A_1739 = arith.constant 1 : i32
        scf.for %parallel_loop3A_1752 = %parallel_loop3A_1737 to %parallel_loop3A_1738 step %parallel_loop3A_1739  : i32 {
          %parallel_loop3A_1753 = arith.constant 4 : i32
          %parallel_loop3A_1754 = arith.muli %parallel_loop3A_1752, %parallel_loop3A_1753 : i32
          %parallel_loop3A_1755 = arith.index_cast %select_n3A_1683 : i32 to index
          %parallel_loop3A_1756 = arith.index_cast %parallel_loop3A_1754 : i32 to index
          %parallel_loop3A_1757 = tpu.vector_load %arg7[%parallel_loop3A_1755, %parallel_loop3A_1756] {strides = array<i32>} : memref<2x528xf32, #tpu.memory_space<vmem>>, vector<16xf32>,
          %parallel_loop3A_1758 = vector.extract_strided_slice %parallel_loop3A_1757 {offsets = [0], sizes = [1], strides = [1]} : vector<16xf32> to vector<1xf32>
          %parallel_loop3A_1759 = vector.extract %parallel_loop3A_1758[0] : f32 from vector<1xf32>
          %parallel_loop3A_1760 = vector.extract_strided_slice %parallel_loop3A_1757 {offsets = [1], sizes = [1], strides = [1]} : vector<16xf32> to vector<1xf32>
          %parallel_loop3A_1761 = vector.extract %parallel_loop3A_1760[0] : f32 from vector<1xf32>
          %parallel_loop3A_1762 = vector.extract_strided_slice %parallel_loop3A_1757 {offsets = [2], sizes = [1], strides = [1]} : vector<16xf32> to vector<1xf32>
          %parallel_loop3A_1763 = vector.extract %parallel_loop3A_1762[0] : f32 from vector<1xf32>
          %parallel_loop3A_1764 = vector.extract_strided_slice %parallel_loop3A_1757 {offsets = [3], sizes = [1], strides = [1]} : vector<16xf32> to vector<1xf32>
          %parallel_loop3A_1765 = vector.extract %parallel_loop3A_1764[0] : f32 from vector<1xf32>
          %parallel_loop3A_1766 = arith.constant 0 : i32
          %parallel_loop3A_1767 = arith.index_cast %select_n3A_1683 : i32 to index
          %parallel_loop3A_1768 = arith.index_cast %parallel_loop3A_1766 : i32 to index
          %parallel_loop3A_1769 = arith.index_cast %parallel_loop3A_1752 : i32 to index
          %parallel_loop3A_1770 = arith.constant 0 : index
          %parallel_loop3A_1771 = tpu.vector_load %arg8[%parallel_loop3A_1767, %parallel_loop3A_1768, %parallel_loop3A_1769, %parallel_loop3A_1770] {strides = array<i32>} : memref<2x4x128x96xf32, #tpu.memory_space<vmem>>, vector<16xf32>,
          %parallel_loop3A_1772 = vector.broadcast %parallel_loop3A_1759 : f32 to vector<16xf32>
          %parallel_loop3A_1773 = arith.mulf %parallel_loop3A_1772, %parallel_loop3A_1771 : vector<16xf32>
          %parallel_loop3A_1774 = arith.constant 1 : i32
          %parallel_loop3A_1775 = arith.index_cast %select_n3A_1683 : i32 to index
          %parallel_loop3A_1776 = arith.index_cast %parallel_loop3A_1774 : i32 to index
          %parallel_loop3A_1777 = arith.index_cast %parallel_loop3A_1752 : i32 to index
          %parallel_loop3A_1778 = arith.constant 0 : index
          %parallel_loop3A_1779 = tpu.vector_load %arg8[%parallel_loop3A_1775, %parallel_loop3A_1776, %parallel_loop3A_1777, %parallel_loop3A_1778] {strides = array<i32>} : memref<2x4x128x96xf32, #tpu.memory_space<vmem>>, vector<16xf32>,
          %parallel_loop3A_1780 = vector.broadcast %parallel_loop3A_1761 : f32 to vector<16xf32>
          %parallel_loop3A_1781 = arith.mulf %parallel_loop3A_1780, %parallel_loop3A_1779 : vector<16xf32>
          %parallel_loop3A_1782 = arith.addf %parallel_loop3A_1773, %parallel_loop3A_1781 : vector<16xf32>
          %parallel_loop3A_1783 = arith.constant 2 : i32
          %parallel_loop3A_1784 = arith.index_cast %select_n3A_1683 : i32 to index
          %parallel_loop3A_1785 = arith.index_cast %parallel_loop3A_1783 : i32 to index
          %parallel_loop3A_1786 = arith.index_cast %parallel_loop3A_1752 : i32 to index
          %parallel_loop3A_1787 = arith.constant 0 : index
          %parallel_loop3A_1788 = tpu.vector_load %arg8[%parallel_loop3A_1784, %parallel_loop3A_1785, %parallel_loop3A_1786, %parallel_loop3A_1787] {strides = array<i32>} : memref<2x4x128x96xf32, #tpu.memory_space<vmem>>, vector<16xf32>,
          %parallel_loop3A_1789 = vector.broadcast %parallel_loop3A_1763 : f32 to vector<16xf32>
          %parallel_loop3A_1790 = arith.mulf %parallel_loop3A_1789, %parallel_loop3A_1788 : vector<16xf32>
          %parallel_loop3A_1791 = arith.addf %parallel_loop3A_1782, %parallel_loop3A_1790 : vector<16xf32>
          %parallel_loop3A_1792 = arith.constant 3 : i32
          %parallel_loop3A_1793 = arith.index_cast %select_n3A_1683 : i32 to index
          %parallel_loop3A_1794 = arith.index_cast %parallel_loop3A_1792 : i32 to index
          %parallel_loop3A_1795 = arith.index_cast %parallel_loop3A_1752 : i32 to index
          %parallel_loop3A_1796 = arith.constant 0 : index
          %parallel_loop3A_1797 = tpu.vector_load %arg8[%parallel_loop3A_1793, %parallel_loop3A_1794, %parallel_loop3A_1795, %parallel_loop3A_1796] {strides = array<i32>} : memref<2x4x128x96xf32, #tpu.memory_space<vmem>>, vector<16xf32>,
          %parallel_loop3A_1798 = vector.broadcast %parallel_loop3A_1765 : f32 to vector<16xf32>
          %parallel_loop3A_1799 = arith.mulf %parallel_loop3A_1798, %parallel_loop3A_1797 : vector<16xf32>
          %parallel_loop3A_1800 = arith.addf %parallel_loop3A_1791, %parallel_loop3A_1799 : vector<16xf32>
          %parallel_loop3A_1801 = arith.index_cast %select_n3A_1683 : i32 to index
          %parallel_loop3A_1802 = arith.index_cast %parallel_loop3A_1752 : i32 to index
          %parallel_loop3A_1803 = arith.constant 0 : index
          %parallel_loop3A_1804 = tpu.vector_load %arg9[%parallel_loop3A_1801, %parallel_loop3A_1802, %parallel_loop3A_1803] {strides = array<i32>} : memref<2x128x96xf32, #tpu.memory_space<vmem>>, vector<16xf32>,
          tpu.vector_store %arg9[%parallel_loop3A_1801, %parallel_loop3A_1802, %parallel_loop3A_1803], %parallel_loop3A_1800 {strides = array<i32>} : memref<2x128x96xf32, #tpu.memory_space<vmem>>, vector<16xf32>,
          %parallel_loop3A_1805 = arith.constant 0 : i32
          %parallel_loop3A_1806 = arith.index_cast %select_n3A_1683 : i32 to index
          %parallel_loop3A_1807 = arith.index_cast %parallel_loop3A_1805 : i32 to index
          %parallel_loop3A_1808 = arith.index_cast %parallel_loop3A_1752 : i32 to index
          %parallel_loop3A_1809 = arith.constant 16 : index
          %parallel_loop3A_1810 = tpu.vector_load %arg8[%parallel_loop3A_1806, %parallel_loop3A_1807, %parallel_loop3A_1808, %parallel_loop3A_1809] {strides = array<i32>} : memref<2x4x128x96xf32, #tpu.memory_space<vmem>>, vector<16xf32>,
          %parallel_loop3A_1811 = vector.broadcast %parallel_loop3A_1759 : f32 to vector<16xf32>
          %parallel_loop3A_1812 = arith.mulf %parallel_loop3A_1811, %parallel_loop3A_1810 : vector<16xf32>
          %parallel_loop3A_1813 = arith.constant 1 : i32
          %parallel_loop3A_1814 = arith.index_cast %select_n3A_1683 : i32 to index
          %parallel_loop3A_1815 = arith.index_cast %parallel_loop3A_1813 : i32 to index
          %parallel_loop3A_1816 = arith.index_cast %parallel_loop3A_1752 : i32 to index
          %parallel_loop3A_1817 = arith.constant 16 : index
          %parallel_loop3A_1818 = tpu.vector_load %arg8[%parallel_loop3A_1814, %parallel_loop3A_1815, %parallel_loop3A_1816, %parallel_loop3A_1817] {strides = array<i32>} : memref<2x4x128x96xf32, #tpu.memory_space<vmem>>, vector<16xf32>,
          %parallel_loop3A_1819 = vector.broadcast %parallel_loop3A_1761 : f32 to vector<16xf32>
          %parallel_loop3A_1820 = arith.mulf %parallel_loop3A_1819, %parallel_loop3A_1818 : vector<16xf32>
          %parallel_loop3A_1821 = arith.addf %parallel_loop3A_1812, %parallel_loop3A_1820 : vector<16xf32>
          %parallel_loop3A_1822 = arith.constant 2 : i32
          %parallel_loop3A_1823 = arith.index_cast %select_n3A_1683 : i32 to index
          %parallel_loop3A_1824 = arith.index_cast %parallel_loop3A_1822 : i32 to index
          %parallel_loop3A_1825 = arith.index_cast %parallel_loop3A_1752 : i32 to index
          %parallel_loop3A_1826 = arith.constant 16 : index
          %parallel_loop3A_1827 = tpu.vector_load %arg8[%parallel_loop3A_1823, %parallel_loop3A_1824, %parallel_loop3A_1825, %parallel_loop3A_1826] {strides = array<i32>} : memref<2x4x128x96xf32, #tpu.memory_space<vmem>>, vector<16xf32>,
          %parallel_loop3A_1828 = vector.broadcast %parallel_loop3A_1763 : f32 to vector<16xf32>
          %parallel_loop3A_1829 = arith.mulf %parallel_loop3A_1828, %parallel_loop3A_1827 : vector<16xf32>
          %parallel_loop3A_1830 = arith.addf %parallel_loop3A_1821, %parallel_loop3A_1829 : vector<16xf32>
          %parallel_loop3A_1831 = arith.constant 3 : i32
          %parallel_loop3A_1832 = arith.index_cast %select_n3A_1683 : i32 to index
          %parallel_loop3A_1833 = arith.index_cast %parallel_loop3A_1831 : i32 to index
          %parallel_loop3A_1834 = arith.index_cast %parallel_loop3A_1752 : i32 to index
          %parallel_loop3A_1835 = arith.constant 16 : index
          %parallel_loop3A_1836 = tpu.vector_load %arg8[%parallel_loop3A_1832, %parallel_loop3A_1833, %parallel_loop3A_1834, %parallel_loop3A_1835] {strides = array<i32>} : memref<2x4x128x96xf32, #tpu.memory_space<vmem>>, vector<16xf32>,
          %parallel_loop3A_1837 = vector.broadcast %parallel_loop3A_1765 : f32 to vector<16xf32>
          %parallel_loop3A_1838 = arith.mulf %parallel_loop3A_1837, %parallel_loop3A_1836 : vector<16xf32>
          %parallel_loop3A_1839 = arith.addf %parallel_loop3A_1830, %parallel_loop3A_1838 : vector<16xf32>
          %parallel_loop3A_1840 = arith.index_cast %select_n3A_1683 : i32 to index
          %parallel_loop3A_1841 = arith.index_cast %parallel_loop3A_1752 : i32 to index
          %parallel_loop3A_1842 = arith.constant 16 : index
          %parallel_loop3A_1843 = tpu.vector_load %arg9[%parallel_loop3A_1840, %parallel_loop3A_1841, %parallel_loop3A_1842] {strides = array<i32>} : memref<2x128x96xf32, #tpu.memory_space<vmem>>, vector<16xf32>,
          tpu.vector_store %arg9[%parallel_loop3A_1840, %parallel_loop3A_1841, %parallel_loop3A_1842], %parallel_loop3A_1839 {strides = array<i32>} : memref<2x128x96xf32, #tpu.memory_space<vmem>>, vector<16xf32>,
          %parallel_loop3A_1844 = arith.constant 0 : i32
          %parallel_loop3A_1845 = arith.index_cast %select_n3A_1683 : i32 to index
          %parallel_loop3A_1846 = arith.index_cast %parallel_loop3A_1844 : i32 to index
          %parallel_loop3A_1847 = arith.index_cast %parallel_loop3A_1752 : i32 to index
          %parallel_loop3A_1848 = arith.constant 32 : index
          %parallel_loop3A_1849 = tpu.vector_load %arg8[%parallel_loop3A_1845, %parallel_loop3A_1846, %parallel_loop3A_1847, %parallel_loop3A_1848] {strides = array<i32>} : memref<2x4x128x96xf32, #tpu.memory_space<vmem>>, vector<16xf32>,
          %parallel_loop3A_1850 = vector.broadcast %parallel_loop3A_1759 : f32 to vector<16xf32>
          %parallel_loop3A_1851 = arith.mulf %parallel_loop3A_1850, %parallel_loop3A_1849 : vector<16xf32>
          %parallel_loop3A_1852 = arith.constant 1 : i32
          %parallel_loop3A_1853 = arith.index_cast %select_n3A_1683 : i32 to index
          %parallel_loop3A_1854 = arith.index_cast %parallel_loop3A_1852 : i32 to index
          %parallel_loop3A_1855 = arith.index_cast %parallel_loop3A_1752 : i32 to index
          %parallel_loop3A_1856 = arith.constant 32 : index
          %parallel_loop3A_1857 = tpu.vector_load %arg8[%parallel_loop3A_1853, %parallel_loop3A_1854, %parallel_loop3A_1855, %parallel_loop3A_1856] {strides = array<i32>} : memref<2x4x128x96xf32, #tpu.memory_space<vmem>>, vector<16xf32>,
          %parallel_loop3A_1858 = vector.broadcast %parallel_loop3A_1761 : f32 to vector<16xf32>
          %parallel_loop3A_1859 = arith.mulf %parallel_loop3A_1858, %parallel_loop3A_1857 : vector<16xf32>
          %parallel_loop3A_1860 = arith.addf %parallel_loop3A_1851, %parallel_loop3A_1859 : vector<16xf32>
          %parallel_loop3A_1861 = arith.constant 2 : i32
          %parallel_loop3A_1862 = arith.index_cast %select_n3A_1683 : i32 to index
          %parallel_loop3A_1863 = arith.index_cast %parallel_loop3A_1861 : i32 to index
          %parallel_loop3A_1864 = arith.index_cast %parallel_loop3A_1752 : i32 to index
          %parallel_loop3A_1865 = arith.constant 32 : index
          %parallel_loop3A_1866 = tpu.vector_load %arg8[%parallel_loop3A_1862, %parallel_loop3A_1863, %parallel_loop3A_1864, %parallel_loop3A_1865] {strides = array<i32>} : memref<2x4x128x96xf32, #tpu.memory_space<vmem>>, vector<16xf32>,
          %parallel_loop3A_1867 = vector.broadcast %parallel_loop3A_1763 : f32 to vector<16xf32>
          %parallel_loop3A_1868 = arith.mulf %parallel_loop3A_1867, %parallel_loop3A_1866 : vector<16xf32>
          %parallel_loop3A_1869 = arith.addf %parallel_loop3A_1860, %parallel_loop3A_1868 : vector<16xf32>
          %parallel_loop3A_1870 = arith.constant 3 : i32
          %parallel_loop3A_1871 = arith.index_cast %select_n3A_1683 : i32 to index
          %parallel_loop3A_1872 = arith.index_cast %parallel_loop3A_1870 : i32 to index
          %parallel_loop3A_1873 = arith.index_cast %parallel_loop3A_1752 : i32 to index
          %parallel_loop3A_1874 = arith.constant 32 : index
          %parallel_loop3A_1875 = tpu.vector_load %arg8[%parallel_loop3A_1871, %parallel_loop3A_1872, %parallel_loop3A_1873, %parallel_loop3A_1874] {strides = array<i32>} : memref<2x4x128x96xf32, #tpu.memory_space<vmem>>, vector<16xf32>,
          %parallel_loop3A_1876 = vector.broadcast %parallel_loop3A_1765 : f32 to vector<16xf32>
          %parallel_loop3A_1877 = arith.mulf %parallel_loop3A_1876, %parallel_loop3A_1875 : vector<16xf32>
          %parallel_loop3A_1878 = arith.addf %parallel_loop3A_1869, %parallel_loop3A_1877 : vector<16xf32>
          %parallel_loop3A_1879 = arith.index_cast %select_n3A_1683 : i32 to index
          %parallel_loop3A_1880 = arith.index_cast %parallel_loop3A_1752 : i32 to index
          %parallel_loop3A_1881 = arith.constant 32 : index
          %parallel_loop3A_1882 = tpu.vector_load %arg9[%parallel_loop3A_1879, %parallel_loop3A_1880, %parallel_loop3A_1881] {strides = array<i32>} : memref<2x128x96xf32, #tpu.memory_space<vmem>>, vector<16xf32>,
          tpu.vector_store %arg9[%parallel_loop3A_1879, %parallel_loop3A_1880, %parallel_loop3A_1881], %parallel_loop3A_1878 {strides = array<i32>} : memref<2x128x96xf32, #tpu.memory_space<vmem>>, vector<16xf32>,
          %parallel_loop3A_1883 = arith.constant 0 : i32
          %parallel_loop3A_1884 = arith.index_cast %select_n3A_1683 : i32 to index
          %parallel_loop3A_1885 = arith.index_cast %parallel_loop3A_1883 : i32 to index
          %parallel_loop3A_1886 = arith.index_cast %parallel_loop3A_1752 : i32 to index
          %parallel_loop3A_1887 = arith.constant 48 : index
          %parallel_loop3A_1888 = tpu.vector_load %arg8[%parallel_loop3A_1884, %parallel_loop3A_1885, %parallel_loop3A_1886, %parallel_loop3A_1887] {strides = array<i32>} : memref<2x4x128x96xf32, #tpu.memory_space<vmem>>, vector<16xf32>,
          %parallel_loop3A_1889 = vector.broadcast %parallel_loop3A_1759 : f32 to vector<16xf32>
          %parallel_loop3A_1890 = arith.mulf %parallel_loop3A_1889, %parallel_loop3A_1888 : vector<16xf32>
          %parallel_loop3A_1891 = arith.constant 1 : i32
          %parallel_loop3A_1892 = arith.index_cast %select_n3A_1683 : i32 to index
          %parallel_loop3A_1893 = arith.index_cast %parallel_loop3A_1891 : i32 to index
          %parallel_loop3A_1894 = arith.index_cast %parallel_loop3A_1752 : i32 to index
          %parallel_loop3A_1895 = arith.constant 48 : index
          %parallel_loop3A_1896 = tpu.vector_load %arg8[%parallel_loop3A_1892, %parallel_loop3A_1893, %parallel_loop3A_1894, %parallel_loop3A_1895] {strides = array<i32>} : memref<2x4x128x96xf32, #tpu.memory_space<vmem>>, vector<16xf32>,
          %parallel_loop3A_1897 = vector.broadcast %parallel_loop3A_1761 : f32 to vector<16xf32>
          %parallel_loop3A_1898 = arith.mulf %parallel_loop3A_1897, %parallel_loop3A_1896 : vector<16xf32>
          %parallel_loop3A_1899 = arith.addf %parallel_loop3A_1890, %parallel_loop3A_1898 : vector<16xf32>
          %parallel_loop3A_1900 = arith.constant 2 : i32
          %parallel_loop3A_1901 = arith.index_cast %select_n3A_1683 : i32 to index
          %parallel_loop3A_1902 = arith.index_cast %parallel_loop3A_1900 : i32 to index
          %parallel_loop3A_1903 = arith.index_cast %parallel_loop3A_1752 : i32 to index
          %parallel_loop3A_1904 = arith.constant 48 : index
          %parallel_loop3A_1905 = tpu.vector_load %arg8[%parallel_loop3A_1901, %parallel_loop3A_1902, %parallel_loop3A_1903, %parallel_loop3A_1904] {strides = array<i32>} : memref<2x4x128x96xf32, #tpu.memory_space<vmem>>, vector<16xf32>,
          %parallel_loop3A_1906 = vector.broadcast %parallel_loop3A_1763 : f32 to vector<16xf32>
          %parallel_loop3A_1907 = arith.mulf %parallel_loop3A_1906, %parallel_loop3A_1905 : vector<16xf32>
          %parallel_loop3A_1908 = arith.addf %parallel_loop3A_1899, %parallel_loop3A_1907 : vector<16xf32>
          %parallel_loop3A_1909 = arith.constant 3 : i32
          %parallel_loop3A_1910 = arith.index_cast %select_n3A_1683 : i32 to index
          %parallel_loop3A_1911 = arith.index_cast %parallel_loop3A_1909 : i32 to index
          %parallel_loop3A_1912 = arith.index_cast %parallel_loop3A_1752 : i32 to index
          %parallel_loop3A_1913 = arith.constant 48 : index
          %parallel_loop3A_1914 = tpu.vector_load %arg8[%parallel_loop3A_1910, %parallel_loop3A_1911, %parallel_loop3A_1912, %parallel_loop3A_1913] {strides = array<i32>} : memref<2x4x128x96xf32, #tpu.memory_space<vmem>>, vector<16xf32>,
          %parallel_loop3A_1915 = vector.broadcast %parallel_loop3A_1765 : f32 to vector<16xf32>
          %parallel_loop3A_1916 = arith.mulf %parallel_loop3A_1915, %parallel_loop3A_1914 : vector<16xf32>
          %parallel_loop3A_1917 = arith.addf %parallel_loop3A_1908, %parallel_loop3A_1916 : vector<16xf32>
          %parallel_loop3A_1918 = arith.index_cast %select_n3A_1683 : i32 to index
          %parallel_loop3A_1919 = arith.index_cast %parallel_loop3A_1752 : i32 to index
          %parallel_loop3A_1920 = arith.constant 48 : index
          %parallel_loop3A_1921 = tpu.vector_load %arg9[%parallel_loop3A_1918, %parallel_loop3A_1919, %parallel_loop3A_1920] {strides = array<i32>} : memref<2x128x96xf32, #tpu.memory_space<vmem>>, vector<16xf32>,
          tpu.vector_store %arg9[%parallel_loop3A_1918, %parallel_loop3A_1919, %parallel_loop3A_1920], %parallel_loop3A_1917 {strides = array<i32>} : memref<2x128x96xf32, #tpu.memory_space<vmem>>, vector<16xf32>,
          %parallel_loop3A_1922 = arith.constant 0 : i32
          %parallel_loop3A_1923 = arith.index_cast %select_n3A_1683 : i32 to index
          %parallel_loop3A_1924 = arith.index_cast %parallel_loop3A_1922 : i32 to index
          %parallel_loop3A_1925 = arith.index_cast %parallel_loop3A_1752 : i32 to index
          %parallel_loop3A_1926 = arith.constant 64 : index
          %parallel_loop3A_1927 = tpu.vector_load %arg8[%parallel_loop3A_1923, %parallel_loop3A_1924, %parallel_loop3A_1925, %parallel_loop3A_1926] {strides = array<i32>} : memref<2x4x128x96xf32, #tpu.memory_space<vmem>>, vector<16xf32>,
          %parallel_loop3A_1928 = vector.broadcast %parallel_loop3A_1759 : f32 to vector<16xf32>
          %parallel_loop3A_1929 = arith.mulf %parallel_loop3A_1928, %parallel_loop3A_1927 : vector<16xf32>
          %parallel_loop3A_1930 = arith.constant 1 : i32
          %parallel_loop3A_1931 = arith.index_cast %select_n3A_1683 : i32 to index
          %parallel_loop3A_1932 = arith.index_cast %parallel_loop3A_1930 : i32 to index
          %parallel_loop3A_1933 = arith.index_cast %parallel_loop3A_1752 : i32 to index
          %parallel_loop3A_1934 = arith.constant 64 : index
          %parallel_loop3A_1935 = tpu.vector_load %arg8[%parallel_loop3A_1931, %parallel_loop3A_1932, %parallel_loop3A_1933, %parallel_loop3A_1934] {strides = array<i32>} : memref<2x4x128x96xf32, #tpu.memory_space<vmem>>, vector<16xf32>,
          %parallel_loop3A_1936 = vector.broadcast %parallel_loop3A_1761 : f32 to vector<16xf32>
          %parallel_loop3A_1937 = arith.mulf %parallel_loop3A_1936, %parallel_loop3A_1935 : vector<16xf32>
          %parallel_loop3A_1938 = arith.addf %parallel_loop3A_1929, %parallel_loop3A_1937 : vector<16xf32>
          %parallel_loop3A_1939 = arith.constant 2 : i32
          %parallel_loop3A_1940 = arith.index_cast %select_n3A_1683 : i32 to index
          %parallel_loop3A_1941 = arith.index_cast %parallel_loop3A_1939 : i32 to index
          %parallel_loop3A_1942 = arith.index_cast %parallel_loop3A_1752 : i32 to index
          %parallel_loop3A_1943 = arith.constant 64 : index
          %parallel_loop3A_1944 = tpu.vector_load %arg8[%parallel_loop3A_1940, %parallel_loop3A_1941, %parallel_loop3A_1942, %parallel_loop3A_1943] {strides = array<i32>} : memref<2x4x128x96xf32, #tpu.memory_space<vmem>>, vector<16xf32>,
          %parallel_loop3A_1945 = vector.broadcast %parallel_loop3A_1763 : f32 to vector<16xf32>
          %parallel_loop3A_1946 = arith.mulf %parallel_loop3A_1945, %parallel_loop3A_1944 : vector<16xf32>
          %parallel_loop3A_1947 = arith.addf %parallel_loop3A_1938, %parallel_loop3A_1946 : vector<16xf32>
          %parallel_loop3A_1948 = arith.constant 3 : i32
          %parallel_loop3A_1949 = arith.index_cast %select_n3A_1683 : i32 to index
          %parallel_loop3A_1950 = arith.index_cast %parallel_loop3A_1948 : i32 to index
          %parallel_loop3A_1951 = arith.index_cast %parallel_loop3A_1752 : i32 to index
          %parallel_loop3A_1952 = arith.constant 64 : index
          %parallel_loop3A_1953 = tpu.vector_load %arg8[%parallel_loop3A_1949, %parallel_loop3A_1950, %parallel_loop3A_1951, %parallel_loop3A_1952] {strides = array<i32>} : memref<2x4x128x96xf32, #tpu.memory_space<vmem>>, vector<16xf32>,
          %parallel_loop3A_1954 = vector.broadcast %parallel_loop3A_1765 : f32 to vector<16xf32>
          %parallel_loop3A_1955 = arith.mulf %parallel_loop3A_1954, %parallel_loop3A_1953 : vector<16xf32>
          %parallel_loop3A_1956 = arith.addf %parallel_loop3A_1947, %parallel_loop3A_1955 : vector<16xf32>
          %parallel_loop3A_1957 = arith.index_cast %select_n3A_1683 : i32 to index
          %parallel_loop3A_1958 = arith.index_cast %parallel_loop3A_1752 : i32 to index
          %parallel_loop3A_1959 = arith.constant 64 : index
          %parallel_loop3A_1960 = tpu.vector_load %arg9[%parallel_loop3A_1957, %parallel_loop3A_1958, %parallel_loop3A_1959] {strides = array<i32>} : memref<2x128x96xf32, #tpu.memory_space<vmem>>, vector<16xf32>,
          tpu.vector_store %arg9[%parallel_loop3A_1957, %parallel_loop3A_1958, %parallel_loop3A_1959], %parallel_loop3A_1956 {strides = array<i32>} : memref<2x128x96xf32, #tpu.memory_space<vmem>>, vector<16xf32>,
          %parallel_loop3A_1961 = arith.constant 0 : i32
          %parallel_loop3A_1962 = arith.index_cast %select_n3A_1683 : i32 to index
          %parallel_loop3A_1963 = arith.index_cast %parallel_loop3A_1961 : i32 to index
          %parallel_loop3A_1964 = arith.index_cast %parallel_loop3A_1752 : i32 to index
          %parallel_loop3A_1965 = arith.constant 80 : index
          %parallel_loop3A_1966 = tpu.vector_load %arg8[%parallel_loop3A_1962, %parallel_loop3A_1963, %parallel_loop3A_1964, %parallel_loop3A_1965] {strides = array<i32>} : memref<2x4x128x96xf32, #tpu.memory_space<vmem>>, vector<16xf32>,
          %parallel_loop3A_1967 = vector.broadcast %parallel_loop3A_1759 : f32 to vector<16xf32>
          %parallel_loop3A_1968 = arith.mulf %parallel_loop3A_1967, %parallel_loop3A_1966 : vector<16xf32>
          %parallel_loop3A_1969 = arith.constant 1 : i32
          %parallel_loop3A_1970 = arith.index_cast %select_n3A_1683 : i32 to index
          %parallel_loop3A_1971 = arith.index_cast %parallel_loop3A_1969 : i32 to index
          %parallel_loop3A_1972 = arith.index_cast %parallel_loop3A_1752 : i32 to index
          %parallel_loop3A_1973 = arith.constant 80 : index
          %parallel_loop3A_1974 = tpu.vector_load %arg8[%parallel_loop3A_1970, %parallel_loop3A_1971, %parallel_loop3A_1972, %parallel_loop3A_1973] {strides = array<i32>} : memref<2x4x128x96xf32, #tpu.memory_space<vmem>>, vector<16xf32>,
          %parallel_loop3A_1975 = vector.broadcast %parallel_loop3A_1761 : f32 to vector<16xf32>
          %parallel_loop3A_1976 = arith.mulf %parallel_loop3A_1975, %parallel_loop3A_1974 : vector<16xf32>
          %parallel_loop3A_1977 = arith.addf %parallel_loop3A_1968, %parallel_loop3A_1976 : vector<16xf32>
          %parallel_loop3A_1978 = arith.constant 2 : i32
          %parallel_loop3A_1979 = arith.index_cast %select_n3A_1683 : i32 to index
          %parallel_loop3A_1980 = arith.index_cast %parallel_loop3A_1978 : i32 to index
          %parallel_loop3A_1981 = arith.index_cast %parallel_loop3A_1752 : i32 to index
          %parallel_loop3A_1982 = arith.constant 80 : index
          %parallel_loop3A_1983 = tpu.vector_load %arg8[%parallel_loop3A_1979, %parallel_loop3A_1980, %parallel_loop3A_1981, %parallel_loop3A_1982] {strides = array<i32>} : memref<2x4x128x96xf32, #tpu.memory_space<vmem>>, vector<16xf32>,
          %parallel_loop3A_1984 = vector.broadcast %parallel_loop3A_1763 : f32 to vector<16xf32>
          %parallel_loop3A_1985 = arith.mulf %parallel_loop3A_1984, %parallel_loop3A_1983 : vector<16xf32>
          %parallel_loop3A_1986 = arith.addf %parallel_loop3A_1977, %parallel_loop3A_1985 : vector<16xf32>
          %parallel_loop3A_1987 = arith.constant 3 : i32
          %parallel_loop3A_1988 = arith.index_cast %select_n3A_1683 : i32 to index
          %parallel_loop3A_1989 = arith.index_cast %parallel_loop3A_1987 : i32 to index
          %parallel_loop3A_1990 = arith.index_cast %parallel_loop3A_1752 : i32 to index
          %parallel_loop3A_1991 = arith.constant 80 : index
          %parallel_loop3A_1992 = tpu.vector_load %arg8[%parallel_loop3A_1988, %parallel_loop3A_1989, %parallel_loop3A_1990, %parallel_loop3A_1991] {strides = array<i32>} : memref<2x4x128x96xf32, #tpu.memory_space<vmem>>, vector<16xf32>,
          %parallel_loop3A_1993 = vector.broadcast %parallel_loop3A_1765 : f32 to vector<16xf32>
          %parallel_loop3A_1994 = arith.mulf %parallel_loop3A_1993, %parallel_loop3A_1992 : vector<16xf32>
          %parallel_loop3A_1995 = arith.addf %parallel_loop3A_1986, %parallel_loop3A_1994 : vector<16xf32>
          %parallel_loop3A_1996 = arith.index_cast %select_n3A_1683 : i32 to index
          %parallel_loop3A_1997 = arith.index_cast %parallel_loop3A_1752 : i32 to index
          %parallel_loop3A_1998 = arith.constant 80 : index
          %parallel_loop3A_1999 = tpu.vector_load %arg9[%parallel_loop3A_1996, %parallel_loop3A_1997, %parallel_loop3A_1998] {strides = array<i32>} : memref<2x128x96xf32, #tpu.memory_space<vmem>>, vector<16xf32>,
          tpu.vector_store %arg9[%parallel_loop3A_1996, %parallel_loop3A_1997, %parallel_loop3A_1998], %parallel_loop3A_1995 {strides = array<i32>} : memref<2x128x96xf32, #tpu.memory_space<vmem>>, vector<16xf32>,
        } {sc.loop_unroll_factor = 4 : i64, sc.parallel_access}
        %dma_start3A_1740 = arith.constant 0 : i32
        %dma_start3A_1741 = arith.constant 0 : i32
        %dma_start3A_1742 = tpu.memref_slice %arg9[%select_n3A_1683, %dma_start3A_1740, %dma_start3A_1741] : memref<2x128x96xf32, #tpu.memory_space<vmem>> -> memref<1x128x96xf32, #tpu.memory_space<vmem>>
        %dma_start3A_1743 = tpu.memref_squeeze %dma_start3A_1742 : memref<1x128x96xf32, #tpu.memory_space<vmem>> -> memref<128x96xf32, #tpu.memory_space<vmem>>
        %dma_start3A_1744 = arith.constant 0 : i32
        %dma_start3A_1745 = tpu.memref_slice %arg4[%add3A_1731, %dma_start3A_1744] : memref<589824x96xf32, #tpu.memory_space<hbm>> -> memref<128x96xf32, #tpu.memory_space<hbm>>
        %dma_start3A_1746 = arith.constant 0 : i32
        %dma_start3A_1747 = tpu.memref_slice %arg4[%add3A_1731, %dma_start3A_1746] : memref<589824x96xf32, #tpu.memory_space<hbm>> -> memref<128x96xf32, #tpu.memory_space<hbm>>
        %dma_start3A_1748 = arith.constant 0 : i32
        %dma_start3A_1749 = arith.constant 0 : i32
        %dma_start3A_1750 = tpu.memref_slice %arg9[%select_n3A_1683, %dma_start3A_1748, %dma_start3A_1749] : memref<2x128x96xf32, #tpu.memory_space<vmem>> -> memref<1x128x96xf32, #tpu.memory_space<vmem>>
        %dma_start3A_1751 = tpu.memref_squeeze %dma_start3A_1750 : memref<1x128x96xf32, #tpu.memory_space<vmem>> -> memref<128x96xf32, #tpu.memory_space<vmem>>
        tpu.enqueue_dma source(%dma_start3A_1751 : memref<128x96xf32, #tpu.memory_space<vmem>>) target(%dma_start3A_1747 : memref<128x96xf32, #tpu.memory_space<hbm>>) target_semaphore(%arg11 : memref<!tpu.dma_semaphore, #tpu.memory_space<semaphore_mem>>)
      } else {
      }
    }
    %scan3A_54 = arith.constant 144 : i32
    %dma_wait3A = arith.constant 1 : i32
    %dma_wait3A_55 = arith.constant 0 : i32
    %dma_wait3A_56 = arith.constant 1 : i32
    %dma_wait3A_57 = arith.constant 0 : i32
    %dma_wait3A_58 = arith.constant 0 : i32
    %dma_wait3A_59 = arith.constant 0 : i32
    %dma_wait3A_60 = tpu.memref_slice %arg8[%dma_wait3A_56, %dma_wait3A_57, %dma_wait3A_58, %dma_wait3A_59] : memref<2x4x128x96xf32, #tpu.memory_space<vmem>> -> memref<1x1x128x96xf32, #tpu.memory_space<vmem>>
    %dma_wait3A_61 = tpu.memref_squeeze %dma_wait3A_60 : memref<1x1x128x96xf32, #tpu.memory_space<vmem>> -> memref<128x96xf32, #tpu.memory_space<vmem>>
    %dma_wait3A_62 = arith.constant 0 : i32
    %dma_wait3A_63 = tpu.memref_slice %arg6[%dma_wait3A, %dma_wait3A_55, %dma_wait3A_62] : memref<2x4x128xi32, #tpu.memory_space<vmem>> -> memref<1x1x128xi32, #tpu.memory_space<vmem>>
    %dma_wait3A_64 = tpu.memref_squeeze %dma_wait3A_63 : memref<1x1x128xi32, #tpu.memory_space<vmem>> -> memref<128xi32, #tpu.memory_space<vmem>>
    %dma_wait3A_65 = arith.constant 0 : i32
    %dma_wait3A_66 = arith.constant 0 : i32
    %dma_wait3A_67 = tpu.memref_slice %arg2[%dma_wait3A_65, %dma_wait3A_66] : memref<589824x96xf32, #tpu.memory_space<hbm>> -> memref<589824x96xf32, #tpu.memory_space<hbm>>
    tpu.wait_indirect_dma semaphore(%arg10 : memref<!tpu.dma_semaphore, #tpu.memory_space<semaphore_mem>>) src(%dma_wait3A_67 : memref<589824x96xf32, #tpu.memory_space<hbm>>) dst(%dma_wait3A_61 : memref<128x96xf32, #tpu.memory_space<vmem>>)
    %dma_wait3A_68 = arith.constant 1 : i32
    %dma_wait3A_69 = arith.constant 1 : i32
    %dma_wait3A_70 = arith.constant 1 : i32
    %dma_wait3A_71 = arith.constant 1 : i32
    %dma_wait3A_72 = arith.constant 0 : i32
    %dma_wait3A_73 = arith.constant 0 : i32
    %dma_wait3A_74 = tpu.memref_slice %arg8[%dma_wait3A_70, %dma_wait3A_71, %dma_wait3A_72, %dma_wait3A_73] : memref<2x4x128x96xf32, #tpu.memory_space<vmem>> -> memref<1x1x128x96xf32, #tpu.memory_space<vmem>>
    %dma_wait3A_75 = tpu.memref_squeeze %dma_wait3A_74 : memref<1x1x128x96xf32, #tpu.memory_space<vmem>> -> memref<128x96xf32, #tpu.memory_space<vmem>>
    %dma_wait3A_76 = arith.constant 0 : i32
    %dma_wait3A_77 = tpu.memref_slice %arg6[%dma_wait3A_68, %dma_wait3A_69, %dma_wait3A_76] : memref<2x4x128xi32, #tpu.memory_space<vmem>> -> memref<1x1x128xi32, #tpu.memory_space<vmem>>
    %dma_wait3A_78 = tpu.memref_squeeze %dma_wait3A_77 : memref<1x1x128xi32, #tpu.memory_space<vmem>> -> memref<128xi32, #tpu.memory_space<vmem>>
    %dma_wait3A_79 = arith.constant 0 : i32
    %dma_wait3A_80 = arith.constant 0 : i32
    %dma_wait3A_81 = tpu.memref_slice %arg2[%dma_wait3A_79, %dma_wait3A_80] : memref<589824x96xf32, #tpu.memory_space<hbm>> -> memref<589824x96xf32, #tpu.memory_space<hbm>>
    tpu.wait_indirect_dma semaphore(%arg10 : memref<!tpu.dma_semaphore, #tpu.memory_space<semaphore_mem>>) src(%dma_wait3A_81 : memref<589824x96xf32, #tpu.memory_space<hbm>>) dst(%dma_wait3A_75 : memref<128x96xf32, #tpu.memory_space<vmem>>)
    %dma_wait3A_82 = arith.constant 1 : i32
    %dma_wait3A_83 = arith.constant 2 : i32
    %dma_wait3A_84 = arith.constant 1 : i32
    %dma_wait3A_85 = arith.constant 2 : i32
    %dma_wait3A_86 = arith.constant 0 : i32
    %dma_wait3A_87 = arith.constant 0 : i32
    %dma_wait3A_88 = tpu.memref_slice %arg8[%dma_wait3A_84, %dma_wait3A_85, %dma_wait3A_86, %dma_wait3A_87] : memref<2x4x128x96xf32, #tpu.memory_space<vmem>> -> memref<1x1x128x96xf32, #tpu.memory_space<vmem>>
    %dma_wait3A_89 = tpu.memref_squeeze %dma_wait3A_88 : memref<1x1x128x96xf32, #tpu.memory_space<vmem>> -> memref<128x96xf32, #tpu.memory_space<vmem>>
    %dma_wait3A_90 = arith.constant 0 : i32
    %dma_wait3A_91 = tpu.memref_slice %arg6[%dma_wait3A_82, %dma_wait3A_83, %dma_wait3A_90] : memref<2x4x128xi32, #tpu.memory_space<vmem>> -> memref<1x1x128xi32, #tpu.memory_space<vmem>>
    %dma_wait3A_92 = tpu.memref_squeeze %dma_wait3A_91 : memref<1x1x128xi32, #tpu.memory_space<vmem>> -> memref<128xi32, #tpu.memory_space<vmem>>
    %dma_wait3A_93 = arith.constant 0 : i32
    %dma_wait3A_94 = arith.constant 0 : i32
    %dma_wait3A_95 = tpu.memref_slice %arg2[%dma_wait3A_93, %dma_wait3A_94] : memref<589824x96xf32, #tpu.memory_space<hbm>> -> memref<589824x96xf32, #tpu.memory_space<hbm>>
    tpu.wait_indirect_dma semaphore(%arg10 : memref<!tpu.dma_semaphore, #tpu.memory_space<semaphore_mem>>) src(%dma_wait3A_95 : memref<589824x96xf32, #tpu.memory_space<hbm>>) dst(%dma_wait3A_89 : memref<128x96xf32, #tpu.memory_space<vmem>>)
    %dma_wait3A_96 = arith.constant 1 : i32
    %dma_wait3A_97 = arith.constant 3 : i32
    %dma_wait3A_98 = arith.constant 1 : i32
    %dma_wait3A_99 = arith.constant 3 : i32
    %dma_wait3A_100 = arith.constant 0 : i32
    %dma_wait3A_101 = arith.constant 0 : i32
    %dma_wait3A_102 = tpu.memref_slice %arg8[%dma_wait3A_98, %dma_wait3A_99, %dma_wait3A_100, %dma_wait3A_101] : memref<2x4x128x96xf32, #tpu.memory_space<vmem>> -> memref<1x1x128x96xf32, #tpu.memory_space<vmem>>
    %dma_wait3A_103 = tpu.memref_squeeze %dma_wait3A_102 : memref<1x1x128x96xf32, #tpu.memory_space<vmem>> -> memref<128x96xf32, #tpu.memory_space<vmem>>
    %dma_wait3A_104 = arith.constant 0 : i32
    %dma_wait3A_105 = tpu.memref_slice %arg6[%dma_wait3A_96, %dma_wait3A_97, %dma_wait3A_104] : memref<2x4x128xi32, #tpu.memory_space<vmem>> -> memref<1x1x128xi32, #tpu.memory_space<vmem>>
    %dma_wait3A_106 = tpu.memref_squeeze %dma_wait3A_105 : memref<1x1x128xi32, #tpu.memory_space<vmem>> -> memref<128xi32, #tpu.memory_space<vmem>>
    %dma_wait3A_107 = arith.constant 0 : i32
    %dma_wait3A_108 = arith.constant 0 : i32
    %dma_wait3A_109 = tpu.memref_slice %arg2[%dma_wait3A_107, %dma_wait3A_108] : memref<589824x96xf32, #tpu.memory_space<hbm>> -> memref<589824x96xf32, #tpu.memory_space<hbm>>
    tpu.wait_indirect_dma semaphore(%arg10 : memref<!tpu.dma_semaphore, #tpu.memory_space<semaphore_mem>>) src(%dma_wait3A_109 : memref<589824x96xf32, #tpu.memory_space<hbm>>) dst(%dma_wait3A_103 : memref<128x96xf32, #tpu.memory_space<vmem>>)
    %mul3A_110 = arith.constant 48 : i32
    %mul3A_111 = arith.muli %add3A, %mul3A_110 : i32
    %add3A_112 = arith.constant 47 : i32
    %add3A_113 = arith.addi %mul3A_111, %add3A_112 : i32
    %mul3A_114 = arith.constant 384 : i32
    %mul3A_115 = arith.muli %add3A_113, %mul3A_114 : i32
    %add3A_116 = arith.constant 256 : i32
    %add3A_117 = arith.addi %mul3A_115, %add3A_116 : i32
    %dma_wait3A_118 = arith.constant 0 : i32
    %dma_wait3A_119 = arith.constant 0 : i32
    %dma_wait3A_120 = arith.constant 0 : i32
    %dma_wait3A_121 = tpu.memref_slice %arg9[%dma_wait3A_118, %dma_wait3A_119, %dma_wait3A_120] : memref<2x128x96xf32, #tpu.memory_space<vmem>> -> memref<1x128x96xf32, #tpu.memory_space<vmem>>
    %dma_wait3A_122 = tpu.memref_squeeze %dma_wait3A_121 : memref<1x128x96xf32, #tpu.memory_space<vmem>> -> memref<128x96xf32, #tpu.memory_space<vmem>>
    %dma_wait3A_123 = arith.constant 0 : i32
    %dma_wait3A_124 = arith.constant 0 : i32
    %dma_wait3A_125 = tpu.memref_slice %arg4[%dma_wait3A_123, %dma_wait3A_124] : memref<589824x96xf32, #tpu.memory_space<hbm>> -> memref<128x96xf32, #tpu.memory_space<hbm>>
    %dma_wait3A_126 = arith.constant 0 : i32
    %dma_wait3A_127 = arith.constant 0 : i32
    %dma_wait3A_128 = tpu.memref_slice %arg4[%dma_wait3A_126, %dma_wait3A_127] : memref<589824x96xf32, #tpu.memory_space<hbm>> -> memref<128x96xf32, #tpu.memory_space<hbm>>
    %dma_wait3A_129 = arith.constant 0 : i32
    %dma_wait3A_130 = arith.constant 0 : i32
    %dma_wait3A_131 = tpu.memref_slice %arg9[%dma_wait3A_118, %dma_wait3A_129, %dma_wait3A_130] : memref<2x128x96xf32, #tpu.memory_space<vmem>> -> memref<1x128x96xf32, #tpu.memory_space<vmem>>
    %dma_wait3A_132 = tpu.memref_squeeze %dma_wait3A_131 : memref<1x128x96xf32, #tpu.memory_space<vmem>> -> memref<128x96xf32, #tpu.memory_space<vmem>>
    tpu.wait_dma2 semaphore(%arg11 : memref<!tpu.dma_semaphore, #tpu.memory_space<semaphore_mem>>) src(%dma_wait3A_132 : memref<128x96xf32, #tpu.memory_space<vmem>>) dst(%dma_wait3A_128 : memref<128x96xf32, #tpu.memory_space<hbm>>)
    %parallel_loop3A = arith.constant 0 : i32
    %parallel_loop3A_133 = arith.constant 128 : i32
    %parallel_loop3A_134 = arith.constant 1 : i32
    scf.for %parallel_loop3A_177 = %parallel_loop3A to %parallel_loop3A_133 step %parallel_loop3A_134  : i32 {
      %parallel_loop3A_178 = arith.constant 4 : i32
      %parallel_loop3A_179 = arith.muli %parallel_loop3A_177, %parallel_loop3A_178 : i32
      %parallel_loop3A_180 = arith.constant 1 : i32
      %parallel_loop3A_181 = arith.index_cast %parallel_loop3A_180 : i32 to index
      %parallel_loop3A_182 = arith.index_cast %parallel_loop3A_179 : i32 to index
      %parallel_loop3A_183 = tpu.vector_load %arg7[%parallel_loop3A_181, %parallel_loop3A_182] {strides = array<i32>} : memref<2x528xf32, #tpu.memory_space<vmem>>, vector<16xf32>,
      %parallel_loop3A_184 = vector.extract_strided_slice %parallel_loop3A_183 {offsets = [0], sizes = [1], strides = [1]} : vector<16xf32> to vector<1xf32>
      %parallel_loop3A_185 = vector.extract %parallel_loop3A_184[0] : f32 from vector<1xf32>
      %parallel_loop3A_186 = vector.extract_strided_slice %parallel_loop3A_183 {offsets = [1], sizes = [1], strides = [1]} : vector<16xf32> to vector<1xf32>
      %parallel_loop3A_187 = vector.extract %parallel_loop3A_186[0] : f32 from vector<1xf32>
      %parallel_loop3A_188 = vector.extract_strided_slice %parallel_loop3A_183 {offsets = [2], sizes = [1], strides = [1]} : vector<16xf32> to vector<1xf32>
      %parallel_loop3A_189 = vector.extract %parallel_loop3A_188[0] : f32 from vector<1xf32>
      %parallel_loop3A_190 = vector.extract_strided_slice %parallel_loop3A_183 {offsets = [3], sizes = [1], strides = [1]} : vector<16xf32> to vector<1xf32>
      %parallel_loop3A_191 = vector.extract %parallel_loop3A_190[0] : f32 from vector<1xf32>
      %parallel_loop3A_192 = arith.constant 1 : i32
      %parallel_loop3A_193 = arith.constant 0 : i32
      %parallel_loop3A_194 = arith.index_cast %parallel_loop3A_192 : i32 to index
      %parallel_loop3A_195 = arith.index_cast %parallel_loop3A_193 : i32 to index
      %parallel_loop3A_196 = arith.index_cast %parallel_loop3A_177 : i32 to index
      %parallel_loop3A_197 = arith.constant 0 : index
      %parallel_loop3A_198 = tpu.vector_load %arg8[%parallel_loop3A_194, %parallel_loop3A_195, %parallel_loop3A_196, %parallel_loop3A_197] {strides = array<i32>} : memref<2x4x128x96xf32, #tpu.memory_space<vmem>>, vector<16xf32>,
      %parallel_loop3A_199 = vector.broadcast %parallel_loop3A_185 : f32 to vector<16xf32>
      %parallel_loop3A_200 = arith.mulf %parallel_loop3A_199, %parallel_loop3A_198 : vector<16xf32>
      %parallel_loop3A_201 = arith.constant 1 : i32
      %parallel_loop3A_202 = arith.constant 1 : i32
      %parallel_loop3A_203 = arith.index_cast %parallel_loop3A_201 : i32 to index
      %parallel_loop3A_204 = arith.index_cast %parallel_loop3A_202 : i32 to index
      %parallel_loop3A_205 = arith.index_cast %parallel_loop3A_177 : i32 to index
      %parallel_loop3A_206 = arith.constant 0 : index
      %parallel_loop3A_207 = tpu.vector_load %arg8[%parallel_loop3A_203, %parallel_loop3A_204, %parallel_loop3A_205, %parallel_loop3A_206] {strides = array<i32>} : memref<2x4x128x96xf32, #tpu.memory_space<vmem>>, vector<16xf32>,
      %parallel_loop3A_208 = vector.broadcast %parallel_loop3A_187 : f32 to vector<16xf32>
      %parallel_loop3A_209 = arith.mulf %parallel_loop3A_208, %parallel_loop3A_207 : vector<16xf32>
      %parallel_loop3A_210 = arith.addf %parallel_loop3A_200, %parallel_loop3A_209 : vector<16xf32>
      %parallel_loop3A_211 = arith.constant 1 : i32
      %parallel_loop3A_212 = arith.constant 2 : i32
      %parallel_loop3A_213 = arith.index_cast %parallel_loop3A_211 : i32 to index
      %parallel_loop3A_214 = arith.index_cast %parallel_loop3A_212 : i32 to index
      %parallel_loop3A_215 = arith.index_cast %parallel_loop3A_177 : i32 to index
      %parallel_loop3A_216 = arith.constant 0 : index
      %parallel_loop3A_217 = tpu.vector_load %arg8[%parallel_loop3A_213, %parallel_loop3A_214, %parallel_loop3A_215, %parallel_loop3A_216] {strides = array<i32>} : memref<2x4x128x96xf32, #tpu.memory_space<vmem>>, vector<16xf32>,
      %parallel_loop3A_218 = vector.broadcast %parallel_loop3A_189 : f32 to vector<16xf32>
      %parallel_loop3A_219 = arith.mulf %parallel_loop3A_218, %parallel_loop3A_217 : vector<16xf32>
      %parallel_loop3A_220 = arith.addf %parallel_loop3A_210, %parallel_loop3A_219 : vector<16xf32>
      %parallel_loop3A_221 = arith.constant 1 : i32
      %parallel_loop3A_222 = arith.constant 3 : i32
      %parallel_loop3A_223 = arith.index_cast %parallel_loop3A_221 : i32 to index
      %parallel_loop3A_224 = arith.index_cast %parallel_loop3A_222 : i32 to index
      %parallel_loop3A_225 = arith.index_cast %parallel_loop3A_177 : i32 to index
      %parallel_loop3A_226 = arith.constant 0 : index
      %parallel_loop3A_227 = tpu.vector_load %arg8[%parallel_loop3A_223, %parallel_loop3A_224, %parallel_loop3A_225, %parallel_loop3A_226] {strides = array<i32>} : memref<2x4x128x96xf32, #tpu.memory_space<vmem>>, vector<16xf32>,
      %parallel_loop3A_228 = vector.broadcast %parallel_loop3A_191 : f32 to vector<16xf32>
      %parallel_loop3A_229 = arith.mulf %parallel_loop3A_228, %parallel_loop3A_227 : vector<16xf32>
      %parallel_loop3A_230 = arith.addf %parallel_loop3A_220, %parallel_loop3A_229 : vector<16xf32>
      %parallel_loop3A_231 = arith.constant 1 : i32
      %parallel_loop3A_232 = arith.index_cast %parallel_loop3A_231 : i32 to index
      %parallel_loop3A_233 = arith.index_cast %parallel_loop3A_177 : i32 to index
      %parallel_loop3A_234 = arith.constant 0 : index
      %parallel_loop3A_235 = tpu.vector_load %arg9[%parallel_loop3A_232, %parallel_loop3A_233, %parallel_loop3A_234] {strides = array<i32>} : memref<2x128x96xf32, #tpu.memory_space<vmem>>, vector<16xf32>,
      tpu.vector_store %arg9[%parallel_loop3A_232, %parallel_loop3A_233, %parallel_loop3A_234], %parallel_loop3A_230 {strides = array<i32>} : memref<2x128x96xf32, #tpu.memory_space<vmem>>, vector<16xf32>,
      %parallel_loop3A_236 = arith.constant 1 : i32
      %parallel_loop3A_237 = arith.constant 0 : i32
      %parallel_loop3A_238 = arith.index_cast %parallel_loop3A_236 : i32 to index
      %parallel_loop3A_239 = arith.index_cast %parallel_loop3A_237 : i32 to index
      %parallel_loop3A_240 = arith.index_cast %parallel_loop3A_177 : i32 to index
      %parallel_loop3A_241 = arith.constant 16 : index
      %parallel_loop3A_242 = tpu.vector_load %arg8[%parallel_loop3A_238, %parallel_loop3A_239, %parallel_loop3A_240, %parallel_loop3A_241] {strides = array<i32>} : memref<2x4x128x96xf32, #tpu.memory_space<vmem>>, vector<16xf32>,
      %parallel_loop3A_243 = vector.broadcast %parallel_loop3A_185 : f32 to vector<16xf32>
      %parallel_loop3A_244 = arith.mulf %parallel_loop3A_243, %parallel_loop3A_242 : vector<16xf32>
      %parallel_loop3A_245 = arith.constant 1 : i32
      %parallel_loop3A_246 = arith.constant 1 : i32
      %parallel_loop3A_247 = arith.index_cast %parallel_loop3A_245 : i32 to index
      %parallel_loop3A_248 = arith.index_cast %parallel_loop3A_246 : i32 to index
      %parallel_loop3A_249 = arith.index_cast %parallel_loop3A_177 : i32 to index
      %parallel_loop3A_250 = arith.constant 16 : index
      %parallel_loop3A_251 = tpu.vector_load %arg8[%parallel_loop3A_247, %parallel_loop3A_248, %parallel_loop3A_249, %parallel_loop3A_250] {strides = array<i32>} : memref<2x4x128x96xf32, #tpu.memory_space<vmem>>, vector<16xf32>,
      %parallel_loop3A_252 = vector.broadcast %parallel_loop3A_187 : f32 to vector<16xf32>
      %parallel_loop3A_253 = arith.mulf %parallel_loop3A_252, %parallel_loop3A_251 : vector<16xf32>
      %parallel_loop3A_254 = arith.addf %parallel_loop3A_244, %parallel_loop3A_253 : vector<16xf32>
      %parallel_loop3A_255 = arith.constant 1 : i32
      %parallel_loop3A_256 = arith.constant 2 : i32
      %parallel_loop3A_257 = arith.index_cast %parallel_loop3A_255 : i32 to index
      %parallel_loop3A_258 = arith.index_cast %parallel_loop3A_256 : i32 to index
      %parallel_loop3A_259 = arith.index_cast %parallel_loop3A_177 : i32 to index
      %parallel_loop3A_260 = arith.constant 16 : index
      %parallel_loop3A_261 = tpu.vector_load %arg8[%parallel_loop3A_257, %parallel_loop3A_258, %parallel_loop3A_259, %parallel_loop3A_260] {strides = array<i32>} : memref<2x4x128x96xf32, #tpu.memory_space<vmem>>, vector<16xf32>,
      %parallel_loop3A_262 = vector.broadcast %parallel_loop3A_189 : f32 to vector<16xf32>
      %parallel_loop3A_263 = arith.mulf %parallel_loop3A_262, %parallel_loop3A_261 : vector<16xf32>
      %parallel_loop3A_264 = arith.addf %parallel_loop3A_254, %parallel_loop3A_263 : vector<16xf32>
      %parallel_loop3A_265 = arith.constant 1 : i32
      %parallel_loop3A_266 = arith.constant 3 : i32
      %parallel_loop3A_267 = arith.index_cast %parallel_loop3A_265 : i32 to index
      %parallel_loop3A_268 = arith.index_cast %parallel_loop3A_266 : i32 to index
      %parallel_loop3A_269 = arith.index_cast %parallel_loop3A_177 : i32 to index
      %parallel_loop3A_270 = arith.constant 16 : index
      %parallel_loop3A_271 = tpu.vector_load %arg8[%parallel_loop3A_267, %parallel_loop3A_268, %parallel_loop3A_269, %parallel_loop3A_270] {strides = array<i32>} : memref<2x4x128x96xf32, #tpu.memory_space<vmem>>, vector<16xf32>,
      %parallel_loop3A_272 = vector.broadcast %parallel_loop3A_191 : f32 to vector<16xf32>
      %parallel_loop3A_273 = arith.mulf %parallel_loop3A_272, %parallel_loop3A_271 : vector<16xf32>
      %parallel_loop3A_274 = arith.addf %parallel_loop3A_264, %parallel_loop3A_273 : vector<16xf32>
      %parallel_loop3A_275 = arith.constant 1 : i32
      %parallel_loop3A_276 = arith.index_cast %parallel_loop3A_275 : i32 to index
      %parallel_loop3A_277 = arith.index_cast %parallel_loop3A_177 : i32 to index
      %parallel_loop3A_278 = arith.constant 16 : index
      %parallel_loop3A_279 = tpu.vector_load %arg9[%parallel_loop3A_276, %parallel_loop3A_277, %parallel_loop3A_278] {strides = array<i32>} : memref<2x128x96xf32, #tpu.memory_space<vmem>>, vector<16xf32>,
      tpu.vector_store %arg9[%parallel_loop3A_276, %parallel_loop3A_277, %parallel_loop3A_278], %parallel_loop3A_274 {strides = array<i32>} : memref<2x128x96xf32, #tpu.memory_space<vmem>>, vector<16xf32>,
      %parallel_loop3A_280 = arith.constant 1 : i32
      %parallel_loop3A_281 = arith.constant 0 : i32
      %parallel_loop3A_282 = arith.index_cast %parallel_loop3A_280 : i32 to index
      %parallel_loop3A_283 = arith.index_cast %parallel_loop3A_281 : i32 to index
      %parallel_loop3A_284 = arith.index_cast %parallel_loop3A_177 : i32 to index
      %parallel_loop3A_285 = arith.constant 32 : index
      %parallel_loop3A_286 = tpu.vector_load %arg8[%parallel_loop3A_282, %parallel_loop3A_283, %parallel_loop3A_284, %parallel_loop3A_285] {strides = array<i32>} : memref<2x4x128x96xf32, #tpu.memory_space<vmem>>, vector<16xf32>,
      %parallel_loop3A_287 = vector.broadcast %parallel_loop3A_185 : f32 to vector<16xf32>
      %parallel_loop3A_288 = arith.mulf %parallel_loop3A_287, %parallel_loop3A_286 : vector<16xf32>
      %parallel_loop3A_289 = arith.constant 1 : i32
      %parallel_loop3A_290 = arith.constant 1 : i32
      %parallel_loop3A_291 = arith.index_cast %parallel_loop3A_289 : i32 to index
      %parallel_loop3A_292 = arith.index_cast %parallel_loop3A_290 : i32 to index
      %parallel_loop3A_293 = arith.index_cast %parallel_loop3A_177 : i32 to index
      %parallel_loop3A_294 = arith.constant 32 : index
      %parallel_loop3A_295 = tpu.vector_load %arg8[%parallel_loop3A_291, %parallel_loop3A_292, %parallel_loop3A_293, %parallel_loop3A_294] {strides = array<i32>} : memref<2x4x128x96xf32, #tpu.memory_space<vmem>>, vector<16xf32>,
      %parallel_loop3A_296 = vector.broadcast %parallel_loop3A_187 : f32 to vector<16xf32>
      %parallel_loop3A_297 = arith.mulf %parallel_loop3A_296, %parallel_loop3A_295 : vector<16xf32>
      %parallel_loop3A_298 = arith.addf %parallel_loop3A_288, %parallel_loop3A_297 : vector<16xf32>
      %parallel_loop3A_299 = arith.constant 1 : i32
      %parallel_loop3A_300 = arith.constant 2 : i32
      %parallel_loop3A_301 = arith.index_cast %parallel_loop3A_299 : i32 to index
      %parallel_loop3A_302 = arith.index_cast %parallel_loop3A_300 : i32 to index
      %parallel_loop3A_303 = arith.index_cast %parallel_loop3A_177 : i32 to index
      %parallel_loop3A_304 = arith.constant 32 : index
      %parallel_loop3A_305 = tpu.vector_load %arg8[%parallel_loop3A_301, %parallel_loop3A_302, %parallel_loop3A_303, %parallel_loop3A_304] {strides = array<i32>} : memref<2x4x128x96xf32, #tpu.memory_space<vmem>>, vector<16xf32>,
      %parallel_loop3A_306 = vector.broadcast %parallel_loop3A_189 : f32 to vector<16xf32>
      %parallel_loop3A_307 = arith.mulf %parallel_loop3A_306, %parallel_loop3A_305 : vector<16xf32>
      %parallel_loop3A_308 = arith.addf %parallel_loop3A_298, %parallel_loop3A_307 : vector<16xf32>
      %parallel_loop3A_309 = arith.constant 1 : i32
      %parallel_loop3A_310 = arith.constant 3 : i32
      %parallel_loop3A_311 = arith.index_cast %parallel_loop3A_309 : i32 to index
      %parallel_loop3A_312 = arith.index_cast %parallel_loop3A_310 : i32 to index
      %parallel_loop3A_313 = arith.index_cast %parallel_loop3A_177 : i32 to index
      %parallel_loop3A_314 = arith.constant 32 : index
      %parallel_loop3A_315 = tpu.vector_load %arg8[%parallel_loop3A_311, %parallel_loop3A_312, %parallel_loop3A_313, %parallel_loop3A_314] {strides = array<i32>} : memref<2x4x128x96xf32, #tpu.memory_space<vmem>>, vector<16xf32>,
      %parallel_loop3A_316 = vector.broadcast %parallel_loop3A_191 : f32 to vector<16xf32>
      %parallel_loop3A_317 = arith.mulf %parallel_loop3A_316, %parallel_loop3A_315 : vector<16xf32>
      %parallel_loop3A_318 = arith.addf %parallel_loop3A_308, %parallel_loop3A_317 : vector<16xf32>
      %parallel_loop3A_319 = arith.constant 1 : i32
      %parallel_loop3A_320 = arith.index_cast %parallel_loop3A_319 : i32 to index
      %parallel_loop3A_321 = arith.index_cast %parallel_loop3A_177 : i32 to index
      %parallel_loop3A_322 = arith.constant 32 : index
      %parallel_loop3A_323 = tpu.vector_load %arg9[%parallel_loop3A_320, %parallel_loop3A_321, %parallel_loop3A_322] {strides = array<i32>} : memref<2x128x96xf32, #tpu.memory_space<vmem>>, vector<16xf32>,
      tpu.vector_store %arg9[%parallel_loop3A_320, %parallel_loop3A_321, %parallel_loop3A_322], %parallel_loop3A_318 {strides = array<i32>} : memref<2x128x96xf32, #tpu.memory_space<vmem>>, vector<16xf32>,
      %parallel_loop3A_324 = arith.constant 1 : i32
      %parallel_loop3A_325 = arith.constant 0 : i32
      %parallel_loop3A_326 = arith.index_cast %parallel_loop3A_324 : i32 to index
      %parallel_loop3A_327 = arith.index_cast %parallel_loop3A_325 : i32 to index
      %parallel_loop3A_328 = arith.index_cast %parallel_loop3A_177 : i32 to index
      %parallel_loop3A_329 = arith.constant 48 : index
      %parallel_loop3A_330 = tpu.vector_load %arg8[%parallel_loop3A_326, %parallel_loop3A_327, %parallel_loop3A_328, %parallel_loop3A_329] {strides = array<i32>} : memref<2x4x128x96xf32, #tpu.memory_space<vmem>>, vector<16xf32>,
      %parallel_loop3A_331 = vector.broadcast %parallel_loop3A_185 : f32 to vector<16xf32>
      %parallel_loop3A_332 = arith.mulf %parallel_loop3A_331, %parallel_loop3A_330 : vector<16xf32>
      %parallel_loop3A_333 = arith.constant 1 : i32
      %parallel_loop3A_334 = arith.constant 1 : i32
      %parallel_loop3A_335 = arith.index_cast %parallel_loop3A_333 : i32 to index
      %parallel_loop3A_336 = arith.index_cast %parallel_loop3A_334 : i32 to index
      %parallel_loop3A_337 = arith.index_cast %parallel_loop3A_177 : i32 to index
      %parallel_loop3A_338 = arith.constant 48 : index
      %parallel_loop3A_339 = tpu.vector_load %arg8[%parallel_loop3A_335, %parallel_loop3A_336, %parallel_loop3A_337, %parallel_loop3A_338] {strides = array<i32>} : memref<2x4x128x96xf32, #tpu.memory_space<vmem>>, vector<16xf32>,
      %parallel_loop3A_340 = vector.broadcast %parallel_loop3A_187 : f32 to vector<16xf32>
      %parallel_loop3A_341 = arith.mulf %parallel_loop3A_340, %parallel_loop3A_339 : vector<16xf32>
      %parallel_loop3A_342 = arith.addf %parallel_loop3A_332, %parallel_loop3A_341 : vector<16xf32>
      %parallel_loop3A_343 = arith.constant 1 : i32
      %parallel_loop3A_344 = arith.constant 2 : i32
      %parallel_loop3A_345 = arith.index_cast %parallel_loop3A_343 : i32 to index
      %parallel_loop3A_346 = arith.index_cast %parallel_loop3A_344 : i32 to index
      %parallel_loop3A_347 = arith.index_cast %parallel_loop3A_177 : i32 to index
      %parallel_loop3A_348 = arith.constant 48 : index
      %parallel_loop3A_349 = tpu.vector_load %arg8[%parallel_loop3A_345, %parallel_loop3A_346, %parallel_loop3A_347, %parallel_loop3A_348] {strides = array<i32>} : memref<2x4x128x96xf32, #tpu.memory_space<vmem>>, vector<16xf32>,
      %parallel_loop3A_350 = vector.broadcast %parallel_loop3A_189 : f32 to vector<16xf32>
      %parallel_loop3A_351 = arith.mulf %parallel_loop3A_350, %parallel_loop3A_349 : vector<16xf32>
      %parallel_loop3A_352 = arith.addf %parallel_loop3A_342, %parallel_loop3A_351 : vector<16xf32>
      %parallel_loop3A_353 = arith.constant 1 : i32
      %parallel_loop3A_354 = arith.constant 3 : i32
      %parallel_loop3A_355 = arith.index_cast %parallel_loop3A_353 : i32 to index
      %parallel_loop3A_356 = arith.index_cast %parallel_loop3A_354 : i32 to index
      %parallel_loop3A_357 = arith.index_cast %parallel_loop3A_177 : i32 to index
      %parallel_loop3A_358 = arith.constant 48 : index
      %parallel_loop3A_359 = tpu.vector_load %arg8[%parallel_loop3A_355, %parallel_loop3A_356, %parallel_loop3A_357, %parallel_loop3A_358] {strides = array<i32>} : memref<2x4x128x96xf32, #tpu.memory_space<vmem>>, vector<16xf32>,
      %parallel_loop3A_360 = vector.broadcast %parallel_loop3A_191 : f32 to vector<16xf32>
      %parallel_loop3A_361 = arith.mulf %parallel_loop3A_360, %parallel_loop3A_359 : vector<16xf32>
      %parallel_loop3A_362 = arith.addf %parallel_loop3A_352, %parallel_loop3A_361 : vector<16xf32>
      %parallel_loop3A_363 = arith.constant 1 : i32
      %parallel_loop3A_364 = arith.index_cast %parallel_loop3A_363 : i32 to index
      %parallel_loop3A_365 = arith.index_cast %parallel_loop3A_177 : i32 to index
      %parallel_loop3A_366 = arith.constant 48 : index
      %parallel_loop3A_367 = tpu.vector_load %arg9[%parallel_loop3A_364, %parallel_loop3A_365, %parallel_loop3A_366] {strides = array<i32>} : memref<2x128x96xf32, #tpu.memory_space<vmem>>, vector<16xf32>,
      tpu.vector_store %arg9[%parallel_loop3A_364, %parallel_loop3A_365, %parallel_loop3A_366], %parallel_loop3A_362 {strides = array<i32>} : memref<2x128x96xf32, #tpu.memory_space<vmem>>, vector<16xf32>,
      %parallel_loop3A_368 = arith.constant 1 : i32
      %parallel_loop3A_369 = arith.constant 0 : i32
      %parallel_loop3A_370 = arith.index_cast %parallel_loop3A_368 : i32 to index
      %parallel_loop3A_371 = arith.index_cast %parallel_loop3A_369 : i32 to index
      %parallel_loop3A_372 = arith.index_cast %parallel_loop3A_177 : i32 to index
      %parallel_loop3A_373 = arith.constant 64 : index
      %parallel_loop3A_374 = tpu.vector_load %arg8[%parallel_loop3A_370, %parallel_loop3A_371, %parallel_loop3A_372, %parallel_loop3A_373] {strides = array<i32>} : memref<2x4x128x96xf32, #tpu.memory_space<vmem>>, vector<16xf32>,
      %parallel_loop3A_375 = vector.broadcast %parallel_loop3A_185 : f32 to vector<16xf32>
      %parallel_loop3A_376 = arith.mulf %parallel_loop3A_375, %parallel_loop3A_374 : vector<16xf32>
      %parallel_loop3A_377 = arith.constant 1 : i32
      %parallel_loop3A_378 = arith.constant 1 : i32
      %parallel_loop3A_379 = arith.index_cast %parallel_loop3A_377 : i32 to index
      %parallel_loop3A_380 = arith.index_cast %parallel_loop3A_378 : i32 to index
      %parallel_loop3A_381 = arith.index_cast %parallel_loop3A_177 : i32 to index
      %parallel_loop3A_382 = arith.constant 64 : index
      %parallel_loop3A_383 = tpu.vector_load %arg8[%parallel_loop3A_379, %parallel_loop3A_380, %parallel_loop3A_381, %parallel_loop3A_382] {strides = array<i32>} : memref<2x4x128x96xf32, #tpu.memory_space<vmem>>, vector<16xf32>,
      %parallel_loop3A_384 = vector.broadcast %parallel_loop3A_187 : f32 to vector<16xf32>
      %parallel_loop3A_385 = arith.mulf %parallel_loop3A_384, %parallel_loop3A_383 : vector<16xf32>
      %parallel_loop3A_386 = arith.addf %parallel_loop3A_376, %parallel_loop3A_385 : vector<16xf32>
      %parallel_loop3A_387 = arith.constant 1 : i32
      %parallel_loop3A_388 = arith.constant 2 : i32
      %parallel_loop3A_389 = arith.index_cast %parallel_loop3A_387 : i32 to index
      %parallel_loop3A_390 = arith.index_cast %parallel_loop3A_388 : i32 to index
      %parallel_loop3A_391 = arith.index_cast %parallel_loop3A_177 : i32 to index
      %parallel_loop3A_392 = arith.constant 64 : index
      %parallel_loop3A_393 = tpu.vector_load %arg8[%parallel_loop3A_389, %parallel_loop3A_390, %parallel_loop3A_391, %parallel_loop3A_392] {strides = array<i32>} : memref<2x4x128x96xf32, #tpu.memory_space<vmem>>, vector<16xf32>,
      %parallel_loop3A_394 = vector.broadcast %parallel_loop3A_189 : f32 to vector<16xf32>
      %parallel_loop3A_395 = arith.mulf %parallel_loop3A_394, %parallel_loop3A_393 : vector<16xf32>
      %parallel_loop3A_396 = arith.addf %parallel_loop3A_386, %parallel_loop3A_395 : vector<16xf32>
      %parallel_loop3A_397 = arith.constant 1 : i32
      %parallel_loop3A_398 = arith.constant 3 : i32
      %parallel_loop3A_399 = arith.index_cast %parallel_loop3A_397 : i32 to index
      %parallel_loop3A_400 = arith.index_cast %parallel_loop3A_398 : i32 to index
      %parallel_loop3A_401 = arith.index_cast %parallel_loop3A_177 : i32 to index
      %parallel_loop3A_402 = arith.constant 64 : index
      %parallel_loop3A_403 = tpu.vector_load %arg8[%parallel_loop3A_399, %parallel_loop3A_400, %parallel_loop3A_401, %parallel_loop3A_402] {strides = array<i32>} : memref<2x4x128x96xf32, #tpu.memory_space<vmem>>, vector<16xf32>,
      %parallel_loop3A_404 = vector.broadcast %parallel_loop3A_191 : f32 to vector<16xf32>
      %parallel_loop3A_405 = arith.mulf %parallel_loop3A_404, %parallel_loop3A_403 : vector<16xf32>
      %parallel_loop3A_406 = arith.addf %parallel_loop3A_396, %parallel_loop3A_405 : vector<16xf32>
      %parallel_loop3A_407 = arith.constant 1 : i32
      %parallel_loop3A_408 = arith.index_cast %parallel_loop3A_407 : i32 to index
      %parallel_loop3A_409 = arith.index_cast %parallel_loop3A_177 : i32 to index
      %parallel_loop3A_410 = arith.constant 64 : index
      %parallel_loop3A_411 = tpu.vector_load %arg9[%parallel_loop3A_408, %parallel_loop3A_409, %parallel_loop3A_410] {strides = array<i32>} : memref<2x128x96xf32, #tpu.memory_space<vmem>>, vector<16xf32>,
      tpu.vector_store %arg9[%parallel_loop3A_408, %parallel_loop3A_409, %parallel_loop3A_410], %parallel_loop3A_406 {strides = array<i32>} : memref<2x128x96xf32, #tpu.memory_space<vmem>>, vector<16xf32>,
      %parallel_loop3A_412 = arith.constant 1 : i32
      %parallel_loop3A_413 = arith.constant 0 : i32
      %parallel_loop3A_414 = arith.index_cast %parallel_loop3A_412 : i32 to index
      %parallel_loop3A_415 = arith.index_cast %parallel_loop3A_413 : i32 to index
      %parallel_loop3A_416 = arith.index_cast %parallel_loop3A_177 : i32 to index
      %parallel_loop3A_417 = arith.constant 80 : index
      %parallel_loop3A_418 = tpu.vector_load %arg8[%parallel_loop3A_414, %parallel_loop3A_415, %parallel_loop3A_416, %parallel_loop3A_417] {strides = array<i32>} : memref<2x4x128x96xf32, #tpu.memory_space<vmem>>, vector<16xf32>,
      %parallel_loop3A_419 = vector.broadcast %parallel_loop3A_185 : f32 to vector<16xf32>
      %parallel_loop3A_420 = arith.mulf %parallel_loop3A_419, %parallel_loop3A_418 : vector<16xf32>
      %parallel_loop3A_421 = arith.constant 1 : i32
      %parallel_loop3A_422 = arith.constant 1 : i32
      %parallel_loop3A_423 = arith.index_cast %parallel_loop3A_421 : i32 to index
      %parallel_loop3A_424 = arith.index_cast %parallel_loop3A_422 : i32 to index
      %parallel_loop3A_425 = arith.index_cast %parallel_loop3A_177 : i32 to index
      %parallel_loop3A_426 = arith.constant 80 : index
      %parallel_loop3A_427 = tpu.vector_load %arg8[%parallel_loop3A_423, %parallel_loop3A_424, %parallel_loop3A_425, %parallel_loop3A_426] {strides = array<i32>} : memref<2x4x128x96xf32, #tpu.memory_space<vmem>>, vector<16xf32>,
      %parallel_loop3A_428 = vector.broadcast %parallel_loop3A_187 : f32 to vector<16xf32>
      %parallel_loop3A_429 = arith.mulf %parallel_loop3A_428, %parallel_loop3A_427 : vector<16xf32>
      %parallel_loop3A_430 = arith.addf %parallel_loop3A_420, %parallel_loop3A_429 : vector<16xf32>
      %parallel_loop3A_431 = arith.constant 1 : i32
      %parallel_loop3A_432 = arith.constant 2 : i32
      %parallel_loop3A_433 = arith.index_cast %parallel_loop3A_431 : i32 to index
      %parallel_loop3A_434 = arith.index_cast %parallel_loop3A_432 : i32 to index
      %parallel_loop3A_435 = arith.index_cast %parallel_loop3A_177 : i32 to index
      %parallel_loop3A_436 = arith.constant 80 : index
      %parallel_loop3A_437 = tpu.vector_load %arg8[%parallel_loop3A_433, %parallel_loop3A_434, %parallel_loop3A_435, %parallel_loop3A_436] {strides = array<i32>} : memref<2x4x128x96xf32, #tpu.memory_space<vmem>>, vector<16xf32>,
      %parallel_loop3A_438 = vector.broadcast %parallel_loop3A_189 : f32 to vector<16xf32>
      %parallel_loop3A_439 = arith.mulf %parallel_loop3A_438, %parallel_loop3A_437 : vector<16xf32>
      %parallel_loop3A_440 = arith.addf %parallel_loop3A_430, %parallel_loop3A_439 : vector<16xf32>
      %parallel_loop3A_441 = arith.constant 1 : i32
      %parallel_loop3A_442 = arith.constant 3 : i32
      %parallel_loop3A_443 = arith.index_cast %parallel_loop3A_441 : i32 to index
      %parallel_loop3A_444 = arith.index_cast %parallel_loop3A_442 : i32 to index
      %parallel_loop3A_445 = arith.index_cast %parallel_loop3A_177 : i32 to index
      %parallel_loop3A_446 = arith.constant 80 : index
      %parallel_loop3A_447 = tpu.vector_load %arg8[%parallel_loop3A_443, %parallel_loop3A_444, %parallel_loop3A_445, %parallel_loop3A_446] {strides = array<i32>} : memref<2x4x128x96xf32, #tpu.memory_space<vmem>>, vector<16xf32>,
      %parallel_loop3A_448 = vector.broadcast %parallel_loop3A_191 : f32 to vector<16xf32>
      %parallel_loop3A_449 = arith.mulf %parallel_loop3A_448, %parallel_loop3A_447 : vector<16xf32>
      %parallel_loop3A_450 = arith.addf %parallel_loop3A_440, %parallel_loop3A_449 : vector<16xf32>
      %parallel_loop3A_451 = arith.constant 1 : i32
      %parallel_loop3A_452 = arith.index_cast %parallel_loop3A_451 : i32 to index
      %parallel_loop3A_453 = arith.index_cast %parallel_loop3A_177 : i32 to index
      %parallel_loop3A_454 = arith.constant 80 : index
      %parallel_loop3A_455 = tpu.vector_load %arg9[%parallel_loop3A_452, %parallel_loop3A_453, %parallel_loop3A_454] {strides = array<i32>} : memref<2x128x96xf32, #tpu.memory_space<vmem>>, vector<16xf32>,
      tpu.vector_store %arg9[%parallel_loop3A_452, %parallel_loop3A_453, %parallel_loop3A_454], %parallel_loop3A_450 {strides = array<i32>} : memref<2x128x96xf32, #tpu.memory_space<vmem>>, vector<16xf32>,
    } {sc.loop_unroll_factor = 4 : i64, sc.parallel_access}
    %dma_start3A = arith.constant 1 : i32
    %dma_start3A_135 = arith.constant 0 : i32
    %dma_start3A_136 = arith.constant 0 : i32
    %dma_start3A_137 = tpu.memref_slice %arg9[%dma_start3A, %dma_start3A_135, %dma_start3A_136] : memref<2x128x96xf32, #tpu.memory_space<vmem>> -> memref<1x128x96xf32, #tpu.memory_space<vmem>>
    %dma_start3A_138 = tpu.memref_squeeze %dma_start3A_137 : memref<1x128x96xf32, #tpu.memory_space<vmem>> -> memref<128x96xf32, #tpu.memory_space<vmem>>
    %dma_start3A_139 = arith.constant 0 : i32
    %dma_start3A_140 = tpu.memref_slice %arg4[%add3A_117, %dma_start3A_139] : memref<589824x96xf32, #tpu.memory_space<hbm>> -> memref<128x96xf32, #tpu.memory_space<hbm>>
    %dma_start3A_141 = arith.constant 0 : i32
    %dma_start3A_142 = tpu.memref_slice %arg4[%add3A_117, %dma_start3A_141] : memref<589824x96xf32, #tpu.memory_space<hbm>> -> memref<128x96xf32, #tpu.memory_space<hbm>>
    %dma_start3A_143 = arith.constant 0 : i32
    %dma_start3A_144 = arith.constant 0 : i32
    %dma_start3A_145 = tpu.memref_slice %arg9[%dma_start3A, %dma_start3A_143, %dma_start3A_144] : memref<2x128x96xf32, #tpu.memory_space<vmem>> -> memref<1x128x96xf32, #tpu.memory_space<vmem>>
    %dma_start3A_146 = tpu.memref_squeeze %dma_start3A_145 : memref<1x128x96xf32, #tpu.memory_space<vmem>> -> memref<128x96xf32, #tpu.memory_space<vmem>>
    tpu.enqueue_dma source(%dma_start3A_146 : memref<128x96xf32, #tpu.memory_space<vmem>>) target(%dma_start3A_142 : memref<128x96xf32, #tpu.memory_space<hbm>>) target_semaphore(%arg11 : memref<!tpu.dma_semaphore, #tpu.memory_space<semaphore_mem>>)
    %dma_wait3A_147 = arith.constant 0 : i32
    %dma_wait3A_148 = arith.constant 0 : i32
    %dma_wait3A_149 = arith.constant 0 : i32
    %dma_wait3A_150 = tpu.memref_slice %arg9[%dma_wait3A_147, %dma_wait3A_148, %dma_wait3A_149] : memref<2x128x96xf32, #tpu.memory_space<vmem>> -> memref<1x128x96xf32, #tpu.memory_space<vmem>>
    %dma_wait3A_151 = tpu.memref_squeeze %dma_wait3A_150 : memref<1x128x96xf32, #tpu.memory_space<vmem>> -> memref<128x96xf32, #tpu.memory_space<vmem>>
    %dma_wait3A_152 = arith.constant 0 : i32
    %dma_wait3A_153 = arith.constant 0 : i32
    %dma_wait3A_154 = tpu.memref_slice %arg4[%dma_wait3A_152, %dma_wait3A_153] : memref<589824x96xf32, #tpu.memory_space<hbm>> -> memref<128x96xf32, #tpu.memory_space<hbm>>
    %dma_wait3A_155 = arith.constant 0 : i32
    %dma_wait3A_156 = arith.constant 0 : i32
    %dma_wait3A_157 = tpu.memref_slice %arg4[%dma_wait3A_155, %dma_wait3A_156] : memref<589824x96xf32, #tpu.memory_space<hbm>> -> memref<128x96xf32, #tpu.memory_space<hbm>>
    %dma_wait3A_158 = arith.constant 0 : i32
    %dma_wait3A_159 = arith.constant 0 : i32
    %dma_wait3A_160 = tpu.memref_slice %arg9[%dma_wait3A_147, %dma_wait3A_158, %dma_wait3A_159] : memref<2x128x96xf32, #tpu.memory_space<vmem>> -> memref<1x128x96xf32, #tpu.memory_space<vmem>>
    %dma_wait3A_161 = tpu.memref_squeeze %dma_wait3A_160 : memref<1x128x96xf32, #tpu.memory_space<vmem>> -> memref<128x96xf32, #tpu.memory_space<vmem>>
    tpu.wait_dma2 semaphore(%arg11 : memref<!tpu.dma_semaphore, #tpu.memory_space<semaphore_mem>>) src(%dma_wait3A_161 : memref<128x96xf32, #tpu.memory_space<vmem>>) dst(%dma_wait3A_157 : memref<128x96xf32, #tpu.memory_space<hbm>>)
    %dma_wait3A_162 = arith.constant 0 : i32
    %dma_wait3A_163 = arith.constant 0 : i32
    %dma_wait3A_164 = arith.constant 0 : i32
    %dma_wait3A_165 = tpu.memref_slice %arg9[%dma_wait3A_162, %dma_wait3A_163, %dma_wait3A_164] : memref<2x128x96xf32, #tpu.memory_space<vmem>> -> memref<1x128x96xf32, #tpu.memory_space<vmem>>
    %dma_wait3A_166 = tpu.memref_squeeze %dma_wait3A_165 : memref<1x128x96xf32, #tpu.memory_space<vmem>> -> memref<128x96xf32, #tpu.memory_space<vmem>>
    %dma_wait3A_167 = arith.constant 0 : i32
    %dma_wait3A_168 = arith.constant 0 : i32
    %dma_wait3A_169 = tpu.memref_slice %arg4[%dma_wait3A_167, %dma_wait3A_168] : memref<589824x96xf32, #tpu.memory_space<hbm>> -> memref<128x96xf32, #tpu.memory_space<hbm>>
    %dma_wait3A_170 = arith.constant 0 : i32
    %dma_wait3A_171 = arith.constant 0 : i32
    %dma_wait3A_172 = tpu.memref_slice %arg4[%dma_wait3A_170, %dma_wait3A_171] : memref<589824x96xf32, #tpu.memory_space<hbm>> -> memref<128x96xf32, #tpu.memory_space<hbm>>
    %dma_wait3A_173 = arith.constant 0 : i32
    %dma_wait3A_174 = arith.constant 0 : i32
    %dma_wait3A_175 = tpu.memref_slice %arg9[%dma_wait3A_162, %dma_wait3A_173, %dma_wait3A_174] : memref<2x128x96xf32, #tpu.memory_space<vmem>> -> memref<1x128x96xf32, #tpu.memory_space<vmem>>
    %dma_wait3A_176 = tpu.memref_squeeze %dma_wait3A_175 : memref<1x128x96xf32, #tpu.memory_space<vmem>> -> memref<128x96xf32, #tpu.memory_space<vmem>>
    tpu.wait_dma2 semaphore(%arg11 : memref<!tpu.dma_semaphore, #tpu.memory_space<semaphore_mem>>) src(%dma_wait3A_176 : memref<128x96xf32, #tpu.memory_space<vmem>>) dst(%dma_wait3A_172 : memref<128x96xf32, #tpu.memory_space<hbm>>)
    return
  }
}

</mosaic_0001>

<sc_bundles>
// kernel: kernel.3.cloned.1.call-start
scs
__scs_entry_jumppad:
0x0: {  	(pc) =	sbr.rel $0x88, $3  }
0x1: {  	(tag) =	ssettag $0x0;
	lr =	simm.s32 $0x1  }
0x2: {  	[smem:$0x3F9C] =	sst lr;
	_ =	strace $0xD0000000  }
0x3: {  	_ = 	snop  }
0x4: {  	_ = 	snop  }
0x5: {  	_ = 	snop  }
0x6: {  	_ = 	snop  }
0x7: {  	_ = 	snop  }
__scs_overlays_trampoline_lowered:
0x8: {  	[smem:$0x3FAB] =	sst s0  }
0x9: {  	[smem:$0x3FAC] =	sst s1  }
0xa: {  	[smem:$0x3FAD] =	sst s2  }
0xb: {  	[smem:$0x3FAE] =	sst s3  }
0xc: {  	[smem:$0x3FAF] =	sst s4  }
0xd: {  	[smem:$0x3FB0] =	sst s5  }
0xe: {  	[smem:$0x3FB1] =	sst s6  }
0xf: {  	[smem:$0x3FB2] =	sst s7  }
0x10: {  	[smem:$0x3FB3] =	sst s8  }
0x11: {  	[smem:$0x3FB4] =	sst s9;
	s0 =	simm.s32 @!p0 $0x0  }
0x12: {  	s1 =	sld [smem:$0x3F9A];
	s0 =	simm.s32 @p0 $0x1  }
0x13: {  	[smem:$0x3FB5] =	sst s0;
	s0 =	simm.s32 @!p1 $0x0  }
0x14: {  	s2 =	sld [smem:$0x3F99];
	s0 =	simm.s32 @p1 $0x1  }
0x15: {  	[smem:$0x3FB6] =	sst s0;
	s0 =	simm.s32 @!p2 $0x0  }
0x16: {  	s3 =	sld [smem:$0x3FDB];
	s0 =	simm.s32 @p2 $0x1  }
0x17: {  	s4 =	simm.s32 $0x1BF5;
	[smem:$0x3FB8] =	sst s0  }
0x18: {  	s0 =	sld [smem:$0x3F9B];
	_ =	swait.ge [sflag:s4], $0x0  }
0x19: {  	s7 =	sld [smem:$0x3F9C]  }
0x1a: {  	s8 =	sadd.s32 $0xFFFFE003, lr  }
0x1b: {  	s9 =	sadd.s32 $0xFFFFFEF7, lr;
	s5 =	simm.s32 $0xFFFFFFFF;
	p2 =	slt.u32 s8, $0xFFFFF086  }
0x1c: {  	p1 =	slt.u32 s9, $0xF7A;
	s5 =	simm.s32 @!p2 $0x0  }
0x1d: {  	s5 =	simm.s32 @p1 $0x1;
	p0 =	seq.s32 s7, s2  }
0x1e: {  	s7 =	smul.u32 @!p0 $0xF7A, s2;
	p2 =	seq.s32 @!p0 s5, $0x0  }
0x1f: {  	s9 =	smul.u32 $0xF7A, s1;
	s8 =	simm.s32 @!p0 $0x1BF5;
	p2 =	por !p2, p0  }
0x20: {  	[sflag:s8] =	ssyncset.s32 @!p0 $0xFFFFF086;
	s6 =	sadd.s32 @!p0 s3, s7;
	s7 =	simm.s32 @!p0 $0x108  }
0x21: {  	s3 =	sadd.s32 s3, s9;
	s6 =	sadd.s32 @!p0 $0x88, s6;
	s7 =	simm.s32 @p2 $0x1082  }
0x22: {  	[simem:s7], [sflag:s8] =	dma.local @!p0 [hbm:s6], $0xF7A  }
0x23: {  	s9 =	sor.u32 $0xD0000000, s2;
	s6 =	simm.s32 $0x108;
	_ =	swait.ge @!p0 [sflag:s8], $0x0  }
0x24: {  	s3 =	sadd.s32 $0x88, s3;
	s6 =	simm.s32 @!p1 $0x1082;
	[sflag:s4] =	ssyncset.s32 $0xFFFFF086  }
0x25: {  	[simem:s6], [sflag:s4] =	dma.local [hbm:s3], $0xF7A  }
0x26: {  	[smem:$0x3F9C] =	sst s1;
	(tag) =	ssettag s2;
	_ =	strace s9  }
0x27: {  	s1 =	sld [smem:$0x3FAC]  }
0x28: {  	s2 =	sld [smem:$0x3FAD]  }
0x29: {  	s4 =	sld [smem:$0x3FAF]  }
0x2a: {  	p0 =	seq.s32 s5, $0x0;
	s5 =	sld [smem:$0x3FB0]  }
0x2b: {  	s6 =	sld [smem:$0x3FB1]  }
0x2c: {  	s7 =	sld [smem:$0x3FB2]  }
0x2d: {  	s3 =	simm.s32 $0x108;
	s8 =	sld [smem:$0x3FB3]  }
0x2e: {  	s3 =	simm.s32 @!p0 $0x1082;
	s9 =	sld [smem:$0x3FB4]  }
0x2f: {  	lr =	sadd.s32 s0, s3;
	s0 =	sld [smem:$0x3FAB]  }
0x30: {  	s3 =	sld [smem:$0x3FAE]  }
0x31: {  	[smem:$0x3FB7] =	sst s10  }
0x32: {  	s10 =	sld [smem:$0x3FB5];
	_ =	sdelay $0x3  }
0x33: {  	p0 =	seq.s32 s10, $0x1;
	s10 =	sld [smem:$0x3FB7];
	_ =	sdelay $0x3  }
0x34: {  	[smem:$0x3FB7] =	sst s10  }
0x35: {  	s10 =	sld [smem:$0x3FB6];
	_ =	sdelay $0x3  }
0x36: {  	p1 =	seq.s32 s10, $0x1;
	s10 =	sld [smem:$0x3FB7];
	_ =	sdelay $0x3  }
0x37: {  	[smem:$0x3FB7] =	sst s10  }
0x38: {  	s10 =	sld [smem:$0x3FB8]  }
0x39: {  	_ = 	snop;
	(pc) =	sbr.ind lr, $3  }
0x3a: {  	_ = 	snop  }
0x3b: {  	_ = 	snop  }
0x3c: {  	p2 =	seq.s32 s10, $0x1;
	s10 =	sld [smem:$0x3FB7]  }
0x3d: {  	_ =	shalt  }
0x3e: {  	_ =	shalt  }
0x3f: {  	_ =	shalt  }
0x40: {  	_ =	shalt  }
0x41: {  	_ =	shalt  }
0x42: {  	_ =	shalt  }
0x43: {  	_ =	shalt  }
0x44: {  	_ =	shalt  }
0x45: {  	_ =	shalt  }
0x46: {  	_ =	shalt  }
0x47: {  	_ =	shalt  }
0x48: {  	_ =	shalt  }
0x49: {  	_ =	shalt  }
0x4a: {  	_ =	shalt  }
0x4b: {  	_ =	shalt  }
0x4c: {  	_ =	shalt  }
0x4d: {  	_ =	shalt  }
0x4e: {  	_ =	shalt  }
0x4f: {  	_ =	shalt  }
0x50: {  	_ =	shalt  }
0x51: {  	_ =	shalt  }
0x52: {  	_ =	shalt  }
0x53: {  	_ =	shalt  }
0x54: {  	_ =	shalt  }
0x55: {  	_ =	shalt  }
0x56: {  	_ =	shalt  }
0x57: {  	_ =	shalt  }
0x58: {  	_ =	shalt  }
0x59: {  	_ =	shalt  }
0x5a: {  	_ =	shalt  }
0x5b: {  	_ =	shalt  }
0x5c: {  	_ =	shalt  }
0x5d: {  	_ =	shalt  }
0x5e: {  	_ =	shalt  }
0x5f: {  	_ =	shalt  }
0x60: {  	_ =	shalt  }
0x61: {  	_ =	shalt  }
0x62: {  	_ =	shalt  }
0x63: {  	_ =	shalt  }
0x64: {  	_ =	shalt  }
0x65: {  	_ =	shalt  }
0x66: {  	_ =	shalt  }
0x67: {  	_ =	shalt  }
0x68: {  	_ =	shalt  }
0x69: {  	_ =	shalt  }
0x6a: {  	_ =	shalt  }
0x6b: {  	_ =	shalt  }
0x6c: {  	_ =	shalt  }
0x6d: {  	_ =	shalt  }
0x6e: {  	_ =	shalt  }
0x6f: {  	_ =	shalt  }
0x70: {  	_ =	shalt  }
0x71: {  	_ =	shalt  }
0x72: {  	_ =	shalt  }
0x73: {  	_ =	shalt  }
0x74: {  	_ =	shalt  }
0x75: {  	_ =	shalt  }
0x76: {  	_ =	shalt  }
0x77: {  	_ =	shalt  }
0x78: {  	_ =	shalt  }
0x79: {  	_ =	shalt  }
0x7a: {  	_ =	shalt  }
0x7b: {  	_ =	shalt  }
0x7c: {  	_ =	shalt  }
0x7d: {  	_ =	shalt  }
0x7e: {  	_ =	shalt  }
0x7f: {  	_ =	shalt  }
0x80: {  	_ =	shalt  }
0x81: {  	_ =	shalt  }
0x82: {  	_ =	shalt  }
0x83: {  	_ =	shalt  }
0x84: {  	_ =	shalt  }
0x85: {  	_ =	shalt  }
0x86: {  	_ =	shalt  }
0x87: {  	_ =	shalt  }
.Lfunc_end0:
.L_simem_size_0:
called_computation.2_lowered:
.L_overlay_start_0:
0x88: {  	s2 =	sld [smem:$0x3FD9]  }
0x89: {  	s3 =	sld [smem:$0x3FFE];
	_ =	sdelay $0x1  }
0x8a: {  	s1 =	srdreg.scid  }
0x8b: {  	s0 =	sand.u32 $0x1, s1  }
0x8c: {  	s17 =	sshll.u32 s0, $0xA;
	s2 =	sadd.s32 s3, s2  }
0x8d: {  	s2 =	sadd.s32 s2, s17  }
0x8e: {  	[smem:$0x3FC3] =	sst s2  }
0x8f: {  	_ = 	snop  }
0x90: {  	s2 =	sld [smem:$0x3FD0];
	(tm) =	ssettm $0x1  }
0x91: {  	s18 =	sld [smem:$0x3FFB];
	_ =	sdelay $0x3  }
0x92: {  	_ =	strace s18  }
0x93: {  	s3 =	sld [smem:$0x3FFC];
	_ =	sdelay $0x3  }
0x94: {  	_ =	strace s3  }
0x95: {  	s3 =	sld [smem:$0x3FFD];
	_ =	sdelay $0x3  }
0x96: {  	_ =	strace s3  }
0x97: {  	_ =	strace $0x8FFFFFFF  }
0x98: {  	s19 =	sld [smem:$0x3FDB];
	_ =	sdelay $0x1  }
0x99: {  	s4 =	simm.s32 $_scs_section_size  }
0x9a: {  	s5 =	simm.s32 $_size__tile_overlayer_lowered;
	s6 =	simm.s32 $_tile_overlayer_lowered  }
0x9b: {  	s22 =	simm.s32 $0x1BFF;
	s21 =	sshll.u32 s6, $0x1;
	s3 =	sadd.s32 s4, s19  }
0x9c: {  	s7 =	simm.s32 $0x0;
	s20 =	sshll.u32 s5, $0x1;
	s5 =	sadd.s32 s21, s3  }
0x9d: {  	[timem:s7], [sflag:s22] =	dma.local [hbm:s5], s20  }
0x9e: {  	_ =	swait.ge [sflag:s22], s20  }
0x9f: {  	s4 =	ssub.s32 $0x0, s20;
	[sflag:s22] =	ssyncset.done $0x0  }
0xa0: {  	[sflag:s22] =	ssyncadd.s32 s4;
	_ =	sdelay $0x1  }
0xa1: {  	s23 =	simm.s32 $0x1B8B  }
0xa2: {  	_ =	swait.ge [sflag:s23], $0x1  }
0xa3: {  	[sflag:s23] =	ssyncset.done $0x0  }
0xa4: {  	s25 =	simm.s32 $0x1B8E;
	s24 =	sld [smem:$0x3FFE];
	[sflag:s23] =	ssyncadd.s32 $0xFFFFFFFF  }
0xa5: {  	s26 =	simm.s32 $execute0_lowered;
	[smem:$0x3FD2] =	sst s25  }
0xa6: {  	s5 =	sshll.u32 s26, $0x1;
	_ =	strace $0x80000049;
	[dreg:$0x1] =	wrdreg $0xFFFFFFFF  }
0xa7: {  	s28 =	simm.s32 $_size_execute0_lowered;
	s3 =	sadd.s32 s3, s5;
	[dreg:$0x0] =	wrdreg $0x0  }
0xa8: {  	s5 =	sshll.u32 s28, $0x1;
	[dreg:$0x2] =	wrdreg s3  }
0xa9: {  	[dreg:$0x3] =	wrdreg s5  }
0xaa: {  	[dreg:$0x4] =	wrdreg $0xC0  }
0xab: {  	_ =	task [dreg:s7], $0x5FFFF  }
0xac: {  	[dreg:$0x1] =	wrdreg $0xFFFFFFFF  }
0xad: {  	[dreg:$0x0] =	wrdreg $0x60  }
0xae: {  	[dreg:$0x2] =	wrdreg s2  }
0xaf: {  	[dreg:$0x3] =	wrdreg s24  }
0xb0: {  	[dreg:$0x4] =	wrdreg $0x9  }
0xb1: {  	_ =	task.clear_ibuf [dreg:s7], $0x5FFFF;
	_ =	strace $0x90000049  }
0xb2: {  	s29 =	simm.s32 $0x9;
	_ =	strace $0x8000004B  }
0xb3: {  	_ =	swait.ge [sflag:s29], $0x1  }
0xb4: {  	[sflag:s29] =	ssyncadd.s32 $0xFFFFFFFF  }
0xb5: {  	_ =	strace $0x9000004B  }
0xb6: {  	_ =	sfence  }
0xb7: {  	s30 =	sld [smem:$0x0];
	_ =	sdelay $0x2  }
0xb8: {  	s31 =	sshll.u32 s1, $0xD;
	s1 =	sshrl.u32 s1, $0x2  }
0xb9: {  	s3 =	sand.u32 $0x4000, s31;
	s1 =	sadd.s32 s1, s30  }
0xba: {  	s0 =	sor.u32 s3, s0;
	s1 =	sshll.u32 s1, $0x11  }
0xbb: {  	s0 =	sor.u32 s1, s0  }
0xbc: {  	s0 =	sadd.s32 $0x8F2B, s0  }
0xbd: {  	[sflag:s0] =	ssyncadd.remote.s32 $0x1  }
0xbe: {  	_ =	sfence.sel $0xFFFF  }
0xbf: {  	[dreg:$0x0] =	wrdreg $0xFFFFFFFF;
	(pc) =	sbr.abs _section_cstart, $3  }
0xc0: {  	[dreg:$0x1] =	wrdreg $0xFFFFFFFF  }
0xc1: {  	_ =	task.clear_ibuf [dreg:s7], $0x2FFFF;
	_ =	strace $0x9FFFFFFF  }
0xc2: {  	(tm) =	ssettm $0x7FFFFFFF  }
0xc3: {  	_ =	shalt  }
tec
execute0_lowered:
.L_overlay_start_1:
0x0: {  	(tag) =	ssettag $0x1  }
0x1: {  	v0 =	vlaneseq.u32  }
0x2: {  	v1 =	vmul.u32 $0x4, v0;
	_ =	sdelay $0x1  }
0x3: {  	v4 =	vor.u32 $0x1, v1  }
0x4: {  	[tilespmem:$0x1FD90] =	vst v4;
	v4 =	vor.u32 $0x2, v1  }
0x5: {  	[tilespmem:$0x1FDA0] =	vst v4;
	v4 =	vor.u32 $0x3, v1  }
0x6: {  	[tilespmem:$0x1FDB0] =	vst v4;
	v4 =	vor.u32 $0x10, v0  }
0x7: {  	[tilespmem:$0x1FDC0] =	vst v4;
	v4 =	vor.u32 $0x40, v1  }
0x8: {  	[tilespmem:$0x1FDD0] =	vst v4;
	v4 =	vor.u32 $0x41, v1  }
0x9: {  	[tilespmem:$0x1FDE0] =	vst v4;
	v4 =	vor.u32 $0x42, v1  }
0xa: {  	[tilespmem:$0x1FDF0] =	vst v4;
	v4 =	vor.u32 $0x43, v1  }
0xb: {  	[tilespmem:$0x1FE00] =	vst v4;
	v4 =	vor.u32 $0x20, v0  }
0xc: {  	[tilespmem:$0x1FE10] =	vst v4;
	v4 =	vor.u32 $0x80, v1  }
0xd: {  	[tilespmem:$0x1FE20] =	vst v4;
	v4 =	vor.u32 $0x81, v1  }
0xe: {  	s0 =	stileid.u32;
	[tilespmem:$0x1FE30] =	vst v4;
	v4 =	vor.u32 $0x82, v1  }
0xf: {  	s6 =	rddreg [dreg:$0x1];
	s7 =	sshrl.u32 s0, $0x2;
	[tilespmem:$0x1FE40] =	vst v4;
	v4 =	vor.u32 $0x83, v1  }
0x10: {  	s2 =	rddreg [dreg:$0x2];
	s3 =	simm.s32 $0x0;
	s1 =	smul.u32 $0x24000, s7;
	[tilespmem:$0x1FE50] =	vst v4;
	v4 =	vor.u32 $0x30, v0  }
0x11: {  	[smem:$0x7FF] =	sst s3;
	[tilespmem:$0x1FE60] =	vst v4;
	v4 =	vor.u32 $0xC0, v1  }
0x12: {  	v2 =	vmov s1;
	s1 =	rddreg [dreg:$0x0];
	_ =	strace $0x8000004A;
	[tilespmem:$0x1FE70] =	vst v4  }
0x13: {  	v4 =	vor.u32 $0xC1, v1;
	[tilespmem:$0x1FFE0] =	vst v1  }
0x14: {  	[tilespmem:$0x1FE80] =	vst v4;
	v4 =	vor.u32 $0xC2, v1  }
0x15: {  	[tilespmem:$0x1FE90] =	vst v4;
	v4 =	vor.u32 $0xC3, v1  }
0x16: {  	[tilespmem:$0x1FEA0] =	vst v4;
	v4 =	vor.u32 $0x40, v0  }
0x17: {  	[tilespmem:$0x1FEB0] =	vst v4;
	v4 =	vor.u32 $0x100, v1  }
0x18: {  	[tilespmem:$0x1FEC0] =	vst v4;
	v4 =	vor.u32 $0x101, v1  }
0x19: {  	[tilespmem:$0x1FED0] =	vst v4;
	v4 =	vor.u32 $0x102, v1  }
0x1a: {  	[tilespmem:$0x1FEE0] =	vst v4;
	v4 =	vor.u32 $0x103, v1  }
0x1b: {  	[tilespmem:$0x1FEF0] =	vst v4;
	v4 =	vor.u32 $0x50, v0  }
0x1c: {  	[tilespmem:$0x1FF00] =	vst v4;
	v4 =	vor.u32 $0x140, v1  }
0x1d: {  	[tilespmem:$0x1FF10] =	vst v4;
	v4 =	vor.u32 $0x141, v1  }
0x1e: {  	[tilespmem:$0x1FF20] =	vst v4;
	v4 =	vor.u32 $0x142, v1  }
0x1f: {  	[tilespmem:$0x1FF30] =	vst v4;
	v4 =	vor.u32 $0x143, v1  }
0x20: {  	[tilespmem:$0x1FF40] =	vst v4;
	v4 =	vor.u32 $0x60, v0  }
0x21: {  	v0 =	vor.u32 $0x70, v0;
	[tilespmem:$0x1FF50] =	vst v4  }
0x22: {  	s4 =	srdreg.scid;
	v4 =	vor.u32 $0x180, v1;
	[tilespmem:$0x1FFA0] =	vst v0  }
0x23: {  	s13 =	simm.s32 $0x80;
	s8 =	sand.u32 $0x1, s4;
	s31 =	sshll.u32 s0, $0x1;
	v0 =	vor.u32 $0x1C0, v1;
	[tilespmem:$0x1FF60] =	vst v4  }
0x24: {  	s14 =	simm.s32 $0x2;
	s9 =	sor.u32 s8, s31;
	s10 =	smul.u32 $0x180, s7;
	v4 =	vor.u32 $0x181, v1;
	[tilespmem:$0x1FFB0] =	vst v0  }
0x25: {  	s15 =	simm.s32 $0x1B9A0;
	s16 =	simm.s32 $0x0;
	s4 =	smul.u32 $0x30, s9;
	v0 =	vor.u32 $0x1C1, v1;
	[tilespmem:$0x1FF70] =	vst v4  }
0x26: {  	s5 =	sadd.s32 $0x901800, s6;
	s8 =	ssub.s32 $0x2, s8;
	s9 =	smul.u32 $0x1B0000, s9;
	v4 =	vor.u32 $0x182, v1;
	[tilespmem:$0x1FFC0] =	vst v0  }
0x27: {  	s6 =	sadd.s32 $0x1800, s6;
	s12 =	smul.u32 $0xFFFFFE80, s7;
	s11 =	sshrl.u32 s8, $0x1;
	v0 =	vor.u32 $0x1C2, v1;
	[tilespmem:$0x1FF80] =	vst v4  }
0x28: {  	s11 =	ssub.s32 s8, s11;
	s7 =	sshrl.u32 s10, $0x2;
	s9 =	sshrl.u32 s9, $0x3;
	v4 =	vor.u32 $0x183, v1;
	[tilespmem:$0x1FFD0] =	vst v0  }
0x29: {  	s8 =	sadd.s32 s12, s4;
	s10 =	smax.u32 s11, $0x1;
	s9 =	sadd.s32 s6, s9;
	v0 =	vor.u32 $0x1C3, v1;
	[tilespmem:$0x1FF90] =	vst v4  }
0x2a: {  	v3 =	vimm.s32 $0x0;
	s11 =	simm.s32 $0x3;
	s12 =	simm.s32 $0x1;
	s9 =	sadd.s32 $0x35A00, s9;
	[tilespmem:$0x1FFF0] =	vst v0  }
.LBB2_1:
0x2b: {  	[tilespmem:s3], [sflag:$0x3] =	stream.linear.gather [hbm4b:s5+s3], $0x180, $0x38;
	[tilespmem:$0x1E9A0] =	vst v63  }
0x2c: {  	_ =	swait.ge [sflag:s11], $0x180  }
0x2d: {  	[sflag:s11] =	ssyncset.done $0x0  }
0x2e: {  	[sflag:s11] =	ssyncadd.s32 $0xFFFFFE80  }
0x2f: {  	v0 =	vld [tilespmem:s7+$0x10];
	_ =	sdelay $0x4  }
0x30: {  	[tilespmem:$0x1FD50] =	vst v0;
	v0 =	vld [tilespmem:s7+$0x20];
	_ =	sdelay $0x4  }
0x31: {  	[tilespmem:$0x1FD60] =	vst v0;
	v0 =	vld [tilespmem:s7+$0x40];
	_ =	sdelay $0x4  }
0x32: {  	[tilespmem:$0x1FD70] =	vst v0;
	v0 =	vld [tilespmem:s7+$0x50]  }
.Ltmp0:
0x33: {  	_ = 	snop;
	(pc) =	sbr.rel .LBB2_2-.Ltmp0, $3  }
0x34: {  	_ =	sdelay $0x1  }
0x35: {  	v42 =	vld [tilespmem:s7+$0x0]  }
0x36: {  	p0 =	por $0x1, $0x1;
	s17 =	simm.s32 $0x0;
	v45 =	vld [tilespmem:s7+$0x30];
	[tilespmem:$0x1FD80] =	vst v0  }
.LBB2_6:
0x37: {  	s17 =	sadd.s32 $0x1, s17  }
0x38: {  	p1 =	sne.s32 s17, $0x90  }
.Ltmp1:
0x39: {  	_ = 	snop;
	(pc) =	sbr.rel @!p1 .LBB2_7-.Ltmp1, $2  }
0x3a: {  	_ =	sdelay $0x2  }
0x3b: {  	p0 =	por !p0, !p0  }
.LBB2_2:
0x3c: {  	s18 =	smul.u32 $0xAB, s17;
	_ =	sdelay $0x1  }
0x3d: {  	s18 =	sshrl.u32 s18, $0x9  }
0x3e: {  	s18 =	sand.u32 $0x7F, s18  }
0x3f: {  	s19 =	smul.u32 $0x3, s18;
	_ =	sdelay $0x1  }
0x40: {  	s19 =	ssub.s32 s17, s19  }
0x41: {  	s19 =	sand.u32 $0xFF, s19  }
0x42: {  	v0 =	vlaneseq.u32;
	v1 =	vld [tilespmem:$0x1FD50];
	s19 =	sshll.u32 s19, $0x7  }
0x43: {  	v0 =	vor.u32 s19, v0  }
0x44: {  	s18 =	sadd.s32 s18, s8;
	v5 =	vcvt.s32.f32 v0;
	v0 =	vld [tilespmem:$0x1FD60]  }
0x45: {  	s20 =	scvt.s32.f32 s18;
	_ =	sdelay $0x1  }
0x46: {  	v4 =	vmul.f32 s20, v1;
	_ =	sdelay $0x1  }
0x47: {  	v1 =	vld [tilespmem:$0x1FD70];
	v4 =	vadd.f32 v4, v0;
	v0 =	vmul.f32 v5, v42;
	_ =	sdelay $0x1  }
0x48: {  	v7 =	vadd.f32 v4, v0;
	v0 =	vld [tilespmem:$0x1FD80];
	_ =	sdelay $0x2  }
0x49: {  	v6 =	vmul.f32 s20, v1  }
0x4a: {  	v1 =	vld [tilespmem:$0x1FDC0]  }
0x4b: {  	v5 =	vmul.f32 v5, v45;
	v0 =	vadd.f32 v6, v0;
	_ =	sdelay $0x1  }
0x4c: {  	v5 =	vadd.f32 v0, v5;
	_ =	sdelay $0x1  }
0x4d: {  	v13 =	vor.u32 s19, v1;
	v9 =	vtrunc.f32 v5  }
0x4e: {  	v1 =	vld [tilespmem:$0x1FE10];
	v13 =	vcvt.s32.f32 v13;
	v11 =	vcvt.f32.s32 v9;
	vm11 =	vlt.f32 v5, v9  }
0x4f: {  	v23 =	vtrunc.f32 v7;
	v9 =	vsel vm11, $0xFFFFFFFF, v3  }
0x50: {  	v8 =	vcvt.f32.s32 v23;
	v15 =	vmul.f32 v13, v42;
	v9 =	vadd.s32 v11, v9  }
0x51: {  	vm0 =	vlt.f32 v7, v23;
	v32 =	vmul.f32 v13, v45;
	v24 =	vcvt.s32.f32 v9  }
0x52: {  	v6 =	vsel vm0, $0xFFFFFFFF, v3;
	v30 =	vadd.f32 v4, v15;
	vm5 =	vgt.s32 v8, $0x0  }
0x53: {  	v23 =	vor.u32 s19, v1;
	vm14 =	vlt.u32 v9, $0x17F;
	v5 =	vsub.f32 v5, v24  }
0x54: {  	vm2 =	veq.s32 v9, $0xFFFFFFFF;
	vm15 =	veq.s32 v9, $0x17F;
	v9 =	vadd.f32 v0, v32  }
0x55: {  	v6 =	vadd.s32 v8, v6;
	v23 =	vcvt.s32.f32 v23;
	v26 =	vsub.f32 $1.000000000e+00, v5  }
0x56: {  	v8 =	vnsel vm5, $0x0, v8;
	v10 =	vcvt.s32.f32 v6;
	v36 =	vtrunc.f32 v9  }
0x57: {  	vm12 =	vlt.u32 v6, $0x17F;
	v18 =	vcvt.f32.s32 v36;
	v28 =	vnsel vm14, $0x0, v26  }
0x58: {  	v1 =	vld [tilespmem:$0x1FE60];
	vm7 =	vlt.f32 v9, v36;
	v29 =	vsel vm2, v5, v28;
	v5 =	vnsel vm14, $0x0, v5  }
0x59: {  	vm1 =	veq.s32 v6, $0xFFFFFFFF;
	v19 =	vsel vm15, v26, v5;
	v5 =	vsel vm7, $0xFFFFFFFF, v3  }
0x5a: {  	v33 =	vtrunc.f32 v30;
	v7 =	vsub.f32 v7, v10;
	v20 =	vadd.s32 v18, v5  }
0x5b: {  	vm13 =	veq.s32 v6, $0x17F;
	v34 =	vcvt.f32.s32 v33;
	v21 =	vcvt.s32.f32 v20  }
0x5c: {  	vm6 =	vlt.f32 v30, v33;
	v44 =	vmul.f32 v23, v45;
	v12 =	vsub.f32 $1.000000000e+00, v7  }
0x5d: {  	v51 =	vor.u32 s19, v1;
	v27 =	vnsel vm12, $0x0, v7;
	v21 =	vsub.f32 v9, v21  }
0x5e: {  	vm4 =	vgt.s32 v11, $0x0;
	v25 =	vnsel vm12, $0x0, v12;
	v16 =	vsel vm13, v12, v27  }
0x5f: {  	v31 =	vnsel vm4, $0x0, v11;
	v11 =	vsel vm6, $0xFFFFFFFF, v3;
	v39 =	vsub.f32 $1.000000000e+00, v21  }
0x60: {  	vm13 =	vgt.s32 v34, $0x0;
	v14 =	vsel vm1, v7, v25;
	vm11 =	vlt.u32 v20, $0x17F  }
0x61: {  	v25 =	vmul.f32 v23, v42;
	vm12 =	veq.s32 v20, $0xFFFFFFFF;
	v24 =	vnsel vm11, $0x0, v39  }
0x62: {  	v41 =	vnsel vm11, $0x0, v21;
	v40 =	vsel vm12, v21, v24;
	v21 =	vadd.f32 v0, v44  }
0x63: {  	v7 =	vmin.u32 v31, $0x17E;
	v35 =	vadd.s32 v34, v11;
	v43 =	vadd.f32 v4, v25  }
0x64: {  	v13 =	vnsel vm13, $0x0, v34;
	v17 =	vcvt.s32.f32 v35;
	v55 =	vtrunc.f32 v21  }
0x65: {  	v46 =	vtrunc.f32 v43;
	v26 =	vcvt.f32.s32 v55;
	vm5 =	vlt.f32 v21, v55  }
0x66: {  	v1 =	vld [tilespmem:$0x1FEB0];
	v47 =	vcvt.f32.s32 v46;
	vm4 =	vlt.f32 v43, v46;
	v58 =	vsel vm5, $0xFFFFFFFF, v3  }
0x67: {  	vm15 =	veq.s32 v20, $0x17F;
	v20 =	vsel vm4, $0xFFFFFFFF, v3;
	v27 =	vadd.s32 v26, v58  }
0x68: {  	v17 =	vsub.f32 v30, v17;
	v20 =	vadd.s32 v47, v20;
	v48 =	vcvt.s32.f32 v27  }
0x69: {  	vm8 =	vlt.u32 v35, $0x17F;
	vm9 =	veq.s32 v35, $0xFFFFFFFF;
	v56 =	vcvt.s32.f32 v20  }
0x6a: {  	vm10 =	veq.s32 v35, $0x17F;
	v37 =	vsub.f32 $1.000000000e+00, v17;
	v21 =	vsub.f32 v21, v48  }
0x6b: {  	v22 =	vnsel vm8, $0x0, v17;
	v25 =	vsub.f32 v43, v56;
	v56 =	vor.u32 s19, v1;
	v1 =	vld [tilespmem:$0x1FF00]  }
0x6c: {  	v38 =	vnsel vm8, $0x0, v37;
	v22 =	vsel vm10, v37, v22;
	v52 =	vsub.f32 $1.000000000e+00, v21  }
0x6d: {  	v17 =	vsel vm9, v17, v38;
	vm13 =	vgt.s32 v26, $0x0;
	vm9 =	vlt.u32 v27, $0x17F  }
0x6e: {  	vm10 =	veq.s32 v27, $0xFFFFFFFF;
	vm11 =	veq.s32 v27, $0x17F;
	v60 =	vnsel vm9, $0x0, v52  }
0x6f: {  	v35 =	vnsel vm13, $0x0, v26;
	v62 =	vsel vm10, v21, v60;
	v21 =	vnsel vm9, $0x0, v21  }
0x70: {  	v30 =	vsel vm11, v52, v21;
	v21 =	vmin.u32 v35, $0x17E;
	v35 =	vor.u32 s19, v1;
	v1 =	vld [tilespmem:$0x1FFE0]  }
0x71: {  	v8 =	vmin.u32 v8, $0x17E;
	v7 =	vmul.u32 $0x180, v7  }
0x72: {  	s22 =	sand.u32 $0x1, s17;
	v8 =	vor.u32 v2, v8  }
0x73: {  	s23 =	sshll.u32 s22, $0x9;
	v11 =	vadd.s32 v7, v8  }
0x74: {  	v10 =	vadd.s32 $0x1, v11;
	[tilespmem:s23+$0x180] =	vst v11  }
0x75: {  	s21 =	smul.u32 $0x840, s22;
	v8 =	vadd.s32 $0x180, v11;
	[tilespmem:s23+$0x200] =	vst v10  }
0x76: {  	v7 =	vadd.s32 $0x181, v11;
	[tilespmem:s23+$0x280] =	vst v8;
	v6 =	vmul.f32 v29, v14  }
0x77: {  	s21 =	sshrl.u32 s21, $0x2;
	[tilespmem:s23+$0x300] =	vst v7  }
0x78: {  	[tilespmem:v1+s21+$0x580] =	vst.idx.msk $0xffff, v6;
	v1 =	vld [tilespmem:$0x1FD90];
	_ =	sdelay $0x5  }
0x79: {  	v5 =	vmul.f32 v29, v16;
	_ =	sdelay $0x1  }
0x7a: {  	[tilespmem:v1+s21+$0x580] =	vst.idx.msk $0xffff, v5;
	v1 =	vld [tilespmem:$0x1FDA0];
	_ =	sdelay $0x5  }
0x7b: {  	v12 =	vmul.f32 v14, v19;
	_ =	sdelay $0x1  }
0x7c: {  	[tilespmem:v1+s21+$0x580] =	vst.idx.msk $0xffff, v12;
	v1 =	vld [tilespmem:$0x1FDB0];
	_ =	sdelay $0x4  }
0x7d: {  	v51 =	vcvt.s32.f32 v51  }
0x7e: {  	vm14 =	vgt.s32 v18, $0x0;
	v9 =	vmul.f32 v19, v16  }
0x7f: {  	v31 =	vmul.f32 v51, v45;
	v18 =	vnsel vm14, $0x0, v18  }
0x80: {  	v61 =	vmul.f32 v51, v42;
	v18 =	vmin.u32 v18, $0x17E;
	[tilespmem:v1+s21+$0x580] =	vst.idx.msk $0xffff, v9;
	v1 =	vld [tilespmem:$0x1FDD0]  }
0x81: {  	v13 =	vmin.u32 v13, $0x17E;
	v51 =	vadd.f32 v0, v31;
	v18 =	vmul.u32 $0x180, v18  }
0x82: {  	v13 =	vor.u32 v2, v13  }
0x83: {  	v38 =	vtrunc.f32 v51;
	v18 =	vadd.s32 v18, v13  }
0x84: {  	v53 =	vcvt.f32.s32 v38;
	vm6 =	vlt.u32 v20, $0x17F;
	v16 =	vadd.s32 $0x1, v18;
	[tilespmem:s23+$0x190] =	vst v18  }
0x85: {  	vm7 =	veq.s32 v20, $0xFFFFFFFF;
	vm8 =	veq.s32 v20, $0x17F;
	v15 =	vadd.s32 $0x180, v18;
	[tilespmem:s23+$0x210] =	vst v16  }
0x86: {  	v14 =	vadd.s32 $0x181, v18;
	v56 =	vcvt.s32.f32 v56;
	v13 =	vmul.f32 v40, v17;
	[tilespmem:s23+$0x290] =	vst v15  }
0x87: {  	v57 =	vsel vm15, v39, v41;
	v49 =	vsub.f32 $1.000000000e+00, v25;
	v50 =	vnsel vm6, $0x0, v25;
	[tilespmem:s23+$0x310] =	vst v14  }
0x88: {  	vm15 =	vlt.f32 v51, v38;
	vm12 =	vgt.s32 v47, $0x0;
	v29 =	vmul.f32 v56, v45;
	[tilespmem:v1+s21+$0x580] =	vst.idx.msk $0xffff, v13;
	v1 =	vld [tilespmem:$0x1FF50]  }
0x89: {  	v41 =	vsel vm15, $0xFFFFFFFF, v3;
	v48 =	vsel vm8, v49, v50;
	vm10 =	vgt.s32 v53, $0x0  }
0x8a: {  	v50 =	vadd.s32 v53, v41;
	v28 =	vnsel vm10, $0x0, v53;
	v53 =	vadd.f32 v0, v29  }
0x8b: {  	v59 =	vnsel vm6, $0x0, v49;
	v20 =	vmul.f32 v40, v22;
	v32 =	vnsel vm12, $0x0, v47  }
0x8c: {  	v25 =	vsel vm7, v25, v59;
	v40 =	vmin.u32 v32, $0x17E;
	v32 =	vtrunc.f32 v53  }
0x8d: {  	v59 =	vcvt.f32.s32 v32;
	vm13 =	vlt.f32 v53, v32;
	v32 =	vor.u32 s19, v1;
	v1 =	vld [tilespmem:$0x1FDE0];
	_ =	sdelay $0x7  }
0x8e: {  	[tilespmem:v1+s21+$0x580] =	vst.idx.msk $0xffff, v20;
	v1 =	vld [tilespmem:$0x1FDF0]  }
0x8f: {  	v63 =	vadd.f32 v4, v61;
	_ =	sdelay $0x1  }
0x90: {  	v33 =	vtrunc.f32 v63  }
0x91: {  	v34 =	vcvt.f32.s32 v33;
	vm14 =	vlt.f32 v63, v33;
	v54 =	vcvt.s32.f32 v50  }
0x92: {  	v36 =	vsel vm14, $0xFFFFFFFF, v3  }
0x93: {  	v37 =	vadd.s32 v34, v36;
	v19 =	vmul.f32 v17, v57;
	v51 =	vsub.f32 v51, v54  }
0x94: {  	v39 =	vcvt.s32.f32 v37  }
0x95: {  	v23 =	vmul.f32 v57, v22;
	v22 =	vor.u32 v2, v40;
	v46 =	vsub.f32 $1.000000000e+00, v51;
	[tilespmem:v1+s21+$0x580] =	vst.idx.msk $0xffff, v19;
	v1 =	vld [tilespmem:$0x1FE00]  }
0x96: {  	vm7 =	vlt.u32 v50, $0x17F;
	vm11 =	vgt.s32 v34, $0x0;
	v21 =	vmul.u32 $0x180, v21  }
0x97: {  	vm8 =	veq.s32 v50, $0xFFFFFFFF;
	v60 =	vnsel vm7, $0x0, v46;
	v52 =	vnsel vm11, $0x0, v34  }
0x98: {  	v61 =	vsel vm8, v51, v60;
	v24 =	vadd.s32 v21, v22;
	v22 =	vmul.f32 v62, v25  }
0x99: {  	v21 =	vmul.f32 v62, v48;
	v62 =	vnsel vm7, $0x0, v51;
	v51 =	vmin.u32 v28, $0x17E  }
0x9a: {  	v52 =	vmin.u32 v52, $0x17E;
	v51 =	vmul.u32 $0x180, v51  }
0x9b: {  	v27 =	vsub.f32 v63, v39;
	v52 =	vor.u32 v2, v52;
	v33 =	vsel vm13, $0xFFFFFFFF, v3  }
0x9c: {  	v51 =	vadd.s32 v51, v52;
	v52 =	vadd.s32 v59, v33  }
0x9d: {  	vm4 =	vlt.u32 v37, $0x17F;
	v43 =	vsub.f32 $1.000000000e+00, v27;
	v34 =	vcvt.s32.f32 v52;
	[tilespmem:v1+s21+$0x580] =	vst.idx.msk $0xffff, v23;
	v1 =	vld [tilespmem:$0x1FE20]  }
0x9e: {  	vm5 =	veq.s32 v37, $0xFFFFFFFF;
	v55 =	vnsel vm4, $0x0, v27  }
0x9f: {  	v44 =	vnsel vm4, $0x0, v43;
	vm9 =	veq.s32 v50, $0x17F;
	v53 =	vsub.f32 v53, v34  }
0xa0: {  	v27 =	vsel vm5, v27, v44;
	v26 =	vsel vm9, v46, v62;
	v5 =	vadd.s32 $0x1, v24  }
0xa1: {  	v62 =	vadd.s32 $0x180, v24;
	vm5 =	vlt.u32 v52, $0x17F;
	v38 =	vsub.f32 $1.000000000e+00, v53;
	[tilespmem:s23+$0x220] =	vst v5  }
0xa2: {  	vm8 =	veq.s32 v52, $0x17F;
	v46 =	vnsel vm5, $0x0, v53;
	[tilespmem:s23+$0x2A0] =	vst v62  }
0xa3: {  	v41 =	vnsel vm5, $0x0, v38;
	v7 =	vsel vm8, v38, v46;
	v38 =	vadd.s32 $0x181, v24;
	[tilespmem:s23+$0x1A0] =	vst v24  }
0xa4: {  	[tilespmem:s23+$0x320] =	vst v38  }
0xa5: {  	[tilespmem:v1+s21+$0x580] =	vst.idx.msk $0xffff, v22;
	v1 =	vld [tilespmem:$0x1FE30];
	_ =	sdelay $0x7  }
0xa6: {  	[tilespmem:v1+s21+$0x580] =	vst.idx.msk $0xffff, v21;
	v1 =	vld [tilespmem:$0x1FE40];
	_ =	sdelay $0x4  }
0xa7: {  	v57 =	vmul.f32 v56, v42  }
0xa8: {  	v17 =	vmul.f32 v25, v30  }
0xa9: {  	v63 =	vadd.f32 v4, v57  }
0xaa: {  	[tilespmem:v1+s21+$0x580] =	vst.idx.msk $0xffff, v17;
	v1 =	vld [tilespmem:$0x1FE50]  }
0xab: {  	v25 =	vmul.f32 v30, v48;
	v30 =	vtrunc.f32 v63  }
0xac: {  	vm6 =	veq.s32 v37, $0x17F;
	v31 =	vcvt.f32.s32 v30;
	vm12 =	vlt.f32 v63, v30  }
0xad: {  	v47 =	vsel vm6, v43, v55;
	v55 =	vsel vm12, $0xFFFFFFFF, v3  }
0xae: {  	v55 =	vadd.s32 v31, v55  }
0xaf: {  	v58 =	vcvt.s32.f32 v55;
	_ =	sdelay $0x1  }
0xb0: {  	v49 =	vmul.f32 v61, v27;
	v48 =	vmul.f32 v61, v47;
	v50 =	vsub.f32 v63, v58  }
0xb1: {  	v27 =	vmul.f32 v27, v26;
	v58 =	vcvt.s32.f32 v35;
	[tilespmem:v1+s21+$0x580] =	vst.idx.msk $0xffff, v25;
	v1 =	vld [tilespmem:$0x1FE70]  }
0xb2: {  	v26 =	vmul.f32 v26, v47;
	vm14 =	vlt.u32 v55, $0x17F;
	v60 =	vsub.f32 $1.000000000e+00, v50  }
0xb3: {  	vm15 =	veq.s32 v55, $0xFFFFFFFF;
	vm4 =	veq.s32 v55, $0x17F;
	v44 =	vmul.f32 v58, v45  }
0xb4: {  	vm6 =	veq.s32 v52, $0xFFFFFFFF;
	v39 =	vnsel vm14, $0x0, v50;
	v36 =	vnsel vm14, $0x0, v60  }
0xb5: {  	v10 =	vsel vm4, v60, v39;
	v47 =	vadd.f32 v0, v44;
	v39 =	vadd.s32 $0x1, v51;
	[tilespmem:s23+$0x1B0] =	vst v51  }
0xb6: {  	v54 =	vsel vm15, v50, v36;
	v43 =	vsel vm6, v53, v41;
	v50 =	vadd.s32 $0x180, v51;
	[tilespmem:s23+$0x230] =	vst v39  }
0xb7: {  	v41 =	vmul.f32 v43, v54;
	v44 =	vmul.f32 v54, v7;
	v54 =	vadd.s32 $0x181, v51;
	[tilespmem:s23+$0x2B0] =	vst v50  }
0xb8: {  	[tilespmem:s23+$0x330] =	vst v54  }
0xb9: {  	[tilespmem:v1+s21+$0x580] =	vst.idx.msk $0xffff, v49;
	v1 =	vld [tilespmem:$0x1FE80];
	_ =	sdelay $0x7  }
0xba: {  	[tilespmem:v1+s21+$0x580] =	vst.idx.msk $0xffff, v48;
	v1 =	vld [tilespmem:$0x1FE90];
	_ =	sdelay $0x7  }
0xbb: {  	[tilespmem:v1+s21+$0x580] =	vst.idx.msk $0xffff, v27;
	v1 =	vld [tilespmem:$0x1FFA0];
	_ =	sdelay $0x4  }
0xbc: {  	v62 =	vor.u32 s19, v1;
	v1 =	vld [tilespmem:$0x1FEA0]  }
0xbd: {  	v37 =	vmul.f32 v58, v42;
	_ =	sdelay $0x1  }
0xbe: {  	v40 =	vadd.f32 v4, v37  }
0xbf: {  	vm11 =	vgt.s32 v59, $0x0  }
0xc0: {  	vm9 =	vgt.s32 v31, $0x0;
	v63 =	vnsel vm11, $0x0, v59;
	v57 =	vtrunc.f32 v40  }
0xc1: {  	v28 =	vmin.u32 v63, $0x17E;
	vm7 =	vlt.f32 v40, v57;
	v53 =	vcvt.f32.s32 v57  }
0xc2: {  	v60 =	vnsel vm9, $0x0, v31;
	v58 =	vtrunc.f32 v47;
	v52 =	vsel vm7, $0xFFFFFFFF, v3  }
0xc3: {  	vm10 =	vlt.f32 v47, v58;
	v11 =	vadd.s32 v53, v52;
	v52 =	vcvt.f32.s32 v58;
	[tilespmem:v1+s21+$0x580] =	vst.idx.msk $0xffff, v26;
	v1 =	vld [tilespmem:$0x1FEC0]  }
0xc4: {  	v30 =	vmul.u32 $0x180, v28;
	v61 =	vsel vm10, $0xFFFFFFFF, v3;
	v9 =	vmin.u32 v60, $0x17E  }
0xc5: {  	v18 =	vadd.s32 v52, v61;
	v9 =	vor.u32 v2, v9  }
0xc6: {  	v29 =	vcvt.s32.f32 v18;
	v9 =	vadd.s32 v30, v9  }
0xc7: {  	v63 =	vadd.s32 $0x1, v9;
	[tilespmem:s23+$0x1C0] =	vst v9  }
0xc8: {  	v6 =	vsub.f32 v47, v29;
	v29 =	vadd.s32 $0x180, v9;
	[tilespmem:s23+$0x240] =	vst v63  }
0xc9: {  	v9 =	vadd.s32 $0x181, v9;
	[tilespmem:s23+$0x2C0] =	vst v29  }
0xca: {  	[tilespmem:s23+$0x340] =	vst v9  }
0xcb: {  	[tilespmem:v1+s21+$0x580] =	vst.idx.msk $0xffff, v41;
	v1 =	vld [tilespmem:$0x1FED0];
	_ =	sdelay $0x5  }
0xcc: {  	v8 =	vmul.f32 v43, v10;
	_ =	sdelay $0x1  }
0xcd: {  	[tilespmem:v1+s21+$0x580] =	vst.idx.msk $0xffff, v8;
	v1 =	vld [tilespmem:$0x1FEE0];
	_ =	sdelay $0x7  }
0xce: {  	[tilespmem:v1+s21+$0x580] =	vst.idx.msk $0xffff, v44;
	v1 =	vld [tilespmem:$0x1FEF0];
	_ =	sdelay $0x1  }
0xcf: {  	v7 =	vmul.f32 v7, v10  }
0xd0: {  	vm7 =	vgt.s32 v53, $0x0;
	v57 =	vcvt.s32.f32 v11;
	vm12 =	vlt.u32 v11, $0x17F  }
0xd1: {  	vm13 =	veq.s32 v11, $0xFFFFFFFF;
	vm14 =	veq.s32 v11, $0x17F;
	v13 =	vcvt.s32.f32 v32  }
0xd2: {  	v53 =	vnsel vm7, $0x0, v53;
	vm8 =	vgt.s32 v52, $0x0;
	v12 =	vsub.f32 v40, v57  }
0xd3: {  	v56 =	vnsel vm8, $0x0, v52;
	v57 =	vmin.u32 v53, $0x17E;
	v35 =	vmul.f32 v13, v42  }
0xd4: {  	v31 =	vsub.f32 $1.000000000e+00, v12;
	v15 =	vmin.u32 v56, $0x17E;
	vm15 =	vlt.u32 v18, $0x17F  }
0xd5: {  	vm4 =	veq.s32 v18, $0xFFFFFFFF;
	v15 =	vmul.u32 $0x180, v15;
	v37 =	vadd.f32 v4, v35;
	[tilespmem:v1+s21+$0x580] =	vst.idx.msk $0xffff, v7;
	v1 =	vld [tilespmem:$0x1FF10]  }
0xd6: {  	vm5 =	veq.s32 v18, $0x17F;
	v18 =	vor.u32 v2, v57;
	v34 =	vsub.f32 $1.000000000e+00, v6  }
0xd7: {  	v33 =	vnsel vm12, $0x0, v31;
	v15 =	vadd.s32 v15, v18;
	v40 =	vtrunc.f32 v37  }
0xd8: {  	v36 =	vnsel vm15, $0x0, v34;
	vm6 =	vlt.f32 v37, v40;
	v39 =	vadd.s32 $0x1, v15  }
0xd9: {  	v11 =	vcvt.f32.s32 v40;
	v19 =	vsel vm13, v12, v33;
	v12 =	vnsel vm12, $0x0, v12;
	[tilespmem:s23+$0x250] =	vst v39  }
0xda: {  	v40 =	vadd.s32 $0x180, v15;
	v5 =	vsel vm14, v31, v12;
	v12 =	vsel vm4, v6, v36;
	[tilespmem:s23+$0x1D0] =	vst v15  }
0xdb: {  	v32 =	vmul.f32 v12, v19;
	v15 =	vadd.s32 $0x181, v15;
	[tilespmem:s23+$0x2D0] =	vst v40  }
0xdc: {  	[tilespmem:s23+$0x350] =	vst v15  }
0xdd: {  	[tilespmem:v1+s21+$0x580] =	vst.idx.msk $0xffff, v32;
	v1 =	vld [tilespmem:$0x1FF20];
	_ =	sdelay $0x5  }
0xde: {  	v12 =	vmul.f32 v12, v5;
	_ =	sdelay $0x1  }
0xdf: {  	[tilespmem:v1+s21+$0x580] =	vst.idx.msk $0xffff, v12;
	v1 =	vld [tilespmem:$0x1FF30];
	_ =	sdelay $0x3  }
0xe0: {  	v6 =	vnsel vm15, $0x0, v6  }
0xe1: {  	v6 =	vsel vm5, v34, v6  }
0xe2: {  	v13 =	vmul.f32 v13, v45;
	v34 =	vmul.f32 v19, v6;
	_ =	sdelay $0x1  }
0xe3: {  	v13 =	vadd.f32 v0, v13;
	[tilespmem:v1+s21+$0x580] =	vst.idx.msk $0xffff, v34;
	v1 =	vld [tilespmem:$0x1FF40];
	_ =	sdelay $0x1  }
0xe4: {  	v55 =	vtrunc.f32 v13  }
0xe5: {  	vm9 =	vlt.f32 v13, v55;
	v43 =	vsel vm6, $0xFFFFFFFF, v3;
	v17 =	vcvt.f32.s32 v55  }
0xe6: {  	v58 =	vsel vm9, $0xFFFFFFFF, v3;
	v46 =	vadd.s32 v11, v43  }
0xe7: {  	v47 =	vcvt.s32.f32 v46;
	vm10 =	vlt.u32 v46, $0x17F;
	v21 =	vadd.s32 v17, v58  }
0xe8: {  	v5 =	vmul.f32 v6, v5;
	vm4 =	vgt.s32 v17, $0x0;
	v60 =	vcvt.s32.f32 v21  }
0xe9: {  	v14 =	vsub.f32 v37, v47;
	vm15 =	vgt.s32 v11, $0x0;
	v37 =	vnsel vm4, $0x0, v17  }
0xea: {  	v35 =	vnsel vm15, $0x0, v11;
	v6 =	vmin.u32 v37, $0x17E;
	v13 =	vsub.f32 v13, v60;
	[tilespmem:v1+s21+$0x580] =	vst.idx.msk $0xffff, v5;
	v1 =	vld [tilespmem:$0x1FF60]  }
0xeb: {  	v59 =	vsub.f32 $1.000000000e+00, v14;
	v6 =	vmul.u32 $0x180, v6;
	v8 =	vmin.u32 v35, $0x17E  }
0xec: {  	vm11 =	veq.s32 v46, $0xFFFFFFFF;
	v30 =	vsub.f32 $1.000000000e+00, v13;
	v8 =	vor.u32 v2, v8  }
0xed: {  	v61 =	vnsel vm10, $0x0, v59;
	vm13 =	vlt.u32 v21, $0x17F;
	v6 =	vadd.s32 v6, v8  }
0xee: {  	vm14 =	veq.s32 v21, $0xFFFFFFFF;
	v33 =	vnsel vm13, $0x0, v30;
	v43 =	vadd.s32 $0x1, v6;
	[tilespmem:s23+$0x1E0] =	vst v6  }
0xef: {  	v18 =	vsel vm11, v14, v61;
	v9 =	vsel vm14, v13, v33;
	v44 =	vadd.s32 $0x180, v6;
	[tilespmem:s23+$0x260] =	vst v43  }
0xf0: {  	vm12 =	veq.s32 v46, $0x17F;
	v46 =	vmul.f32 v9, v18;
	v47 =	vadd.s32 $0x181, v6;
	[tilespmem:s23+$0x2E0] =	vst v44  }
0xf1: {  	[tilespmem:s23+$0x360] =	vst v47  }
0xf2: {  	[tilespmem:v1+s21+$0x580] =	vst.idx.msk $0xffff, v46;
	v1 =	vld [tilespmem:$0x1FF70];
	_ =	sdelay $0x3  }
0xf3: {  	v14 =	vnsel vm10, $0x0, v14  }
0xf4: {  	v14 =	vsel vm12, v59, v14  }
0xf5: {  	v9 =	vmul.f32 v9, v14;
	_ =	sdelay $0x1  }
0xf6: {  	v28 =	vcvt.s32.f32 v62;
	[tilespmem:v1+s21+$0x580] =	vst.idx.msk $0xffff, v9;
	v1 =	vld [tilespmem:$0x1FF80];
	_ =	sdelay $0x1  }
0xf7: {  	v31 =	vmul.f32 v28, v42  }
0xf8: {  	v10 =	vmul.f32 v28, v45  }
0xf9: {  	vm6 =	veq.s32 v21, $0x17F;
	v4 =	vadd.f32 v4, v31;
	v13 =	vnsel vm13, $0x0, v13  }
0xfa: {  	v0 =	vadd.f32 v0, v10;
	v13 =	vsel vm6, v30, v13  }
0xfb: {  	v36 =	vtrunc.f32 v4;
	v49 =	vmul.f32 v18, v13  }
0xfc: {  	v48 =	vtrunc.f32 v0;
	vm5 =	vlt.f32 v4, v36  }
0xfd: {  	v11 =	vcvt.f32.s32 v36;
	vm7 =	vlt.f32 v0, v48;
	v16 =	vcvt.f32.s32 v48;
	[tilespmem:v1+s21+$0x580] =	vst.idx.msk $0xffff, v49;
	v1 =	vld [tilespmem:$0x1FF90]  }
0xfe: {  	v38 =	vsel vm5, $0xFFFFFFFF, v3;
	v50 =	vsel vm7, $0xFFFFFFFF, v3  }
0xff: {  	v17 =	vadd.s32 v16, v50;
	v7 =	vadd.s32 v11, v38  }
0x100: {  	v53 =	vcvt.s32.f32 v17;
	v41 =	vcvt.s32.f32 v7  }
0x101: {  	vm10 =	vgt.s32 v16, $0x0  }
0x102: {  	v55 =	vnsel vm10, $0x0, v16;
	v0 =	vsub.f32 v0, v53;
	v4 =	vsub.f32 v4, v41  }
0x103: {  	vm11 =	vgt.s32 v11, $0x0;
	v54 =	vmul.f32 v13, v14;
	v56 =	vmin.u32 v55, $0x17E  }
0x104: {  	v58 =	vmul.u32 $0x180, v56;
	v59 =	vsub.f32 $1.000000000e+00, v0;
	v5 =	vsub.f32 $1.000000000e+00, v4  }
0x105: {  	v11 =	vnsel vm11, $0x0, v11;
	vm8 =	vlt.u32 v7, $0x17F;
	vm9 =	veq.s32 v7, $0xFFFFFFFF;
	[tilespmem:v1+s21+$0x580] =	vst.idx.msk $0xffff, v54;
	v1 =	vld [tilespmem:$0x1FFB0]  }
0x106: {  	vm12 =	veq.s32 v7, $0x17F;
	v57 =	vmin.u32 v11, $0x17E;
	v51 =	vnsel vm8, $0x0, v5  }
0x107: {  	v7 =	vor.u32 v2, v57;
	v52 =	vsel vm9, v4, v51;
	v4 =	vnsel vm8, $0x0, v4  }
0x108: {  	vm13 =	vlt.u32 v17, $0x17F;
	v4 =	vsel vm12, v5, v4;
	v5 =	vadd.s32 v58, v7  }
0x109: {  	vm14 =	veq.s32 v17, $0xFFFFFFFF;
	v60 =	vnsel vm13, $0x0, v59;
	v61 =	vadd.s32 $0x1, v5;
	[tilespmem:s23+$0x1F0] =	vst v5  }
0x10a: {  	v7 =	vsel vm14, v0, v60;
	v62 =	vadd.s32 $0x180, v5;
	[tilespmem:s23+$0x270] =	vst v61  }
0x10b: {  	v63 =	vmul.f32 v7, v52;
	[tilespmem:s23+$0x2F0] =	vst v62;
	v5 =	vadd.s32 $0x181, v5  }
0x10c: {  	[tilespmem:s23+$0x370] =	vst v5  }
0x10d: {  	[tilespmem:v1+s21+$0x580] =	vst.idx.msk $0xffff, v63;
	v1 =	vld [tilespmem:$0x1FFC0];
	_ =	sdelay $0x5  }
0x10e: {  	v5 =	vmul.f32 v7, v4;
	_ =	sdelay $0x1  }
0x10f: {  	[tilespmem:v1+s21+$0x580] =	vst.idx.msk $0xffff, v5;
	v1 =	vld [tilespmem:$0x1FFD0];
	_ =	sdelay $0x3  }
0x110: {  	vm15 =	veq.s32 v17, $0x17F;
	v0 =	vnsel vm13, $0x0, v0  }
0x111: {  	v0 =	vsel vm15, v59, v0  }
0x112: {  	v6 =	vmul.f32 v52, v0;
	_ =	sdelay $0x1  }
0x113: {  	[tilespmem:v1+s21+$0x580] =	vst.idx.msk $0xffff, v6;
	v1 =	vld [tilespmem:$0x1FFF0];
	_ =	sdelay $0x4  }
0x114: {  	s24 =	smul.u32 $0x30000, s22  }
0x115: {  	v0 =	vmul.f32 v0, v4  }
0x116: {  	s18 =	sshrl.u32 s24, $0x2  }
0x117: {  	s25 =	sor.u32 $0x180, s23;
	s26 =	sor.u32 $0x9A0, s18;
	[tilespmem:v1+s21+$0x580] =	vst.idx.msk $0xffff, v0  }
0x118: {  	[tilespmem:s26], [sflag:$0x1] =	stream.indirect.gather [hbm4b:s1+s13], $0x60, s25, s13, $0xb8;
	[tilespmem:$0x1E9A0] =	vst v63  }
0x119: {  	p1 =	seq.s32 s17, $0x0;
	s28 =	sadd.s32 $0x200, s23;
	s29 =	sor.u32 $0x39A0, s18  }
0x11a: {  	[tilespmem:s29], [sflag:$0x1] =	stream.indirect.gather [hbm4b:s1+s13], $0x60, s28, s13, $0xb8;
	[tilespmem:$0x1E9A0] =	vst v63  }
.Ltmp2:
0x11b: {  	_ = 	snop;
	(pc) =	sbr.rel @p1 .LBB2_6-.Ltmp2, $4  }
0x11c: {  	s30 =	sadd.s32 $0x280, s23;
	s31 =	sadd.s32 $0x69A0, s18  }
0x11d: {  	[tilespmem:s31], [sflag:$0x1] =	stream.indirect.gather [hbm4b:s1+s13], $0x60, s30, s13, $0xb8;
	[tilespmem:$0x1E9A0] =	vst v63  }
0x11e: {  	s18 =	sadd.s32 $0x99A0, s18;
	s19 =	sadd.s32 $0x300, s23  }
0x11f: {  	[tilespmem:s18], [sflag:$0x1] =	stream.indirect.gather [hbm4b:s1+s13], $0x60, s19, s13, $0xb8;
	[tilespmem:$0x1E9A0] =	vst v63  }
0x120: {  	_ =	swait.ge [sflag:s12], $0x3000  }
0x121: {  	[sflag:s12] =	ssyncset.done $0x0  }
0x122: {  	[sflag:s12] =	ssyncadd.s32 $0xFFFFD000  }
0x123: {  	_ =	swait.ge [sflag:s12], $0x3000  }
0x124: {  	[sflag:s12] =	ssyncset.done $0x0  }
0x125: {  	s20 =	simm.s32 $0x1;
	[sflag:s12] =	ssyncadd.s32 $0xFFFFD000  }
0x126: {  	s20 =	simm.s32 @!p0 $0x0;
	_ =	swait.ge [sflag:s12], $0x3000  }
0x127: {  	s18 =	smul.u32 $0x30000, s20;
	[sflag:s12] =	ssyncset.done $0x0  }
0x128: {  	[sflag:s12] =	ssyncadd.s32 $0xFFFFD000  }
0x129: {  	s18 =	sshrl.u32 s18, $0x2;
	_ =	swait.ge [sflag:s12], $0x3000  }
0x12a: {  	p1 =	slt.u32 s17, $0x3;
	s18 =	sor.u32 $0x9A0, s18;
	[sflag:s12] =	ssyncset.done $0x0  }
0x12b: {  	s21 =	simm.s32 @!p1 $0x2;
	s19 =	smul.u32 $0x840, s20;
	v48 =	vmov s18;
	[sflag:s12] =	ssyncadd.s32 $0xFFFFD000  }
0x12c: {  	_ =	swait.ge @!p1 [sflag:s21], $0x3000  }
0x12d: {  	s28 =	sshrl.u32 s19, $0x2;
	[sflag:s21] =	ssyncset.done @!p1 $0x0  }
0x12e: {  	s19 =	sadd.s32 $0x588, s28;
	[sflag:s21] =	ssyncadd.s32 @!p1 $0xFFFFD000  }
0x12f: {  	s18 =	simm.s32 $0x0;
	v0 =	vld [tilespmem:s19+$0x4]  }
0x130: {  	v4 =	vld.idx.msk [tilespmem:v48+s18+$0x120 ss:$0x1], $0xffff  }
0x131: {  	v5 =	vld.idx.msk [tilespmem:v48+s18+$0x3120 ss:$0x1], $0xffff;
	_ =	sdelay $0x1  }
0x132: {  	v6 =	vld.idx.msk [tilespmem:v48+s18+$0x6120 ss:$0x1], $0xffff  }
0x133: {  	v12 =	vbroadcast v0, $0x0;
	v13 =	vbroadcast v0, $0x1  }
0x134: {  	s20 =	smul.u32 $0xC000, s20;
	v7 =	vld.idx.msk [tilespmem:v48+s18+$0x9120 ss:$0x1], $0xffff;
	v10 =	vbroadcast v0, $0x2  }
0x135: {  	v17 =	vld [tilespmem:s19+$0xFFFFFFFC];
	v4 =	vmul.f32 v4, v12;
	v5 =	vmul.f32 v5, v13  }
0x136: {  	s20 =	sshrl.u32 s20, $0x2;
	v19 =	vld [tilespmem:s19+$0xFFFFFFF8]  }
0x137: {  	s20 =	sor.u32 $0x189A0, s20;
	v8 =	vld.idx.msk [tilespmem:v48+s18+$0x3000 ss:$0x1], $0xffff;
	v11 =	vbroadcast v0, $0x3;
	v4 =	vadd.f32 v5, v4;
	v5 =	vmul.f32 v6, v10  }
0x138: {  	v49 =	vmov s20;
	v20 =	vld.idx.msk [tilespmem:v48+s18+$0x60 ss:$0x1], $0xffff  }
0x139: {  	v21 =	vld.idx.msk [tilespmem:v48+s18+$0x3060 ss:$0x1], $0xffff;
	v4 =	vadd.f32 v5, v4;
	v5 =	vmul.f32 v7, v11  }
0x13a: {  	v22 =	vld.idx.msk [tilespmem:v48+s18+$0x6000 ss:$0x1], $0xffff  }
0x13b: {  	v27 =	vld.idx.msk [tilespmem:v48+s18+$0x6060 ss:$0x1], $0xffff;
	v4 =	vadd.f32 v5, v4  }
0x13c: {  	v0 =	vld.idx.msk [tilespmem:v48+s18+$0x0 ss:$0x1], $0xffff;
	v14 =	vbroadcast v17, $0x0;
	v9 =	vbroadcast v17, $0x1  }
0x13d: {  	v53 =	vld.idx.msk [tilespmem:v48+s18+$0x9060 ss:$0x1], $0xffff;
	v16 =	vbroadcast v19, $0x0;
	v15 =	vbroadcast v19, $0x1;
	[tilespmem:v49+s18+$0x120 ss:$0x1] =	vst.idx.msk $0xffff, v4  }
0x13e: {  	v51 =	vbroadcast v17, $0x2;
	v52 =	vbroadcast v17, $0x3;
	v4 =	vld.idx.msk [tilespmem:v48+s18+$0x130 ss:$0x1], $0xffff  }
0x13f: {  	v20 =	vmul.f32 v20, v14;
	v21 =	vmul.f32 v21, v9;
	v23 =	vld.idx.msk [tilespmem:v48+s18+$0x3130 ss:$0x1], $0xffff  }
0x140: {  	v24 =	vld.idx.msk [tilespmem:v48+s18+$0x9000 ss:$0x1], $0xffff;
	v25 =	vmul.f32 v8, v15;
	v6 =	vbroadcast v19, $0x2  }
0x141: {  	v17 =	vadd.f32 v21, v20;
	v20 =	vmul.f32 v27, v51;
	v0 =	vmul.f32 v0, v16;
	v26 =	vld.idx.msk [tilespmem:v48+s18+$0x6130 ss:$0x1], $0xffff  }
0x142: {  	v18 =	vld [tilespmem:s19+$0x0];
	v50 =	vbroadcast v19, $0x3;
	v56 =	vmul.f32 v53, v52  }
0x143: {  	v19 =	vmul.f32 v22, v6;
	v17 =	vadd.f32 v20, v17;
	v0 =	vadd.f32 v25, v0;
	v41 =	vld.idx.msk [tilespmem:v48+s18+$0x9130 ss:$0x1], $0xffff  }
0x144: {  	v43 =	vld.idx.msk [tilespmem:v48+s18+$0x30C0 ss:$0x1], $0xffff;
	v4 =	vmul.f32 v4, v12;
	v23 =	vmul.f32 v23, v13  }
0x145: {  	v5 =	vld.idx.msk [tilespmem:v48+s18+$0xC0 ss:$0x1], $0xffff;
	v17 =	vadd.f32 v56, v17;
	v0 =	vadd.f32 v19, v0  }
0x146: {  	v19 =	vmul.f32 v24, v50;
	v44 =	vmul.f32 v26, v10;
	v4 =	vadd.f32 v23, v4  }
0x147: {  	v46 =	vld.idx.msk [tilespmem:v48+s18+$0x60C0 ss:$0x1], $0xffff;
	v8 =	vbroadcast v18, $0x1;
	v7 =	vbroadcast v18, $0x0;
	[tilespmem:v49+s18+$0x60 ss:$0x1] =	vst.idx.msk $0xffff, v17  }
0x148: {  	v20 =	vld.idx.msk [tilespmem:v48+s18+$0x90C0 ss:$0x1], $0xffff;
	v0 =	vadd.f32 v19, v0;
	v19 =	vmul.f32 v41, v11;
	v4 =	vadd.f32 v44, v4  }
0x149: {  	v54 =	vbroadcast v18, $0x2;
	v47 =	vmul.f32 v43, v8;
	v57 =	vld.idx.msk [tilespmem:v48+s18+$0x3070 ss:$0x1], $0xffff  }
0x14a: {  	v63 =	vld.idx.msk [tilespmem:v48+s18+$0x9070 ss:$0x1], $0xffff;
	v5 =	vmul.f32 v5, v7;
	[tilespmem:v49+s18+$0x0 ss:$0x1] =	vst.idx.msk $0xffff, v0;
	v0 =	vadd.f32 v19, v4  }
0x14b: {  	v53 =	vbroadcast v18, $0x3;
	v60 =	vld.idx.msk [tilespmem:v48+s18+$0x6010 ss:$0x1], $0xffff  }
0x14c: {  	v18 =	vmul.f32 v46, v54;
	v4 =	vadd.f32 v47, v5;
	v5 =	vld.idx.msk [tilespmem:v48+s18+$0x10 ss:$0x1], $0xffff;
	[tilespmem:v49+s18+$0x130 ss:$0x1] =	vst.idx.msk $0xffff, v0  }
0x14d: {  	v0 =	vld.idx.msk [tilespmem:v48+s18+$0x140 ss:$0x1], $0xffff  }
0x14e: {  	v4 =	vadd.f32 v18, v4;
	v18 =	vmul.f32 v20, v53;
	v17 =	vld.idx.msk [tilespmem:v48+s18+$0x3140 ss:$0x1], $0xffff  }
0x14f: {  	v19 =	vld.idx.msk [tilespmem:v48+s18+$0x3010 ss:$0x1], $0xffff  }
0x150: {  	v4 =	vadd.f32 v18, v4;
	v18 =	vld.idx.msk [tilespmem:v48+s18+$0x6140 ss:$0x1], $0xffff  }
0x151: {  	v20 =	vld.idx.msk [tilespmem:v48+s18+$0x70 ss:$0x1], $0xffff  }
0x152: {  	[tilespmem:v49+s18+$0xC0 ss:$0x1] =	vst.idx.msk $0xffff, v4;
	v4 =	vld.idx.msk [tilespmem:v48+s18+$0x9140 ss:$0x1], $0xffff  }
0x153: {  	v59 =	vld.idx.msk [tilespmem:v48+s18+$0x30D0 ss:$0x1], $0xffff;
	v0 =	vmul.f32 v0, v12;
	v17 =	vmul.f32 v17, v13  }
0x154: {  	v62 =	vld.idx.msk [tilespmem:v48+s18+$0x60D0 ss:$0x1], $0xffff  }
0x155: {  	v61 =	vld.idx.msk [tilespmem:v48+s18+$0x9010 ss:$0x1], $0xffff;
	v0 =	vadd.f32 v17, v0;
	v17 =	vmul.f32 v18, v10  }
0x156: {  	v5 =	vmul.f32 v5, v16;
	v19 =	vmul.f32 v19, v15;
	v58 =	vld.idx.msk [tilespmem:v48+s18+$0xD0 ss:$0x1], $0xffff  }
0x157: {  	s24 =	sadd.s32 $0x10, s19;
	s19 =	simm.s32 $0x180;
	v18 =	vld.idx.msk [tilespmem:v48+s18+$0x6070 ss:$0x1], $0xffff;
	v4 =	vmul.f32 v4, v11;
	v0 =	vadd.f32 v17, v0;
	v17 =	vmul.f32 v20, v14  }
0x158: {  	v20 =	vmul.f32 v57, v9;
	v24 =	vmul.f32 v59, v8;
	v59 =	vld.idx.msk [tilespmem:v48+s19+$0x3120 ss:$0x1], $0xffff  }
0x159: {  	v21 =	vmul.f32 v62, v54;
	v62 =	vld [tilespmem:s24+$0xFFFFFFF8];
	v0 =	vadd.f32 v4, v0  }
0x15a: {  	v4 =	vadd.f32 v19, v5;
	v5 =	vadd.f32 v20, v17;
	v17 =	vld.idx.msk [tilespmem:v48+s18+$0x90D0 ss:$0x1], $0xffff;
	v19 =	vmul.f32 v60, v6  }
0x15b: {  	v20 =	vmul.f32 v58, v7;
	v60 =	vld.idx.msk [tilespmem:v48+s19+$0x6120 ss:$0x1], $0xffff;
	[tilespmem:v49+s18+$0x140 ss:$0x1] =	vst.idx.msk $0xffff, v0  }
0x15c: {  	v0 =	vmul.f32 v18, v51;
	v4 =	vadd.f32 v19, v4;
	v18 =	vmul.f32 v61, v50;
	v19 =	vld.idx.msk [tilespmem:v48+s18+$0x150 ss:$0x1], $0xffff  }
0x15d: {  	v20 =	vadd.f32 v24, v20;
	v27 =	vld.idx.msk [tilespmem:v48+s18+$0x3150 ss:$0x1], $0xffff  }
0x15e: {  	v61 =	vld.idx.msk [tilespmem:v48+s19+$0x9120 ss:$0x1], $0xffff;
	v0 =	vadd.f32 v0, v5;
	v4 =	vadd.f32 v18, v4  }
0x15f: {  	v5 =	vmul.f32 v63, v52;
	v18 =	vadd.f32 v21, v20;
	v20 =	vld.idx.msk [tilespmem:v48+s18+$0x6150 ss:$0x1], $0xffff;
	v17 =	vmul.f32 v17, v53  }
0x160: {  	[tilespmem:v49+s18+$0x10 ss:$0x1] =	vst.idx.msk $0xffff, v4;
	v4 =	vld.idx.msk [tilespmem:v48+s18+$0x9150 ss:$0x1], $0xffff  }
0x161: {  	v0 =	vadd.f32 v5, v0;
	v5 =	vadd.f32 v17, v18;
	v17 =	vld.idx.msk [tilespmem:v48+s18+$0x20 ss:$0x1], $0xffff  }
0x162: {  	v31 =	vld.idx.msk [tilespmem:v48+s18+$0x9020 ss:$0x1], $0xffff;
	v18 =	vmul.f32 v19, v12;
	v19 =	vmul.f32 v27, v13  }
0x163: {  	[tilespmem:v49+s18+$0x70 ss:$0x1] =	vst.idx.msk $0xffff, v0;
	v0 =	vld.idx.msk [tilespmem:v48+s18+$0x3020 ss:$0x1], $0xffff  }
0x164: {  	v28 =	vld.idx.msk [tilespmem:v48+s18+$0x80 ss:$0x1], $0xffff;
	v18 =	vadd.f32 v19, v18;
	v19 =	vmul.f32 v20, v10  }
0x165: {  	[tilespmem:v49+s18+$0xD0 ss:$0x1] =	vst.idx.msk $0xffff, v5;
	v5 =	vld.idx.msk [tilespmem:v48+s18+$0x3080 ss:$0x1], $0xffff  }
0x166: {  	v30 =	vld.idx.msk [tilespmem:v48+s18+$0x6080 ss:$0x1], $0xffff;
	v4 =	vmul.f32 v4, v11;
	v18 =	vadd.f32 v19, v18  }
0x167: {  	v20 =	vld.idx.msk [tilespmem:v48+s18+$0xE0 ss:$0x1], $0xffff  }
0x168: {  	v19 =	vld.idx.msk [tilespmem:v48+s18+$0x6020 ss:$0x1], $0xffff;
	v4 =	vadd.f32 v4, v18  }
0x169: {  	v29 =	vld.idx.msk [tilespmem:v48+s18+$0x30E0 ss:$0x1], $0xffff  }
0x16a: {  	v18 =	vld.idx.msk [tilespmem:v48+s18+$0x60E0 ss:$0x1], $0xffff;
	[tilespmem:v49+s18+$0x150 ss:$0x1] =	vst.idx.msk $0xffff, v4  }
0x16b: {  	v0 =	vmul.f32 v0, v15;
	v4 =	vmul.f32 v17, v16;
	v17 =	vld.idx.msk [tilespmem:v48+s18+$0x160 ss:$0x1], $0xffff  }
0x16c: {  	v21 =	vmul.f32 v28, v14;
	v32 =	vld.idx.msk [tilespmem:v48+s18+$0x3160 ss:$0x1], $0xffff  }
0x16d: {  	v0 =	vadd.f32 v0, v4;
	v4 =	vmul.f32 v5, v9;
	v5 =	vmul.f32 v19, v6;
	v19 =	vld.idx.msk [tilespmem:v48+s18+$0x9080 ss:$0x1], $0xffff  }
0x16e: {  	v20 =	vmul.f32 v20, v7;
	v22 =	vmul.f32 v29, v8;
	v33 =	vld.idx.msk [tilespmem:v48+s18+$0x6160 ss:$0x1], $0xffff  }
0x16f: {  	v63 =	vld.idx.msk [tilespmem:v48+s19+$0x0 ss:$0x1], $0xffff;
	v24 =	vmul.f32 v31, v50;
	v0 =	vadd.f32 v5, v0  }
0x170: {  	v34 =	vmul.f32 v30, v51;
	v20 =	vadd.f32 v22, v20;
	v35 =	vld.idx.msk [tilespmem:v48+s18+$0x9160 ss:$0x1], $0xffff;
	v4 =	vadd.f32 v4, v21  }
0x171: {  	v31 =	vld.idx.msk [tilespmem:v48+s19+$0x60 ss:$0x1], $0xffff;
	v0 =	vadd.f32 v24, v0;
	v17 =	vmul.f32 v17, v12;
	v36 =	vmul.f32 v32, v13  }
0x172: {  	v28 =	vld [tilespmem:s24+$0xFFFFFFFC];
	v18 =	vmul.f32 v18, v54;
	v4 =	vadd.f32 v34, v4;
	v19 =	vmul.f32 v19, v52  }
0x173: {  	v5 =	vld.idx.msk [tilespmem:v48+s18+$0x90E0 ss:$0x1], $0xffff;
	[tilespmem:v49+s18+$0x20 ss:$0x1] =	vst.idx.msk $0xffff, v0;
	v0 =	vadd.f32 v36, v17;
	v17 =	vmul.f32 v33, v10  }
0x174: {  	v18 =	vadd.f32 v18, v20;
	v20 =	vld.idx.msk [tilespmem:v48+s18+$0x30 ss:$0x1], $0xffff  }
0x175: {  	v4 =	vadd.f32 v19, v4;
	v19 =	vld.idx.msk [tilespmem:v48+s18+$0x3030 ss:$0x1], $0xffff;
	v0 =	vadd.f32 v17, v0;
	v17 =	vmul.f32 v35, v11  }
0x176: {  	v30 =	vld.idx.msk [tilespmem:v48+s19+$0x3000 ss:$0x1], $0xffff  }
0x177: {  	v37 =	vld.idx.msk [tilespmem:v48+s18+$0x6030 ss:$0x1], $0xffff;
	v0 =	vadd.f32 v17, v0  }
0x178: {  	v29 =	vld [tilespmem:s24+$0x0];
	v5 =	vmul.f32 v5, v53;
	[tilespmem:v49+s18+$0x80 ss:$0x1] =	vst.idx.msk $0xffff, v4  }
0x179: {  	[tilespmem:v49+s18+$0x160 ss:$0x1] =	vst.idx.msk $0xffff, v0;
	v0 =	vld.idx.msk [tilespmem:v48+s18+$0x9030 ss:$0x1], $0xffff  }
0x17a: {  	v32 =	vld.idx.msk [tilespmem:v48+s19+$0xC0 ss:$0x1], $0xffff;
	v4 =	vadd.f32 v5, v18;
	v17 =	vmul.f32 v20, v16;
	v18 =	vmul.f32 v19, v15  }
0x17b: {  	v33 =	vld.idx.msk [tilespmem:v48+s19+$0x30C0 ss:$0x1], $0xffff  }
0x17c: {  	v35 =	vld.idx.msk [tilespmem:v48+s19+$0x6000 ss:$0x1], $0xffff;
	v19 =	vmul.f32 v37, v6;
	v17 =	vadd.f32 v18, v17  }
0x17d: {  	v5 =	vld.idx.msk [tilespmem:v48+s18+$0x90 ss:$0x1], $0xffff  }
0x17e: {  	v38 =	vld.idx.msk [tilespmem:v48+s18+$0x3090 ss:$0x1], $0xffff;
	v17 =	vadd.f32 v19, v17;
	v0 =	vmul.f32 v0, v50  }
0x17f: {  	v55 =	vld.idx.msk [tilespmem:v48+s18+$0x6090 ss:$0x1], $0xffff  }
0x180: {  	v57 =	vld.idx.msk [tilespmem:v48+s18+$0x9090 ss:$0x1], $0xffff;
	[tilespmem:v49+s18+$0xE0 ss:$0x1] =	vst.idx.msk $0xffff, v4;
	v0 =	vadd.f32 v0, v17  }
0x181: {  	v4 =	vld.idx.msk [tilespmem:v48+s18+$0xF0 ss:$0x1], $0xffff  }
0x182: {  	[tilespmem:v49+s18+$0x30 ss:$0x1] =	vst.idx.msk $0xffff, v0;
	v0 =	vld [tilespmem:s24+$0x4]  }
0x183: {  	v39 =	vld.idx.msk [tilespmem:v48+s18+$0x30F0 ss:$0x1], $0xffff  }
0x184: {  	v26 =	vmul.f32 v38, v9;
	v17 =	vld.idx.msk [tilespmem:v48+s19+$0x120 ss:$0x1], $0xffff  }
0x185: {  	v56 =	vld.idx.msk [tilespmem:v48+s18+$0x60F0 ss:$0x1], $0xffff;
	v41 =	vmul.f32 v55, v51;
	v44 =	vmul.f32 v57, v52  }
0x186: {  	v58 =	vld.idx.msk [tilespmem:v48+s18+$0x90F0 ss:$0x1], $0xffff;
	v55 =	vbroadcast v28, $0x0;
	v57 =	vbroadcast v28, $0x1  }
0x187: {  	v37 =	vld.idx.msk [tilespmem:v48+s19+$0x6060 ss:$0x1], $0xffff;
	v19 =	vbroadcast v0, $0x0;
	v20 =	vbroadcast v0, $0x1  }
0x188: {  	v23 =	vld.idx.msk [tilespmem:v48+s18+$0x170 ss:$0x1], $0xffff;
	v4 =	vmul.f32 v4, v7;
	v18 =	vbroadcast v0, $0x2  }
0x189: {  	v24 =	vld.idx.msk [tilespmem:v48+s18+$0x3170 ss:$0x1], $0xffff;
	v17 =	vmul.f32 v17, v19;
	v59 =	vmul.f32 v59, v20  }
0x18a: {  	v22 =	vld.idx.msk [tilespmem:v48+s18+$0x6170 ss:$0x1], $0xffff;
	v27 =	vmul.f32 v39, v8;
	v34 =	vmul.f32 v56, v54  }
0x18b: {  	v21 =	vld.idx.msk [tilespmem:v48+s18+$0x9170 ss:$0x1], $0xffff;
	v60 =	vmul.f32 v60, v18;
	v59 =	vadd.f32 v59, v17;
	v17 =	vbroadcast v0, $0x3  }
0x18c: {  	v38 =	vld.idx.msk [tilespmem:v48+s19+$0x60C0 ss:$0x1], $0xffff;
	v36 =	vmul.f32 v58, v53;
	v56 =	vbroadcast v29, $0x0  }
0x18d: {  	v39 =	vld.idx.msk [tilespmem:v48+s19+$0x9000 ss:$0x1], $0xffff;
	v4 =	vadd.f32 v27, v4;
	v59 =	vadd.f32 v60, v59;
	v40 =	vmul.f32 v61, v17  }
0x18e: {  	v58 =	vbroadcast v62, $0x2;
	v31 =	vmul.f32 v31, v55;
	v25 =	vld.idx.msk [tilespmem:v48+s18+$0x40 ss:$0x1], $0xffff  }
0x18f: {  	v4 =	vadd.f32 v34, v4;
	v34 =	vld.idx.msk [tilespmem:v48+s18+$0x3040 ss:$0x1], $0xffff;
	v0 =	vmul.f32 v5, v14;
	v43 =	vadd.f32 v40, v59  }
0x190: {  	v5 =	vld.idx.msk [tilespmem:v48+s19+$0x3060 ss:$0x1], $0xffff;
	v60 =	vbroadcast v62, $0x0;
	v61 =	vbroadcast v62, $0x1  }
0x191: {  	v4 =	vadd.f32 v36, v4;
	v0 =	vadd.f32 v26, v0;
	v40 =	vld.idx.msk [tilespmem:v48+s19+$0x9060 ss:$0x1], $0xffff;
	[tilespmem:v49+s19+$0x120 ss:$0x1] =	vst.idx.msk $0xffff, v43  }
0x192: {  	v47 =	vmul.f32 v63, v60;
	v30 =	vmul.f32 v30, v61;
	v27 =	vld.idx.msk [tilespmem:v48+s19+$0x130 ss:$0x1], $0xffff  }
0x193: {  	[tilespmem:v49+s18+$0xF0 ss:$0x1] =	vst.idx.msk $0xffff, v4;
	v4 =	vbroadcast v28, $0x3;
	v62 =	vbroadcast v62, $0x3;
	v0 =	vadd.f32 v41, v0;
	v46 =	vld.idx.msk [tilespmem:v48+s19+$0x3130 ss:$0x1], $0xffff  }
0x194: {  	v59 =	vbroadcast v29, $0x1;
	v63 =	vbroadcast v28, $0x2;
	v26 =	vadd.f32 v30, v47;
	v30 =	vld.idx.msk [tilespmem:v48+s19+$0x90C0 ss:$0x1], $0xffff  }
0x195: {  	v5 =	vmul.f32 v5, v57;
	v0 =	vadd.f32 v44, v0;
	v44 =	vmul.f32 v35, v58;
	v36 =	vld.idx.msk [tilespmem:v48+s19+$0x6130 ss:$0x1], $0xffff  }
0x196: {  	v47 =	vmul.f32 v37, v63;
	v43 =	vmul.f32 v39, v62;
	v41 =	vld.idx.msk [tilespmem:v48+s19+$0x9130 ss:$0x1], $0xffff  }
0x197: {  	v5 =	vadd.f32 v5, v31;
	[tilespmem:v49+s18+$0x90 ss:$0x1] =	vst.idx.msk $0xffff, v0;
	v0 =	vbroadcast v29, $0x2;
	v26 =	vadd.f32 v44, v26  }
0x198: {  	v37 =	vld.idx.msk [tilespmem:v48+s18+$0xA0 ss:$0x1], $0xffff;
	v27 =	vmul.f32 v27, v19;
	v46 =	vmul.f32 v46, v20  }
0x199: {  	v35 =	vadd.f32 v47, v5;
	v5 =	vbroadcast v29, $0x3;
	v29 =	vld.idx.msk [tilespmem:v48+s18+$0x6040 ss:$0x1], $0xffff;
	v28 =	vadd.f32 v43, v26  }
0x19a: {  	v32 =	vmul.f32 v32, v56;
	v26 =	vld.idx.msk [tilespmem:v48+s18+$0x100 ss:$0x1], $0xffff;
	v27 =	vadd.f32 v46, v27;
	v46 =	vmul.f32 v40, v4  }
0x19b: {  	v33 =	vmul.f32 v33, v59;
	v44 =	vmul.f32 v36, v18;
	v36 =	vld.idx.msk [tilespmem:v48+s18+$0x30A0 ss:$0x1], $0xffff;
	[tilespmem:v49+s19+$0x0 ss:$0x1] =	vst.idx.msk $0xffff, v28  }
0x19c: {  	v43 =	vmul.f32 v38, v0;
	v47 =	vmul.f32 v41, v17;
	v38 =	vld.idx.msk [tilespmem:v48+s19+$0x3010 ss:$0x1], $0xffff;
	v41 =	vadd.f32 v46, v35  }
0x19d: {  	v32 =	vadd.f32 v33, v32;
	v1 =	vld.idx.msk [tilespmem:v48+s19+$0x6010 ss:$0x1], $0xffff;
	v31 =	vadd.f32 v44, v27  }
0x19e: {  	v35 =	vld.idx.msk [tilespmem:v48+s19+$0x10 ss:$0x1], $0xffff;
	[tilespmem:v49+s19+$0x60 ss:$0x1] =	vst.idx.msk $0xffff, v41  }
0x19f: {  	v44 =	vadd.f32 v43, v32;
	v31 =	vadd.f32 v47, v31;
	v32 =	vld.idx.msk [tilespmem:v48+s19+$0x70 ss:$0x1], $0xffff  }
0x1a0: {  	v30 =	vmul.f32 v30, v5;
	v33 =	vld.idx.msk [tilespmem:v48+s19+$0x3070 ss:$0x1], $0xffff  }
0x1a1: {  	v43 =	vld.idx.msk [tilespmem:v48+s19+$0x6070 ss:$0x1], $0xffff;
	[tilespmem:v49+s19+$0x130 ss:$0x1] =	vst.idx.msk $0xffff, v31  }
0x1a2: {  	v28 =	vadd.f32 v30, v44;
	v31 =	vld.idx.msk [tilespmem:v48+s19+$0x140 ss:$0x1], $0xffff  }
0x1a3: {  	v46 =	vld.idx.msk [tilespmem:v48+s19+$0x3140 ss:$0x1], $0xffff  }
0x1a4: {  	[tilespmem:v49+s19+$0xC0 ss:$0x1] =	vst.idx.msk $0xffff, v28;
	v28 =	vld.idx.msk [tilespmem:v48+s19+$0x6140 ss:$0x1], $0xffff  }
0x1a5: {  	v40 =	vld.idx.msk [tilespmem:v48+s19+$0x9140 ss:$0x1], $0xffff  }
0x1a6: {  	v39 =	vld.idx.msk [tilespmem:v48+s19+$0xD0 ss:$0x1], $0xffff  }
0x1a7: {  	v38 =	vmul.f32 v38, v61;
	v41 =	vld.idx.msk [tilespmem:v48+s19+$0x30D0 ss:$0x1], $0xffff;
	v35 =	vmul.f32 v35, v60  }
0x1a8: {  	v27 =	vld.idx.msk [tilespmem:v48+s18+$0x3100 ss:$0x1], $0xffff;
	v32 =	vmul.f32 v32, v55;
	v33 =	vmul.f32 v33, v57  }
0x1a9: {  	v44 =	vld.idx.msk [tilespmem:v48+s19+$0x60D0 ss:$0x1], $0xffff;
	v31 =	vmul.f32 v31, v19;
	v30 =	vmul.f32 v46, v20  }
0x1aa: {  	v28 =	vmul.f32 v28, v18;
	v47 =	vmul.f32 v40, v17;
	v40 =	vld.idx.msk [tilespmem:v48+s19+$0x90D0 ss:$0x1], $0xffff  }
0x1ab: {  	v46 =	vld.idx.msk [tilespmem:v48+s19+$0x9070 ss:$0x1], $0xffff;
	v32 =	vadd.f32 v33, v32;
	v33 =	vmul.f32 v39, v56;
	v30 =	vadd.f32 v30, v31  }
0x1ac: {  	v35 =	vadd.f32 v38, v35;
	v38 =	vmul.f32 v41, v59;
	v41 =	vmul.f32 v43, v63;
	v43 =	vld.idx.msk [tilespmem:v48+s18+$0x90A0 ss:$0x1], $0xffff  }
0x1ad: {  	v31 =	vld.idx.msk [tilespmem:v48+s19+$0x9010 ss:$0x1], $0xffff;
	v28 =	vadd.f32 v28, v30  }
0x1ae: {  	v33 =	vadd.f32 v38, v33;
	v30 =	vld.idx.msk [tilespmem:v48+s18+$0x60A0 ss:$0x1], $0xffff  }
0x1af: {  	v38 =	vmul.f32 v44, v0;
	v44 =	vmul.f32 v40, v5;
	v40 =	vld.idx.msk [tilespmem:v48+s18+$0x9100 ss:$0x1], $0xffff;
	v28 =	vadd.f32 v47, v28  }
0x1b0: {  	v32 =	vadd.f32 v41, v32;
	v41 =	vmul.f32 v46, v4;
	v47 =	vld.idx.msk [tilespmem:v48+s18+$0x6100 ss:$0x1], $0xffff  }
0x1b1: {  	v1 =	vmul.f32 v1, v58;
	[tilespmem:v49+s19+$0x140 ss:$0x1] =	vst.idx.msk $0xffff, v28;
	v28 =	vld.idx.msk [tilespmem:v48+s18+$0x9040 ss:$0x1], $0xffff  }
0x1b2: {  	v33 =	vadd.f32 v38, v33;
	v32 =	vadd.f32 v41, v32;
	v39 =	vld.idx.msk [tilespmem:v48+s19+$0x150 ss:$0x1], $0xffff  }
0x1b3: {  	v1 =	vadd.f32 v1, v35;
	v31 =	vmul.f32 v31, v62;
	v35 =	vld.idx.msk [tilespmem:v48+s19+$0x3150 ss:$0x1], $0xffff  }
0x1b4: {  	v33 =	vadd.f32 v44, v33;
	v46 =	vld.idx.msk [tilespmem:v48+s19+$0x6150 ss:$0x1], $0xffff;
	[tilespmem:v49+s19+$0x70 ss:$0x1] =	vst.idx.msk $0xffff, v32  }
0x1b5: {  	v1 =	vadd.f32 v31, v1;
	v41 =	vld.idx.msk [tilespmem:v48+s19+$0x80 ss:$0x1], $0xffff  }
0x1b6: {  	[tilespmem:v49+s19+$0xD0 ss:$0x1] =	vst.idx.msk $0xffff, v33;
	v33 =	vld.idx.msk [tilespmem:v48+s19+$0x3080 ss:$0x1], $0xffff  }
0x1b7: {  	v25 =	vmul.f32 v25, v16;
	v34 =	vmul.f32 v34, v15;
	[tilespmem:v49+s19+$0x10 ss:$0x1] =	vst.idx.msk $0xffff, v1;
	v1 =	vld.idx.msk [tilespmem:v48+s19+$0x9150 ss:$0x1], $0xffff  }
0x1b8: {  	v44 =	vld.idx.msk [tilespmem:v48+s19+$0x30E0 ss:$0x1], $0xffff;
	v39 =	vmul.f32 v39, v19;
	v35 =	vmul.f32 v35, v20  }
0x1b9: {  	v25 =	vadd.f32 v34, v25;
	v29 =	vmul.f32 v29, v6;
	v38 =	vld.idx.msk [tilespmem:v48+s19+$0x20 ss:$0x1], $0xffff  }
0x1ba: {  	v32 =	vld.idx.msk [tilespmem:v48+s19+$0x3020 ss:$0x1], $0xffff;
	v31 =	vmul.f32 v46, v18;
	v35 =	vadd.f32 v35, v39  }
0x1bb: {  	v12 =	vmul.f32 v23, v12;
	v25 =	vadd.f32 v29, v25;
	v36 =	vmul.f32 v36, v9;
	v29 =	vld.idx.msk [tilespmem:v48+s19+$0x9020 ss:$0x1], $0xffff  }
0x1bc: {  	v46 =	vmul.f32 v37, v14;
	v37 =	vld.idx.msk [tilespmem:v48+s19+$0x6020 ss:$0x1], $0xffff;
	v1 =	vmul.f32 v1, v17;
	v31 =	vadd.f32 v31, v35  }
0x1bd: {  	v13 =	vmul.f32 v24, v13;
	v10 =	vmul.f32 v22, v10;
	v39 =	vld.idx.msk [tilespmem:v48+s19+$0xE0 ss:$0x1], $0xffff  }
0x1be: {  	v30 =	vmul.f32 v30, v51;
	v36 =	vadd.f32 v36, v46;
	v35 =	vld.idx.msk [tilespmem:v48+s19+$0x60E0 ss:$0x1], $0xffff;
	v1 =	vadd.f32 v1, v31  }
0x1bf: {  	v11 =	vmul.f32 v21, v11;
	v12 =	vadd.f32 v13, v12;
	v46 =	vmul.f32 v43, v52;
	v31 =	vld.idx.msk [tilespmem:v48+s19+$0x6080 ss:$0x1], $0xffff  }
0x1c0: {  	[tilespmem:v49+s19+$0x150 ss:$0x1] =	vst.idx.msk $0xffff, v1;
	v1 =	vmul.f32 v28, v50;
	v28 =	vadd.f32 v30, v36;
	v30 =	vld.idx.msk [tilespmem:v48+s19+$0x9080 ss:$0x1], $0xffff  }
0x1c1: {  	v43 =	vmul.f32 v38, v60;
	v32 =	vmul.f32 v32, v61;
	v34 =	vld.idx.msk [tilespmem:v48+s19+$0x160 ss:$0x1], $0xffff  }
0x1c2: {  	v10 =	vadd.f32 v10, v12;
	v33 =	vmul.f32 v33, v57;
	v29 =	vmul.f32 v29, v62;
	v38 =	vld.idx.msk [tilespmem:v48+s19+$0x3160 ss:$0x1], $0xffff  }
0x1c3: {  	v32 =	vadd.f32 v32, v43;
	v36 =	vmul.f32 v37, v58;
	v37 =	vld.idx.msk [tilespmem:v48+s19+$0x6160 ss:$0x1], $0xffff;
	v1 =	vadd.f32 v1, v25  }
0x1c4: {  	v35 =	vmul.f32 v35, v0;
	v25 =	vadd.f32 v46, v28;
	v28 =	vmul.f32 v41, v55;
	v41 =	vld.idx.msk [tilespmem:v48+s19+$0x90E0 ss:$0x1], $0xffff  }
0x1c5: {  	v46 =	vmul.f32 v44, v59;
	v36 =	vadd.f32 v36, v32;
	v32 =	vld.idx.msk [tilespmem:v48+s19+$0x9160 ss:$0x1], $0xffff;
	[tilespmem:v49+s18+$0x40 ss:$0x1] =	vst.idx.msk $0xffff, v1  }
0x1c6: {  	v31 =	vmul.f32 v31, v63;
	v1 =	vmul.f32 v39, v56;
	v28 =	vadd.f32 v33, v28;
	v33 =	vld.idx.msk [tilespmem:v48+s18+$0x50 ss:$0x1], $0xffff  }
0x1c7: {  	[tilespmem:v49+s18+$0xA0 ss:$0x1] =	vst.idx.msk $0xffff, v25;
	v25 =	vadd.f32 v29, v36;
	v36 =	vld.idx.msk [tilespmem:v48+s18+$0x3050 ss:$0x1], $0xffff;
	v30 =	vmul.f32 v30, v4  }
0x1c8: {  	v43 =	vmul.f32 v34, v19;
	v44 =	vmul.f32 v38, v20;
	v28 =	vadd.f32 v31, v28;
	v31 =	vld.idx.msk [tilespmem:v48+s18+$0xB0 ss:$0x1], $0xffff  }
0x1c9: {  	v1 =	vadd.f32 v46, v1;
	[tilespmem:v49+s19+$0x20 ss:$0x1] =	vst.idx.msk $0xffff, v25;
	v38 =	vmul.f32 v37, v18;
	v34 =	vld.idx.msk [tilespmem:v48+s18+$0x30B0 ss:$0x1], $0xffff  }
0x1ca: {  	v39 =	vmul.f32 v41, v5;
	v29 =	vld.idx.msk [tilespmem:v48+s19+$0x3030 ss:$0x1], $0xffff;
	v46 =	vadd.f32 v44, v43;
	v28 =	vadd.f32 v30, v28  }
0x1cb: {  	v32 =	vmul.f32 v32, v17;
	v41 =	vmul.f32 v26, v7;
	v1 =	vadd.f32 v35, v1;
	v30 =	vld.idx.msk [tilespmem:v48+s19+$0x30 ss:$0x1], $0xffff  }
0x1cc: {  	v43 =	vmul.f32 v27, v8;
	v25 =	vadd.f32 v38, v46;
	[tilespmem:v49+s19+$0x80 ss:$0x1] =	vst.idx.msk $0xffff, v28;
	v28 =	vld.idx.msk [tilespmem:v48+s19+$0x6030 ss:$0x1], $0xffff  }
0x1cd: {  	v10 =	vadd.f32 v11, v10;
	v1 =	vadd.f32 v39, v1;
	v11 =	vmul.f32 v33, v16;
	v16 =	vld.idx.msk [tilespmem:v48+s19+$0x6090 ss:$0x1], $0xffff  }
0x1ce: {  	v44 =	vadd.f32 v43, v41;
	v46 =	vmul.f32 v47, v54;
	v25 =	vadd.f32 v32, v25;
	v32 =	vld.idx.msk [tilespmem:v48+s19+$0x90 ss:$0x1], $0xffff  }
0x1cf: {  	[tilespmem:v49+s19+$0xE0 ss:$0x1] =	vst.idx.msk $0xffff, v1;
	v1 =	vld.idx.msk [tilespmem:v48+s19+$0x3090 ss:$0x1], $0xffff  }
0x1d0: {  	v35 =	vadd.f32 v46, v44;
	v44 =	vld.idx.msk [tilespmem:v48+s19+$0x9030 ss:$0x1], $0xffff  }
0x1d1: {  	v12 =	vld.idx.msk [tilespmem:v48+s19+$0x30F0 ss:$0x1], $0xffff;
	[tilespmem:v49+s19+$0x160 ss:$0x1] =	vst.idx.msk $0xffff, v25  }
0x1d2: {  	v13 =	vld.idx.msk [tilespmem:v48+s19+$0x170 ss:$0x1], $0xffff  }
0x1d3: {  	v47 =	vld.idx.msk [tilespmem:v48+s19+$0x3170 ss:$0x1], $0xffff  }
0x1d4: {  	v37 =	vmul.f32 v40, v53;
	v39 =	vmul.f32 v31, v14;
	v41 =	vld.idx.msk [tilespmem:v48+s19+$0x60F0 ss:$0x1], $0xffff  }
0x1d5: {  	[tilespmem:v49+s18+$0x170 ss:$0x1] =	vst.idx.msk $0xffff, v10;
	v14 =	vmul.f32 v29, v61;
	v10 =	vmul.f32 v30, v60;
	v38 =	vld.idx.msk [tilespmem:v48+s19+$0x6170 ss:$0x1], $0xffff  }
0x1d6: {  	s29 =	sadd.s32 $0xFFFFFFFF, s17;
	v15 =	vmul.f32 v36, v15;
	v43 =	vmul.f32 v34, v9;
	v25 =	vld.idx.msk [tilespmem:v48+s19+$0xF0 ss:$0x1], $0xffff  }
0x1d7: {  	s30 =	sand.u32 $0xFF, s29;
	v21 =	vadd.f32 v37, v35;
	v40 =	vld.idx.msk [tilespmem:v48+s19+$0x9170 ss:$0x1], $0xffff;
	v9 =	vmul.f32 v28, v58;
	v10 =	vadd.f32 v14, v10  }
0x1d8: {  	s21 =	smul.u32 $0xAB, s30;
	v14 =	vadd.f32 v15, v11;
	v15 =	vld.idx.msk [tilespmem:v48+s19+$0x90F0 ss:$0x1], $0xffff;
	v13 =	vmul.f32 v13, v19;
	v19 =	vmul.f32 v47, v20  }
0x1d9: {  	[tilespmem:v49+s18+$0x100 ss:$0x1] =	vst.idx.msk $0xffff, v21;
	v11 =	vmul.f32 v32, v55;
	v1 =	vmul.f32 v1, v57;
	v20 =	vld.idx.msk [tilespmem:v48+s19+$0x9090 ss:$0x1], $0xffff  }
0x1da: {  	s21 =	sshrl.u32 s21, $0x9;
	v46 =	vadd.f32 v9, v10;
	v10 =	vmul.f32 v38, v18;
	v18 =	vld.idx.msk [tilespmem:v48+s18+$0x110 ss:$0x1], $0xffff;
	v9 =	vadd.f32 v19, v13  }
0x1db: {  	s22 =	smul.u32 $0x3, s21;
	v1 =	vadd.f32 v1, v11;
	v11 =	vmul.f32 v12, v59;
	v47 =	vld.idx.msk [tilespmem:v48+s18+$0x3110 ss:$0x1], $0xffff;
	v13 =	vmul.f32 v25, v56  }
0x1dc: {  	s23 =	sand.u32 $0x1, s29;
	v12 =	vmul.f32 v16, v63;
	v16 =	vmul.f32 v40, v17;
	v17 =	vld.idx.msk [tilespmem:v48+s18+$0x6050 ss:$0x1], $0xffff;
	v10 =	vadd.f32 v10, v9  }
0x1dd: {  	s31 =	smul.u32 $0xC000, s23;
	s21 =	sadd.s32 s21, s4;
	s20 =	ssub.s32 s29, s22;
	v19 =	vmul.f32 v44, v62;
	v11 =	vadd.f32 v11, v13;
	v13 =	vmul.f32 v41, v0;
	v9 =	vld.idx.msk [tilespmem:v48+s18+$0x60B0 ss:$0x1], $0xffff  }
0x1de: {  	s21 =	smul.u32 $0x1200, s21;
	s20 =	sand.u32 $0xFF, s20;
	v1 =	vadd.f32 v12, v1;
	v12 =	vadd.f32 v16, v10;
	v16 =	vmul.f32 v20, v4;
	v10 =	vld.idx.msk [tilespmem:v48+s18+$0x6110 ss:$0x1], $0xffff  }
0x1df: {  	s20 =	smul.u32 $0x600, s20;
	v15 =	vmul.f32 v15, v5;
	v19 =	vadd.f32 v19, v46;
	v20 =	vadd.f32 v13, v11;
	v11 =	vld.idx.msk [tilespmem:v48+s18+$0x9050 ss:$0x1], $0xffff  }
0x1e0: {  	v8 =	vmul.f32 v47, v8;
	[tilespmem:v49+s19+$0x170 ss:$0x1] =	vst.idx.msk $0xffff, v12;
	v1 =	vadd.f32 v16, v1;
	v12 =	vld.idx.msk [tilespmem:v48+s18+$0x90B0 ss:$0x1], $0xffff  }
0x1e1: {  	s23 =	simm.s32 $0xC00;
	s22 =	sshrl.u32 s31, $0x2;
	s20 =	sadd.s32 s20, s21;
	[tilespmem:v49+s19+$0x30 ss:$0x1] =	vst.idx.msk $0xffff, v19;
	v16 =	vmul.f32 v18, v7;
	v19 =	vadd.f32 v15, v20;
	v15 =	vld.idx.msk [tilespmem:v48+s18+$0x9110 ss:$0x1], $0xffff  }
0x1e2: {  	s21 =	sor.u32 $0x189A0, s22;
	s22 =	simm.s32 $0x4;
	s24 =	sadd.s32 $0x10, s24;
	v17 =	vmul.f32 v17, v6;
	v13 =	vadd.f32 v43, v39;
	v18 =	vld.idx.msk [tilespmem:v48+s19+$0x40 ss:$0x1], $0xffff;
	[tilespmem:v49+s19+$0x90 ss:$0x1] =	vst.idx.msk $0xffff, v1  }
.LBB2_4:
0x1e3: {  	s25 =	sshra.s32 s23, $0x2;
	v1 =	vld [tilespmem:s24+$0x4];
	[tilespmem:v49+s19+$0xF0 ss:$0x1] =	vst.idx.msk $0xffff, v19;
	v6 =	vmul.f32 v9, v51;
	v7 =	vadd.f32 v8, v16;
	v51 =	vmov v63  }
0x1e4: {  	v10 =	vmul.f32 v10, v54;
	v54 =	vmov v0;
	v8 =	vld.idx.msk [tilespmem:v48+s25+$0x120 ss:$0x1], $0xffff;
	v9 =	vadd.f32 v17, v14  }
0x1e5: {  	v11 =	vmul.f32 v11, v50;
	v50 =	vmov v62;
	v0 =	vld.idx.msk [tilespmem:v48+s25+$0x3120 ss:$0x1], $0xffff;
	v6 =	vadd.f32 v6, v13  }
0x1e6: {  	v12 =	vmul.f32 v12, v52;
	v7 =	vadd.f32 v10, v7;
	v52 =	vmov v4;
	v17 =	vld [tilespmem:s24+$0xFFFFFFFC]  }
0x1e7: {  	v11 =	vadd.f32 v11, v9;
	v13 =	vmul.f32 v15, v53;
	v53 =	vmov v5;
	v4 =	vld.idx.msk [tilespmem:v48+s25+$0x6120 ss:$0x1], $0xffff  }
0x1e8: {  	v18 =	vmul.f32 v18, v60;
	v6 =	vadd.f32 v12, v6;
	v5 =	vld [tilespmem:s24+$0x0]  }
0x1e9: {  	s22 =	sadd.s32 $0x4, s22;
	v9 =	vbroadcast v1, $0x0;
	v10 =	vbroadcast v1, $0x1;
	v7 =	vadd.f32 v13, v7;
	v16 =	vld.idx.msk [tilespmem:v48+s25+$0x9120 ss:$0x1], $0xffff;
	[tilespmem:v49+s18+$0x50 ss:$0x1] =	vst.idx.msk $0xffff, v11  }
0x1ea: {  	p1 =	slt.u32 s22, $0x7C;
	v11 =	vbroadcast v1, $0x2;
	v19 =	vld [tilespmem:s24+$0xFFFFFFF8];
	[tilespmem:v49+s18+$0xB0 ss:$0x1] =	vst.idx.msk $0xffff, v6  }
0x1eb: {  	v6 =	vmul.f32 v8, v9;
	v0 =	vmul.f32 v0, v10;
	v20 =	vld.idx.msk [tilespmem:v48+s25+$0x0 ss:$0x1], $0xffff;
	[tilespmem:v49+s18+$0x110 ss:$0x1] =	vst.idx.msk $0xffff, v7;
	s18 =	smov.u32 s19;
	s19 =	smov.u32 s25  }
0x1ec: {  	v14 =	vbroadcast v17, $0x0;
	v13 =	vbroadcast v17, $0x1;
	v21 =	vld.idx.msk [tilespmem:v48+s19+$0x3000 ss:$0x1], $0xffff  }
0x1ed: {  	v12 =	vbroadcast v1, $0x3;
	v0 =	vadd.f32 v0, v6;
	v4 =	vmul.f32 v4, v11;
	v22 =	vld.idx.msk [tilespmem:v48+s19+$0x60 ss:$0x1], $0xffff  }
0x1ee: {  	v8 =	vbroadcast v5, $0x0;
	v6 =	vbroadcast v5, $0x1;
	v1 =	vld.idx.msk [tilespmem:v48+s19+$0x3060 ss:$0x1], $0xffff  }
0x1ef: {  	v0 =	vadd.f32 v4, v0;
	v4 =	vmul.f32 v16, v12;
	v15 =	vbroadcast v19, $0x0;
	v23 =	vld.idx.msk [tilespmem:v48+s19+$0xC0 ss:$0x1], $0xffff  }
0x1f0: {  	v16 =	vbroadcast v19, $0x1;
	v7 =	vbroadcast v19, $0x2;
	v24 =	vld.idx.msk [tilespmem:v48+s19+$0x30C0 ss:$0x1], $0xffff  }
0x1f1: {  	v63 =	vbroadcast v17, $0x2;
	v4 =	vadd.f32 v4, v0;
	v20 =	vmul.f32 v20, v15;
	v25 =	vld.idx.msk [tilespmem:v48+s19+$0x6000 ss:$0x1], $0xffff  }
0x1f2: {  	v0 =	vbroadcast v5, $0x2;
	v21 =	vmul.f32 v21, v16;
	v26 =	vld.idx.msk [tilespmem:v48+s19+$0x6060 ss:$0x1], $0xffff  }
0x1f3: {  	v62 =	vbroadcast v19, $0x3;
	v19 =	vmul.f32 v22, v14;
	v22 =	vld.idx.msk [tilespmem:v48+s19+$0x60C0 ss:$0x1], $0xffff;
	[tilespmem:v49+s19+$0x120 ss:$0x1] =	vst.idx.msk $0xffff, v4  }
0x1f4: {  	v20 =	vadd.f32 v21, v20;
	v1 =	vmul.f32 v1, v13;
	v4 =	vbroadcast v17, $0x3;
	v17 =	vld.idx.msk [tilespmem:v48+s19+$0x130 ss:$0x1], $0xffff  }
0x1f5: {  	v5 =	vbroadcast v5, $0x3;
	v21 =	vmul.f32 v23, v8;
	v23 =	vld.idx.msk [tilespmem:v48+s19+$0x3130 ss:$0x1], $0xffff  }
0x1f6: {  	v1 =	vadd.f32 v1, v19;
	v19 =	vmul.f32 v24, v6;
	v27 =	vld.idx.msk [tilespmem:v48+s19+$0x9000 ss:$0x1], $0xffff  }
0x1f7: {  	v24 =	vmul.f32 v25, v7;
	v25 =	vld.idx.msk [tilespmem:v48+s19+$0x6130 ss:$0x1], $0xffff  }
0x1f8: {  	v26 =	vmul.f32 v26, v63;
	v19 =	vadd.f32 v19, v21;
	v28 =	vld.idx.msk [tilespmem:v48+s19+$0x9060 ss:$0x1], $0xffff  }
0x1f9: {  	v20 =	vadd.f32 v24, v20;
	v21 =	vmul.f32 v22, v0;
	v22 =	vld.idx.msk [tilespmem:v48+s19+$0x9130 ss:$0x1], $0xffff  }
0x1fa: {  	v1 =	vadd.f32 v26, v1;
	v24 =	vld.idx.msk [tilespmem:v48+s19+$0x90C0 ss:$0x1], $0xffff  }
0x1fb: {  	v17 =	vmul.f32 v17, v9;
	v19 =	vadd.f32 v21, v19;
	v21 =	vmul.f32 v23, v10;
	v23 =	vld.idx.msk [tilespmem:v48+s18+$0x3040 ss:$0x1], $0xffff  }
0x1fc: {  	v26 =	vmul.f32 v27, v62;
	v27 =	vld.idx.msk [tilespmem:v48+s18+$0xA0 ss:$0x1], $0xffff  }
0x1fd: {  	v17 =	vadd.f32 v21, v17;
	v21 =	vmul.f32 v25, v11;
	v25 =	vld.idx.msk [tilespmem:v48+s18+$0x30A0 ss:$0x1], $0xffff  }
0x1fe: {  	v20 =	vadd.f32 v26, v20;
	v26 =	vmul.f32 v28, v4;
	v28 =	vld.idx.msk [tilespmem:v48+s18+$0x100 ss:$0x1], $0xffff  }
0x1ff: {  	v17 =	vadd.f32 v21, v17;
	v21 =	vmul.f32 v22, v12;
	v22 =	vld.idx.msk [tilespmem:v48+s18+$0x3100 ss:$0x1], $0xffff  }
0x200: {  	v1 =	vadd.f32 v26, v1;
	[tilespmem:v49+s19+$0x0 ss:$0x1] =	vst.idx.msk $0xffff, v20;
	v20 =	vmul.f32 v24, v5;
	v24 =	vld.idx.msk [tilespmem:v48+s18+$0x6040 ss:$0x1], $0xffff  }
0x201: {  	v17 =	vadd.f32 v21, v17;
	v21 =	vmul.f32 v23, v61;
	v26 =	vld.idx.msk [tilespmem:v48+s19+$0x10 ss:$0x1], $0xffff  }
0x202: {  	v23 =	vld.idx.msk [tilespmem:v48+s19+$0x3010 ss:$0x1], $0xffff;
	[tilespmem:v49+s19+$0x60 ss:$0x1] =	vst.idx.msk $0xffff, v1;
	v1 =	vadd.f32 v20, v19;
	v19 =	vmul.f32 v27, v55  }
0x203: {  	v20 =	vld.idx.msk [tilespmem:v48+s19+$0x70 ss:$0x1], $0xffff;
	[tilespmem:v49+s19+$0x130 ss:$0x1] =	vst.idx.msk $0xffff, v17;
	v17 =	vadd.f32 v21, v18;
	v18 =	vmul.f32 v25, v57  }
0x204: {  	v21 =	vmul.f32 v28, v56;
	[tilespmem:v49+s19+$0xC0 ss:$0x1] =	vst.idx.msk $0xffff, v1;
	v1 =	vld.idx.msk [tilespmem:v48+s19+$0x140 ss:$0x1], $0xffff  }
0x205: {  	v25 =	vld.idx.msk [tilespmem:v48+s19+$0x3140 ss:$0x1], $0xffff;
	v18 =	vadd.f32 v18, v19;
	v19 =	vmul.f32 v22, v59  }
0x206: {  	v24 =	vmul.f32 v24, v58;
	v22 =	vld.idx.msk [tilespmem:v48+s19+$0x3070 ss:$0x1], $0xffff  }
0x207: {  	v26 =	vmul.f32 v26, v15;
	v27 =	vld.idx.msk [tilespmem:v48+s19+$0x6140 ss:$0x1], $0xffff;
	v19 =	vadd.f32 v19, v21  }
0x208: {  	v21 =	vmul.f32 v23, v16;
	v17 =	vadd.f32 v24, v17;
	v23 =	vld.idx.msk [tilespmem:v48+s19+$0xD0 ss:$0x1], $0xffff  }
0x209: {  	v20 =	vmul.f32 v20, v14;
	v24 =	vld.idx.msk [tilespmem:v48+s19+$0x9140 ss:$0x1], $0xffff  }
0x20a: {  	v21 =	vadd.f32 v21, v26;
	v26 =	vld.idx.msk [tilespmem:v48+s19+$0x30D0 ss:$0x1], $0xffff  }
0x20b: {  	v1 =	vmul.f32 v1, v9;
	v25 =	vmul.f32 v25, v10;
	v28 =	vld.idx.msk [tilespmem:v48+s19+$0x6010 ss:$0x1], $0xffff  }
0x20c: {  	v22 =	vmul.f32 v22, v13;
	v29 =	vld.idx.msk [tilespmem:v48+s19+$0x6070 ss:$0x1], $0xffff  }
0x20d: {  	v1 =	vadd.f32 v25, v1;
	v25 =	vmul.f32 v27, v11;
	v30 =	vld.idx.msk [tilespmem:v48+s19+$0x60D0 ss:$0x1], $0xffff  }
0x20e: {  	v20 =	vadd.f32 v22, v20;
	v22 =	vmul.f32 v23, v8;
	v27 =	vld.idx.msk [tilespmem:v48+s19+$0x9010 ss:$0x1], $0xffff  }
0x20f: {  	v1 =	vadd.f32 v25, v1;
	v24 =	vmul.f32 v24, v12;
	v23 =	vld.idx.msk [tilespmem:v48+s19+$0x9070 ss:$0x1], $0xffff  }
0x210: {  	v25 =	vmul.f32 v26, v6;
	v26 =	vld.idx.msk [tilespmem:v48+s19+$0x90D0 ss:$0x1], $0xffff  }
0x211: {  	v28 =	vmul.f32 v28, v7;
	v1 =	vadd.f32 v24, v1;
	v24 =	vld.idx.msk [tilespmem:v48+s18+$0x60A0 ss:$0x1], $0xffff  }
0x212: {  	v29 =	vmul.f32 v29, v63;
	v22 =	vadd.f32 v25, v22;
	v25 =	vld.idx.msk [tilespmem:v48+s18+$0x6100 ss:$0x1], $0xffff  }
0x213: {  	v21 =	vadd.f32 v28, v21;
	v28 =	vmul.f32 v30, v0;
	[tilespmem:v49+s19+$0x140 ss:$0x1] =	vst.idx.msk $0xffff, v1;
	v1 =	vld.idx.msk [tilespmem:v48+s18+$0x9040 ss:$0x1], $0xffff  }
0x214: {  	v27 =	vmul.f32 v27, v62;
	v20 =	vadd.f32 v29, v20;
	v29 =	vld.idx.msk [tilespmem:v48+s19+$0x150 ss:$0x1], $0xffff  }
0x215: {  	v23 =	vmul.f32 v23, v4;
	v22 =	vadd.f32 v28, v22;
	v28 =	vld.idx.msk [tilespmem:v48+s19+$0x3150 ss:$0x1], $0xffff  }
0x216: {  	v21 =	vadd.f32 v27, v21;
	v26 =	vmul.f32 v26, v5;
	v27 =	vld.idx.msk [tilespmem:v48+s18+$0x90A0 ss:$0x1], $0xffff  }
0x217: {  	v20 =	vadd.f32 v23, v20;
	v24 =	vmul.f32 v24, v51;
	v23 =	vld.idx.msk [tilespmem:v48+s19+$0x6150 ss:$0x1], $0xffff  }
0x218: {  	[tilespmem:v49+s19+$0x10 ss:$0x1] =	vst.idx.msk $0xffff, v21;
	v21 =	vadd.f32 v26, v22;
	v22 =	vmul.f32 v25, v54;
	v25 =	vld.idx.msk [tilespmem:v48+s18+$0x9100 ss:$0x1], $0xffff  }
0x219: {  	v1 =	vmul.f32 v1, v50;
	v18 =	vadd.f32 v24, v18;
	[tilespmem:v49+s19+$0x70 ss:$0x1] =	vst.idx.msk $0xffff, v20;
	v20 =	vld.idx.msk [tilespmem:v48+s19+$0x9150 ss:$0x1], $0xffff  }
0x21a: {  	v24 =	vld.idx.msk [tilespmem:v48+s19+$0x20 ss:$0x1], $0xffff;
	[tilespmem:v49+s19+$0xD0 ss:$0x1] =	vst.idx.msk $0xffff, v21;
	v19 =	vadd.f32 v22, v19  }
0x21b: {  	v22 =	vmul.f32 v29, v9;
	v26 =	vmul.f32 v28, v10;
	v1 =	vadd.f32 v1, v17;
	v21 =	vld.idx.msk [tilespmem:v48+s19+$0x3020 ss:$0x1], $0xffff  }
0x21c: {  	v27 =	vmul.f32 v27, v52;
	v17 =	vld.idx.msk [tilespmem:v48+s19+$0x80 ss:$0x1], $0xffff  }
0x21d: {  	v22 =	vadd.f32 v26, v22;
	v23 =	vmul.f32 v23, v11;
	v28 =	vld.idx.msk [tilespmem:v48+s19+$0x3080 ss:$0x1], $0xffff;
	[tilespmem:v49+s18+$0x40 ss:$0x1] =	vst.idx.msk $0xffff, v1  }
0x21e: {  	v18 =	vadd.f32 v27, v18;
	v25 =	vmul.f32 v25, v53;
	v1 =	vld.idx.msk [tilespmem:v48+s19+$0xE0 ss:$0x1], $0xffff  }
0x21f: {  	v22 =	vadd.f32 v23, v22;
	v20 =	vmul.f32 v20, v12;
	v26 =	vld.idx.msk [tilespmem:v48+s19+$0x30E0 ss:$0x1], $0xffff  }
0x220: {  	v23 =	vmul.f32 v24, v15;
	v24 =	vld.idx.msk [tilespmem:v48+s19+$0x6020 ss:$0x1], $0xffff;
	[tilespmem:v49+s18+$0xA0 ss:$0x1] =	vst.idx.msk $0xffff, v18;
	v18 =	vadd.f32 v25, v19  }
0x221: {  	v19 =	vmul.f32 v21, v16;
	v20 =	vadd.f32 v20, v22;
	v21 =	vld.idx.msk [tilespmem:v48+s19+$0x6080 ss:$0x1], $0xffff  }
0x222: {  	v17 =	vmul.f32 v17, v14;
	v22 =	vld.idx.msk [tilespmem:v48+s19+$0x60E0 ss:$0x1], $0xffff;
	[tilespmem:v49+s18+$0x100 ss:$0x1] =	vst.idx.msk $0xffff, v18  }
0x223: {  	v18 =	vadd.f32 v19, v23;
	v23 =	vmul.f32 v28, v13;
	v19 =	vld.idx.msk [tilespmem:v48+s19+$0x9020 ss:$0x1], $0xffff;
	[tilespmem:v49+s19+$0x150 ss:$0x1] =	vst.idx.msk $0xffff, v20  }
0x224: {  	v1 =	vmul.f32 v1, v8;
	v20 =	vld.idx.msk [tilespmem:v48+s19+$0x160 ss:$0x1], $0xffff  }
0x225: {  	v17 =	vadd.f32 v23, v17;
	v23 =	vmul.f32 v26, v6;
	v25 =	vld.idx.msk [tilespmem:v48+s19+$0x3160 ss:$0x1], $0xffff  }
0x226: {  	v24 =	vmul.f32 v24, v7;
	v26 =	vld.idx.msk [tilespmem:v48+s19+$0x9080 ss:$0x1], $0xffff  }
0x227: {  	v21 =	vmul.f32 v21, v63;
	v1 =	vadd.f32 v23, v1;
	v23 =	vld.idx.msk [tilespmem:v48+s19+$0x6160 ss:$0x1], $0xffff  }
0x228: {  	v18 =	vadd.f32 v24, v18;
	v22 =	vmul.f32 v22, v0;
	v24 =	vld.idx.msk [tilespmem:v48+s19+$0x90E0 ss:$0x1], $0xffff  }
0x229: {  	v19 =	vmul.f32 v19, v62;
	v17 =	vadd.f32 v21, v17;
	v21 =	vld.idx.msk [tilespmem:v48+s19+$0x9160 ss:$0x1], $0xffff  }
0x22a: {  	v1 =	vadd.f32 v22, v1;
	v22 =	vld.idx.msk [tilespmem:v48+s18+$0x50 ss:$0x1], $0xffff  }
0x22b: {  	v18 =	vadd.f32 v19, v18;
	v19 =	vmul.f32 v20, v9;
	v20 =	vmul.f32 v25, v10;
	v25 =	vld.idx.msk [tilespmem:v48+s18+$0x3050 ss:$0x1], $0xffff  }
0x22c: {  	v26 =	vmul.f32 v26, v4;
	v27 =	vld.idx.msk [tilespmem:v48+s18+$0xB0 ss:$0x1], $0xffff  }
0x22d: {  	[tilespmem:v49+s19+$0x20 ss:$0x1] =	vst.idx.msk $0xffff, v18;
	v18 =	vadd.f32 v20, v19;
	v19 =	vmul.f32 v23, v11;
	v20 =	vld.idx.msk [tilespmem:v48+s18+$0x30B0 ss:$0x1], $0xffff  }
0x22e: {  	v17 =	vadd.f32 v26, v17;
	v24 =	vmul.f32 v24, v5;
	v23 =	vld.idx.msk [tilespmem:v48+s19+$0x30 ss:$0x1], $0xffff  }
0x22f: {  	v26 =	vld.idx.msk [tilespmem:v48+s19+$0x3030 ss:$0x1], $0xffff;
	v18 =	vadd.f32 v19, v18;
	v19 =	vmul.f32 v21, v12  }
0x230: {  	v1 =	vadd.f32 v24, v1;
	v21 =	vld.idx.msk [tilespmem:v48+s19+$0x6030 ss:$0x1], $0xffff;
	[tilespmem:v49+s19+$0x80 ss:$0x1] =	vst.idx.msk $0xffff, v17;
	v17 =	vmul.f32 v22, v60  }
0x231: {  	v60 =	vmovc v15;
	v22 =	vld.idx.msk [tilespmem:v48+s19+$0x90 ss:$0x1], $0xffff;
	v18 =	vadd.f32 v19, v18;
	v19 =	vmul.f32 v25, v61;
	v61 =	vmov v16  }
0x232: {  	v15 =	vld.idx.msk [tilespmem:v48+s19+$0x3090 ss:$0x1], $0xffff;
	[tilespmem:v49+s19+$0xE0 ss:$0x1] =	vst.idx.msk $0xffff, v1;
	v1 =	vmul.f32 v27, v55;
	v55 =	vmov v14  }
0x233: {  	v16 =	vld.idx.msk [tilespmem:v48+s19+$0xF0 ss:$0x1], $0xffff;
	[tilespmem:v49+s19+$0x160 ss:$0x1] =	vst.idx.msk $0xffff, v18;
	v14 =	vadd.f32 v19, v17;
	v17 =	vmul.f32 v20, v57  }
0x234: {  	v18 =	vmul.f32 v23, v60;
	v57 =	vmov v13;
	v19 =	vld.idx.msk [tilespmem:v48+s19+$0x170 ss:$0x1], $0xffff  }
0x235: {  	v20 =	vmul.f32 v26, v61;
	v23 =	vld.idx.msk [tilespmem:v48+s19+$0x3170 ss:$0x1], $0xffff;
	v13 =	vadd.f32 v17, v1  }
0x236: {  	v1 =	vmul.f32 v21, v7;
	v17 =	vld.idx.msk [tilespmem:v48+s19+$0x30F0 ss:$0x1], $0xffff  }
0x237: {  	v18 =	vadd.f32 v20, v18;
	v20 =	vmul.f32 v22, v55;
	v21 =	vld.idx.msk [tilespmem:v48+s19+$0x6170 ss:$0x1], $0xffff  }
0x238: {  	v15 =	vmul.f32 v15, v57;
	v22 =	vld.idx.msk [tilespmem:v48+s19+$0x6090 ss:$0x1], $0xffff  }
0x239: {  	v1 =	vadd.f32 v1, v18;
	v16 =	vmul.f32 v16, v8;
	v18 =	vld.idx.msk [tilespmem:v48+s19+$0x9170 ss:$0x1], $0xffff  }
0x23a: {  	v15 =	vadd.f32 v15, v20;
	v20 =	vld.idx.msk [tilespmem:v48+s19+$0x60F0 ss:$0x1], $0xffff  }
0x23b: {  	v9 =	vmul.f32 v19, v9;
	v10 =	vmul.f32 v23, v10;
	v24 =	vld.idx.msk [tilespmem:v48+s19+$0x9030 ss:$0x1], $0xffff  }
0x23c: {  	v17 =	vmul.f32 v17, v6;
	v19 =	vld.idx.msk [tilespmem:v48+s19+$0x9090 ss:$0x1], $0xffff  }
0x23d: {  	v9 =	vadd.f32 v10, v9;
	v10 =	vmul.f32 v21, v11;
	v23 =	vld.idx.msk [tilespmem:v48+s19+$0x90F0 ss:$0x1], $0xffff  }
0x23e: {  	v11 =	vmul.f32 v22, v63;
	v16 =	vadd.f32 v17, v16;
	v17 =	vld.idx.msk [tilespmem:v48+s18+$0x110 ss:$0x1], $0xffff  }
0x23f: {  	v9 =	vadd.f32 v10, v9;
	v10 =	vmul.f32 v18, v12;
	v18 =	vld.idx.msk [tilespmem:v48+s18+$0x3110 ss:$0x1], $0xffff  }
0x240: {  	v12 =	vadd.f32 v11, v15;
	v11 =	vmul.f32 v20, v0;
	v20 =	vld.idx.msk [tilespmem:v48+s18+$0x6050 ss:$0x1], $0xffff  }
0x241: {  	v15 =	vmul.f32 v24, v62;
	v21 =	vadd.f32 v10, v9;
	v9 =	vld.idx.msk [tilespmem:v48+s18+$0x60B0 ss:$0x1], $0xffff  }
.Ltmp3:
0x242: {  	v19 =	vmul.f32 v19, v4;
	v22 =	vadd.f32 v11, v16;
	v10 =	vld.idx.msk [tilespmem:v48+s18+$0x6110 ss:$0x1], $0xffff;
	(pc) =	sbr.rel @p1 .LBB2_4-.Ltmp3, $4  }
0x243: {  	v1 =	vadd.f32 v15, v1;
	v15 =	vmul.f32 v23, v5;
	[tilespmem:v49+s19+$0x170 ss:$0x1] =	vst.idx.msk $0xffff, v21;
	v11 =	vld.idx.msk [tilespmem:v48+s18+$0x9050 ss:$0x1], $0xffff  }
0x244: {  	v21 =	vadd.f32 v19, v12;
	v16 =	vmul.f32 v17, v56;
	v56 =	vmov v8;
	v12 =	vld.idx.msk [tilespmem:v48+s18+$0x90B0 ss:$0x1], $0xffff  }
0x245: {  	v19 =	vadd.f32 v15, v22;
	v8 =	vmul.f32 v18, v59;
	[tilespmem:v49+s19+$0x30 ss:$0x1] =	vst.idx.msk $0xffff, v1;
	v15 =	vld.idx.msk [tilespmem:v48+s18+$0x9110 ss:$0x1], $0xffff  }
0x246: {  	s23 =	sadd.s32 $0x600, s23;
	s24 =	sadd.s32 $0x10, s24;
	v59 =	vmov v6;
	v17 =	vmul.f32 v20, v58;
	v58 =	vmov v7;
	v18 =	vld.idx.msk [tilespmem:v48+s19+$0x40 ss:$0x1], $0xffff;
	[tilespmem:v49+s19+$0x90 ss:$0x1] =	vst.idx.msk $0xffff, v21  }
0x247: {  	_ =	sdelay $0x3  }
0x248: {  	v1 =	vld.idx.msk [tilespmem:v48+s19+$0x3040 ss:$0x1], $0xffff  }
0x249: {  	v6 =	vld.idx.msk [tilespmem:v48+s19+$0xA0 ss:$0x1], $0xffff  }
0x24a: {  	v7 =	vld.idx.msk [tilespmem:v48+s19+$0x30A0 ss:$0x1], $0xffff  }
0x24b: {  	v21 =	vld.idx.msk [tilespmem:v48+s19+$0x6040 ss:$0x1], $0xffff  }
0x24c: {  	v22 =	vld.idx.msk [tilespmem:v48+s19+$0x60A0 ss:$0x1], $0xffff  }
0x24d: {  	v23 =	vld.idx.msk [tilespmem:v48+s19+$0x9040 ss:$0x1], $0xffff  }
0x24e: {  	[tilespmem:v49+s19+$0xF0 ss:$0x1] =	vst.idx.msk $0xffff, v19;
	v25 =	vld.idx.msk [tilespmem:v48+s19+$0x90A0 ss:$0x1], $0xffff  }
0x24f: {  	v19 =	vld.idx.msk [tilespmem:v48+s19+$0x100 ss:$0x1], $0xffff;
	v18 =	vmul.f32 v18, v60;
	v1 =	vmul.f32 v1, v61  }
0x250: {  	v20 =	vld.idx.msk [tilespmem:v48+s19+$0x3100 ss:$0x1], $0xffff  }
0x251: {  	v24 =	vld.idx.msk [tilespmem:v48+s19+$0x6100 ss:$0x1], $0xffff;
	v32 =	vmul.f32 v21, v58;
	v1 =	vadd.f32 v1, v18  }
0x252: {  	v6 =	vmul.f32 v6, v55  }
0x253: {  	v7 =	vmul.f32 v7, v57;
	v36 =	vmul.f32 v23, v62;
	v1 =	vadd.f32 v32, v1  }
0x254: {  	v34 =	vld.idx.msk [tilespmem:v48+s19+$0x9100 ss:$0x1], $0xffff;
	v35 =	vmul.f32 v22, v63;
	v19 =	vmul.f32 v19, v56  }
0x255: {  	v33 =	vmul.f32 v20, v59;
	v6 =	vadd.f32 v7, v6;
	v1 =	vadd.f32 v36, v1  }
0x256: {  	v38 =	vmul.f32 v25, v4;
	v37 =	vmul.f32 v24, v0  }
0x257: {  	v7 =	vadd.f32 v33, v19;
	v6 =	vadd.f32 v35, v6;
	[tilespmem:v49+s19+$0x40 ss:$0x1] =	vst.idx.msk $0xffff, v1  }
0x258: {  	v40 =	vld.idx.msk [tilespmem:v48+s19+$0x50 ss:$0x1], $0xffff  }
0x259: {  	v39 =	vmul.f32 v34, v5;
	v7 =	vadd.f32 v37, v7;
	v1 =	vadd.f32 v38, v6;
	v41 =	vld.idx.msk [tilespmem:v48+s19+$0x3050 ss:$0x1], $0xffff  }
0x25a: {  	v47 =	vld.idx.msk [tilespmem:v48+s19+$0x6050 ss:$0x1], $0xffff  }
0x25b: {  	v10 =	vmul.f32 v10, v54;
	v54 =	vld.idx.msk [tilespmem:v48+s19+$0x9050 ss:$0x1], $0xffff;
	[tilespmem:v49+s19+$0xA0 ss:$0x1] =	vst.idx.msk $0xffff, v1;
	v1 =	vadd.f32 v39, v7  }
0x25c: {  	v43 =	vld.idx.msk [tilespmem:v48+s19+$0xB0 ss:$0x1], $0xffff  }
0x25d: {  	v9 =	vmul.f32 v9, v51;
	[tilespmem:v49+s19+$0x100 ss:$0x1] =	vst.idx.msk $0xffff, v1;
	v1 =	vld.idx.msk [tilespmem:v48+s19+$0x30B0 ss:$0x1], $0xffff  }
0x25e: {  	v8 =	vadd.f32 v8, v16;
	v14 =	vadd.f32 v17, v14;
	v11 =	vmul.f32 v11, v50;
	v46 =	vld.idx.msk [tilespmem:v48+s19+$0x3110 ss:$0x1], $0xffff  }
0x25f: {  	v9 =	vadd.f32 v9, v13;
	v12 =	vmul.f32 v12, v52;
	v44 =	vld.idx.msk [tilespmem:v48+s19+$0x110 ss:$0x1], $0xffff  }
0x260: {  	v8 =	vadd.f32 v10, v8;
	v11 =	vadd.f32 v11, v14;
	v50 =	vld.idx.msk [tilespmem:v48+s19+$0x60B0 ss:$0x1], $0xffff  }
0x261: {  	v51 =	vmul.f32 v15, v53;
	v9 =	vadd.f32 v12, v9;
	v52 =	vld.idx.msk [tilespmem:v48+s19+$0x6110 ss:$0x1], $0xffff;
	v53 =	vmul.f32 v40, v60  }
0x262: {  	[tilespmem:v49+s18+$0x50 ss:$0x1] =	vst.idx.msk $0xffff, v11;
	v6 =	vmul.f32 v41, v61;
	v7 =	vmul.f32 v43, v55;
	v55 =	vld.idx.msk [tilespmem:v48+s19+$0x90B0 ss:$0x1], $0xffff  }
0x263: {  	v8 =	vadd.f32 v51, v8;
	v1 =	vmul.f32 v1, v57;
	v57 =	vmul.f32 v46, v59;
	v59 =	vld.idx.msk [tilespmem:v48+s19+$0x9110 ss:$0x1], $0xffff  }
0x264: {  	v60 =	vmul.f32 v47, v58;
	v6 =	vadd.f32 v6, v53;
	v56 =	vmul.f32 v44, v56  }
0x265: {  	v61 =	vmul.f32 v50, v63;
	v63 =	vmul.f32 v54, v62;
	v1 =	vadd.f32 v1, v7  }
0x266: {  	v6 =	vadd.f32 v60, v6;
	v0 =	vmul.f32 v52, v0;
	v11 =	vadd.f32 v57, v56  }
0x267: {  	[tilespmem:v49+s18+$0xB0 ss:$0x1] =	vst.idx.msk $0xffff, v9;
	v1 =	vadd.f32 v61, v1;
	v4 =	vmul.f32 v55, v4  }
0x268: {  	v6 =	vadd.f32 v63, v6;
	v0 =	vadd.f32 v0, v11;
	v5 =	vmul.f32 v59, v5  }
.Ltmp4:
0x269: {  	[tilespmem:v49+s18+$0x110 ss:$0x1] =	vst.idx.msk $0xffff, v8;
	v1 =	vadd.f32 v4, v1;
	(pc) =	sbr.rel .LBB2_6-.Ltmp4, $4  }
0x26a: {  	[tilespmem:v49+s19+$0x50 ss:$0x1] =	vst.idx.msk $0xffff, v6;
	v0 =	vadd.f32 v5, v0  }
0x26b: {  	[tilespmem:v49+s19+$0xB0 ss:$0x1] =	vst.idx.msk $0xffff, v1  }
0x26c: {  	s31 =	sadd.s32 s6, s20;
	[tilespmem:v49+s19+$0x110 ss:$0x1] =	vst.idx.msk $0xffff, v0  }
0x26d: {  	[hbm4b:s31+s3] =	stream.linear.scatter [tilespmem:s21], [sflag:$0x2], $0x3000, $0x38;
	[tilespmem:$0x1E9A0] =	vst v63  }
.LBB2_7:
0x26e: {  	_ =	swait.ge [sflag:s12], $0x3000  }
0x26f: {  	[sflag:s12] =	ssyncset.done $0x0  }
0x270: {  	[sflag:s12] =	ssyncadd.s32 $0xFFFFD000  }
0x271: {  	_ =	swait.ge [sflag:s12], $0x3000  }
0x272: {  	[sflag:s12] =	ssyncset.done $0x0  }
0x273: {  	[sflag:s12] =	ssyncadd.s32 $0xFFFFD000  }
0x274: {  	_ =	swait.ge [sflag:s12], $0x3000  }
0x275: {  	[sflag:s12] =	ssyncset.done $0x0  }
0x276: {  	[sflag:s12] =	ssyncadd.s32 $0xFFFFD000  }
0x277: {  	_ =	swait.ge [sflag:s12], $0x3000  }
0x278: {  	[sflag:s12] =	ssyncset.done $0x0  }
0x279: {  	[sflag:s12] =	ssyncadd.s32 $0xFFFFD000  }
0x27a: {  	_ =	swait.ge [sflag:s14], $0x3000  }
0x27b: {  	[sflag:s14] =	ssyncset.done $0x0  }
0x27c: {  	s18 =	simm.s32 $0x79C;
	[sflag:s14] =	ssyncadd.s32 $0xFFFFD000  }
0x27d: {  	s17 =	simm.s32 $0x0;
	v0 =	vld [tilespmem:s18+$0x0]  }
0x27e: {  	v1 =	vld [tilespmem:s17+$0xCB10]  }
0x27f: {  	v8 =	vld [tilespmem:s17+$0xFB10]  }
0x280: {  	v6 =	vld [tilespmem:s18+$0xFFFFFFF8]  }
0x281: {  	v9 =	vld [tilespmem:s17+$0x12B10]  }
0x282: {  	v5 =	vld [tilespmem:s18+$0xFFFFFFFC]  }
0x283: {  	v10 =	vld [tilespmem:s17+$0x15B10]  }
0x284: {  	v7 =	vld [tilespmem:s18+$0xFFFFFFF4]  }
0x285: {  	v11 =	vld [tilespmem:s17+$0xC9A0]  }
0x286: {  	v12 =	vld [tilespmem:s17+$0xF9A0]  }
0x287: {  	v13 =	vld [tilespmem:s17+$0xC9B0]  }
0x288: {  	v14 =	vld [tilespmem:s17+$0xF9B0]  }
0x289: {  	v15 =	vld [tilespmem:s17+$0xC9C0]  }
0x28a: {  	v16 =	vld [tilespmem:s17+$0xF9C0]  }
0x28b: {  	v17 =	vld [tilespmem:s17+$0xC9D0]  }
0x28c: {  	v18 =	vld [tilespmem:s17+$0xF9D0]  }
0x28d: {  	v19 =	vld [tilespmem:s17+$0xC9E0]  }
0x28e: {  	v20 =	vld [tilespmem:s17+$0xF9E0]  }
0x28f: {  	v21 =	vld [tilespmem:s17+$0xC9F0]  }
0x290: {  	v22 =	vld [tilespmem:s17+$0xF9F0]  }
0x291: {  	v23 =	vld [tilespmem:s17+$0xCA00]  }
0x292: {  	v24 =	vld [tilespmem:s17+$0xFA00]  }
0x293: {  	v25 =	vld [tilespmem:s17+$0xCA10]  }
0x294: {  	v26 =	vld [tilespmem:s17+$0xFA10]  }
0x295: {  	v27 =	vld [tilespmem:s17+$0xCA20]  }
0x296: {  	v28 =	vld [tilespmem:s17+$0xFA20]  }
0x297: {  	v29 =	vld [tilespmem:s17+$0xCA30]  }
0x298: {  	v30 =	vld [tilespmem:s17+$0xFA30]  }
0x299: {  	v31 =	vld [tilespmem:s17+$0xCA40]  }
0x29a: {  	v32 =	vld [tilespmem:s17+$0xFA40]  }
0x29b: {  	v33 =	vld [tilespmem:s17+$0xCA50]  }
0x29c: {  	v34 =	vld [tilespmem:s17+$0xFA50]  }
0x29d: {  	v35 =	vld [tilespmem:s17+$0xCA60]  }
0x29e: {  	v38 =	vld [tilespmem:s17+$0xFA60]  }
0x29f: {  	v39 =	vld [tilespmem:s17+$0xCA70]  }
0x2a0: {  	v40 =	vld [tilespmem:s17+$0xFA70]  }
0x2a1: {  	v41 =	vld [tilespmem:s17+$0xCA80]  }
0x2a2: {  	v42 =	vld [tilespmem:s17+$0xCA90];
	v36 =	vbroadcast v0, $0x0  }
0x2a3: {  	v43 =	vld [tilespmem:s17+$0xCAA0];
	v37 =	vbroadcast v0, $0x1;
	v4 =	vbroadcast v0, $0x2  }
0x2a4: {  	v44 =	vld [tilespmem:s17+$0xCAB0];
	v0 =	vbroadcast v0, $0x3;
	v45 =	vbroadcast v6, $0x0  }
0x2a5: {  	v48 =	vld [tilespmem:s17+$0xCAC0];
	v46 =	vbroadcast v6, $0x1;
	v47 =	vbroadcast v5, $0x0  }
0x2a6: {  	v51 =	vld [tilespmem:s17+$0xFAC0];
	v49 =	vbroadcast v7, $0x0;
	v50 =	vbroadcast v7, $0x1  }
0x2a7: {  	v54 =	vld [tilespmem:s17+$0xCAD0];
	v52 =	vbroadcast v5, $0x1;
	v53 =	vbroadcast v7, $0x2  }
0x2a8: {  	v55 =	vld [tilespmem:s17+$0xFAD0];
	v7 =	vbroadcast v7, $0x3;
	v1 =	vmul.f32 v1, v36  }
0x2a9: {  	v56 =	vld [tilespmem:s17+$0xCAE0];
	v8 =	vmul.f32 v8, v37;
	v11 =	vmul.f32 v11, v49  }
0x2aa: {  	v57 =	vld [tilespmem:s17+$0xFAE0];
	v12 =	vmul.f32 v12, v50;
	v13 =	vmul.f32 v13, v49  }
0x2ab: {  	v58 =	vld [tilespmem:s17+$0xCAF0];
	v14 =	vmul.f32 v14, v50;
	v15 =	vmul.f32 v15, v49  }
0x2ac: {  	v16 =	vmul.f32 v16, v50;
	v59 =	vmul.f32 v28, v46;
	v28 =	vld [tilespmem:s17+$0x129B0]  }
0x2ad: {  	v17 =	vmul.f32 v17, v49;
	v60 =	vmul.f32 v30, v46;
	v30 =	vld [tilespmem:s17+$0x129C0]  }
0x2ae: {  	v18 =	vmul.f32 v18, v50;
	v62 =	vmul.f32 v33, v45;
	v33 =	vld [tilespmem:s17+$0x129D0]  }
0x2af: {  	v61 =	vmul.f32 v31, v45;
	v1 =	vadd.f32 v8, v1;
	v8 =	vmul.f32 v9, v4;
	v9 =	vld [tilespmem:s17+$0xFA80]  }
0x2b0: {  	v11 =	vadd.f32 v12, v11;
	v12 =	vmul.f32 v19, v49;
	v19 =	vmul.f32 v21, v49;
	v21 =	vld [tilespmem:s17+$0xFAF0]  }
0x2b1: {  	v13 =	vadd.f32 v14, v13;
	v14 =	vmul.f32 v20, v50;
	v20 =	vmul.f32 v22, v50;
	v22 =	vld [tilespmem:s17+$0xCB00]  }
0x2b2: {  	v63 =	vmul.f32 v32, v46;
	v15 =	vadd.f32 v16, v15;
	v49 =	vmul.f32 v24, v46;
	v24 =	vld [tilespmem:s17+$0xFB00]  }
0x2b3: {  	v16 =	vmul.f32 v23, v45;
	v17 =	vadd.f32 v18, v17;
	v50 =	vmul.f32 v26, v46;
	v26 =	vld [tilespmem:s17+$0x129A0]  }
0x2b4: {  	v18 =	vmul.f32 v25, v45;
	v23 =	vadd.f32 v63, v61;
	v61 =	vmul.f32 v42, v47;
	v42 =	vld [tilespmem:s17+$0x12A20]  }
0x2b5: {  	v63 =	vmul.f32 v44, v47;
	v44 =	vld [tilespmem:s17+$0x12A30];
	v25 =	vmul.f32 v48, v36;
	v1 =	vadd.f32 v8, v1  }
0x2b6: {  	v48 =	vld [tilespmem:s17+$0x12A60];
	v8 =	vmul.f32 v10, v0;
	v12 =	vadd.f32 v14, v12;
	v14 =	vmul.f32 v27, v45  }
0x2b7: {  	v10 =	vld [tilespmem:s17+$0xFA90];
	v19 =	vadd.f32 v20, v19;
	v20 =	vmul.f32 v29, v45;
	v16 =	vadd.f32 v49, v16  }
0x2b8: {  	v18 =	vadd.f32 v50, v18;
	v45 =	vmul.f32 v34, v46;
	v34 =	vld [tilespmem:s17+$0x129E0];
	v46 =	vmul.f32 v35, v47  }
0x2b9: {  	v49 =	vmul.f32 v38, v52;
	v38 =	vld [tilespmem:s17+$0x129F0];
	v50 =	vmul.f32 v39, v47;
	v1 =	vadd.f32 v8, v1  }
0x2ba: {  	v39 =	vld [tilespmem:s17+$0x12A40];
	v28 =	vmul.f32 v28, v53;
	v14 =	vadd.f32 v59, v14;
	v20 =	vadd.f32 v60, v20  }
0x2bb: {  	v8 =	vld [tilespmem:s17+$0xFAA0];
	v59 =	vmul.f32 v40, v52;
	v60 =	vmul.f32 v41, v47;
	v31 =	vadd.f32 v45, v62  }
0x2bc: {  	v40 =	vld [tilespmem:s17+$0x12A00];
	v27 =	vadd.f32 v49, v46;
	v62 =	vmul.f32 v43, v47;
	v49 =	vbroadcast v6, $0x2  }
0x2bd: {  	v41 =	vld [tilespmem:s17+$0x12A10];
	v6 =	vbroadcast v6, $0x3;
	v9 =	vmul.f32 v9, v52  }
0x2be: {  	v46 =	vld [tilespmem:s17+$0x12A50];
	v22 =	vmul.f32 v22, v36;
	v21 =	vmul.f32 v21, v37  }
0x2bf: {  	v45 =	vld [tilespmem:s17+$0x12AA0];
	v24 =	vmul.f32 v24, v37;
	v26 =	vmul.f32 v26, v53  }
0x2c0: {  	v13 =	vadd.f32 v28, v13;
	[tilespmem:s17+$0x1BB10] =	vst v1;
	v1 =	vld [tilespmem:s17+$0xFAB0];
	v29 =	vadd.f32 v59, v50;
	v59 =	vmul.f32 v54, v36  }
0x2c1: {  	v50 =	vld [tilespmem:s17+$0x12A70];
	v10 =	vmul.f32 v10, v52;
	v9 =	vadd.f32 v9, v60;
	v60 =	vmul.f32 v55, v37  }
0x2c2: {  	v22 =	vadd.f32 v24, v22;
	v24 =	vld [tilespmem:s17+$0x12AB0];
	v11 =	vadd.f32 v26, v11;
	v54 =	vmul.f32 v34, v53  }
0x2c3: {  	v34 =	vld [tilespmem:s17+$0x12AD0];
	v55 =	vmul.f32 v38, v53;
	v8 =	vmul.f32 v8, v52;
	v10 =	vadd.f32 v10, v61  }
0x2c4: {  	v38 =	vld [tilespmem:s17+$0x12B00];
	v61 =	vmul.f32 v56, v36;
	v32 =	vadd.f32 v60, v59;
	v56 =	vmul.f32 v40, v49  }
0x2c5: {  	v40 =	vld [tilespmem:s17+$0x12AE0];
	v12 =	vadd.f32 v54, v12;
	v59 =	vmul.f32 v44, v49;
	v1 =	vmul.f32 v1, v52  }
0x2c6: {  	v60 =	vld [tilespmem:s17+$0x159A0];
	v52 =	vmul.f32 v51, v37;
	v8 =	vadd.f32 v8, v62;
	v62 =	vmul.f32 v57, v37  }
0x2c7: {  	v19 =	vadd.f32 v55, v19;
	v37 =	vld [tilespmem:s17+$0x12A90];
	v51 =	vmul.f32 v30, v53;
	v57 =	vmul.f32 v41, v49  }
0x2c8: {  	v16 =	vadd.f32 v56, v16;
	v1 =	vadd.f32 v1, v63;
	v63 =	vmul.f32 v58, v36;
	v36 =	vld [tilespmem:s17+$0x12A80]  }
0x2c9: {  	v41 =	vbroadcast v5, $0x2;
	v20 =	vadd.f32 v59, v20;
	v35 =	vadd.f32 v62, v61;
	v62 =	vld [tilespmem:s17+$0x159B0]  }
0x2ca: {  	v55 =	vld [tilespmem:s17+$0x159E0];
	v25 =	vadd.f32 v52, v25;
	v52 =	vmul.f32 v33, v53;
	v15 =	vadd.f32 v51, v15  }
0x2cb: {  	v58 =	vmul.f32 v42, v49;
	v18 =	vadd.f32 v57, v18;
	v61 =	vmul.f32 v39, v49;
	v53 =	vld [tilespmem:s17+$0x159D0]  }
0x2cc: {  	v51 =	vld [tilespmem:s17+$0x159C0];
	v21 =	vadd.f32 v21, v63;
	v63 =	vmul.f32 v46, v49;
	v54 =	vmul.f32 v37, v41  }
0x2cd: {  	v30 =	vld [tilespmem:s17+$0x12AC0];
	v24 =	vmul.f32 v24, v41;
	v17 =	vadd.f32 v52, v17;
	v36 =	vmul.f32 v36, v41  }
0x2ce: {  	v59 =	vld [tilespmem:s17+$0x15A00];
	v28 =	vadd.f32 v63, v31;
	v31 =	vadd.f32 v54, v10;
	v10 =	vmul.f32 v62, v7  }
0x2cf: {  	v57 =	vld [tilespmem:s17+$0x159F0];
	v14 =	vadd.f32 v58, v14;
	v56 =	vadd.f32 v36, v9;
	v9 =	vmul.f32 v60, v7  }
0x2d0: {  	v23 =	vadd.f32 v61, v23;
	v61 =	vld [tilespmem:s17+$0x15A20];
	v10 =	vadd.f32 v10, v13;
	v13 =	vmul.f32 v53, v7  }
0x2d1: {  	v49 =	vmul.f32 v48, v41;
	v60 =	vld [tilespmem:s17+$0x15A10];
	v9 =	vadd.f32 v9, v11;
	v11 =	vmul.f32 v51, v7  }
0x2d2: {  	v52 =	vmul.f32 v50, v41;
	v62 =	vbroadcast v5, $0x3;
	v5 =	vadd.f32 v13, v17;
	v13 =	vld [tilespmem:s17+$0x15A40]  }
0x2d3: {  	v58 =	vmul.f32 v45, v41;
	[tilespmem:s17+$0x1B9A0] =	vst v9;
	v9 =	vadd.f32 v11, v15;
	v11 =	vmul.f32 v55, v7;
	v15 =	vld [tilespmem:s17+$0x15A30]  }
0x2d4: {  	v33 =	vld [tilespmem:s17+$0x12AF0];
	v27 =	vadd.f32 v49, v27;
	v26 =	vadd.f32 v52, v29;
	[tilespmem:s17+$0x1B9B0] =	vst v10;
	v7 =	vmul.f32 v57, v7  }
0x2d5: {  	v8 =	vadd.f32 v58, v8;
	v17 =	vld [tilespmem:s17+$0x15A50];
	[tilespmem:s17+$0x1B9D0] =	vst v5;
	v11 =	vadd.f32 v11, v12;
	v12 =	vmul.f32 v59, v6  }
0x2d6: {  	v5 =	vmul.f32 v60, v6;
	[tilespmem:s17+$0x1B9C0] =	vst v9;
	v9 =	vadd.f32 v24, v1;
	v1 =	vadd.f32 v7, v19;
	v7 =	vld [tilespmem:s17+$0x15A60]  }
0x2d7: {  	v13 =	vmul.f32 v13, v6;
	[tilespmem:s17+$0x1B9E0] =	vst v11;
	v11 =	vadd.f32 v12, v16;
	v12 =	vmul.f32 v61, v6;
	v16 =	vld [tilespmem:s17+$0x15A70]  }
0x2d8: {  	v10 =	vmul.f32 v30, v4;
	[tilespmem:s17+$0x1B9F0] =	vst v1;
	v1 =	vadd.f32 v5, v18;
	v5 =	vmul.f32 v15, v6;
	v15 =	vld [tilespmem:s17+$0x15A80]  }
0x2d9: {  	v19 =	vmul.f32 v34, v4;
	v13 =	vadd.f32 v13, v23;
	[tilespmem:s17+$0x1BA00] =	vst v11;
	v12 =	vadd.f32 v12, v14;
	v14 =	vld [tilespmem:s17+$0x15A90]  }
0x2da: {  	v10 =	vadd.f32 v10, v25;
	[tilespmem:s17+$0x1BA10] =	vst v1;
	v1 =	vadd.f32 v5, v20;
	v5 =	vmul.f32 v17, v6;
	v17 =	vld [tilespmem:s17+$0x15AA0]  }
0x2db: {  	v18 =	vmul.f32 v40, v4;
	v11 =	vadd.f32 v19, v32;
	v7 =	vmul.f32 v7, v62;
	v20 =	vld [tilespmem:s17+$0x15AB0];
	[tilespmem:s17+$0x1BA40] =	vst v13  }
0x2dc: {  	v6 =	vmul.f32 v33, v4;
	[tilespmem:s17+$0x1BA30] =	vst v1;
	v1 =	vadd.f32 v5, v28;
	v16 =	vmul.f32 v16, v62;
	v5 =	vld [tilespmem:s17+$0x15AC0]  }
0x2dd: {  	[tilespmem:s17+$0x1BA20] =	vst v12;
	v12 =	vadd.f32 v18, v35;
	v18 =	vadd.f32 v7, v27;
	v7 =	vld [tilespmem:s17+$0x15AD0];
	v15 =	vmul.f32 v15, v62  }
0x2de: {  	v4 =	vmul.f32 v38, v4;
	[tilespmem:s17+$0x1BA50] =	vst v1;
	v1 =	vadd.f32 v16, v26;
	v63 =	vmul.f32 v14, v62;
	v14 =	vld [tilespmem:s17+$0x15AE0]  }
0x2df: {  	v6 =	vadd.f32 v6, v21;
	[tilespmem:s17+$0x1BA60] =	vst v18;
	v16 =	vadd.f32 v15, v56;
	v15 =	vld [tilespmem:s17+$0x15AF0];
	v19 =	vmul.f32 v17, v62  }
0x2e0: {  	s19 =	simm.s32 $0x7AC;
	s20 =	simm.s32 $0x600;
	s18 =	simm.s32 $0x0;
	v13 =	vadd.f32 v4, v22;
	v4 =	vld [tilespmem:s17+$0x15B00];
	v18 =	vmul.f32 v20, v62;
	[tilespmem:s17+$0x1BA70] =	vst v1;
	v17 =	vadd.f32 v63, v31  }
.LBB2_8:
0x2e1: {  	s21 =	sshra.s32 s20, $0x2;
	v1 =	vld [tilespmem:s19+$0x0];
	s18 =	sadd.s32 $0x4, s18;
	[tilespmem:s17+$0x1BA80] =	vst v16;
	v8 =	vadd.f32 v19, v8;
	v5 =	vmul.f32 v5, v0  }
0x2e2: {  	v16 =	vld [tilespmem:s21+$0xCB10];
	p0 =	slt.u32 s18, $0x7C;
	[tilespmem:s17+$0x1BA90] =	vst v17;
	v9 =	vadd.f32 v18, v9;
	v7 =	vmul.f32 v7, v0  }
0x2e3: {  	v17 =	vld [tilespmem:s21+$0xFB10];
	[tilespmem:s17+$0x1BAA0] =	vst v8;
	v5 =	vadd.f32 v5, v10;
	v8 =	vmul.f32 v14, v0  }
0x2e4: {  	v14 =	vld [tilespmem:s19+$0xFFFFFFF8];
	[tilespmem:s17+$0x1BAB0] =	vst v9;
	v7 =	vadd.f32 v7, v11;
	v9 =	vmul.f32 v15, v0  }
0x2e5: {  	v15 =	vld [tilespmem:s21+$0x12B10];
	[tilespmem:s17+$0x1BAC0] =	vst v5;
	v5 =	vadd.f32 v8, v12;
	v0 =	vmul.f32 v4, v0  }
0x2e6: {  	v4 =	vld [tilespmem:s19+$0xFFFFFFFC];
	v11 =	vbroadcast v1, $0x0;
	v10 =	vbroadcast v1, $0x1;
	[tilespmem:s17+$0x1BAD0] =	vst v7;
	v7 =	vadd.f32 v9, v6  }
0x2e7: {  	v6 =	vbroadcast v1, $0x2;
	v8 =	vld [tilespmem:s21+$0x15B10];
	[tilespmem:s17+$0x1BAE0] =	vst v5;
	v0 =	vadd.f32 v0, v13  }
0x2e8: {  	v5 =	vld [tilespmem:s19+$0xFFFFFFF4];
	v9 =	vmul.f32 v16, v11;
	v12 =	vmul.f32 v17, v10;
	[tilespmem:s17+$0x1BAF0] =	vst v7  }
0x2e9: {  	v7 =	vld [tilespmem:s21+$0xC9A0];
	v25 =	vbroadcast v14, $0x0;
	v26 =	vbroadcast v14, $0x1;
	[tilespmem:s17+$0x1BB00] =	vst v0;
	s17 =	smov.u32 s21  }
0x2ea: {  	v0 =	vbroadcast v1, $0x3;
	v13 =	vld [tilespmem:s17+$0xF9A0];
	v1 =	vadd.f32 v12, v9;
	v12 =	vmul.f32 v15, v6  }
0x2eb: {  	v15 =	vld [tilespmem:s17+$0xC9B0];
	v22 =	vbroadcast v4, $0x0;
	v20 =	vbroadcast v4, $0x1  }
0x2ec: {  	v9 =	vbroadcast v14, $0x2;
	v16 =	vld [tilespmem:s17+$0xF9B0];
	v1 =	vadd.f32 v12, v1;
	v17 =	vmul.f32 v8, v0  }
0x2ed: {  	v18 =	vbroadcast v5, $0x0;
	v19 =	vbroadcast v5, $0x1;
	v21 =	vld [tilespmem:s17+$0xC9C0]  }
0x2ee: {  	v8 =	vbroadcast v4, $0x2;
	v12 =	vbroadcast v5, $0x2;
	v23 =	vld [tilespmem:s17+$0xF9C0];
	v1 =	vadd.f32 v17, v1  }
0x2ef: {  	v17 =	vmul.f32 v7, v18;
	v13 =	vmul.f32 v13, v19;
	v24 =	vld [tilespmem:s17+$0xC9D0]  }
0x2f0: {  	v7 =	vbroadcast v5, $0x3;
	v15 =	vmul.f32 v15, v18;
	v27 =	vld [tilespmem:s17+$0xF9D0];
	[tilespmem:s17+$0x1BB10] =	vst v1  }
0x2f1: {  	v5 =	vbroadcast v14, $0x3;
	v13 =	vadd.f32 v13, v17;
	v1 =	vmul.f32 v16, v19;
	v16 =	vld [tilespmem:s17+$0xC9E0]  }
0x2f2: {  	v4 =	vbroadcast v4, $0x3;
	v17 =	vmul.f32 v21, v18;
	v21 =	vld [tilespmem:s17+$0xF9E0]  }
0x2f3: {  	v14 =	vadd.f32 v1, v15;
	v1 =	vmul.f32 v23, v19;
	v23 =	vld [tilespmem:s17+$0xC9F0]  }
0x2f4: {  	v24 =	vmul.f32 v24, v18;
	v28 =	vld [tilespmem:s17+$0xF9F0]  }
0x2f5: {  	v15 =	vadd.f32 v1, v17;
	v1 =	vmul.f32 v27, v19;
	v27 =	vld [tilespmem:s17+$0xCA00]  }
0x2f6: {  	v17 =	vmul.f32 v16, v18;
	v29 =	vld [tilespmem:s17+$0xFA00]  }
0x2f7: {  	v16 =	vadd.f32 v1, v24;
	v1 =	vmul.f32 v21, v19;
	v21 =	vld [tilespmem:s17+$0xCA10]  }
0x2f8: {  	v18 =	vmul.f32 v23, v18;
	v23 =	vld [tilespmem:s17+$0xFA10]  }
0x2f9: {  	v17 =	vadd.f32 v1, v17;
	v1 =	vmul.f32 v28, v19;
	v24 =	vld [tilespmem:s17+$0xCA20]  }
0x2fa: {  	v19 =	vmul.f32 v27, v25;
	v27 =	vld [tilespmem:s17+$0xFA20]  }
0x2fb: {  	v18 =	vadd.f32 v1, v18;
	v1 =	vmul.f32 v29, v26;
	v28 =	vld [tilespmem:s17+$0xCA30]  }
0x2fc: {  	v21 =	vmul.f32 v21, v25;
	v29 =	vld [tilespmem:s17+$0xFA30]  }
0x2fd: {  	v19 =	vadd.f32 v1, v19;
	v1 =	vmul.f32 v23, v26;
	v30 =	vld [tilespmem:s17+$0xCA40]  }
0x2fe: {  	v23 =	vmul.f32 v24, v25;
	v31 =	vld [tilespmem:s17+$0xFA40]  }
0x2ff: {  	v21 =	vadd.f32 v1, v21;
	v1 =	vmul.f32 v27, v26;
	v27 =	vld [tilespmem:s17+$0xCA50]  }
0x300: {  	v24 =	vmul.f32 v28, v25;
	v28 =	vld [tilespmem:s17+$0xFA50]  }
0x301: {  	v23 =	vadd.f32 v1, v23;
	v1 =	vmul.f32 v29, v26;
	v29 =	vld [tilespmem:s17+$0xCA60]  }
0x302: {  	v30 =	vmul.f32 v30, v25;
	v32 =	vld [tilespmem:s17+$0xFA60]  }
0x303: {  	v24 =	vadd.f32 v1, v24;
	v1 =	vmul.f32 v31, v26;
	v31 =	vld [tilespmem:s17+$0xCA70]  }
0x304: {  	v25 =	vmul.f32 v27, v25;
	v27 =	vld [tilespmem:s17+$0xFA70]  }
0x305: {  	v1 =	vadd.f32 v1, v30;
	v26 =	vmul.f32 v28, v26;
	v28 =	vld [tilespmem:s17+$0xCA80]  }
0x306: {  	v29 =	vmul.f32 v29, v22;
	v30 =	vld [tilespmem:s17+$0xFA80]  }
0x307: {  	v25 =	vadd.f32 v26, v25;
	v26 =	vmul.f32 v32, v20;
	v32 =	vld [tilespmem:s17+$0xCA90]  }
0x308: {  	v31 =	vmul.f32 v31, v22;
	v33 =	vld [tilespmem:s17+$0xFA90]  }
0x309: {  	v26 =	vadd.f32 v26, v29;
	v27 =	vmul.f32 v27, v20;
	v29 =	vld [tilespmem:s17+$0xCAA0]  }
0x30a: {  	v28 =	vmul.f32 v28, v22;
	v34 =	vld [tilespmem:s17+$0xFAA0]  }
0x30b: {  	v27 =	vadd.f32 v27, v31;
	v30 =	vmul.f32 v30, v20;
	v31 =	vld [tilespmem:s17+$0xCAB0]  }
0x30c: {  	v32 =	vmul.f32 v32, v22;
	v35 =	vld [tilespmem:s17+$0xFAB0]  }
0x30d: {  	v28 =	vadd.f32 v30, v28;
	v30 =	vmul.f32 v33, v20;
	v33 =	vld [tilespmem:s17+$0xCAC0]  }
0x30e: {  	v29 =	vmul.f32 v29, v22;
	v36 =	vld [tilespmem:s17+$0xFAC0]  }
0x30f: {  	v30 =	vadd.f32 v30, v32;
	v32 =	vmul.f32 v34, v20;
	v34 =	vld [tilespmem:s17+$0xCAD0]  }
0x310: {  	v22 =	vmul.f32 v31, v22;
	v31 =	vld [tilespmem:s17+$0xFAD0]  }
0x311: {  	v29 =	vadd.f32 v32, v29;
	v20 =	vmul.f32 v35, v20;
	v32 =	vld [tilespmem:s17+$0xCAE0]  }
0x312: {  	v33 =	vmul.f32 v33, v11;
	v35 =	vld [tilespmem:s17+$0xFAE0]  }
0x313: {  	v20 =	vadd.f32 v20, v22;
	v22 =	vmul.f32 v36, v10;
	v36 =	vld [tilespmem:s17+$0xCAF0]  }
0x314: {  	v34 =	vmul.f32 v34, v11;
	v37 =	vld [tilespmem:s17+$0xFAF0]  }
0x315: {  	v22 =	vadd.f32 v22, v33;
	v31 =	vmul.f32 v31, v10;
	v33 =	vld [tilespmem:s17+$0xCB00]  }
0x316: {  	v32 =	vmul.f32 v32, v11;
	v38 =	vld [tilespmem:s17+$0xFB00]  }
0x317: {  	v39 =	vld [tilespmem:s17+$0x129A0];
	v31 =	vadd.f32 v31, v34;
	v34 =	vmul.f32 v35, v10  }
0x318: {  	v35 =	vld [tilespmem:s17+$0x129B0];
	v36 =	vmul.f32 v36, v11  }
0x319: {  	v40 =	vld [tilespmem:s17+$0x129C0];
	v32 =	vadd.f32 v34, v32;
	v34 =	vmul.f32 v37, v10  }
0x31a: {  	v37 =	vld [tilespmem:s17+$0x129D0];
	v11 =	vmul.f32 v33, v11  }
0x31b: {  	v33 =	vld [tilespmem:s17+$0x129E0];
	v34 =	vadd.f32 v34, v36;
	v10 =	vmul.f32 v38, v10  }
0x31c: {  	v36 =	vmul.f32 v39, v12;
	v38 =	vld [tilespmem:s17+$0x129F0]  }
0x31d: {  	v35 =	vmul.f32 v35, v12;
	v39 =	vld [tilespmem:s17+$0x12A00];
	v41 =	vadd.f32 v10, v11  }
0x31e: {  	v36 =	vadd.f32 v36, v13;
	v10 =	vmul.f32 v40, v12;
	v11 =	vld [tilespmem:s17+$0x12A10]  }
0x31f: {  	v14 =	vadd.f32 v35, v14;
	v13 =	vmul.f32 v37, v12;
	v35 =	vld [tilespmem:s17+$0x12A20]  }
0x320: {  	v15 =	vadd.f32 v10, v15;
	v10 =	vmul.f32 v33, v12;
	v33 =	vld [tilespmem:s17+$0x12A30]  }
0x321: {  	v16 =	vadd.f32 v13, v16;
	v12 =	vmul.f32 v38, v12;
	v13 =	vld [tilespmem:s17+$0x12A40]  }
0x322: {  	v17 =	vadd.f32 v10, v17;
	v10 =	vmul.f32 v39, v9;
	v37 =	vld [tilespmem:s17+$0x12A50]  }
0x323: {  	v18 =	vadd.f32 v12, v18;
	v11 =	vmul.f32 v11, v9;
	v12 =	vld [tilespmem:s17+$0x12A60]  }
0x324: {  	v19 =	vadd.f32 v10, v19;
	v10 =	vmul.f32 v35, v9;
	v35 =	vld [tilespmem:s17+$0x12A70]  }
0x325: {  	v21 =	vadd.f32 v11, v21;
	v11 =	vmul.f32 v33, v9;
	v33 =	vld [tilespmem:s17+$0x12A80]  }
0x326: {  	v23 =	vadd.f32 v10, v23;
	v10 =	vmul.f32 v13, v9;
	v13 =	vld [tilespmem:s17+$0x12A90]  }
0x327: {  	v24 =	vadd.f32 v11, v24;
	v9 =	vmul.f32 v37, v9;
	v11 =	vld [tilespmem:s17+$0x12AA0]  }
0x328: {  	v1 =	vadd.f32 v10, v1;
	v10 =	vmul.f32 v12, v8;
	v12 =	vld [tilespmem:s17+$0x12AB0]  }
0x329: {  	v25 =	vadd.f32 v9, v25;
	v9 =	vmul.f32 v35, v8;
	v35 =	vld [tilespmem:s17+$0x12AC0]  }
0x32a: {  	v26 =	vadd.f32 v10, v26;
	v10 =	vmul.f32 v33, v8;
	v33 =	vld [tilespmem:s17+$0x12AD0]  }
0x32b: {  	v27 =	vadd.f32 v9, v27;
	v9 =	vmul.f32 v13, v8;
	v13 =	vld [tilespmem:s17+$0x12AE0]  }
0x32c: {  	v28 =	vadd.f32 v10, v28;
	v10 =	vmul.f32 v11, v8;
	v37 =	vld [tilespmem:s17+$0x12AF0]  }
0x32d: {  	v30 =	vadd.f32 v9, v30;
	v9 =	vmul.f32 v12, v8;
	v38 =	vld [tilespmem:s17+$0x12B00]  }
0x32e: {  	v39 =	vld [tilespmem:s17+$0x159A0];
	v8 =	vadd.f32 v10, v29;
	v10 =	vmul.f32 v35, v6  }
0x32f: {  	v29 =	vld [tilespmem:s17+$0x159B0];
	v9 =	vadd.f32 v9, v20;
	v11 =	vmul.f32 v33, v6  }
0x330: {  	v20 =	vld [tilespmem:s17+$0x159C0];
	v10 =	vadd.f32 v10, v22;
	v12 =	vmul.f32 v13, v6  }
0x331: {  	v22 =	vld [tilespmem:s17+$0x159D0];
	v11 =	vadd.f32 v11, v31;
	v13 =	vmul.f32 v37, v6  }
0x332: {  	v31 =	vld [tilespmem:s17+$0x159E0];
	v12 =	vadd.f32 v12, v32;
	v32 =	vmul.f32 v38, v6  }
0x333: {  	v33 =	vmul.f32 v39, v7;
	v35 =	vld [tilespmem:s17+$0x159F0];
	v6 =	vadd.f32 v13, v34  }
0x334: {  	v29 =	vmul.f32 v29, v7;
	v34 =	vld [tilespmem:s17+$0x15A00];
	v13 =	vadd.f32 v32, v41  }
0x335: {  	v32 =	vadd.f32 v33, v36;
	v20 =	vmul.f32 v20, v7;
	v33 =	vld [tilespmem:s17+$0x15A10]  }
0x336: {  	v14 =	vadd.f32 v29, v14;
	v22 =	vmul.f32 v22, v7;
	v29 =	vld [tilespmem:s17+$0x15A20]  }
0x337: {  	[tilespmem:s17+$0x1B9A0] =	vst v32;
	v15 =	vadd.f32 v20, v15;
	v20 =	vmul.f32 v31, v7;
	v31 =	vld [tilespmem:s17+$0x15A30]  }
0x338: {  	[tilespmem:s17+$0x1B9B0] =	vst v14;
	v14 =	vadd.f32 v22, v16;
	v7 =	vmul.f32 v35, v7;
	v16 =	vld [tilespmem:s17+$0x15A40]  }
0x339: {  	[tilespmem:s17+$0x1B9C0] =	vst v15;
	v15 =	vadd.f32 v20, v17;
	v17 =	vmul.f32 v34, v5;
	v20 =	vld [tilespmem:s17+$0x15A50]  }
0x33a: {  	[tilespmem:s17+$0x1B9D0] =	vst v14;
	v7 =	vadd.f32 v7, v18;
	v14 =	vmul.f32 v33, v5;
	v18 =	vld [tilespmem:s17+$0x15A60]  }
0x33b: {  	[tilespmem:s17+$0x1B9E0] =	vst v15;
	v15 =	vadd.f32 v17, v19;
	v17 =	vmul.f32 v29, v5;
	v19 =	vld [tilespmem:s17+$0x15A70]  }
0x33c: {  	[tilespmem:s17+$0x1B9F0] =	vst v7;
	v7 =	vadd.f32 v14, v21;
	v14 =	vmul.f32 v31, v5;
	v21 =	vld [tilespmem:s17+$0x15A80]  }
0x33d: {  	[tilespmem:s17+$0x1BA00] =	vst v15;
	v15 =	vadd.f32 v17, v23;
	v16 =	vmul.f32 v16, v5;
	v17 =	vld [tilespmem:s17+$0x15A90]  }
0x33e: {  	[tilespmem:s17+$0x1BA10] =	vst v7;
	v7 =	vadd.f32 v14, v24;
	v5 =	vmul.f32 v20, v5;
	v20 =	vld [tilespmem:s17+$0x15AA0]  }
0x33f: {  	[tilespmem:s17+$0x1BA20] =	vst v15;
	v1 =	vadd.f32 v16, v1;
	v14 =	vmul.f32 v18, v4;
	v18 =	vld [tilespmem:s17+$0x15AB0]  }
.Ltmp5:
0x340: {  	[tilespmem:s17+$0x1BA30] =	vst v7;
	v15 =	vadd.f32 v5, v25;
	v16 =	vmul.f32 v19, v4;
	v5 =	vld [tilespmem:s17+$0x15AC0];
	(pc) =	sbr.rel @p0 .LBB2_8-.Ltmp5, $4  }
0x341: {  	[tilespmem:s17+$0x1BA40] =	vst v1;
	v1 =	vadd.f32 v14, v26;
	v19 =	vmul.f32 v21, v4;
	v7 =	vld [tilespmem:s17+$0x15AD0]  }
0x342: {  	[tilespmem:s17+$0x1BA50] =	vst v15;
	v21 =	vadd.f32 v16, v27;
	v17 =	vmul.f32 v17, v4;
	v14 =	vld [tilespmem:s17+$0x15AE0]  }
0x343: {  	[tilespmem:s17+$0x1BA60] =	vst v1;
	v16 =	vadd.f32 v19, v28;
	v19 =	vmul.f32 v20, v4;
	v15 =	vld [tilespmem:s17+$0x15AF0]  }
0x344: {  	s20 =	sadd.s32 $0x600, s20;
	s19 =	sadd.s32 $0x10, s19;
	[tilespmem:s17+$0x1BA70] =	vst v21;
	v17 =	vadd.f32 v17, v30;
	v18 =	vmul.f32 v18, v4;
	v4 =	vld [tilespmem:s17+$0x15B00]  }
0x345: {  	[tilespmem:s17+$0x1BA80] =	vst v16;
	v1 =	vadd.f32 v19, v8;
	v5 =	vmul.f32 v5, v0  }
0x346: {  	[tilespmem:s17+$0x1BA90] =	vst v17;
	v62 =	vadd.f32 v18, v9;
	v7 =	vmul.f32 v7, v0  }
0x347: {  	[tilespmem:s17+$0x1BAA0] =	vst v1;
	v1 =	vadd.f32 v5, v10;
	v5 =	vmul.f32 v14, v0  }
0x348: {  	[tilespmem:s17+$0x1BAB0] =	vst v62;
	v7 =	vadd.f32 v7, v11;
	v63 =	vmul.f32 v15, v0  }
0x349: {  	[tilespmem:s17+$0x1BAC0] =	vst v1;
	v1 =	vadd.f32 v5, v12;
	v0 =	vmul.f32 v4, v0  }
0x34a: {  	[tilespmem:s17+$0x1BAD0] =	vst v7;
	v4 =	vadd.f32 v63, v6  }
0x34b: {  	[tilespmem:s17+$0x1BAE0] =	vst v1;
	v0 =	vadd.f32 v0, v13  }
0x34c: {  	[tilespmem:s17+$0x1BAF0] =	vst v4  }
0x34d: {  	s16 =	sadd.s32 $0x1, s16;
	[tilespmem:s17+$0x1BB00] =	vst v0  }
0x34e: {  	[hbm4b:s9+s3] =	stream.linear.scatter [tilespmem:s15], [sflag:$0x2], $0x3000, $0x38;
	[tilespmem:$0x1E9A0] =	vst v63  }
0x34f: {  	p0 =	sne.s32 s16, s10;
	_ =	swait.ge [sflag:s14], $0x3000  }
.Ltmp6:
0x350: {  	[sflag:s14] =	ssyncset.done $0x0;
	(pc) =	sbr.rel @p0 .LBB2_1-.Ltmp6, $4  }
0x351: {  	[sflag:s14] =	ssyncadd.s32 $0xFFFFD000  }
0x352: {  	_ =	swait.ge [sflag:s14], $0x3000  }
0x353: {  	[sflag:s14] =	ssyncset.done $0x0  }
0x354: {  	[sflag:s14] =	ssyncadd.s32 $0xFFFFD000  }
0x355: {  	_ =	sfence.sel $0x180000  }
0x356: {  	[bflag:$0x0] =	sbarrier.arrive $0xFFFF  }
0x357: {  	p0 =	sne.s32 s0, $0x0;
	_ =	strace $0x9000004A  }
0x358: {  	s0 =	sadd.s32 @!p0 $0x100000, s2;
	[bflag:$0x2] =	sbarrier.arrive $0xFFFF  }
0x359: {  	[sflag:s0] =	ssyncadd.tile.s32 @!p0 $0x1;
	_ =	shalt  }
.Lfunc_end2:
_tile_overlayer_lowered:
.L_overlay_start_2:
0x35a: {  	(tag) =	ssettag $0x2  }
0x35b: {  	s0 =	rddreg [dreg:$0x0];
	s2 =	stileid.u32  }
0x35c: {  	s1 =	rddreg [dreg:$0x1];
	p0 =	sne.s32 s2, $0x0  }
0x35d: {  	s3 =	rddreg [dreg:$0x2];
	[bflag:$0x3] =	sbarrier.arrive $0xFFFF;
	s2 =	simm.s32 @!p0 $0x1C03  }
0x35e: {  	[timem:s3], [sflag:s2] =	dma.local @!p0 [hbm:s0], s1  }
0x35f: {  	s0 =	simm.s32 @!p0 $0x3  }
0x360: {  	_ =	swait.ge @!p0 [sflag:s0], s1  }
0x361: {  	s1 =	ssub.s32 @!p0 $0x0, s1;
	[sflag:s0] =	ssyncset.done @!p0 $0x0  }
0x362: {  	[sflag:s0] =	ssyncadd.s32 @!p0 s1  }
0x363: {  	[bflag:$0x3] =	sbarrier.arrive $0xFFFF  }
0x364: {  	_ =	shalt  }

// kernel: sparse-core-data-format-call.1.cloned.1.call-start
scs
called_computation.1_lowered:
.L_overlay_start_0:
0x0: {  	s2 =	sld [smem:$0x3FD9]  }
0x1: {  	s3 =	sld [smem:$0x3FFE];
	_ =	sdelay $0x1  }
0x2: {  	s1 =	srdreg.scid  }
0x3: {  	s0 =	sand.u32 $0x1, s1  }
0x4: {  	s18 =	sshll.u32 s0, $0xA;
	s2 =	sadd.s32 s3, s2  }
0x5: {  	s2 =	sadd.s32 s2, s18  }
0x6: {  	[smem:$0x3FC3] =	sst s2  }
0x7: {  	_ = 	snop  }
0x8: {  	s2 =	sld [smem:$0x3FC9];
	(tm) =	ssettm $0x1  }
0x9: {  	s19 =	sld [smem:$0x3FFB];
	_ =	sdelay $0x3  }
0xa: {  	_ =	strace s19  }
0xb: {  	s3 =	sld [smem:$0x3FFC];
	_ =	sdelay $0x3  }
0xc: {  	_ =	strace s3  }
0xd: {  	s3 =	sld [smem:$0x3FFD];
	_ =	sdelay $0x3  }
0xe: {  	_ =	strace s3  }
0xf: {  	_ =	strace $0x8FFFFFFF  }
0x10: {  	s20 =	sld [smem:$0x3FDB];
	_ =	sdelay $0x1  }
0x11: {  	s4 =	simm.s32 $_scs_section_size  }
0x12: {  	s5 =	simm.s32 $_size__tile_overlayer_lowered;
	s6 =	simm.s32 $_tile_overlayer_lowered  }
0x13: {  	s23 =	simm.s32 $0x1BFF;
	s22 =	sshll.u32 s6, $0x1;
	s3 =	sadd.s32 s4, s20  }
0x14: {  	s7 =	simm.s32 $0x0;
	s21 =	sshll.u32 s5, $0x1;
	s5 =	sadd.s32 s22, s3  }
0x15: {  	[timem:s7], [sflag:s23] =	dma.local [hbm:s5], s21  }
0x16: {  	_ =	swait.ge [sflag:s23], s21  }
0x17: {  	s4 =	ssub.s32 $0x0, s21;
	[sflag:s23] =	ssyncset.done $0x0  }
0x18: {  	[sflag:s23] =	ssyncadd.s32 s4;
	_ =	sdelay $0x1  }
0x19: {  	s24 =	simm.s32 $0x1B8B  }
0x1a: {  	_ =	swait.ge [sflag:s24], $0x1  }
0x1b: {  	[sflag:s24] =	ssyncset.done $0x0  }
0x1c: {  	s26 =	simm.s32 $0x1B8E;
	s25 =	sld [smem:$0x3FFE];
	[sflag:s24] =	ssyncadd.s32 $0xFFFFFFFF  }
0x1d: {  	s27 =	simm.s32 $execute0_lowered;
	[smem:$0x3FD2] =	sst s26  }
0x1e: {  	s5 =	sshll.u32 s27, $0x1;
	_ =	strace $0x80000046;
	[dreg:$0x1] =	wrdreg $0xFFFFFFFF  }
0x1f: {  	s28 =	simm.s32 $_size_execute0_lowered;
	s3 =	sadd.s32 s3, s5;
	[dreg:$0x0] =	wrdreg $0x0  }
0x20: {  	s5 =	sshll.u32 s28, $0x1;
	[dreg:$0x2] =	wrdreg s3  }
0x21: {  	[dreg:$0x3] =	wrdreg s5  }
0x22: {  	[dreg:$0x4] =	wrdreg $0xC0  }
0x23: {  	_ =	task [dreg:s7], $0x5FFFF  }
0x24: {  	[dreg:$0x1] =	wrdreg $0xFFFFFFFF  }
0x25: {  	[dreg:$0x0] =	wrdreg $0x60  }
0x26: {  	[dreg:$0x2] =	wrdreg s2  }
0x27: {  	[dreg:$0x3] =	wrdreg s25  }
0x28: {  	[dreg:$0x4] =	wrdreg $0x9  }
0x29: {  	_ =	task.clear_ibuf [dreg:s7], $0x5FFFF;
	_ =	strace $0x90000046  }
0x2a: {  	s29 =	simm.s32 $0x9;
	_ =	strace $0x80000048  }
0x2b: {  	_ =	swait.ge [sflag:s29], $0x1  }
0x2c: {  	[sflag:s29] =	ssyncadd.s32 $0xFFFFFFFF  }
0x2d: {  	_ =	strace $0x90000048  }
0x2e: {  	_ =	sfence  }
0x2f: {  	s30 =	sld [smem:$0x0];
	_ =	sdelay $0x2  }
0x30: {  	s31 =	sshll.u32 s1, $0xD;
	s1 =	sshrl.u32 s1, $0x2  }
0x31: {  	s3 =	sand.u32 $0x4000, s31;
	s1 =	sadd.s32 s1, s30  }
0x32: {  	s0 =	sor.u32 s3, s0;
	s1 =	sshll.u32 s1, $0x11  }
0x33: {  	s0 =	sor.u32 s1, s0  }
0x34: {  	s0 =	sadd.s32 $0x8F2B, s0  }
0x35: {  	[sflag:s0] =	ssyncadd.remote.s32 $0x1  }
0x36: {  	_ =	sfence.sel $0xFFFF  }
0x37: {  	[dreg:$0x0] =	wrdreg $0xFFFFFFFF;
	(pc) =	sbr.abs _section_cstart, $3  }
0x38: {  	[dreg:$0x1] =	wrdreg $0xFFFFFFFF  }
0x39: {  	_ =	task.clear_ibuf [dreg:s7], $0x2FFFF;
	_ =	strace $0x9FFFFFFF  }
0x3a: {  	(tm) =	ssettm $0x7FFFFFFF  }
0x3b: {  	_ =	shalt  }
tec
execute0_lowered:
.L_overlay_start_1:
0x0: {  	(tag) =	ssettag $0x1  }
0x1: {  	s2 =	rddreg [dreg:$0x0]  }
0x2: {  	s1 =	rddreg [dreg:$0x1]  }
0x3: {  	s0 =	rddreg [dreg:$0x2];
	s4 =	srdreg.scid  }
0x4: {  	_ =	strace $0x80000047;
	s7 =	simm.s32 $0x2;
	s16 =	simm.s32 $0x0  }
0x5: {  	p0 =	por $0x0, $0x0;
	s14 =	simm.s32 $0x0;
	s13 =	simm.s32 $0x0  }
0x6: {  	s15 =	simm.s32 $0x0;
	s9 =	simm.s32 $0x0;
	s11 =	simm.s32 $0x0  }
.Ltmp0:
0x7: {  	s3 =	sadd.s32 $0x1800, s1;
	s4 =	sshll.u32 s4, $0x4;
	(pc) =	sbr.rel .LBB1_1-.Ltmp0, $4  }
0x8: {  	s1 =	stileid.u32;
	s5 =	sand.u32 $0x10, s4;
	s4 =	simm.s32 $0x1  }
0x9: {  	s8 =	simm.s32 $0x0;
	s6 =	sor.u32 s1, s5;
	[sflag:s4] =	ssyncpa.u1 $0x0  }
0xa: {  	s5 =	sand.u32 $0x3, s1;
	s6 =	sshrl.u32 s6, $0x2;
	[sflag:s7] =	ssyncpa.u1 $0x0  }
0xb: {  	s7 =	simm.s32 $0x24000;
	s12 =	smov.u32 s5;
	s10 =	smov.u32 s6  }
.LBB1_3:
0xc: {  	p1 =	seq.s32 s8, $0x0  }
0xd: {  	p2 =	seq.s32 @!p1 s8, $0x91  }
0xe: {  	p1 =	por p1, p2  }
.Ltmp1:
0xf: {  	_ = 	snop;
	(pc) =	sbr.rel @!p1 .LBB1_4-.Ltmp1, $1  }
0x10: {  	_ =	sdelay $0x3  }
.LBB1_7:
0x11: {  	s17 =	sadd.s32 $0x80, s9  }
0x12: {  	s13 =	sadd.s32 $0x8, s10;
	s18 =	smov.u32 s10;
	p2 =	sgt.s32 s17, $0x17F  }
0x13: {  	s18 =	smov.u32 @p2 s13  }
0x14: {  	s19 =	smov.u32 s11;
	s13 =	sadd.s32 $0x80, s11;
	p3 =	sgt.s32 s18, $0x17F  }
0x15: {  	s19 =	smov.u32 @p3 s13  }
0x16: {  	s20 =	smov.u32 s12;
	s13 =	sadd.s32 $0x4, s12;
	p4 =	sgt.s32 s19, $0x5F  }
0x17: {  	p1 =	slt.u32 s8, $0x2;
	s20 =	smov.u32 @p4 s13  }
0x18: {  	s8 =	sadd.s32 $0x1, s8;
	s17 =	simm.s32 @p2 $0x0;
	p2 =	sgt.s32 s20, $0x3  }
0x19: {  	s16 =	smov.u32 s9;
	s20 =	smov.u32 @p2 s5;
	p2 =	sne.s32 s8, $0x92  }
.Ltmp2:
0x1a: {  	s14 =	smov.u32 s10;
	s21 =	simm.s32 @!p1 $0x2;
	(pc) =	sbr.rel @!p2 .LBB1_8-.Ltmp2, $4  }
0x1b: {  	s15 =	smov.u32 s12;
	p0 =	por !p0, !p0;
	_ =	swait.ge @!p1 [sflag:s21], $0x4000  }
0x1c: {  	[sflag:s21] =	ssyncset.done @!p1 $0x0;
	s9 =	smov.u32 s17;
	s18 =	smov.u32 @p3 s6  }
0x1d: {  	[sflag:s21] =	ssyncadd.s32 @!p1 $0xFFFFC000;
	s10 =	smov.u32 s18;
	s19 =	simm.s32 @p4 $0x0  }
0x1e: {  	s13 =	smov.u32 s11;
	s11 =	smov.u32 s19;
	s12 =	smov.u32 s20  }
.LBB1_1:
0x1f: {  	p1 =	sgt.u32 s8, $0x8F  }
.Ltmp3:
0x20: {  	_ = 	snop;
	(pc) =	sbr.rel @p1 .LBB1_3-.Ltmp3, $1  }
0x21: {  	_ =	sdelay $0x3  }
0x22: {  	s17 =	sshrl.u32 s10, $0x3  }
0x23: {  	s18 =	sshll.u32 s9, $0x3;
	s17 =	smul.u32 $0xC00, s17  }
0x24: {  	s19 =	sshll.u32 s10, $0x7;
	s18 =	sand.u32 $0xFFFFFC00, s18  }
0x25: {  	s24 =	sand.u32 $0x380, s19;
	s17 =	sadd.s32 s17, s18  }
0x26: {  	s25 =	sand.u32 $0x7F, s9;
	s17 =	sor.u32 s24, s17  }
0x27: {  	p1 =	sgt.s32 s12, $0x3;
	s20 =	smov.u32 s12;
	s18 =	sor.u32 s25, s17  }
0x28: {  	s21 =	sshra.s32 s12, $0x1F;
	s22 =	sxor.u32 $0xFFFFFFFF, s8;
	s19 =	smulhi.u32 $0xAAAAAAAB, s18  }
0x29: {  	s28 =	sshra.s32 s11, $0x1F;
	s20 =	simm.s32 @!p1 $0x3;
	s21 =	sand.u32 s21, s12  }
0x2a: {  	s23 =	sshra.s32 s10, $0x1F;
	s20 =	ssub.s32 s20, s21;
	s19 =	sshrl.u32 s19, $0x8  }
0x2b: {  	s31 =	sshra.s32 s9, $0x1F;
	s27 =	sadd.s32 $0xFFFFFFFD, s20;
	s19 =	smul.u32 $0x180, s19  }
0x2c: {  	s26 =	sshll.u32 s22, $0xE;
	s22 =	sand.u32 s28, s11;
	p1 =	sgt.s32 s27, $0x0  }
0x2d: {  	s17 =	smulhi.u32 $0xAAAAAAAB, s17;
	s18 =	ssub.s32 s18, s19;
	s19 =	ssub.s32 $0x4, s20  }
0x2e: {  	s20 =	smov.u32 s11;
	s19 =	simm.s32 @p1 $0x0;
	p1 =	sgt.s32 s11, $0xFFFFFFE0  }
0x2f: {  	s23 =	sand.u32 s23, s10;
	s17 =	sshrl.u32 s17, $0x8;
	s20 =	simm.s32 @!p1 $0xFFFFFFE0  }
0x30: {  	p1 =	sgt.s32 s10, $0x17F;
	s20 =	ssub.s32 s20, s22;
	s22 =	smov.u32 s10  }
0x31: {  	s29 =	smulhi.u32 $0xAAAAAB, s17;
	s24 =	sadd.s32 $0x20, s20;
	s22 =	simm.s32 @!p1 $0x17F  }
0x32: {  	s20 =	ssub.s32 $0x60, s20;
	p1 =	sgt.s32 s24, $0x7F;
	s22 =	ssub.s32 s22, s23  }
0x33: {  	s23 =	smul.u32 $0x180, s29;
	s20 =	simm.s32 @p1 $0x0;
	s30 =	sadd.s32 $0xFFFFFE81, s22  }
0x34: {  	s19 =	smul.u32 s19, s20;
	p1 =	sgt.s32 s30, $0x0;
	s20 =	ssub.s32 $0x180, s22  }
0x35: {  	s22 =	smov.u32 s9;
	s20 =	simm.s32 @p1 $0x0;
	p1 =	sgt.s32 s9, $0x100  }
0x36: {  	s27 =	smul.u32 $0x4800, s11;
	s24 =	sand.u32 s31, s9;
	s22 =	simm.s32 @!p1 $0x100  }
0x37: {  	s17 =	ssub.s32 s17, s23;
	s19 =	smul.u32 s20, s19;
	s25 =	ssub.s32 s22, s24  }
0x38: {  	s20 =	sand.u32 $0x4000, s26;
	s26 =	smul.u32 $0x1B0000, s12;
	s22 =	sadd.s32 $0xFFFFFF00, s25  }
0x39: {  	s17 =	smul.u32 $0x30, s17;
	s21 =	ssub.s32 $0x180, s25;
	p1 =	sgt.s32 s22, $0x7F  }
.Ltmp4:
0x3a: {  	s23 =	sadd.s32 s2, s26;
	s21 =	simm.s32 @p1 $0x0;
	(pc) =	sbr.rel .LBB1_3-.Ltmp4, $4  }
0x3b: {  	s29 =	sand.u32 $0x7, s18;
	s28 =	sadd.s32 s27, s23;
	s19 =	smul.u32 s21, s19  }
0x3c: {  	s18 =	sshrl.u32 s18, $0x3;
	s30 =	sshll.u32 s29, $0x12;
	s17 =	sadd.s32 s17, s28  }
0x3d: {  	s31 =	sor.u32 $0x80, s30;
	s17 =	sadd.s32 s18, s17;
	s19 =	sand.u32 $0x3FFFFFFF, s19  }
0x3e: {  	[tilespmem:s20], [sflag:$0x1] =	stream.strided.gather [hbm4b:s17+s31], s19, s7, s31, $0x38;
	[tilespmem:$0x10100] =	vst v63  }
.LBB1_4:
0x3f: {  	p1 =	sgt.s32 s15, $0x3;
	s17 =	smov.u32 s15;
	s18 =	sshra.s32 s15, $0x1F  }
0x40: {  	s19 =	smov.u32 s13;
	s20 =	sshra.s32 s13, $0x1F;
	s25 =	sshra.s32 s14, $0x1F  }
0x41: {  	s17 =	simm.s32 @!p1 $0x3;
	s18 =	sand.u32 s18, s15;
	p1 =	sgt.s32 s13, $0xFFFFFFE0  }
0x42: {  	s23 =	sand.u32 s20, s13;
	s17 =	ssub.s32 s17, s18;
	s19 =	simm.s32 @!p1 $0xFFFFFFE0  }
0x43: {  	s27 =	sshra.s32 s16, $0x1F;
	s24 =	sadd.s32 $0xFFFFFFFD, s17;
	s18 =	ssub.s32 s19, s23  }
0x44: {  	s17 =	ssub.s32 $0x4, s17;
	p1 =	sgt.s32 s24, $0x0;
	s19 =	sadd.s32 $0x20, s18  }
0x45: {  	s18 =	ssub.s32 $0x60, s18;
	s17 =	simm.s32 @p1 $0x0;
	p1 =	sgt.s32 s19, $0x7F  }
0x46: {  	s19 =	smov.u32 s14;
	s18 =	simm.s32 @p1 $0x0;
	p1 =	sgt.s32 s14, $0x17F  }
0x47: {  	s26 =	sand.u32 s25, s14;
	s17 =	smul.u32 s17, s18;
	s19 =	simm.s32 @!p1 $0x17F  }
0x48: {  	p1 =	sgt.s32 s16, $0x100;
	s18 =	ssub.s32 s19, s26;
	s19 =	smov.u32 s16  }
0x49: {  	s20 =	sand.u32 s27, s16;
	s21 =	sadd.s32 $0xFFFFFE81, s18;
	s19 =	simm.s32 @!p1 $0x100  }
0x4a: {  	s18 =	ssub.s32 $0x180, s18;
	p1 =	sgt.s32 s21, $0x0;
	s19 =	ssub.s32 s19, s20  }
0x4b: {  	s18 =	simm.s32 @p1 $0x0;
	s20 =	sadd.s32 $0xFFFFFF00, s19  }
0x4c: {  	s17 =	smul.u32 s18, s17;
	p1 =	sgt.s32 s20, $0x7F;
	s18 =	ssub.s32 $0x180, s19  }
0x4d: {  	s18 =	simm.s32 @p1 $0x0  }
0x4e: {  	s17 =	smul.u32 s18, s17;
	_ =	sdelay $0x1  }
0x4f: {  	s18 =	simm.s32 $0x1;
	s17 =	sand.u32 $0x3FFFFFFF, s17  }
0x50: {  	s18 =	simm.s32 @!p0 $0x0;
	_ =	swait.ge [sflag:s4], s17  }
0x51: {  	s28 =	sshll.u32 s18, $0xE;
	s17 =	ssub.s32 $0x0, s17;
	[sflag:s4] =	ssyncset.done $0x0  }
0x52: {  	s29 =	sor.u32 $0x40, s28;
	[sflag:s4] =	ssyncadd.s32 s17  }
0x53: {  	s30 =	smul.u32 $0x10200, s18;
	v0 =	vld [tilespmem:s29+$0x30]  }
0x54: {  	v1 =	vld [tilespmem:s29+$0xFFFFFFD0]  }
0x55: {  	s17 =	sshrl.u32 s30, $0x2;
	v5 =	vld [tilespmem:s29+$0xFFFFFFE0]  }
0x56: {  	s18 =	sor.u32 $0x8000, s17;
	v6 =	vld [tilespmem:s29+$0xFFFFFFF0]  }
0x57: {  	s31 =	sand.u32 $0x1, s8;
	v4 =	vld [tilespmem:s29+$0x0];
	s19 =	sadd.s32 $0x0, s18  }
0x58: {  	s17 =	smul.u32 $0x10200, s31;
	v2 =	vld [tilespmem:s29+$0x10];
	[tilespmem:s19+$0x3870 ss:$0x81] =	vst.msk $0xffff, v0  }
0x59: {  	v3 =	vld [tilespmem:s29+$0x20];
	[tilespmem:s19+$0x810 ss:$0x81] =	vst.msk $0xffff, v1  }
0x5a: {  	s20 =	sadd.s32 $0x80, s29;
	s17 =	sshrl.u32 s17, $0x2;
	v0 =	vld [tilespmem:s29+$0xFFFFFFC0];
	[tilespmem:s19+$0x1020 ss:$0x81] =	vst.msk $0xffff, v5  }
0x5b: {  	s22 =	simm.s32 $0x8;
	s21 =	simm.s32 $0x4;
	s17 =	sor.u32 $0x8000, s17;
	v1 =	vld [tilespmem:s20+$0x30];
	[tilespmem:s19+$0x1830 ss:$0x81] =	vst.msk $0xffff, v6  }
.LBB1_5:
0x5c: {  	p1 =	sne.s32 s22, $0x1FC;
	v5 =	vld [tilespmem:s20+$0xFFFFFFD0];
	[tilespmem:s19+$0x2040 ss:$0x81] =	vst.msk $0xffff, v4  }
0x5d: {  	v6 =	vld [tilespmem:s20+$0xFFFFFFE0];
	[tilespmem:s19+$0x2850 ss:$0x81] =	vst.msk $0xffff, v2  }
0x5e: {  	s23 =	sshra.s32 s21, $0x2;
	s21 =	smov.u32 s22;
	v7 =	vld [tilespmem:s20+$0xFFFFFFF0];
	[tilespmem:s19+$0x3060 ss:$0x81] =	vst.msk $0xffff, v3  }
.Ltmp5:
0x5f: {  	v4 =	vld [tilespmem:s20+$0x0];
	[tilespmem:s19+$0x0 ss:$0x81] =	vst.msk $0xffff, v0;
	s19 =	sadd.s32 s23, s18;
	(pc) =	sbr.rel @p1 .LBB1_5-.Ltmp5, $4  }
0x60: {  	v2 =	vld [tilespmem:s20+$0x10];
	[tilespmem:s19+$0x3870 ss:$0x81] =	vst.msk $0xffff, v1  }
0x61: {  	[tilespmem:s19+$0x810 ss:$0x81] =	vst.msk $0xffff, v5;
	v3 =	vld [tilespmem:s20+$0x20]  }
0x62: {  	v0 =	vld [tilespmem:s20+$0xFFFFFFC0];
	[tilespmem:s19+$0x1020 ss:$0x81] =	vst.msk $0xffff, v6;
	s20 =	sadd.s32 $0x80, s20  }
0x63: {  	s22 =	sadd.s32 $0x4, s22;
	v1 =	vld [tilespmem:s20+$0x30];
	[tilespmem:s19+$0x1830 ss:$0x81] =	vst.msk $0xffff, v7  }
0x64: {  	s16 =	sshll.u32 s16, $0x7;
	s22 =	sshll.u32 s13, $0x3;
	v5 =	vld [tilespmem:s20+$0xFFFFFFD0];
	[tilespmem:s19+$0x2040 ss:$0x81] =	vst.msk $0xffff, v4  }
0x65: {  	v58 =	vld [tilespmem:s20+$0xFFFFFFE0];
	s23 =	sand.u32 $0xFFFFFC00, s16;
	s22 =	sand.u32 $0xFFFFFC00, s22;
	[tilespmem:s19+$0x2850 ss:$0x81] =	vst.msk $0xffff, v2  }
0x66: {  	s21 =	sshra.s32 s21, $0x2;
	v59 =	vld [tilespmem:s20+$0xFFFFFFF0];
	s16 =	sand.u32 $0x380, s16;
	s22 =	sadd.s32 s22, s23;
	[tilespmem:s19+$0x3060 ss:$0x81] =	vst.msk $0xffff, v3  }
0x67: {  	v60 =	vld [tilespmem:s20+$0x0];
	s18 =	sadd.s32 s21, s18;
	s16 =	sor.u32 s16, s22;
	[tilespmem:s19+$0x0 ss:$0x81] =	vst.msk $0xffff, v0  }
0x68: {  	v61 =	vld [tilespmem:s20+$0x10];
	s15 =	smul.u32 $0x240000, s15;
	s16 =	sshrl.u32 s16, $0x7;
	[tilespmem:s18+$0x3870 ss:$0x81] =	vst.msk $0xffff, v1  }
0x69: {  	v62 =	vld [tilespmem:s20+$0x20];
	s27 =	smulhi.u32 $0xAAAAAB, s16;
	[tilespmem:s18+$0x810 ss:$0x81] =	vst.msk $0xffff, v5  }
0x6a: {  	v63 =	vld [tilespmem:s20+$0xFFFFFFC0];
	s14 =	smul.u32 $0x1800, s14;
	[tilespmem:s18+$0x1020 ss:$0x81] =	vst.msk $0xffff, v58  }
0x6b: {  	[tilespmem:s18+$0x1830 ss:$0x81] =	vst.msk $0xffff, v59;
	s19 =	smul.u32 $0x180, s27  }
.Ltmp6:
0x6c: {  	s28 =	sshrl.u32 s13, $0x3;
	s15 =	sadd.s32 s3, s15;
	[tilespmem:s18+$0x2040 ss:$0x81] =	vst.msk $0xffff, v60;
	(pc) =	sbr.rel .LBB1_7-.Ltmp6, $4  }
0x6d: {  	s29 =	sand.u32 $0xF, s28;
	s14 =	sadd.s32 s14, s15;
	[tilespmem:s18+$0x2850 ss:$0x81] =	vst.msk $0xffff, v61;
	s16 =	ssub.s32 s16, s19  }
0x6e: {  	s14 =	sadd.s32 s29, s14;
	[tilespmem:s18+$0x3060 ss:$0x81] =	vst.msk $0xffff, v62;
	s30 =	sshll.u32 s16, $0x4  }
0x6f: {  	s31 =	sand.u32 $0x7, s13;
	[tilespmem:s18+$0x0 ss:$0x81] =	vst.msk $0xffff, v63;
	s14 =	sadd.s32 s30, s14  }
0x70: {  	[hbm4b:s14+s31] =	stream.linear.scatter [tilespmem:s17], [sflag:$0x2], $0x4000, $0x20;
	[tilespmem:$0x10100] =	vst v63  }
.LBB1_8:
0x71: {  	_ =	sfence.sel $0x180000  }
0x72: {  	s2 =	simm.s32 $0x1;
	[bflag:$0x0] =	sbarrier.arrive $0xFFFF  }
0x73: {  	s31 =	simm.s32 $0x2;
	[sflag:s2] =	ssyncpa.u1 $0x1  }
0x74: {  	[sflag:s31] =	ssyncpa.u1 $0x1  }
0x75: {  	p0 =	sne.s32 s1, $0x0;
	_ =	strace $0x90000047  }
0x76: {  	s0 =	sadd.s32 @!p0 $0x100000, s0;
	[bflag:$0x2] =	sbarrier.arrive $0xFFFF  }
0x77: {  	[sflag:s0] =	ssyncadd.tile.s32 @!p0 $0x1;
	_ =	shalt  }
.Lfunc_end1:
_tile_overlayer_lowered:
.L_overlay_start_2:
0x78: {  	(tag) =	ssettag $0x2  }
0x79: {  	s0 =	rddreg [dreg:$0x0];
	s2 =	stileid.u32  }
0x7a: {  	s1 =	rddreg [dreg:$0x1];
	p0 =	sne.s32 s2, $0x0  }
0x7b: {  	s3 =	rddreg [dreg:$0x2];
	[bflag:$0x3] =	sbarrier.arrive $0xFFFF;
	s2 =	simm.s32 @!p0 $0x1C01  }
0x7c: {  	[timem:s3], [sflag:s2] =	dma.local @!p0 [hbm:s0], s1  }
0x7d: {  	s0 =	simm.s32 @!p0 $0x1  }
0x7e: {  	_ =	swait.ge @!p0 [sflag:s0], s1  }
0x7f: {  	s1 =	ssub.s32 @!p0 $0x0, s1;
	[sflag:s0] =	ssyncset.done @!p0 $0x0  }
0x80: {  	[sflag:s0] =	ssyncadd.s32 @!p0 s1  }
0x81: {  	[bflag:$0x3] =	sbarrier.arrive $0xFFFF  }
0x82: {  	_ =	shalt  }

// kernel: sparse-core-data-format-call.cloned.1.call-start
scs
called_computation_lowered:
.L_overlay_start_0:
0x0: {  	s2 =	sld [smem:$0x3FD9]  }
0x1: {  	s3 =	sld [smem:$0x3FFE];
	_ =	sdelay $0x1  }
0x2: {  	s1 =	srdreg.scid  }
0x3: {  	s0 =	sand.u32 $0x1, s1  }
0x4: {  	s18 =	sshll.u32 s0, $0xA;
	s2 =	sadd.s32 s3, s2  }
0x5: {  	s2 =	sadd.s32 s2, s18  }
0x6: {  	[smem:$0x3FC3] =	sst s2  }
0x7: {  	_ = 	snop  }
0x8: {  	s2 =	sld [smem:$0x3FD0];
	(tm) =	ssettm $0x1  }
0x9: {  	s19 =	sld [smem:$0x3FFB];
	_ =	sdelay $0x3  }
0xa: {  	_ =	strace s19  }
0xb: {  	s3 =	sld [smem:$0x3FFC];
	_ =	sdelay $0x3  }
0xc: {  	_ =	strace s3  }
0xd: {  	s3 =	sld [smem:$0x3FFD];
	_ =	sdelay $0x3  }
0xe: {  	_ =	strace s3  }
0xf: {  	_ =	strace $0x8FFFFFFF  }
0x10: {  	s20 =	sld [smem:$0x3FDB];
	_ =	sdelay $0x1  }
0x11: {  	s4 =	simm.s32 $_scs_section_size  }
0x12: {  	s5 =	simm.s32 $_size__tile_overlayer_lowered;
	s6 =	simm.s32 $_tile_overlayer_lowered  }
0x13: {  	s23 =	simm.s32 $0x1BFF;
	s22 =	sshll.u32 s6, $0x1;
	s3 =	sadd.s32 s4, s20  }
0x14: {  	s7 =	simm.s32 $0x0;
	s21 =	sshll.u32 s5, $0x1;
	s5 =	sadd.s32 s22, s3  }
0x15: {  	[timem:s7], [sflag:s23] =	dma.local [hbm:s5], s21  }
0x16: {  	_ =	swait.ge [sflag:s23], s21  }
0x17: {  	s4 =	ssub.s32 $0x0, s21;
	[sflag:s23] =	ssyncset.done $0x0  }
0x18: {  	[sflag:s23] =	ssyncadd.s32 s4;
	_ =	sdelay $0x1  }
0x19: {  	s24 =	simm.s32 $0x1B8B  }
0x1a: {  	_ =	swait.ge [sflag:s24], $0x1  }
0x1b: {  	[sflag:s24] =	ssyncset.done $0x0  }
0x1c: {  	s26 =	simm.s32 $0x1B8E;
	s25 =	sld [smem:$0x3FFE];
	[sflag:s24] =	ssyncadd.s32 $0xFFFFFFFF  }
0x1d: {  	s27 =	simm.s32 $execute0_lowered;
	[smem:$0x3FD2] =	sst s26  }
0x1e: {  	s5 =	sshll.u32 s27, $0x1;
	_ =	strace $0x8000004C;
	[dreg:$0x1] =	wrdreg $0xFFFFFFFF  }
0x1f: {  	s28 =	simm.s32 $_size_execute0_lowered;
	s3 =	sadd.s32 s3, s5;
	[dreg:$0x0] =	wrdreg $0x0  }
0x20: {  	s5 =	sshll.u32 s28, $0x1;
	[dreg:$0x2] =	wrdreg s3  }
0x21: {  	[dreg:$0x3] =	wrdreg s5  }
0x22: {  	[dreg:$0x4] =	wrdreg $0xC0  }
0x23: {  	_ =	task [dreg:s7], $0x5FFFF  }
0x24: {  	[dreg:$0x1] =	wrdreg $0xFFFFFFFF  }
0x25: {  	[dreg:$0x0] =	wrdreg $0x60  }
0x26: {  	[dreg:$0x2] =	wrdreg s25  }
0x27: {  	[dreg:$0x3] =	wrdreg s2  }
0x28: {  	[dreg:$0x4] =	wrdreg $0x9  }
0x29: {  	_ =	task.clear_ibuf [dreg:s7], $0x5FFFF;
	_ =	strace $0x9000004C  }
0x2a: {  	s29 =	simm.s32 $0x9;
	_ =	strace $0x8000004E  }
0x2b: {  	_ =	swait.ge [sflag:s29], $0x1  }
0x2c: {  	[sflag:s29] =	ssyncadd.s32 $0xFFFFFFFF  }
0x2d: {  	_ =	strace $0x9000004E  }
0x2e: {  	_ =	sfence  }
0x2f: {  	s30 =	sld [smem:$0x0];
	_ =	sdelay $0x2  }
0x30: {  	s31 =	sshll.u32 s1, $0xD;
	s1 =	sshrl.u32 s1, $0x2  }
0x31: {  	s3 =	sand.u32 $0x4000, s31;
	s1 =	sadd.s32 s1, s30  }
0x32: {  	s0 =	sor.u32 s3, s0;
	s1 =	sshll.u32 s1, $0x11  }
0x33: {  	s0 =	sor.u32 s1, s0  }
0x34: {  	s0 =	sadd.s32 $0x8F2B, s0  }
0x35: {  	[sflag:s0] =	ssyncadd.remote.s32 $0x1  }
0x36: {  	_ =	sfence.sel $0xFFFF  }
0x37: {  	[dreg:$0x0] =	wrdreg $0xFFFFFFFF;
	(pc) =	sbr.abs _section_cstart, $3  }
0x38: {  	[dreg:$0x1] =	wrdreg $0xFFFFFFFF  }
0x39: {  	_ =	task.clear_ibuf [dreg:s7], $0x2FFFF;
	_ =	strace $0x9FFFFFFF  }
0x3a: {  	(tm) =	ssettm $0x7FFFFFFF  }
0x3b: {  	_ =	shalt  }
tec
execute0_lowered:
.L_overlay_start_1:
0x0: {  	(tag) =	ssettag $0x1  }
0x1: {  	s3 =	rddreg [dreg:$0x0]  }
0x2: {  	s2 =	rddreg [dreg:$0x1]  }
0x3: {  	s1 =	srdreg.scid;
	s0 =	rddreg [dreg:$0x2];
	_ =	strace $0x8000004D  }
0x4: {  	s7 =	simm.s32 $0x2;
	s15 =	simm.s32 $0x0;
	p0 =	por $0x0, $0x0  }
0x5: {  	s16 =	simm.s32 $0x0;
	s17 =	simm.s32 $0x0;
	s8 =	simm.s32 $0x0  }
0x6: {  	s10 =	simm.s32 $0x0;
	s11 =	simm.s32 $0x0;
	s12 =	simm.s32 $0x0  }
.Ltmp0:
0x7: {  	s9 =	simm.s32 $0x0;
	s4 =	sshll.u32 s1, $0x4;
	(pc) =	sbr.rel .LBB1_1-.Ltmp0, $4  }
0x8: {  	s1 =	stileid.u32;
	s3 =	sadd.s32 $0x6C1800, s3;
	s4 =	sand.u32 $0x10, s4  }
0x9: {  	s5 =	sand.u32 $0x3, s1;
	s6 =	sor.u32 s1, s4;
	s4 =	simm.s32 $0x1  }
0xa: {  	s14 =	smov.u32 s5;
	[sflag:s4] =	ssyncpa.u1 $0x0;
	s6 =	sshrl.u32 s6, $0x2  }
0xb: {  	[sflag:s7] =	ssyncpa.u1 $0x0;
	s7 =	simm.s32 $0x24000;
	s13 =	smov.u32 s6  }
.LBB1_5:
0xc: {  	p1 =	slt.u32 s9, $0x2  }
0xd: {  	s18 =	smov.u32 s17;
	p2 =	sgt.s32 @!p1 s17, $0x3;
	s19 =	sshra.s32 @!p1 s17, $0x1F  }
0xe: {  	p3 =	sgt.s32 @!p1 s15, $0x100;
	p2 =	por !p2, p1;
	s17 =	sand.u32 @!p1 s19, s17  }
0xf: {  	s19 =	sshra.s32 @!p1 s16, $0x1F;
	s18 =	simm.s32 @p2 $0x3;
	p2 =	sgt.s32 @!p1 s16, $0x17F  }
0x10: {  	s17 =	ssub.s32 @!p1 s18, s17;
	p2 =	por !p2, p1;
	s18 =	smov.u32 s16  }
0x11: {  	p3 =	por !p3, p1;
	s16 =	sand.u32 @!p1 s19, s16;
	s18 =	simm.s32 @p2 $0x17F  }
0x12: {  	s19 =	sadd.s32 @!p1 $0xFFFFFFFD, s17;
	s17 =	ssub.s32 @!p1 $0x4, s17;
	s16 =	ssub.s32 @!p1 s18, s16  }
0x13: {  	p2 =	sgt.s32 @!p1 s19, $0x0;
	s19 =	smov.u32 s15;
	s18 =	sadd.s32 @!p1 $0xFFFFFE81, s16  }
0x14: {  	s19 =	simm.s32 @p3 $0x100;
	p3 =	sgt.s32 @!p1 s18, $0x0;
	s18 =	sshra.s32 @!p1 s15, $0x1F  }
0x15: {  	s17 =	smul.u32 @!p1 $0x60, s17;
	p2 =	por !p2, p1;
	s15 =	sand.u32 @!p1 s18, s15  }
0x16: {  	s16 =	ssub.s32 @!p1 $0x180, s16;
	p3 =	por !p3, p1;
	s15 =	ssub.s32 @!p1 s19, s15  }
0x17: {  	s17 =	simm.s32 @!p2 $0x0;
	s16 =	simm.s32 @!p3 $0x0;
	s18 =	sadd.s32 @!p1 $0xFFFFFF00, s15  }
0x18: {  	s19 =	smov.u32 s13;
	s16 =	smul.u32 @!p1 s16, s17;
	p2 =	sgt.s32 @!p1 s18, $0x7F  }
0x19: {  	s15 =	ssub.s32 @!p1 $0x180, s15;
	s18 =	sadd.s32 $0x80, s12;
	p2 =	por !p2, p1  }
0x1a: {  	s17 =	sadd.s32 $0x8, s13;
	s15 =	simm.s32 @!p2 $0x0;
	p2 =	sgt.s32 s18, $0x17F  }
0x1b: {  	s20 =	smov.u32 s14;
	s19 =	smov.u32 @p2 s17  }
0x1c: {  	s15 =	smul.u32 @!p1 s15, s16;
	s16 =	sadd.s32 $0x4, s14;
	p3 =	sgt.s32 s19, $0x17F  }
0x1d: {  	s9 =	sadd.s32 $0x1, s9;
	p0 =	por !p0, !p0;
	s20 =	smov.u32 @p3 s16  }
0x1e: {  	s21 =	simm.s32 @!p1 $0x2;
	s18 =	simm.s32 @p2 $0x0;
	p2 =	sgt.s32 s20, $0x3  }
0x1f: {  	s17 =	smov.u32 s11;
	s20 =	smov.u32 @p2 s5;
	p2 =	sne.s32 s9, $0x92  }
.Ltmp1:
0x20: {  	s11 =	smov.u32 s14;
	s15 =	sand.u32 @!p1 $0x3FFFFFE0, s15;
	(pc) =	sbr.rel @!p2 .LBB1_6-.Ltmp1, $4  }
0x21: {  	s19 =	smov.u32 @p3 s6;
	s16 =	smov.u32 s10;
	s10 =	smov.u32 s13  }
0x22: {  	_ =	swait.ge @!p1 [sflag:s21], s15;
	s22 =	ssub.s32 @!p1 $0x0, s15;
	s15 =	smov.u32 s8  }
0x23: {  	s8 =	smov.u32 s12;
	s12 =	smov.u32 s18;
	[sflag:s21] =	ssyncset.done @!p1 $0x0  }
0x24: {  	s13 =	smov.u32 s19;
	[sflag:s21] =	ssyncadd.s32 @!p1 s22;
	s14 =	smov.u32 s20  }
.LBB1_1:
0x25: {  	p1 =	sgt.u32 s9, $0x8F  }
0x26: {  	s18 =	sand.u32 @!p1 $0x1FFFFFF, s12  }
0x27: {  	s19 =	smulhi.u32 @!p1 $0xAAAAAB, s18  }
0x28: {  	s20 =	smul.u32 @!p1 $0x240000, s14  }
0x29: {  	s19 =	smul.u32 @!p1 $0x180, s19  }
0x2a: {  	s21 =	smul.u32 @!p1 $0x1800, s13  }
0x2b: {  	s20 =	sadd.s32 @!p1 s3, s20;
	s18 =	ssub.s32 @!p1 s18, s19;
	s19 =	sxor.u32 @!p1 $0xFFFFFFFF, s9  }
0x2c: {  	s20 =	sadd.s32 @!p1 s21, s20;
	s19 =	sshll.u32 @!p1 s19, $0xE;
	s18 =	sshll.u32 @!p1 s18, $0x4  }
0x2d: {  	s19 =	sand.u32 @!p1 $0x4000, s19;
	s18 =	sadd.s32 @!p1 s18, s20;
	s20 =	simm.s32 @!p1 $0x0  }
0x2e: {  	[tilespmem:s19], [sflag:$0x1] =	stream.linear.gather @!p1 [hbm4b:s18+s20], $0x4000, $0x38;
	[tilespmem:$0x10100] =	vst v63  }
0x2f: {  	p1 =	seq.s32 s9, $0x0  }
0x30: {  	p2 =	seq.s32 @!p1 s9, $0x91  }
0x31: {  	p1 =	por p1, p2  }
.Ltmp2:
0x32: {  	_ = 	snop;
	(pc) =	sbr.rel @p1 .LBB1_5-.Ltmp2, $1  }
0x33: {  	_ =	sdelay $0x3  }
0x34: {  	s18 =	simm.s32 $0x1  }
0x35: {  	_ =	swait.ge [sflag:s4], $0x4000;
	s18 =	simm.s32 @!p0 $0x0  }
0x36: {  	[sflag:s4] =	ssyncset.done $0x0;
	s19 =	sshll.u32 s18, $0xE  }
0x37: {  	[sflag:s4] =	ssyncadd.s32 $0xFFFFC000;
	s19 =	sor.u32 $0x40, s19  }
0x38: {  	s18 =	smul.u32 $0x10200, s18;
	v0 =	vld [tilespmem:s19+$0x30]  }
0x39: {  	v1 =	vld [tilespmem:s19+$0xFFFFFFD0]  }
0x3a: {  	s18 =	sshrl.u32 s18, $0x2;
	v5 =	vld [tilespmem:s19+$0xFFFFFFE0]  }
0x3b: {  	v6 =	vld [tilespmem:s19+$0xFFFFFFF0];
	s21 =	sor.u32 $0x8000, s18  }
0x3c: {  	s31 =	sand.u32 $0x1, s9;
	v4 =	vld [tilespmem:s19+$0x0];
	s20 =	sadd.s32 $0x0, s21  }
0x3d: {  	v3 =	vld [tilespmem:s19+$0x10];
	s18 =	smul.u32 $0x10200, s31;
	[tilespmem:s20+$0x3870 ss:$0x81] =	vst.msk $0xffff, v0  }
0x3e: {  	v2 =	vld [tilespmem:s19+$0x20];
	[tilespmem:s20+$0x810 ss:$0x81] =	vst.msk $0xffff, v1  }
0x3f: {  	s18 =	sshrl.u32 s18, $0x2;
	v1 =	vld [tilespmem:s19+$0xFFFFFFC0];
	[tilespmem:s20+$0x1020 ss:$0x81] =	vst.msk $0xffff, v5;
	s19 =	sadd.s32 $0x80, s19  }
0x40: {  	s22 =	simm.s32 $0x4;
	s23 =	simm.s32 $0x8;
	s18 =	sor.u32 $0x8000, s18;
	[tilespmem:s20+$0x1830 ss:$0x81] =	vst.msk $0xffff, v6;
	v0 =	vld [tilespmem:s19+$0x30]  }
.LBB1_3:
0x41: {  	p1 =	sne.s32 s23, $0x1FC;
	v5 =	vld [tilespmem:s19+$0xFFFFFFD0];
	[tilespmem:s20+$0x2040 ss:$0x81] =	vst.msk $0xffff, v4  }
0x42: {  	v6 =	vld [tilespmem:s19+$0xFFFFFFE0];
	[tilespmem:s20+$0x2850 ss:$0x81] =	vst.msk $0xffff, v3  }
0x43: {  	s24 =	sshra.s32 s22, $0x2;
	s22 =	smov.u32 s23;
	v7 =	vld [tilespmem:s19+$0xFFFFFFF0];
	[tilespmem:s20+$0x3060 ss:$0x81] =	vst.msk $0xffff, v2  }
.Ltmp3:
0x44: {  	v4 =	vld [tilespmem:s19+$0x0];
	[tilespmem:s20+$0x0 ss:$0x81] =	vst.msk $0xffff, v1;
	s20 =	sadd.s32 s24, s21;
	(pc) =	sbr.rel @p1 .LBB1_3-.Ltmp3, $4  }
0x45: {  	v3 =	vld [tilespmem:s19+$0x10];
	[tilespmem:s20+$0x3870 ss:$0x81] =	vst.msk $0xffff, v0  }
0x46: {  	[tilespmem:s20+$0x810 ss:$0x81] =	vst.msk $0xffff, v5;
	v2 =	vld [tilespmem:s19+$0x20]  }
0x47: {  	v1 =	vld [tilespmem:s19+$0xFFFFFFC0];
	[tilespmem:s20+$0x1020 ss:$0x81] =	vst.msk $0xffff, v6;
	s19 =	sadd.s32 $0x80, s19  }
0x48: {  	s23 =	sadd.s32 $0x4, s23;
	v0 =	vld [tilespmem:s19+$0x30];
	[tilespmem:s20+$0x1830 ss:$0x81] =	vst.msk $0xffff, v7  }
0x49: {  	s23 =	sshrl.u32 s10, $0x3;
	s24 =	sshll.u32 s8, $0x3  }
0x4a: {  	s25 =	sshll.u32 s10, $0x7;
	s29 =	sand.u32 $0x7F, s8;
	s22 =	sshra.s32 s22, $0x2  }
0x4b: {  	p1 =	sgt.s32 s11, $0x3;
	s26 =	smov.u32 s11;
	s27 =	sshra.s32 s11, $0x1F  }
0x4c: {  	s31 =	sshra.s32 s8, $0x1F;
	s23 =	smul.u32 $0xC00, s23;
	s24 =	sand.u32 $0xFFFFFC00, s24  }
0x4d: {  	[tilespmem:s20+$0x2040 ss:$0x81] =	vst.msk $0xffff, v4;
	s28 =	sand.u32 $0x380, s25;
	s26 =	simm.s32 @!p1 $0x3;
	s27 =	sand.u32 s27, s11  }
0x4e: {  	s21 =	sadd.s32 s22, s21;
	p1 =	sgt.s32 s10, $0x17F;
	[tilespmem:s20+$0x2850 ss:$0x81] =	vst.msk $0xffff, v3;
	s30 =	ssub.s32 s26, s27  }
0x4f: {  	s27 =	smov.u32 s10;
	[tilespmem:s20+$0x3060 ss:$0x81] =	vst.msk $0xffff, v2;
	s23 =	sadd.s32 s23, s24;
	s26 =	sadd.s32 $0xFFFFFFFD, s30  }
0x50: {  	s22 =	ssub.s32 $0x4, s30;
	s27 =	simm.s32 @!p1 $0x17F;
	[tilespmem:s20+$0x0 ss:$0x81] =	vst.msk $0xffff, v1;
	s20 =	sand.u32 s31, s8  }
0x51: {  	s23 =	sor.u32 s28, s23;
	s28 =	sshra.s32 s10, $0x1F;
	s22 =	smul.u32 $0x60, s22  }
0x52: {  	s24 =	sor.u32 s29, s23;
	s23 =	smulhi.u32 $0xAAAAAAAB, s23;
	s28 =	sand.u32 s28, s10  }
0x53: {  	v5 =	vld [tilespmem:s19+$0xFFFFFFD0];
	p1 =	sgt.s32 s26, $0x0;
	s25 =	smulhi.u32 $0xAAAAAAAB, s24;
	s26 =	ssub.s32 s27, s28  }
0x54: {  	v58 =	vld [tilespmem:s19+$0xFFFFFFE0];
	s22 =	simm.s32 @p1 $0x0;
	p1 =	sgt.s32 s8, $0x100;
	s23 =	sshrl.u32 s23, $0x8  }
0x55: {  	v59 =	vld [tilespmem:s19+$0xFFFFFFF0];
	s28 =	smov.u32 s8;
	s27 =	sadd.s32 $0xFFFFFE81, s26;
	s29 =	smulhi.u32 $0xAAAAAB, s23  }
0x56: {  	v60 =	vld [tilespmem:s19+$0x0];
	s28 =	simm.s32 @!p1 $0x100;
	p1 =	sgt.s32 s27, $0x0;
	s27 =	smul.u32 $0x1B0000, s11  }
0x57: {  	v61 =	vld [tilespmem:s19+$0x10];
	[tilespmem:s21+$0x3870 ss:$0x81] =	vst.msk $0xffff, v0;
	s26 =	ssub.s32 $0x180, s26;
	s25 =	sshrl.u32 s25, $0x8;
	s30 =	smul.u32 $0x180, s29  }
0x58: {  	v62 =	vld [tilespmem:s19+$0x20];
	[tilespmem:s21+$0x810 ss:$0x81] =	vst.msk $0xffff, v5;
	s20 =	ssub.s32 s28, s20;
	s25 =	smul.u32 $0x180, s25;
	s26 =	simm.s32 @p1 $0x0  }
0x59: {  	v63 =	vld [tilespmem:s19+$0xFFFFFFC0];
	[tilespmem:s21+$0x1020 ss:$0x81] =	vst.msk $0xffff, v58;
	s22 =	smul.u32 s26, s22;
	s26 =	sadd.s32 $0xFFFFFF00, s20;
	s31 =	ssub.s32 s23, s30  }
0x5a: {  	[tilespmem:s21+$0x1830 ss:$0x81] =	vst.msk $0xffff, v59;
	s20 =	ssub.s32 $0x180, s20;
	p1 =	sgt.s32 s26, $0x7F;
	s19 =	smul.u32 $0x30, s31  }
.Ltmp4:
0x5b: {  	[tilespmem:s21+$0x2040 ss:$0x81] =	vst.msk $0xffff, v60;
	s24 =	ssub.s32 s24, s25;
	s20 =	simm.s32 @p1 $0x0;
	(pc) =	sbr.rel .LBB1_5-.Ltmp4, $4  }
0x5c: {  	[tilespmem:s21+$0x2850 ss:$0x81] =	vst.msk $0xffff, v61;
	s28 =	sadd.s32 s2, s27;
	s29 =	sand.u32 $0x7, s24;
	s20 =	smul.u32 s20, s22  }
0x5d: {  	[tilespmem:s21+$0x3060 ss:$0x81] =	vst.msk $0xffff, v62;
	s30 =	sshrl.u32 s24, $0x3;
	s23 =	sshll.u32 s29, $0x12;
	s19 =	sadd.s32 s19, s28  }
0x5e: {  	[tilespmem:s21+$0x0 ss:$0x81] =	vst.msk $0xffff, v63;
	s31 =	sor.u32 $0x80, s23;
	s20 =	sand.u32 $0x3FFFFFE0, s20;
	s19 =	sadd.s32 s30, s19  }
0x5f: {  	[hbm4b:s19+s31] =	stream.strided.scatter [tilespmem:s18], [sflag:$0x2], s20, s7, s31, $0x20;
	[tilespmem:$0x10100] =	vst v63  }
.LBB1_6:
0x60: {  	_ =	sfence.sel $0x180000  }
0x61: {  	s2 =	simm.s32 $0x1;
	[bflag:$0x0] =	sbarrier.arrive $0xFFFF  }
0x62: {  	s31 =	simm.s32 $0x2;
	[sflag:s2] =	ssyncpa.u1 $0x1  }
0x63: {  	[sflag:s31] =	ssyncpa.u1 $0x1  }
0x64: {  	p0 =	sne.s32 s1, $0x0;
	_ =	strace $0x9000004D  }
0x65: {  	s0 =	sadd.s32 @!p0 $0x100000, s0;
	[bflag:$0x2] =	sbarrier.arrive $0xFFFF  }
0x66: {  	[sflag:s0] =	ssyncadd.tile.s32 @!p0 $0x1;
	_ =	shalt  }
.Lfunc_end1:
_tile_overlayer_lowered:
.L_overlay_start_2:
0x67: {  	(tag) =	ssettag $0x2  }
0x68: {  	s0 =	rddreg [dreg:$0x0];
	s2 =	stileid.u32  }
0x69: {  	s1 =	rddreg [dreg:$0x1];
	p0 =	sne.s32 s2, $0x0  }
0x6a: {  	s3 =	rddreg [dreg:$0x2];
	[bflag:$0x3] =	sbarrier.arrive $0xFFFF;
	s2 =	simm.s32 @!p0 $0x1C01  }
0x6b: {  	[timem:s3], [sflag:s2] =	dma.local @!p0 [hbm:s0], s1  }
0x6c: {  	s0 =	simm.s32 @!p0 $0x1  }
0x6d: {  	_ =	swait.ge @!p0 [sflag:s0], s1  }
0x6e: {  	s1 =	ssub.s32 @!p0 $0x0, s1;
	[sflag:s0] =	ssyncset.done @!p0 $0x0  }
0x6f: {  	[sflag:s0] =	ssyncadd.s32 @!p0 s1  }
0x70: {  	[bflag:$0x3] =	sbarrier.arrive $0xFFFF  }
0x71: {  	_ =	shalt  }

</sc_bundles>
